<compile_context>
chip_gen: v7x
topology: tpu7x:2x2x1
jax: 0.10.2.dev20260603
libtpu: 0.0.44.dev20260713+nightly
codegen_flags: <defaults>
</compile_context>

<pallas_src>
import functools

import numpy as np
import jax
import jax.numpy as jnp
from jax import lax
from jax.experimental import pallas as pl
from jax.experimental.pallas import tpu as pltpu
from jax.experimental.pallas import tpu_sc as plsc

np.random.seed(0)
_perm_np = np.arange(0, 1024)
np.random.shuffle(_perm_np)
_PERM = np.asarray(_perm_np, dtype=np.int32)

NC = 2
NS = 16
L = 16
NW = NC * NS

N_FEAT = 1024
N_ROWS = 8192
ROWS_PER_W = N_ROWS // NW
R = 16
N_CHUNKS = ROWS_PER_W // R


def _make_sc_permute(interpret=False):
    mesh = plsc.VectorSubcoreMesh(
        core_axis_name="c", subcore_axis_name="s", num_cores=NC, num_subcores=NS
    )

    @functools.partial(
        pl.kernel,
        mesh=mesh,
        out_type=jax.ShapeDtypeStruct((N_ROWS, N_FEAT), jnp.float32),
        scratch_types=(
            [pltpu.VMEM((N_FEAT,), jnp.int32)]
            + [pltpu.VMEM((R, N_FEAT), jnp.float32) for _ in range(2)]
            + [pltpu.VMEM((R, N_FEAT), jnp.float32) for _ in range(2)]
            + [pltpu.SemaphoreType.DMA for _ in range(4)]
        ),
        compiler_params=pltpu.CompilerParams(needs_layout_passes=False),
        interpret=interpret,
    )
    def sc_permute(
        x_hbm, perm_hbm, out_hbm, perm_v,
        in0, in1, o0, o1,
        si0, si1, so0, so1,
    ):
        wid = lax.axis_index("s") * NC + lax.axis_index("c")
        row_base = wid * ROWS_PER_W
        pltpu.sync_copy(perm_hbm, perm_v)
        in_v = (in0, in1)
        out_v = (o0, o1)
        sin = (si0, si1)
        sout = (so0, so1)

        def permute_chunk(inb, outb):
            @plsc.parallel_loop(0, N_FEAT // L, unroll=4)
            def jbody(j):
                col = j * L
                idxc = perm_v[pl.ds(col, L)]
                ocol = lax.iota(jnp.int32, L) + col
                vals = [
                    plsc.load_gather(inb, [jnp.full((L,), r, jnp.int32), idxc])
                    for r in range(R)
                ]
                for r in range(R):
                    plsc.store_scatter(
                        outb, [jnp.full((L,), r, jnp.int32), ocol], vals[r]
                    )

        NBI = len(in_v)
        NBO = len(out_v)

        def start_in(ci):
            r0 = row_base + ci * R
            return pltpu.async_copy(
                x_hbm.at[pl.ds(r0, R)], in_v[ci % NBI], sin[ci % NBI]
            )

        in_copies = [None] * N_CHUNKS
        out_copies = [None] * N_CHUNKS
        for ci in range(NBI):
            in_copies[ci] = start_in(ci)
        for ci in range(N_CHUNKS):
            in_copies[ci].wait()
            if ci >= NBO:
                out_copies[ci - NBO].wait()
            permute_chunk(in_v[ci % NBI], out_v[ci % NBO])
            out_copies[ci] = pltpu.async_copy(
                out_v[ci % NBO],
                out_hbm.at[pl.ds(row_base + ci * R, R)],
                sout[ci % NBO],
            )
            if ci + NBI < N_CHUNKS:
                in_copies[ci + NBI] = start_in(ci + NBI)
        for ci in range(N_CHUNKS - NBO, N_CHUNKS):
            out_copies[ci].wait()

    return sc_permute


_sc_permute = _make_sc_permute()


def kernel(inputs):
    x = inputs.reshape(N_ROWS, N_FEAT)
    out = _sc_permute(x, jnp.asarray(_PERM))
    logdet = jnp.zeros((inputs.shape[0], 1), dtype=inputs.dtype)
    return out.reshape(inputs.shape), logdet

# --- scband reference (transcript-rebuilt; emitter-appended) ---
"""Pipeline reference for scband-shuffle-mog-26706106647123 (READ-ONLY COPY).

The authoritative reference and input builder live on the scoring server;
editing this copy changes nothing except your own understanding.
"""

import jax, jax.numpy as jnp
import numpy as np

# Reproduce the torch module's permutation exactly: np.random.seed(seed); shuffle(arange(num_inputs))
np.random.seed(0)
_perm_np = np.arange(0, 1024)
np.random.shuffle(_perm_np)
_perm = jnp.asarray(_perm_np, dtype=jnp.int32)


def setup_inputs(seed: int = 0) -> dict:
    key = jax.random.key(seed)
    inputs = jax.random.normal(key, (4, 2048, 1024), dtype=jnp.float32)
    return {"inputs": inputs}


def reference(inputs):
    # mode='direct': gather along last dim using perm
    out = jnp.take(inputs, _perm, axis=2)
    logdet = jnp.zeros((inputs.shape[0], 1), dtype=inputs.dtype)
    return (out, logdet)

if __name__ == "__main__":
    import jax
    _d = setup_inputs()
    print(jax.jit(kernel)(*tuple(_d.values())))

</pallas_src>

<mosaic_0001>
#map = affine_map<(d0, d1) -> (0, 0)>
#map1 = affine_map<(d0, d1) -> (0)>
module attributes {stable_mosaic.version = 14 : i64} {
  func.func @sc_permute(%arg0: i32, %arg1: i32, %arg2: memref<8192x1024xf32, #tpu.memory_space<hbm>>, %arg3: memref<1024xi32, #tpu.memory_space<hbm>>, %arg4: memref<8192x1024xf32, #tpu.memory_space<hbm>>, %arg5: memref<1024xi32, #tpu.memory_space<vmem>>, %arg6: memref<16x1024xf32, #tpu.memory_space<vmem>>, %arg7: memref<16x1024xf32, #tpu.memory_space<vmem>>, %arg8: memref<16x1024xf32, #tpu.memory_space<vmem>>, %arg9: memref<16x1024xf32, #tpu.memory_space<vmem>>, %arg10: memref<!tpu.dma_semaphore, #tpu.memory_space<semaphore_mem>>, %arg11: memref<!tpu.dma_semaphore, #tpu.memory_space<semaphore_mem>>, %arg12: memref<!tpu.dma_semaphore, #tpu.memory_space<semaphore_mem>>, %arg13: memref<!tpu.dma_semaphore, #tpu.memory_space<semaphore_mem>>) attributes {dimension_semantics = [#tpu.dimension_semantics<core_parallel>, #tpu.dimension_semantics<subcore_parallel>], iteration_bounds = array<i64: 2, 16>, scalar_prefetch = 0 : i64, scratch_operands = 9 : i64, tpu.core_type = #tpu.core_type<sc_vector_subcore>, window_params = [{transform_indices = #map}, {transform_indices = #map1}, {transform_indices = #map}]} {
    %mul3A = arith.constant 2 : i32
    %mul3A_0 = arith.muli %arg1, %mul3A : i32
    %add3A = arith.addi %mul3A_0, %arg0 : i32
    %mul3A_1 = arith.constant 256 : i32
    %mul3A_2 = arith.muli %add3A, %mul3A_1 : i32
    "tpu.region"() ({
      %run_scoped3A = tpu.sem_alloc : memref<!tpu.dma_semaphore, #tpu.memory_space<semaphore_mem>>
      tpu.enqueue_dma source(%arg3 : memref<1024xi32, #tpu.memory_space<hbm>>) target(%arg5 : memref<1024xi32, #tpu.memory_space<vmem>>) target_semaphore(%run_scoped3A : memref<!tpu.dma_semaphore, #tpu.memory_space<semaphore_mem>>)
      tpu.wait_dma2 semaphore(%run_scoped3A : memref<!tpu.dma_semaphore, #tpu.memory_space<semaphore_mem>>) src(%arg3 : memref<1024xi32, #tpu.memory_space<hbm>>) dst(%arg5 : memref<1024xi32, #tpu.memory_space<vmem>>)
      tpu.yield
    }) : () -> ()
    %add3A_3 = arith.constant 0 : i32
    %add3A_4 = arith.addi %mul3A_2, %add3A_3 : i32
    %dma_start3A = arith.constant 0 : i32
    %dma_start3A_5 = tpu.memref_slice %arg2[%add3A_4, %dma_start3A] : memref<8192x1024xf32, #tpu.memory_space<hbm>> -> memref<16x1024xf32, #tpu.memory_space<hbm>>
    %dma_start3A_6 = arith.constant 0 : i32
    %dma_start3A_7 = tpu.memref_slice %arg2[%add3A_4, %dma_start3A_6] : memref<8192x1024xf32, #tpu.memory_space<hbm>> -> memref<16x1024xf32, #tpu.memory_space<hbm>>
    tpu.enqueue_dma source(%dma_start3A_7 : memref<16x1024xf32, #tpu.memory_space<hbm>>) target(%arg6 : memref<16x1024xf32, #tpu.memory_space<vmem>>) target_semaphore(%arg10 : memref<!tpu.dma_semaphore, #tpu.memory_space<semaphore_mem>>)
    %add3A_8 = arith.constant 16 : i32
    %add3A_9 = arith.addi %mul3A_2, %add3A_8 : i32
    %dma_start3A_10 = arith.constant 0 : i32
    %dma_start3A_11 = tpu.memref_slice %arg2[%add3A_9, %dma_start3A_10] : memref<8192x1024xf32, #tpu.memory_space<hbm>> -> memref<16x1024xf32, #tpu.memory_space<hbm>>
    %dma_start3A_12 = arith.constant 0 : i32
    %dma_start3A_13 = tpu.memref_slice %arg2[%add3A_9, %dma_start3A_12] : memref<8192x1024xf32, #tpu.memory_space<hbm>> -> memref<16x1024xf32, #tpu.memory_space<hbm>>
    tpu.enqueue_dma source(%dma_start3A_13 : memref<16x1024xf32, #tpu.memory_space<hbm>>) target(%arg7 : memref<16x1024xf32, #tpu.memory_space<vmem>>) target_semaphore(%arg11 : memref<!tpu.dma_semaphore, #tpu.memory_space<semaphore_mem>>)
    %dma_wait3A = arith.constant 0 : i32
    %dma_wait3A_14 = tpu.memref_slice %arg2[%add3A_4, %dma_wait3A] : memref<8192x1024xf32, #tpu.memory_space<hbm>> -> memref<16x1024xf32, #tpu.memory_space<hbm>>
    %dma_wait3A_15 = arith.constant 0 : i32
    %dma_wait3A_16 = tpu.memref_slice %arg2[%add3A_4, %dma_wait3A_15] : memref<8192x1024xf32, #tpu.memory_space<hbm>> -> memref<16x1024xf32, #tpu.memory_space<hbm>>
    tpu.wait_dma2 semaphore(%arg10 : memref<!tpu.dma_semaphore, #tpu.memory_space<semaphore_mem>>) src(%dma_wait3A_16 : memref<16x1024xf32, #tpu.memory_space<hbm>>) dst(%arg6 : memref<16x1024xf32, #tpu.memory_space<vmem>>)
    %parallel_loop3A = arith.constant 0 : i32
    %parallel_loop3A_17 = arith.constant 64 : i32
    %parallel_loop3A_18 = arith.constant 1 : i32
    scf.for %parallel_loop3A_368 = %parallel_loop3A to %parallel_loop3A_17 step %parallel_loop3A_18  : i32 {
      %parallel_loop3A_369 = arith.constant 16 : i32
      %parallel_loop3A_370 = arith.muli %parallel_loop3A_368, %parallel_loop3A_369 : i32
      %parallel_loop3A_371 = arith.index_cast %parallel_loop3A_370 : i32 to index
      %parallel_loop3A_372 = tpu.vector_load %arg5[%parallel_loop3A_371] {strides = array<i32>} : memref<1024xi32, #tpu.memory_space<vmem>>, vector<16xi32>,
      %parallel_loop3A_373 = tpu.iota {dimensions = array<i32: 0>} : vector<16xi32>
      %parallel_loop3A_374 = vector.broadcast %parallel_loop3A_370 : i32 to vector<16xi32>
      %parallel_loop3A_375 = arith.addi %parallel_loop3A_373, %parallel_loop3A_374 : vector<16xi32>
      %parallel_loop3A_376 = arith.constant 0 : i32
      %parallel_loop3A_377 = vector.broadcast %parallel_loop3A_376 : i32 to vector<16xi32>
      %parallel_loop3A_378 = tpu.vector_load_idx %arg6[%parallel_loop3A_377, %parallel_loop3A_372] : memref<16x1024xf32, #tpu.memory_space<vmem>>[vector<16xi32>, vector<16xi32>], vector<16xf32>,
      %parallel_loop3A_379 = arith.constant 1 : i32
      %parallel_loop3A_380 = vector.broadcast %parallel_loop3A_379 : i32 to vector<16xi32>
      %parallel_loop3A_381 = tpu.vector_load_idx %arg6[%parallel_loop3A_380, %parallel_loop3A_372] : memref<16x1024xf32, #tpu.memory_space<vmem>>[vector<16xi32>, vector<16xi32>], vector<16xf32>,
      %parallel_loop3A_382 = arith.constant 2 : i32
      %parallel_loop3A_383 = vector.broadcast %parallel_loop3A_382 : i32 to vector<16xi32>
      %parallel_loop3A_384 = tpu.vector_load_idx %arg6[%parallel_loop3A_383, %parallel_loop3A_372] : memref<16x1024xf32, #tpu.memory_space<vmem>>[vector<16xi32>, vector<16xi32>], vector<16xf32>,
      %parallel_loop3A_385 = arith.constant 3 : i32
      %parallel_loop3A_386 = vector.broadcast %parallel_loop3A_385 : i32 to vector<16xi32>
      %parallel_loop3A_387 = tpu.vector_load_idx %arg6[%parallel_loop3A_386, %parallel_loop3A_372] : memref<16x1024xf32, #tpu.memory_space<vmem>>[vector<16xi32>, vector<16xi32>], vector<16xf32>,
      %parallel_loop3A_388 = arith.constant 4 : i32
      %parallel_loop3A_389 = vector.broadcast %parallel_loop3A_388 : i32 to vector<16xi32>
      %parallel_loop3A_390 = tpu.vector_load_idx %arg6[%parallel_loop3A_389, %parallel_loop3A_372] : memref<16x1024xf32, #tpu.memory_space<vmem>>[vector<16xi32>, vector<16xi32>], vector<16xf32>,
      %parallel_loop3A_391 = arith.constant 5 : i32
      %parallel_loop3A_392 = vector.broadcast %parallel_loop3A_391 : i32 to vector<16xi32>
      %parallel_loop3A_393 = tpu.vector_load_idx %arg6[%parallel_loop3A_392, %parallel_loop3A_372] : memref<16x1024xf32, #tpu.memory_space<vmem>>[vector<16xi32>, vector<16xi32>], vector<16xf32>,
      %parallel_loop3A_394 = arith.constant 6 : i32
      %parallel_loop3A_395 = vector.broadcast %parallel_loop3A_394 : i32 to vector<16xi32>
      %parallel_loop3A_396 = tpu.vector_load_idx %arg6[%parallel_loop3A_395, %parallel_loop3A_372] : memref<16x1024xf32, #tpu.memory_space<vmem>>[vector<16xi32>, vector<16xi32>], vector<16xf32>,
      %parallel_loop3A_397 = arith.constant 7 : i32
      %parallel_loop3A_398 = vector.broadcast %parallel_loop3A_397 : i32 to vector<16xi32>
      %parallel_loop3A_399 = tpu.vector_load_idx %arg6[%parallel_loop3A_398, %parallel_loop3A_372] : memref<16x1024xf32, #tpu.memory_space<vmem>>[vector<16xi32>, vector<16xi32>], vector<16xf32>,
      %parallel_loop3A_400 = arith.constant 8 : i32
      %parallel_loop3A_401 = vector.broadcast %parallel_loop3A_400 : i32 to vector<16xi32>
      %parallel_loop3A_402 = tpu.vector_load_idx %arg6[%parallel_loop3A_401, %parallel_loop3A_372] : memref<16x1024xf32, #tpu.memory_space<vmem>>[vector<16xi32>, vector<16xi32>], vector<16xf32>,
      %parallel_loop3A_403 = arith.constant 9 : i32
      %parallel_loop3A_404 = vector.broadcast %parallel_loop3A_403 : i32 to vector<16xi32>
      %parallel_loop3A_405 = tpu.vector_load_idx %arg6[%parallel_loop3A_404, %parallel_loop3A_372] : memref<16x1024xf32, #tpu.memory_space<vmem>>[vector<16xi32>, vector<16xi32>], vector<16xf32>,
      %parallel_loop3A_406 = arith.constant 10 : i32
      %parallel_loop3A_407 = vector.broadcast %parallel_loop3A_406 : i32 to vector<16xi32>
      %parallel_loop3A_408 = tpu.vector_load_idx %arg6[%parallel_loop3A_407, %parallel_loop3A_372] : memref<16x1024xf32, #tpu.memory_space<vmem>>[vector<16xi32>, vector<16xi32>], vector<16xf32>,
      %parallel_loop3A_409 = arith.constant 11 : i32
      %parallel_loop3A_410 = vector.broadcast %parallel_loop3A_409 : i32 to vector<16xi32>
      %parallel_loop3A_411 = tpu.vector_load_idx %arg6[%parallel_loop3A_410, %parallel_loop3A_372] : memref<16x1024xf32, #tpu.memory_space<vmem>>[vector<16xi32>, vector<16xi32>], vector<16xf32>,
      %parallel_loop3A_412 = arith.constant 12 : i32
      %parallel_loop3A_413 = vector.broadcast %parallel_loop3A_412 : i32 to vector<16xi32>
      %parallel_loop3A_414 = tpu.vector_load_idx %arg6[%parallel_loop3A_413, %parallel_loop3A_372] : memref<16x1024xf32, #tpu.memory_space<vmem>>[vector<16xi32>, vector<16xi32>], vector<16xf32>,
      %parallel_loop3A_415 = arith.constant 13 : i32
      %parallel_loop3A_416 = vector.broadcast %parallel_loop3A_415 : i32 to vector<16xi32>
      %parallel_loop3A_417 = tpu.vector_load_idx %arg6[%parallel_loop3A_416, %parallel_loop3A_372] : memref<16x1024xf32, #tpu.memory_space<vmem>>[vector<16xi32>, vector<16xi32>], vector<16xf32>,
      %parallel_loop3A_418 = arith.constant 14 : i32
      %parallel_loop3A_419 = vector.broadcast %parallel_loop3A_418 : i32 to vector<16xi32>
      %parallel_loop3A_420 = tpu.vector_load_idx %arg6[%parallel_loop3A_419, %parallel_loop3A_372] : memref<16x1024xf32, #tpu.memory_space<vmem>>[vector<16xi32>, vector<16xi32>], vector<16xf32>,
      %parallel_loop3A_421 = arith.constant 15 : i32
      %parallel_loop3A_422 = vector.broadcast %parallel_loop3A_421 : i32 to vector<16xi32>
      %parallel_loop3A_423 = tpu.vector_load_idx %arg6[%parallel_loop3A_422, %parallel_loop3A_372] : memref<16x1024xf32, #tpu.memory_space<vmem>>[vector<16xi32>, vector<16xi32>], vector<16xf32>,
      %parallel_loop3A_424 = arith.constant 0 : i32
      %parallel_loop3A_425 = vector.broadcast %parallel_loop3A_424 : i32 to vector<16xi32>
      tpu.vector_store_idx %arg8[%parallel_loop3A_425, %parallel_loop3A_375], %parallel_loop3A_378 : memref<16x1024xf32, #tpu.memory_space<vmem>>[vector<16xi32>, vector<16xi32>], vector<16xf32>,
      %parallel_loop3A_426 = arith.constant 1 : i32
      %parallel_loop3A_427 = vector.broadcast %parallel_loop3A_426 : i32 to vector<16xi32>
      tpu.vector_store_idx %arg8[%parallel_loop3A_427, %parallel_loop3A_375], %parallel_loop3A_381 : memref<16x1024xf32, #tpu.memory_space<vmem>>[vector<16xi32>, vector<16xi32>], vector<16xf32>,
      %parallel_loop3A_428 = arith.constant 2 : i32
      %parallel_loop3A_429 = vector.broadcast %parallel_loop3A_428 : i32 to vector<16xi32>
      tpu.vector_store_idx %arg8[%parallel_loop3A_429, %parallel_loop3A_375], %parallel_loop3A_384 : memref<16x1024xf32, #tpu.memory_space<vmem>>[vector<16xi32>, vector<16xi32>], vector<16xf32>,
      %parallel_loop3A_430 = arith.constant 3 : i32
      %parallel_loop3A_431 = vector.broadcast %parallel_loop3A_430 : i32 to vector<16xi32>
      tpu.vector_store_idx %arg8[%parallel_loop3A_431, %parallel_loop3A_375], %parallel_loop3A_387 : memref<16x1024xf32, #tpu.memory_space<vmem>>[vector<16xi32>, vector<16xi32>], vector<16xf32>,
      %parallel_loop3A_432 = arith.constant 4 : i32
      %parallel_loop3A_433 = vector.broadcast %parallel_loop3A_432 : i32 to vector<16xi32>
      tpu.vector_store_idx %arg8[%parallel_loop3A_433, %parallel_loop3A_375], %parallel_loop3A_390 : memref<16x1024xf32, #tpu.memory_space<vmem>>[vector<16xi32>, vector<16xi32>], vector<16xf32>,
      %parallel_loop3A_434 = arith.constant 5 : i32
      %parallel_loop3A_435 = vector.broadcast %parallel_loop3A_434 : i32 to vector<16xi32>
      tpu.vector_store_idx %arg8[%parallel_loop3A_435, %parallel_loop3A_375], %parallel_loop3A_393 : memref<16x1024xf32, #tpu.memory_space<vmem>>[vector<16xi32>, vector<16xi32>], vector<16xf32>,
      %parallel_loop3A_436 = arith.constant 6 : i32
      %parallel_loop3A_437 = vector.broadcast %parallel_loop3A_436 : i32 to vector<16xi32>
      tpu.vector_store_idx %arg8[%parallel_loop3A_437, %parallel_loop3A_375], %parallel_loop3A_396 : memref<16x1024xf32, #tpu.memory_space<vmem>>[vector<16xi32>, vector<16xi32>], vector<16xf32>,
      %parallel_loop3A_438 = arith.constant 7 : i32
      %parallel_loop3A_439 = vector.broadcast %parallel_loop3A_438 : i32 to vector<16xi32>
      tpu.vector_store_idx %arg8[%parallel_loop3A_439, %parallel_loop3A_375], %parallel_loop3A_399 : memref<16x1024xf32, #tpu.memory_space<vmem>>[vector<16xi32>, vector<16xi32>], vector<16xf32>,
      %parallel_loop3A_440 = arith.constant 8 : i32
      %parallel_loop3A_441 = vector.broadcast %parallel_loop3A_440 : i32 to vector<16xi32>
      tpu.vector_store_idx %arg8[%parallel_loop3A_441, %parallel_loop3A_375], %parallel_loop3A_402 : memref<16x1024xf32, #tpu.memory_space<vmem>>[vector<16xi32>, vector<16xi32>], vector<16xf32>,
      %parallel_loop3A_442 = arith.constant 9 : i32
      %parallel_loop3A_443 = vector.broadcast %parallel_loop3A_442 : i32 to vector<16xi32>
      tpu.vector_store_idx %arg8[%parallel_loop3A_443, %parallel_loop3A_375], %parallel_loop3A_405 : memref<16x1024xf32, #tpu.memory_space<vmem>>[vector<16xi32>, vector<16xi32>], vector<16xf32>,
      %parallel_loop3A_444 = arith.constant 10 : i32
      %parallel_loop3A_445 = vector.broadcast %parallel_loop3A_444 : i32 to vector<16xi32>
      tpu.vector_store_idx %arg8[%parallel_loop3A_445, %parallel_loop3A_375], %parallel_loop3A_408 : memref<16x1024xf32, #tpu.memory_space<vmem>>[vector<16xi32>, vector<16xi32>], vector<16xf32>,
      %parallel_loop3A_446 = arith.constant 11 : i32
      %parallel_loop3A_447 = vector.broadcast %parallel_loop3A_446 : i32 to vector<16xi32>
      tpu.vector_store_idx %arg8[%parallel_loop3A_447, %parallel_loop3A_375], %parallel_loop3A_411 : memref<16x1024xf32, #tpu.memory_space<vmem>>[vector<16xi32>, vector<16xi32>], vector<16xf32>,
      %parallel_loop3A_448 = arith.constant 12 : i32
      %parallel_loop3A_449 = vector.broadcast %parallel_loop3A_448 : i32 to vector<16xi32>
      tpu.vector_store_idx %arg8[%parallel_loop3A_449, %parallel_loop3A_375], %parallel_loop3A_414 : memref<16x1024xf32, #tpu.memory_space<vmem>>[vector<16xi32>, vector<16xi32>], vector<16xf32>,
      %parallel_loop3A_450 = arith.constant 13 : i32
      %parallel_loop3A_451 = vector.broadcast %parallel_loop3A_450 : i32 to vector<16xi32>
      tpu.vector_store_idx %arg8[%parallel_loop3A_451, %parallel_loop3A_375], %parallel_loop3A_417 : memref<16x1024xf32, #tpu.memory_space<vmem>>[vector<16xi32>, vector<16xi32>], vector<16xf32>,
      %parallel_loop3A_452 = arith.constant 14 : i32
      %parallel_loop3A_453 = vector.broadcast %parallel_loop3A_452 : i32 to vector<16xi32>
      tpu.vector_store_idx %arg8[%parallel_loop3A_453, %parallel_loop3A_375], %parallel_loop3A_420 : memref<16x1024xf32, #tpu.memory_space<vmem>>[vector<16xi32>, vector<16xi32>], vector<16xf32>,
      %parallel_loop3A_454 = arith.constant 15 : i32
      %parallel_loop3A_455 = vector.broadcast %parallel_loop3A_454 : i32 to vector<16xi32>
      tpu.vector_store_idx %arg8[%parallel_loop3A_455, %parallel_loop3A_375], %parallel_loop3A_423 : memref<16x1024xf32, #tpu.memory_space<vmem>>[vector<16xi32>, vector<16xi32>], vector<16xf32>,
    } {sc.loop_unroll_factor = 4 : i64, sc.parallel_access}
    %add3A_19 = arith.constant 0 : i32
    %add3A_20 = arith.addi %mul3A_2, %add3A_19 : i32
    %dma_start3A_21 = arith.constant 0 : i32
    %dma_start3A_22 = tpu.memref_slice %arg4[%add3A_20, %dma_start3A_21] : memref<8192x1024xf32, #tpu.memory_space<hbm>> -> memref<16x1024xf32, #tpu.memory_space<hbm>>
    %dma_start3A_23 = arith.constant 0 : i32
    %dma_start3A_24 = tpu.memref_slice %arg4[%add3A_20, %dma_start3A_23] : memref<8192x1024xf32, #tpu.memory_space<hbm>> -> memref<16x1024xf32, #tpu.memory_space<hbm>>
    tpu.enqueue_dma source(%arg8 : memref<16x1024xf32, #tpu.memory_space<vmem>>) target(%dma_start3A_24 : memref<16x1024xf32, #tpu.memory_space<hbm>>) target_semaphore(%arg12 : memref<!tpu.dma_semaphore, #tpu.memory_space<semaphore_mem>>)
    %add3A_25 = arith.constant 32 : i32
    %add3A_26 = arith.addi %mul3A_2, %add3A_25 : i32
    %dma_start3A_27 = arith.constant 0 : i32
    %dma_start3A_28 = tpu.memref_slice %arg2[%add3A_26, %dma_start3A_27] : memref<8192x1024xf32, #tpu.memory_space<hbm>> -> memref<16x1024xf32, #tpu.memory_space<hbm>>
    %dma_start3A_29 = arith.constant 0 : i32
    %dma_start3A_30 = tpu.memref_slice %arg2[%add3A_26, %dma_start3A_29] : memref<8192x1024xf32, #tpu.memory_space<hbm>> -> memref<16x1024xf32, #tpu.memory_space<hbm>>
    tpu.enqueue_dma source(%dma_start3A_30 : memref<16x1024xf32, #tpu.memory_space<hbm>>) target(%arg6 : memref<16x1024xf32, #tpu.memory_space<vmem>>) target_semaphore(%arg10 : memref<!tpu.dma_semaphore, #tpu.memory_space<semaphore_mem>>)
    %dma_wait3A_31 = arith.constant 0 : i32
    %dma_wait3A_32 = tpu.memref_slice %arg2[%add3A_9, %dma_wait3A_31] : memref<8192x1024xf32, #tpu.memory_space<hbm>> -> memref<16x1024xf32, #tpu.memory_space<hbm>>
    %dma_wait3A_33 = arith.constant 0 : i32
    %dma_wait3A_34 = tpu.memref_slice %arg2[%add3A_9, %dma_wait3A_33] : memref<8192x1024xf32, #tpu.memory_space<hbm>> -> memref<16x1024xf32, #tpu.memory_space<hbm>>
    tpu.wait_dma2 semaphore(%arg11 : memref<!tpu.dma_semaphore, #tpu.memory_space<semaphore_mem>>) src(%dma_wait3A_34 : memref<16x1024xf32, #tpu.memory_space<hbm>>) dst(%arg7 : memref<16x1024xf32, #tpu.memory_space<vmem>>)
    %parallel_loop3A_35 = arith.constant 0 : i32
    %parallel_loop3A_36 = arith.constant 64 : i32
    %parallel_loop3A_37 = arith.constant 1 : i32
    scf.for %parallel_loop3A_368 = %parallel_loop3A_35 to %parallel_loop3A_36 step %parallel_loop3A_37  : i32 {
      %parallel_loop3A_369 = arith.constant 16 : i32
      %parallel_loop3A_370 = arith.muli %parallel_loop3A_368, %parallel_loop3A_369 : i32
      %parallel_loop3A_371 = arith.index_cast %parallel_loop3A_370 : i32 to index
      %parallel_loop3A_372 = tpu.vector_load %arg5[%parallel_loop3A_371] {strides = array<i32>} : memref<1024xi32, #tpu.memory_space<vmem>>, vector<16xi32>,
      %parallel_loop3A_373 = tpu.iota {dimensions = array<i32: 0>} : vector<16xi32>
      %parallel_loop3A_374 = vector.broadcast %parallel_loop3A_370 : i32 to vector<16xi32>
      %parallel_loop3A_375 = arith.addi %parallel_loop3A_373, %parallel_loop3A_374 : vector<16xi32>
      %parallel_loop3A_376 = arith.constant 0 : i32
      %parallel_loop3A_377 = vector.broadcast %parallel_loop3A_376 : i32 to vector<16xi32>
      %parallel_loop3A_378 = tpu.vector_load_idx %arg7[%parallel_loop3A_377, %parallel_loop3A_372] : memref<16x1024xf32, #tpu.memory_space<vmem>>[vector<16xi32>, vector<16xi32>], vector<16xf32>,
      %parallel_loop3A_379 = arith.constant 1 : i32
      %parallel_loop3A_380 = vector.broadcast %parallel_loop3A_379 : i32 to vector<16xi32>
      %parallel_loop3A_381 = tpu.vector_load_idx %arg7[%parallel_loop3A_380, %parallel_loop3A_372] : memref<16x1024xf32, #tpu.memory_space<vmem>>[vector<16xi32>, vector<16xi32>], vector<16xf32>,
      %parallel_loop3A_382 = arith.constant 2 : i32
      %parallel_loop3A_383 = vector.broadcast %parallel_loop3A_382 : i32 to vector<16xi32>
      %parallel_loop3A_384 = tpu.vector_load_idx %arg7[%parallel_loop3A_383, %parallel_loop3A_372] : memref<16x1024xf32, #tpu.memory_space<vmem>>[vector<16xi32>, vector<16xi32>], vector<16xf32>,
      %parallel_loop3A_385 = arith.constant 3 : i32
      %parallel_loop3A_386 = vector.broadcast %parallel_loop3A_385 : i32 to vector<16xi32>
      %parallel_loop3A_387 = tpu.vector_load_idx %arg7[%parallel_loop3A_386, %parallel_loop3A_372] : memref<16x1024xf32, #tpu.memory_space<vmem>>[vector<16xi32>, vector<16xi32>], vector<16xf32>,
      %parallel_loop3A_388 = arith.constant 4 : i32
      %parallel_loop3A_389 = vector.broadcast %parallel_loop3A_388 : i32 to vector<16xi32>
      %parallel_loop3A_390 = tpu.vector_load_idx %arg7[%parallel_loop3A_389, %parallel_loop3A_372] : memref<16x1024xf32, #tpu.memory_space<vmem>>[vector<16xi32>, vector<16xi32>], vector<16xf32>,
      %parallel_loop3A_391 = arith.constant 5 : i32
      %parallel_loop3A_392 = vector.broadcast %parallel_loop3A_391 : i32 to vector<16xi32>
      %parallel_loop3A_393 = tpu.vector_load_idx %arg7[%parallel_loop3A_392, %parallel_loop3A_372] : memref<16x1024xf32, #tpu.memory_space<vmem>>[vector<16xi32>, vector<16xi32>], vector<16xf32>,
      %parallel_loop3A_394 = arith.constant 6 : i32
      %parallel_loop3A_395 = vector.broadcast %parallel_loop3A_394 : i32 to vector<16xi32>
      %parallel_loop3A_396 = tpu.vector_load_idx %arg7[%parallel_loop3A_395, %parallel_loop3A_372] : memref<16x1024xf32, #tpu.memory_space<vmem>>[vector<16xi32>, vector<16xi32>], vector<16xf32>,
      %parallel_loop3A_397 = arith.constant 7 : i32
      %parallel_loop3A_398 = vector.broadcast %parallel_loop3A_397 : i32 to vector<16xi32>
      %parallel_loop3A_399 = tpu.vector_load_idx %arg7[%parallel_loop3A_398, %parallel_loop3A_372] : memref<16x1024xf32, #tpu.memory_space<vmem>>[vector<16xi32>, vector<16xi32>], vector<16xf32>,
      %parallel_loop3A_400 = arith.constant 8 : i32
      %parallel_loop3A_401 = vector.broadcast %parallel_loop3A_400 : i32 to vector<16xi32>
      %parallel_loop3A_402 = tpu.vector_load_idx %arg7[%parallel_loop3A_401, %parallel_loop3A_372] : memref<16x1024xf32, #tpu.memory_space<vmem>>[vector<16xi32>, vector<16xi32>], vector<16xf32>,
      %parallel_loop3A_403 = arith.constant 9 : i32
      %parallel_loop3A_404 = vector.broadcast %parallel_loop3A_403 : i32 to vector<16xi32>
      %parallel_loop3A_405 = tpu.vector_load_idx %arg7[%parallel_loop3A_404, %parallel_loop3A_372] : memref<16x1024xf32, #tpu.memory_space<vmem>>[vector<16xi32>, vector<16xi32>], vector<16xf32>,
      %parallel_loop3A_406 = arith.constant 10 : i32
      %parallel_loop3A_407 = vector.broadcast %parallel_loop3A_406 : i32 to vector<16xi32>
      %parallel_loop3A_408 = tpu.vector_load_idx %arg7[%parallel_loop3A_407, %parallel_loop3A_372] : memref<16x1024xf32, #tpu.memory_space<vmem>>[vector<16xi32>, vector<16xi32>], vector<16xf32>,
      %parallel_loop3A_409 = arith.constant 11 : i32
      %parallel_loop3A_410 = vector.broadcast %parallel_loop3A_409 : i32 to vector<16xi32>
      %parallel_loop3A_411 = tpu.vector_load_idx %arg7[%parallel_loop3A_410, %parallel_loop3A_372] : memref<16x1024xf32, #tpu.memory_space<vmem>>[vector<16xi32>, vector<16xi32>], vector<16xf32>,
      %parallel_loop3A_412 = arith.constant 12 : i32
      %parallel_loop3A_413 = vector.broadcast %parallel_loop3A_412 : i32 to vector<16xi32>
      %parallel_loop3A_414 = tpu.vector_load_idx %arg7[%parallel_loop3A_413, %parallel_loop3A_372] : memref<16x1024xf32, #tpu.memory_space<vmem>>[vector<16xi32>, vector<16xi32>], vector<16xf32>,
      %parallel_loop3A_415 = arith.constant 13 : i32
      %parallel_loop3A_416 = vector.broadcast %parallel_loop3A_415 : i32 to vector<16xi32>
      %parallel_loop3A_417 = tpu.vector_load_idx %arg7[%parallel_loop3A_416, %parallel_loop3A_372] : memref<16x1024xf32, #tpu.memory_space<vmem>>[vector<16xi32>, vector<16xi32>], vector<16xf32>,
      %parallel_loop3A_418 = arith.constant 14 : i32
      %parallel_loop3A_419 = vector.broadcast %parallel_loop3A_418 : i32 to vector<16xi32>
      %parallel_loop3A_420 = tpu.vector_load_idx %arg7[%parallel_loop3A_419, %parallel_loop3A_372] : memref<16x1024xf32, #tpu.memory_space<vmem>>[vector<16xi32>, vector<16xi32>], vector<16xf32>,
      %parallel_loop3A_421 = arith.constant 15 : i32
      %parallel_loop3A_422 = vector.broadcast %parallel_loop3A_421 : i32 to vector<16xi32>
      %parallel_loop3A_423 = tpu.vector_load_idx %arg7[%parallel_loop3A_422, %parallel_loop3A_372] : memref<16x1024xf32, #tpu.memory_space<vmem>>[vector<16xi32>, vector<16xi32>], vector<16xf32>,
      %parallel_loop3A_424 = arith.constant 0 : i32
      %parallel_loop3A_425 = vector.broadcast %parallel_loop3A_424 : i32 to vector<16xi32>
      tpu.vector_store_idx %arg9[%parallel_loop3A_425, %parallel_loop3A_375], %parallel_loop3A_378 : memref<16x1024xf32, #tpu.memory_space<vmem>>[vector<16xi32>, vector<16xi32>], vector<16xf32>,
      %parallel_loop3A_426 = arith.constant 1 : i32
      %parallel_loop3A_427 = vector.broadcast %parallel_loop3A_426 : i32 to vector<16xi32>
      tpu.vector_store_idx %arg9[%parallel_loop3A_427, %parallel_loop3A_375], %parallel_loop3A_381 : memref<16x1024xf32, #tpu.memory_space<vmem>>[vector<16xi32>, vector<16xi32>], vector<16xf32>,
      %parallel_loop3A_428 = arith.constant 2 : i32
      %parallel_loop3A_429 = vector.broadcast %parallel_loop3A_428 : i32 to vector<16xi32>
      tpu.vector_store_idx %arg9[%parallel_loop3A_429, %parallel_loop3A_375], %parallel_loop3A_384 : memref<16x1024xf32, #tpu.memory_space<vmem>>[vector<16xi32>, vector<16xi32>], vector<16xf32>,
      %parallel_loop3A_430 = arith.constant 3 : i32
      %parallel_loop3A_431 = vector.broadcast %parallel_loop3A_430 : i32 to vector<16xi32>
      tpu.vector_store_idx %arg9[%parallel_loop3A_431, %parallel_loop3A_375], %parallel_loop3A_387 : memref<16x1024xf32, #tpu.memory_space<vmem>>[vector<16xi32>, vector<16xi32>], vector<16xf32>,
      %parallel_loop3A_432 = arith.constant 4 : i32
      %parallel_loop3A_433 = vector.broadcast %parallel_loop3A_432 : i32 to vector<16xi32>
      tpu.vector_store_idx %arg9[%parallel_loop3A_433, %parallel_loop3A_375], %parallel_loop3A_390 : memref<16x1024xf32, #tpu.memory_space<vmem>>[vector<16xi32>, vector<16xi32>], vector<16xf32>,
      %parallel_loop3A_434 = arith.constant 5 : i32
      %parallel_loop3A_435 = vector.broadcast %parallel_loop3A_434 : i32 to vector<16xi32>
      tpu.vector_store_idx %arg9[%parallel_loop3A_435, %parallel_loop3A_375], %parallel_loop3A_393 : memref<16x1024xf32, #tpu.memory_space<vmem>>[vector<16xi32>, vector<16xi32>], vector<16xf32>,
      %parallel_loop3A_436 = arith.constant 6 : i32
      %parallel_loop3A_437 = vector.broadcast %parallel_loop3A_436 : i32 to vector<16xi32>
      tpu.vector_store_idx %arg9[%parallel_loop3A_437, %parallel_loop3A_375], %parallel_loop3A_396 : memref<16x1024xf32, #tpu.memory_space<vmem>>[vector<16xi32>, vector<16xi32>], vector<16xf32>,
      %parallel_loop3A_438 = arith.constant 7 : i32
      %parallel_loop3A_439 = vector.broadcast %parallel_loop3A_438 : i32 to vector<16xi32>
      tpu.vector_store_idx %arg9[%parallel_loop3A_439, %parallel_loop3A_375], %parallel_loop3A_399 : memref<16x1024xf32, #tpu.memory_space<vmem>>[vector<16xi32>, vector<16xi32>], vector<16xf32>,
      %parallel_loop3A_440 = arith.constant 8 : i32
      %parallel_loop3A_441 = vector.broadcast %parallel_loop3A_440 : i32 to vector<16xi32>
      tpu.vector_store_idx %arg9[%parallel_loop3A_441, %parallel_loop3A_375], %parallel_loop3A_402 : memref<16x1024xf32, #tpu.memory_space<vmem>>[vector<16xi32>, vector<16xi32>], vector<16xf32>,
      %parallel_loop3A_442 = arith.constant 9 : i32
      %parallel_loop3A_443 = vector.broadcast %parallel_loop3A_442 : i32 to vector<16xi32>
      tpu.vector_store_idx %arg9[%parallel_loop3A_443, %parallel_loop3A_375], %parallel_loop3A_405 : memref<16x1024xf32, #tpu.memory_space<vmem>>[vector<16xi32>, vector<16xi32>], vector<16xf32>,
      %parallel_loop3A_444 = arith.constant 10 : i32
      %parallel_loop3A_445 = vector.broadcast %parallel_loop3A_444 : i32 to vector<16xi32>
      tpu.vector_store_idx %arg9[%parallel_loop3A_445, %parallel_loop3A_375], %parallel_loop3A_408 : memref<16x1024xf32, #tpu.memory_space<vmem>>[vector<16xi32>, vector<16xi32>], vector<16xf32>,
      %parallel_loop3A_446 = arith.constant 11 : i32
      %parallel_loop3A_447 = vector.broadcast %parallel_loop3A_446 : i32 to vector<16xi32>
      tpu.vector_store_idx %arg9[%parallel_loop3A_447, %parallel_loop3A_375], %parallel_loop3A_411 : memref<16x1024xf32, #tpu.memory_space<vmem>>[vector<16xi32>, vector<16xi32>], vector<16xf32>,
      %parallel_loop3A_448 = arith.constant 12 : i32
      %parallel_loop3A_449 = vector.broadcast %parallel_loop3A_448 : i32 to vector<16xi32>
      tpu.vector_store_idx %arg9[%parallel_loop3A_449, %parallel_loop3A_375], %parallel_loop3A_414 : memref<16x1024xf32, #tpu.memory_space<vmem>>[vector<16xi32>, vector<16xi32>], vector<16xf32>,
      %parallel_loop3A_450 = arith.constant 13 : i32
      %parallel_loop3A_451 = vector.broadcast %parallel_loop3A_450 : i32 to vector<16xi32>
      tpu.vector_store_idx %arg9[%parallel_loop3A_451, %parallel_loop3A_375], %parallel_loop3A_417 : memref<16x1024xf32, #tpu.memory_space<vmem>>[vector<16xi32>, vector<16xi32>], vector<16xf32>,
      %parallel_loop3A_452 = arith.constant 14 : i32
      %parallel_loop3A_453 = vector.broadcast %parallel_loop3A_452 : i32 to vector<16xi32>
      tpu.vector_store_idx %arg9[%parallel_loop3A_453, %parallel_loop3A_375], %parallel_loop3A_420 : memref<16x1024xf32, #tpu.memory_space<vmem>>[vector<16xi32>, vector<16xi32>], vector<16xf32>,
      %parallel_loop3A_454 = arith.constant 15 : i32
      %parallel_loop3A_455 = vector.broadcast %parallel_loop3A_454 : i32 to vector<16xi32>
      tpu.vector_store_idx %arg9[%parallel_loop3A_455, %parallel_loop3A_375], %parallel_loop3A_423 : memref<16x1024xf32, #tpu.memory_space<vmem>>[vector<16xi32>, vector<16xi32>], vector<16xf32>,
    } {sc.loop_unroll_factor = 4 : i64, sc.parallel_access}
    %add3A_38 = arith.constant 16 : i32
    %add3A_39 = arith.addi %mul3A_2, %add3A_38 : i32
    %dma_start3A_40 = arith.constant 0 : i32
    %dma_start3A_41 = tpu.memref_slice %arg4[%add3A_39, %dma_start3A_40] : memref<8192x1024xf32, #tpu.memory_space<hbm>> -> memref<16x1024xf32, #tpu.memory_space<hbm>>
    %dma_start3A_42 = arith.constant 0 : i32
    %dma_start3A_43 = tpu.memref_slice %arg4[%add3A_39, %dma_start3A_42] : memref<8192x1024xf32, #tpu.memory_space<hbm>> -> memref<16x1024xf32, #tpu.memory_space<hbm>>
    tpu.enqueue_dma source(%arg9 : memref<16x1024xf32, #tpu.memory_space<vmem>>) target(%dma_start3A_43 : memref<16x1024xf32, #tpu.memory_space<hbm>>) target_semaphore(%arg13 : memref<!tpu.dma_semaphore, #tpu.memory_space<semaphore_mem>>)
    %add3A_44 = arith.constant 48 : i32
    %add3A_45 = arith.addi %mul3A_2, %add3A_44 : i32
    %dma_start3A_46 = arith.constant 0 : i32
    %dma_start3A_47 = tpu.memref_slice %arg2[%add3A_45, %dma_start3A_46] : memref<8192x1024xf32, #tpu.memory_space<hbm>> -> memref<16x1024xf32, #tpu.memory_space<hbm>>
    %dma_start3A_48 = arith.constant 0 : i32
    %dma_start3A_49 = tpu.memref_slice %arg2[%add3A_45, %dma_start3A_48] : memref<8192x1024xf32, #tpu.memory_space<hbm>> -> memref<16x1024xf32, #tpu.memory_space<hbm>>
    tpu.enqueue_dma source(%dma_start3A_49 : memref<16x1024xf32, #tpu.memory_space<hbm>>) target(%arg7 : memref<16x1024xf32, #tpu.memory_space<vmem>>) target_semaphore(%arg11 : memref<!tpu.dma_semaphore, #tpu.memory_space<semaphore_mem>>)
    %dma_wait3A_50 = arith.constant 0 : i32
    %dma_wait3A_51 = tpu.memref_slice %arg2[%add3A_26, %dma_wait3A_50] : memref<8192x1024xf32, #tpu.memory_space<hbm>> -> memref<16x1024xf32, #tpu.memory_space<hbm>>
    %dma_wait3A_52 = arith.constant 0 : i32
    %dma_wait3A_53 = tpu.memref_slice %arg2[%add3A_26, %dma_wait3A_52] : memref<8192x1024xf32, #tpu.memory_space<hbm>> -> memref<16x1024xf32, #tpu.memory_space<hbm>>
    tpu.wait_dma2 semaphore(%arg10 : memref<!tpu.dma_semaphore, #tpu.memory_space<semaphore_mem>>) src(%dma_wait3A_53 : memref<16x1024xf32, #tpu.memory_space<hbm>>) dst(%arg6 : memref<16x1024xf32, #tpu.memory_space<vmem>>)
    %dma_wait3A_54 = arith.constant 0 : i32
    %dma_wait3A_55 = tpu.memref_slice %arg4[%add3A_20, %dma_wait3A_54] : memref<8192x1024xf32, #tpu.memory_space<hbm>> -> memref<16x1024xf32, #tpu.memory_space<hbm>>
    %dma_wait3A_56 = arith.constant 0 : i32
    %dma_wait3A_57 = tpu.memref_slice %arg4[%add3A_20, %dma_wait3A_56] : memref<8192x1024xf32, #tpu.memory_space<hbm>> -> memref<16x1024xf32, #tpu.memory_space<hbm>>
    tpu.wait_dma2 semaphore(%arg12 : memref<!tpu.dma_semaphore, #tpu.memory_space<semaphore_mem>>) src(%arg8 : memref<16x1024xf32, #tpu.memory_space<vmem>>) dst(%dma_wait3A_57 : memref<16x1024xf32, #tpu.memory_space<hbm>>)
    %parallel_loop3A_58 = arith.constant 0 : i32
    %parallel_loop3A_59 = arith.constant 64 : i32
    %parallel_loop3A_60 = arith.constant 1 : i32
    scf.for %parallel_loop3A_368 = %parallel_loop3A_58 to %parallel_loop3A_59 step %parallel_loop3A_60  : i32 {
      %parallel_loop3A_369 = arith.constant 16 : i32
      %parallel_loop3A_370 = arith.muli %parallel_loop3A_368, %parallel_loop3A_369 : i32
      %parallel_loop3A_371 = arith.index_cast %parallel_loop3A_370 : i32 to index
      %parallel_loop3A_372 = tpu.vector_load %arg5[%parallel_loop3A_371] {strides = array<i32>} : memref<1024xi32, #tpu.memory_space<vmem>>, vector<16xi32>,
      %parallel_loop3A_373 = tpu.iota {dimensions = array<i32: 0>} : vector<16xi32>
      %parallel_loop3A_374 = vector.broadcast %parallel_loop3A_370 : i32 to vector<16xi32>
      %parallel_loop3A_375 = arith.addi %parallel_loop3A_373, %parallel_loop3A_374 : vector<16xi32>
      %parallel_loop3A_376 = arith.constant 0 : i32
      %parallel_loop3A_377 = vector.broadcast %parallel_loop3A_376 : i32 to vector<16xi32>
      %parallel_loop3A_378 = tpu.vector_load_idx %arg6[%parallel_loop3A_377, %parallel_loop3A_372] : memref<16x1024xf32, #tpu.memory_space<vmem>>[vector<16xi32>, vector<16xi32>], vector<16xf32>,
      %parallel_loop3A_379 = arith.constant 1 : i32
      %parallel_loop3A_380 = vector.broadcast %parallel_loop3A_379 : i32 to vector<16xi32>
      %parallel_loop3A_381 = tpu.vector_load_idx %arg6[%parallel_loop3A_380, %parallel_loop3A_372] : memref<16x1024xf32, #tpu.memory_space<vmem>>[vector<16xi32>, vector<16xi32>], vector<16xf32>,
      %parallel_loop3A_382 = arith.constant 2 : i32
      %parallel_loop3A_383 = vector.broadcast %parallel_loop3A_382 : i32 to vector<16xi32>
      %parallel_loop3A_384 = tpu.vector_load_idx %arg6[%parallel_loop3A_383, %parallel_loop3A_372] : memref<16x1024xf32, #tpu.memory_space<vmem>>[vector<16xi32>, vector<16xi32>], vector<16xf32>,
      %parallel_loop3A_385 = arith.constant 3 : i32
      %parallel_loop3A_386 = vector.broadcast %parallel_loop3A_385 : i32 to vector<16xi32>
      %parallel_loop3A_387 = tpu.vector_load_idx %arg6[%parallel_loop3A_386, %parallel_loop3A_372] : memref<16x1024xf32, #tpu.memory_space<vmem>>[vector<16xi32>, vector<16xi32>], vector<16xf32>,
      %parallel_loop3A_388 = arith.constant 4 : i32
      %parallel_loop3A_389 = vector.broadcast %parallel_loop3A_388 : i32 to vector<16xi32>
      %parallel_loop3A_390 = tpu.vector_load_idx %arg6[%parallel_loop3A_389, %parallel_loop3A_372] : memref<16x1024xf32, #tpu.memory_space<vmem>>[vector<16xi32>, vector<16xi32>], vector<16xf32>,
      %parallel_loop3A_391 = arith.constant 5 : i32
      %parallel_loop3A_392 = vector.broadcast %parallel_loop3A_391 : i32 to vector<16xi32>
      %parallel_loop3A_393 = tpu.vector_load_idx %arg6[%parallel_loop3A_392, %parallel_loop3A_372] : memref<16x1024xf32, #tpu.memory_space<vmem>>[vector<16xi32>, vector<16xi32>], vector<16xf32>,
      %parallel_loop3A_394 = arith.constant 6 : i32
      %parallel_loop3A_395 = vector.broadcast %parallel_loop3A_394 : i32 to vector<16xi32>
      %parallel_loop3A_396 = tpu.vector_load_idx %arg6[%parallel_loop3A_395, %parallel_loop3A_372] : memref<16x1024xf32, #tpu.memory_space<vmem>>[vector<16xi32>, vector<16xi32>], vector<16xf32>,
      %parallel_loop3A_397 = arith.constant 7 : i32
      %parallel_loop3A_398 = vector.broadcast %parallel_loop3A_397 : i32 to vector<16xi32>
      %parallel_loop3A_399 = tpu.vector_load_idx %arg6[%parallel_loop3A_398, %parallel_loop3A_372] : memref<16x1024xf32, #tpu.memory_space<vmem>>[vector<16xi32>, vector<16xi32>], vector<16xf32>,
      %parallel_loop3A_400 = arith.constant 8 : i32
      %parallel_loop3A_401 = vector.broadcast %parallel_loop3A_400 : i32 to vector<16xi32>
      %parallel_loop3A_402 = tpu.vector_load_idx %arg6[%parallel_loop3A_401, %parallel_loop3A_372] : memref<16x1024xf32, #tpu.memory_space<vmem>>[vector<16xi32>, vector<16xi32>], vector<16xf32>,
      %parallel_loop3A_403 = arith.constant 9 : i32
      %parallel_loop3A_404 = vector.broadcast %parallel_loop3A_403 : i32 to vector<16xi32>
      %parallel_loop3A_405 = tpu.vector_load_idx %arg6[%parallel_loop3A_404, %parallel_loop3A_372] : memref<16x1024xf32, #tpu.memory_space<vmem>>[vector<16xi32>, vector<16xi32>], vector<16xf32>,
      %parallel_loop3A_406 = arith.constant 10 : i32
      %parallel_loop3A_407 = vector.broadcast %parallel_loop3A_406 : i32 to vector<16xi32>
      %parallel_loop3A_408 = tpu.vector_load_idx %arg6[%parallel_loop3A_407, %parallel_loop3A_372] : memref<16x1024xf32, #tpu.memory_space<vmem>>[vector<16xi32>, vector<16xi32>], vector<16xf32>,
      %parallel_loop3A_409 = arith.constant 11 : i32
      %parallel_loop3A_410 = vector.broadcast %parallel_loop3A_409 : i32 to vector<16xi32>
      %parallel_loop3A_411 = tpu.vector_load_idx %arg6[%parallel_loop3A_410, %parallel_loop3A_372] : memref<16x1024xf32, #tpu.memory_space<vmem>>[vector<16xi32>, vector<16xi32>], vector<16xf32>,
      %parallel_loop3A_412 = arith.constant 12 : i32
      %parallel_loop3A_413 = vector.broadcast %parallel_loop3A_412 : i32 to vector<16xi32>
      %parallel_loop3A_414 = tpu.vector_load_idx %arg6[%parallel_loop3A_413, %parallel_loop3A_372] : memref<16x1024xf32, #tpu.memory_space<vmem>>[vector<16xi32>, vector<16xi32>], vector<16xf32>,
      %parallel_loop3A_415 = arith.constant 13 : i32
      %parallel_loop3A_416 = vector.broadcast %parallel_loop3A_415 : i32 to vector<16xi32>
      %parallel_loop3A_417 = tpu.vector_load_idx %arg6[%parallel_loop3A_416, %parallel_loop3A_372] : memref<16x1024xf32, #tpu.memory_space<vmem>>[vector<16xi32>, vector<16xi32>], vector<16xf32>,
      %parallel_loop3A_418 = arith.constant 14 : i32
      %parallel_loop3A_419 = vector.broadcast %parallel_loop3A_418 : i32 to vector<16xi32>
      %parallel_loop3A_420 = tpu.vector_load_idx %arg6[%parallel_loop3A_419, %parallel_loop3A_372] : memref<16x1024xf32, #tpu.memory_space<vmem>>[vector<16xi32>, vector<16xi32>], vector<16xf32>,
      %parallel_loop3A_421 = arith.constant 15 : i32
      %parallel_loop3A_422 = vector.broadcast %parallel_loop3A_421 : i32 to vector<16xi32>
      %parallel_loop3A_423 = tpu.vector_load_idx %arg6[%parallel_loop3A_422, %parallel_loop3A_372] : memref<16x1024xf32, #tpu.memory_space<vmem>>[vector<16xi32>, vector<16xi32>], vector<16xf32>,
      %parallel_loop3A_424 = arith.constant 0 : i32
      %parallel_loop3A_425 = vector.broadcast %parallel_loop3A_424 : i32 to vector<16xi32>
      tpu.vector_store_idx %arg8[%parallel_loop3A_425, %parallel_loop3A_375], %parallel_loop3A_378 : memref<16x1024xf32, #tpu.memory_space<vmem>>[vector<16xi32>, vector<16xi32>], vector<16xf32>,
      %parallel_loop3A_426 = arith.constant 1 : i32
      %parallel_loop3A_427 = vector.broadcast %parallel_loop3A_426 : i32 to vector<16xi32>
      tpu.vector_store_idx %arg8[%parallel_loop3A_427, %parallel_loop3A_375], %parallel_loop3A_381 : memref<16x1024xf32, #tpu.memory_space<vmem>>[vector<16xi32>, vector<16xi32>], vector<16xf32>,
      %parallel_loop3A_428 = arith.constant 2 : i32
      %parallel_loop3A_429 = vector.broadcast %parallel_loop3A_428 : i32 to vector<16xi32>
      tpu.vector_store_idx %arg8[%parallel_loop3A_429, %parallel_loop3A_375], %parallel_loop3A_384 : memref<16x1024xf32, #tpu.memory_space<vmem>>[vector<16xi32>, vector<16xi32>], vector<16xf32>,
      %parallel_loop3A_430 = arith.constant 3 : i32
      %parallel_loop3A_431 = vector.broadcast %parallel_loop3A_430 : i32 to vector<16xi32>
      tpu.vector_store_idx %arg8[%parallel_loop3A_431, %parallel_loop3A_375], %parallel_loop3A_387 : memref<16x1024xf32, #tpu.memory_space<vmem>>[vector<16xi32>, vector<16xi32>], vector<16xf32>,
      %parallel_loop3A_432 = arith.constant 4 : i32
      %parallel_loop3A_433 = vector.broadcast %parallel_loop3A_432 : i32 to vector<16xi32>
      tpu.vector_store_idx %arg8[%parallel_loop3A_433, %parallel_loop3A_375], %parallel_loop3A_390 : memref<16x1024xf32, #tpu.memory_space<vmem>>[vector<16xi32>, vector<16xi32>], vector<16xf32>,
      %parallel_loop3A_434 = arith.constant 5 : i32
      %parallel_loop3A_435 = vector.broadcast %parallel_loop3A_434 : i32 to vector<16xi32>
      tpu.vector_store_idx %arg8[%parallel_loop3A_435, %parallel_loop3A_375], %parallel_loop3A_393 : memref<16x1024xf32, #tpu.memory_space<vmem>>[vector<16xi32>, vector<16xi32>], vector<16xf32>,
      %parallel_loop3A_436 = arith.constant 6 : i32
      %parallel_loop3A_437 = vector.broadcast %parallel_loop3A_436 : i32 to vector<16xi32>
      tpu.vector_store_idx %arg8[%parallel_loop3A_437, %parallel_loop3A_375], %parallel_loop3A_396 : memref<16x1024xf32, #tpu.memory_space<vmem>>[vector<16xi32>, vector<16xi32>], vector<16xf32>,
      %parallel_loop3A_438 = arith.constant 7 : i32
      %parallel_loop3A_439 = vector.broadcast %parallel_loop3A_438 : i32 to vector<16xi32>
      tpu.vector_store_idx %arg8[%parallel_loop3A_439, %parallel_loop3A_375], %parallel_loop3A_399 : memref<16x1024xf32, #tpu.memory_space<vmem>>[vector<16xi32>, vector<16xi32>], vector<16xf32>,
      %parallel_loop3A_440 = arith.constant 8 : i32
      %parallel_loop3A_441 = vector.broadcast %parallel_loop3A_440 : i32 to vector<16xi32>
      tpu.vector_store_idx %arg8[%parallel_loop3A_441, %parallel_loop3A_375], %parallel_loop3A_402 : memref<16x1024xf32, #tpu.memory_space<vmem>>[vector<16xi32>, vector<16xi32>], vector<16xf32>,
      %parallel_loop3A_442 = arith.constant 9 : i32
      %parallel_loop3A_443 = vector.broadcast %parallel_loop3A_442 : i32 to vector<16xi32>
      tpu.vector_store_idx %arg8[%parallel_loop3A_443, %parallel_loop3A_375], %parallel_loop3A_405 : memref<16x1024xf32, #tpu.memory_space<vmem>>[vector<16xi32>, vector<16xi32>], vector<16xf32>,
      %parallel_loop3A_444 = arith.constant 10 : i32
      %parallel_loop3A_445 = vector.broadcast %parallel_loop3A_444 : i32 to vector<16xi32>
      tpu.vector_store_idx %arg8[%parallel_loop3A_445, %parallel_loop3A_375], %parallel_loop3A_408 : memref<16x1024xf32, #tpu.memory_space<vmem>>[vector<16xi32>, vector<16xi32>], vector<16xf32>,
      %parallel_loop3A_446 = arith.constant 11 : i32
      %parallel_loop3A_447 = vector.broadcast %parallel_loop3A_446 : i32 to vector<16xi32>
      tpu.vector_store_idx %arg8[%parallel_loop3A_447, %parallel_loop3A_375], %parallel_loop3A_411 : memref<16x1024xf32, #tpu.memory_space<vmem>>[vector<16xi32>, vector<16xi32>], vector<16xf32>,
      %parallel_loop3A_448 = arith.constant 12 : i32
      %parallel_loop3A_449 = vector.broadcast %parallel_loop3A_448 : i32 to vector<16xi32>
      tpu.vector_store_idx %arg8[%parallel_loop3A_449, %parallel_loop3A_375], %parallel_loop3A_414 : memref<16x1024xf32, #tpu.memory_space<vmem>>[vector<16xi32>, vector<16xi32>], vector<16xf32>,
      %parallel_loop3A_450 = arith.constant 13 : i32
      %parallel_loop3A_451 = vector.broadcast %parallel_loop3A_450 : i32 to vector<16xi32>
      tpu.vector_store_idx %arg8[%parallel_loop3A_451, %parallel_loop3A_375], %parallel_loop3A_417 : memref<16x1024xf32, #tpu.memory_space<vmem>>[vector<16xi32>, vector<16xi32>], vector<16xf32>,
      %parallel_loop3A_452 = arith.constant 14 : i32
      %parallel_loop3A_453 = vector.broadcast %parallel_loop3A_452 : i32 to vector<16xi32>
      tpu.vector_store_idx %arg8[%parallel_loop3A_453, %parallel_loop3A_375], %parallel_loop3A_420 : memref<16x1024xf32, #tpu.memory_space<vmem>>[vector<16xi32>, vector<16xi32>], vector<16xf32>,
      %parallel_loop3A_454 = arith.constant 15 : i32
      %parallel_loop3A_455 = vector.broadcast %parallel_loop3A_454 : i32 to vector<16xi32>
      tpu.vector_store_idx %arg8[%parallel_loop3A_455, %parallel_loop3A_375], %parallel_loop3A_423 : memref<16x1024xf32, #tpu.memory_space<vmem>>[vector<16xi32>, vector<16xi32>], vector<16xf32>,
    } {sc.loop_unroll_factor = 4 : i64, sc.parallel_access}
    %add3A_61 = arith.constant 32 : i32
    %add3A_62 = arith.addi %mul3A_2, %add3A_61 : i32
    %dma_start3A_63 = arith.constant 0 : i32
    %dma_start3A_64 = tpu.memref_slice %arg4[%add3A_62, %dma_start3A_63] : memref<8192x1024xf32, #tpu.memory_space<hbm>> -> memref<16x1024xf32, #tpu.memory_space<hbm>>
    %dma_start3A_65 = arith.constant 0 : i32
    %dma_start3A_66 = tpu.memref_slice %arg4[%add3A_62, %dma_start3A_65] : memref<8192x1024xf32, #tpu.memory_space<hbm>> -> memref<16x1024xf32, #tpu.memory_space<hbm>>
    tpu.enqueue_dma source(%arg8 : memref<16x1024xf32, #tpu.memory_space<vmem>>) target(%dma_start3A_66 : memref<16x1024xf32, #tpu.memory_space<hbm>>) target_semaphore(%arg12 : memref<!tpu.dma_semaphore, #tpu.memory_space<semaphore_mem>>)
    %add3A_67 = arith.constant 64 : i32
    %add3A_68 = arith.addi %mul3A_2, %add3A_67 : i32
    %dma_start3A_69 = arith.constant 0 : i32
    %dma_start3A_70 = tpu.memref_slice %arg2[%add3A_68, %dma_start3A_69] : memref<8192x1024xf32, #tpu.memory_space<hbm>> -> memref<16x1024xf32, #tpu.memory_space<hbm>>
    %dma_start3A_71 = arith.constant 0 : i32
    %dma_start3A_72 = tpu.memref_slice %arg2[%add3A_68, %dma_start3A_71] : memref<8192x1024xf32, #tpu.memory_space<hbm>> -> memref<16x1024xf32, #tpu.memory_space<hbm>>
    tpu.enqueue_dma source(%dma_start3A_72 : memref<16x1024xf32, #tpu.memory_space<hbm>>) target(%arg6 : memref<16x1024xf32, #tpu.memory_space<vmem>>) target_semaphore(%arg10 : memref<!tpu.dma_semaphore, #tpu.memory_space<semaphore_mem>>)
    %dma_wait3A_73 = arith.constant 0 : i32
    %dma_wait3A_74 = tpu.memref_slice %arg2[%add3A_45, %dma_wait3A_73] : memref<8192x1024xf32, #tpu.memory_space<hbm>> -> memref<16x1024xf32, #tpu.memory_space<hbm>>
    %dma_wait3A_75 = arith.constant 0 : i32
    %dma_wait3A_76 = tpu.memref_slice %arg2[%add3A_45, %dma_wait3A_75] : memref<8192x1024xf32, #tpu.memory_space<hbm>> -> memref<16x1024xf32, #tpu.memory_space<hbm>>
    tpu.wait_dma2 semaphore(%arg11 : memref<!tpu.dma_semaphore, #tpu.memory_space<semaphore_mem>>) src(%dma_wait3A_76 : memref<16x1024xf32, #tpu.memory_space<hbm>>) dst(%arg7 : memref<16x1024xf32, #tpu.memory_space<vmem>>)
    %dma_wait3A_77 = arith.constant 0 : i32
    %dma_wait3A_78 = tpu.memref_slice %arg4[%add3A_39, %dma_wait3A_77] : memref<8192x1024xf32, #tpu.memory_space<hbm>> -> memref<16x1024xf32, #tpu.memory_space<hbm>>
    %dma_wait3A_79 = arith.constant 0 : i32
    %dma_wait3A_80 = tpu.memref_slice %arg4[%add3A_39, %dma_wait3A_79] : memref<8192x1024xf32, #tpu.memory_space<hbm>> -> memref<16x1024xf32, #tpu.memory_space<hbm>>
    tpu.wait_dma2 semaphore(%arg13 : memref<!tpu.dma_semaphore, #tpu.memory_space<semaphore_mem>>) src(%arg9 : memref<16x1024xf32, #tpu.memory_space<vmem>>) dst(%dma_wait3A_80 : memref<16x1024xf32, #tpu.memory_space<hbm>>)
    %parallel_loop3A_81 = arith.constant 0 : i32
    %parallel_loop3A_82 = arith.constant 64 : i32
    %parallel_loop3A_83 = arith.constant 1 : i32
    scf.for %parallel_loop3A_368 = %parallel_loop3A_81 to %parallel_loop3A_82 step %parallel_loop3A_83  : i32 {
      %parallel_loop3A_369 = arith.constant 16 : i32
      %parallel_loop3A_370 = arith.muli %parallel_loop3A_368, %parallel_loop3A_369 : i32
      %parallel_loop3A_371 = arith.index_cast %parallel_loop3A_370 : i32 to index
      %parallel_loop3A_372 = tpu.vector_load %arg5[%parallel_loop3A_371] {strides = array<i32>} : memref<1024xi32, #tpu.memory_space<vmem>>, vector<16xi32>,
      %parallel_loop3A_373 = tpu.iota {dimensions = array<i32: 0>} : vector<16xi32>
      %parallel_loop3A_374 = vector.broadcast %parallel_loop3A_370 : i32 to vector<16xi32>
      %parallel_loop3A_375 = arith.addi %parallel_loop3A_373, %parallel_loop3A_374 : vector<16xi32>
      %parallel_loop3A_376 = arith.constant 0 : i32
      %parallel_loop3A_377 = vector.broadcast %parallel_loop3A_376 : i32 to vector<16xi32>
      %parallel_loop3A_378 = tpu.vector_load_idx %arg7[%parallel_loop3A_377, %parallel_loop3A_372] : memref<16x1024xf32, #tpu.memory_space<vmem>>[vector<16xi32>, vector<16xi32>], vector<16xf32>,
      %parallel_loop3A_379 = arith.constant 1 : i32
      %parallel_loop3A_380 = vector.broadcast %parallel_loop3A_379 : i32 to vector<16xi32>
      %parallel_loop3A_381 = tpu.vector_load_idx %arg7[%parallel_loop3A_380, %parallel_loop3A_372] : memref<16x1024xf32, #tpu.memory_space<vmem>>[vector<16xi32>, vector<16xi32>], vector<16xf32>,
      %parallel_loop3A_382 = arith.constant 2 : i32
      %parallel_loop3A_383 = vector.broadcast %parallel_loop3A_382 : i32 to vector<16xi32>
      %parallel_loop3A_384 = tpu.vector_load_idx %arg7[%parallel_loop3A_383, %parallel_loop3A_372] : memref<16x1024xf32, #tpu.memory_space<vmem>>[vector<16xi32>, vector<16xi32>], vector<16xf32>,
      %parallel_loop3A_385 = arith.constant 3 : i32
      %parallel_loop3A_386 = vector.broadcast %parallel_loop3A_385 : i32 to vector<16xi32>
      %parallel_loop3A_387 = tpu.vector_load_idx %arg7[%parallel_loop3A_386, %parallel_loop3A_372] : memref<16x1024xf32, #tpu.memory_space<vmem>>[vector<16xi32>, vector<16xi32>], vector<16xf32>,
      %parallel_loop3A_388 = arith.constant 4 : i32
      %parallel_loop3A_389 = vector.broadcast %parallel_loop3A_388 : i32 to vector<16xi32>
      %parallel_loop3A_390 = tpu.vector_load_idx %arg7[%parallel_loop3A_389, %parallel_loop3A_372] : memref<16x1024xf32, #tpu.memory_space<vmem>>[vector<16xi32>, vector<16xi32>], vector<16xf32>,
      %parallel_loop3A_391 = arith.constant 5 : i32
      %parallel_loop3A_392 = vector.broadcast %parallel_loop3A_391 : i32 to vector<16xi32>
      %parallel_loop3A_393 = tpu.vector_load_idx %arg7[%parallel_loop3A_392, %parallel_loop3A_372] : memref<16x1024xf32, #tpu.memory_space<vmem>>[vector<16xi32>, vector<16xi32>], vector<16xf32>,
      %parallel_loop3A_394 = arith.constant 6 : i32
      %parallel_loop3A_395 = vector.broadcast %parallel_loop3A_394 : i32 to vector<16xi32>
      %parallel_loop3A_396 = tpu.vector_load_idx %arg7[%parallel_loop3A_395, %parallel_loop3A_372] : memref<16x1024xf32, #tpu.memory_space<vmem>>[vector<16xi32>, vector<16xi32>], vector<16xf32>,
      %parallel_loop3A_397 = arith.constant 7 : i32
      %parallel_loop3A_398 = vector.broadcast %parallel_loop3A_397 : i32 to vector<16xi32>
      %parallel_loop3A_399 = tpu.vector_load_idx %arg7[%parallel_loop3A_398, %parallel_loop3A_372] : memref<16x1024xf32, #tpu.memory_space<vmem>>[vector<16xi32>, vector<16xi32>], vector<16xf32>,
      %parallel_loop3A_400 = arith.constant 8 : i32
      %parallel_loop3A_401 = vector.broadcast %parallel_loop3A_400 : i32 to vector<16xi32>
      %parallel_loop3A_402 = tpu.vector_load_idx %arg7[%parallel_loop3A_401, %parallel_loop3A_372] : memref<16x1024xf32, #tpu.memory_space<vmem>>[vector<16xi32>, vector<16xi32>], vector<16xf32>,
      %parallel_loop3A_403 = arith.constant 9 : i32
      %parallel_loop3A_404 = vector.broadcast %parallel_loop3A_403 : i32 to vector<16xi32>
      %parallel_loop3A_405 = tpu.vector_load_idx %arg7[%parallel_loop3A_404, %parallel_loop3A_372] : memref<16x1024xf32, #tpu.memory_space<vmem>>[vector<16xi32>, vector<16xi32>], vector<16xf32>,
      %parallel_loop3A_406 = arith.constant 10 : i32
      %parallel_loop3A_407 = vector.broadcast %parallel_loop3A_406 : i32 to vector<16xi32>
      %parallel_loop3A_408 = tpu.vector_load_idx %arg7[%parallel_loop3A_407, %parallel_loop3A_372] : memref<16x1024xf32, #tpu.memory_space<vmem>>[vector<16xi32>, vector<16xi32>], vector<16xf32>,
      %parallel_loop3A_409 = arith.constant 11 : i32
      %parallel_loop3A_410 = vector.broadcast %parallel_loop3A_409 : i32 to vector<16xi32>
      %parallel_loop3A_411 = tpu.vector_load_idx %arg7[%parallel_loop3A_410, %parallel_loop3A_372] : memref<16x1024xf32, #tpu.memory_space<vmem>>[vector<16xi32>, vector<16xi32>], vector<16xf32>,
      %parallel_loop3A_412 = arith.constant 12 : i32
      %parallel_loop3A_413 = vector.broadcast %parallel_loop3A_412 : i32 to vector<16xi32>
      %parallel_loop3A_414 = tpu.vector_load_idx %arg7[%parallel_loop3A_413, %parallel_loop3A_372] : memref<16x1024xf32, #tpu.memory_space<vmem>>[vector<16xi32>, vector<16xi32>], vector<16xf32>,
      %parallel_loop3A_415 = arith.constant 13 : i32
      %parallel_loop3A_416 = vector.broadcast %parallel_loop3A_415 : i32 to vector<16xi32>
      %parallel_loop3A_417 = tpu.vector_load_idx %arg7[%parallel_loop3A_416, %parallel_loop3A_372] : memref<16x1024xf32, #tpu.memory_space<vmem>>[vector<16xi32>, vector<16xi32>], vector<16xf32>,
      %parallel_loop3A_418 = arith.constant 14 : i32
      %parallel_loop3A_419 = vector.broadcast %parallel_loop3A_418 : i32 to vector<16xi32>
      %parallel_loop3A_420 = tpu.vector_load_idx %arg7[%parallel_loop3A_419, %parallel_loop3A_372] : memref<16x1024xf32, #tpu.memory_space<vmem>>[vector<16xi32>, vector<16xi32>], vector<16xf32>,
      %parallel_loop3A_421 = arith.constant 15 : i32
      %parallel_loop3A_422 = vector.broadcast %parallel_loop3A_421 : i32 to vector<16xi32>
      %parallel_loop3A_423 = tpu.vector_load_idx %arg7[%parallel_loop3A_422, %parallel_loop3A_372] : memref<16x1024xf32, #tpu.memory_space<vmem>>[vector<16xi32>, vector<16xi32>], vector<16xf32>,
      %parallel_loop3A_424 = arith.constant 0 : i32
      %parallel_loop3A_425 = vector.broadcast %parallel_loop3A_424 : i32 to vector<16xi32>
      tpu.vector_store_idx %arg9[%parallel_loop3A_425, %parallel_loop3A_375], %parallel_loop3A_378 : memref<16x1024xf32, #tpu.memory_space<vmem>>[vector<16xi32>, vector<16xi32>], vector<16xf32>,
      %parallel_loop3A_426 = arith.constant 1 : i32
      %parallel_loop3A_427 = vector.broadcast %parallel_loop3A_426 : i32 to vector<16xi32>
      tpu.vector_store_idx %arg9[%parallel_loop3A_427, %parallel_loop3A_375], %parallel_loop3A_381 : memref<16x1024xf32, #tpu.memory_space<vmem>>[vector<16xi32>, vector<16xi32>], vector<16xf32>,
      %parallel_loop3A_428 = arith.constant 2 : i32
      %parallel_loop3A_429 = vector.broadcast %parallel_loop3A_428 : i32 to vector<16xi32>
      tpu.vector_store_idx %arg9[%parallel_loop3A_429, %parallel_loop3A_375], %parallel_loop3A_384 : memref<16x1024xf32, #tpu.memory_space<vmem>>[vector<16xi32>, vector<16xi32>], vector<16xf32>,
      %parallel_loop3A_430 = arith.constant 3 : i32
      %parallel_loop3A_431 = vector.broadcast %parallel_loop3A_430 : i32 to vector<16xi32>
      tpu.vector_store_idx %arg9[%parallel_loop3A_431, %parallel_loop3A_375], %parallel_loop3A_387 : memref<16x1024xf32, #tpu.memory_space<vmem>>[vector<16xi32>, vector<16xi32>], vector<16xf32>,
      %parallel_loop3A_432 = arith.constant 4 : i32
      %parallel_loop3A_433 = vector.broadcast %parallel_loop3A_432 : i32 to vector<16xi32>
      tpu.vector_store_idx %arg9[%parallel_loop3A_433, %parallel_loop3A_375], %parallel_loop3A_390 : memref<16x1024xf32, #tpu.memory_space<vmem>>[vector<16xi32>, vector<16xi32>], vector<16xf32>,
      %parallel_loop3A_434 = arith.constant 5 : i32
      %parallel_loop3A_435 = vector.broadcast %parallel_loop3A_434 : i32 to vector<16xi32>
      tpu.vector_store_idx %arg9[%parallel_loop3A_435, %parallel_loop3A_375], %parallel_loop3A_393 : memref<16x1024xf32, #tpu.memory_space<vmem>>[vector<16xi32>, vector<16xi32>], vector<16xf32>,
      %parallel_loop3A_436 = arith.constant 6 : i32
      %parallel_loop3A_437 = vector.broadcast %parallel_loop3A_436 : i32 to vector<16xi32>
      tpu.vector_store_idx %arg9[%parallel_loop3A_437, %parallel_loop3A_375], %parallel_loop3A_396 : memref<16x1024xf32, #tpu.memory_space<vmem>>[vector<16xi32>, vector<16xi32>], vector<16xf32>,
      %parallel_loop3A_438 = arith.constant 7 : i32
      %parallel_loop3A_439 = vector.broadcast %parallel_loop3A_438 : i32 to vector<16xi32>
      tpu.vector_store_idx %arg9[%parallel_loop3A_439, %parallel_loop3A_375], %parallel_loop3A_399 : memref<16x1024xf32, #tpu.memory_space<vmem>>[vector<16xi32>, vector<16xi32>], vector<16xf32>,
      %parallel_loop3A_440 = arith.constant 8 : i32
      %parallel_loop3A_441 = vector.broadcast %parallel_loop3A_440 : i32 to vector<16xi32>
      tpu.vector_store_idx %arg9[%parallel_loop3A_441, %parallel_loop3A_375], %parallel_loop3A_402 : memref<16x1024xf32, #tpu.memory_space<vmem>>[vector<16xi32>, vector<16xi32>], vector<16xf32>,
      %parallel_loop3A_442 = arith.constant 9 : i32
      %parallel_loop3A_443 = vector.broadcast %parallel_loop3A_442 : i32 to vector<16xi32>
      tpu.vector_store_idx %arg9[%parallel_loop3A_443, %parallel_loop3A_375], %parallel_loop3A_405 : memref<16x1024xf32, #tpu.memory_space<vmem>>[vector<16xi32>, vector<16xi32>], vector<16xf32>,
      %parallel_loop3A_444 = arith.constant 10 : i32
      %parallel_loop3A_445 = vector.broadcast %parallel_loop3A_444 : i32 to vector<16xi32>
      tpu.vector_store_idx %arg9[%parallel_loop3A_445, %parallel_loop3A_375], %parallel_loop3A_408 : memref<16x1024xf32, #tpu.memory_space<vmem>>[vector<16xi32>, vector<16xi32>], vector<16xf32>,
      %parallel_loop3A_446 = arith.constant 11 : i32
      %parallel_loop3A_447 = vector.broadcast %parallel_loop3A_446 : i32 to vector<16xi32>
      tpu.vector_store_idx %arg9[%parallel_loop3A_447, %parallel_loop3A_375], %parallel_loop3A_411 : memref<16x1024xf32, #tpu.memory_space<vmem>>[vector<16xi32>, vector<16xi32>], vector<16xf32>,
      %parallel_loop3A_448 = arith.constant 12 : i32
      %parallel_loop3A_449 = vector.broadcast %parallel_loop3A_448 : i32 to vector<16xi32>
      tpu.vector_store_idx %arg9[%parallel_loop3A_449, %parallel_loop3A_375], %parallel_loop3A_414 : memref<16x1024xf32, #tpu.memory_space<vmem>>[vector<16xi32>, vector<16xi32>], vector<16xf32>,
      %parallel_loop3A_450 = arith.constant 13 : i32
      %parallel_loop3A_451 = vector.broadcast %parallel_loop3A_450 : i32 to vector<16xi32>
      tpu.vector_store_idx %arg9[%parallel_loop3A_451, %parallel_loop3A_375], %parallel_loop3A_417 : memref<16x1024xf32, #tpu.memory_space<vmem>>[vector<16xi32>, vector<16xi32>], vector<16xf32>,
      %parallel_loop3A_452 = arith.constant 14 : i32
      %parallel_loop3A_453 = vector.broadcast %parallel_loop3A_452 : i32 to vector<16xi32>
      tpu.vector_store_idx %arg9[%parallel_loop3A_453, %parallel_loop3A_375], %parallel_loop3A_420 : memref<16x1024xf32, #tpu.memory_space<vmem>>[vector<16xi32>, vector<16xi32>], vector<16xf32>,
      %parallel_loop3A_454 = arith.constant 15 : i32
      %parallel_loop3A_455 = vector.broadcast %parallel_loop3A_454 : i32 to vector<16xi32>
      tpu.vector_store_idx %arg9[%parallel_loop3A_455, %parallel_loop3A_375], %parallel_loop3A_423 : memref<16x1024xf32, #tpu.memory_space<vmem>>[vector<16xi32>, vector<16xi32>], vector<16xf32>,
    } {sc.loop_unroll_factor = 4 : i64, sc.parallel_access}
    %add3A_84 = arith.constant 48 : i32
    %add3A_85 = arith.addi %mul3A_2, %add3A_84 : i32
    %dma_start3A_86 = arith.constant 0 : i32
    %dma_start3A_87 = tpu.memref_slice %arg4[%add3A_85, %dma_start3A_86] : memref<8192x1024xf32, #tpu.memory_space<hbm>> -> memref<16x1024xf32, #tpu.memory_space<hbm>>
    %dma_start3A_88 = arith.constant 0 : i32
    %dma_start3A_89 = tpu.memref_slice %arg4[%add3A_85, %dma_start3A_88] : memref<8192x1024xf32, #tpu.memory_space<hbm>> -> memref<16x1024xf32, #tpu.memory_space<hbm>>
    tpu.enqueue_dma source(%arg9 : memref<16x1024xf32, #tpu.memory_space<vmem>>) target(%dma_start3A_89 : memref<16x1024xf32, #tpu.memory_space<hbm>>) target_semaphore(%arg13 : memref<!tpu.dma_semaphore, #tpu.memory_space<semaphore_mem>>)
    %add3A_90 = arith.constant 80 : i32
    %add3A_91 = arith.addi %mul3A_2, %add3A_90 : i32
    %dma_start3A_92 = arith.constant 0 : i32
    %dma_start3A_93 = tpu.memref_slice %arg2[%add3A_91, %dma_start3A_92] : memref<8192x1024xf32, #tpu.memory_space<hbm>> -> memref<16x1024xf32, #tpu.memory_space<hbm>>
    %dma_start3A_94 = arith.constant 0 : i32
    %dma_start3A_95 = tpu.memref_slice %arg2[%add3A_91, %dma_start3A_94] : memref<8192x1024xf32, #tpu.memory_space<hbm>> -> memref<16x1024xf32, #tpu.memory_space<hbm>>
    tpu.enqueue_dma source(%dma_start3A_95 : memref<16x1024xf32, #tpu.memory_space<hbm>>) target(%arg7 : memref<16x1024xf32, #tpu.memory_space<vmem>>) target_semaphore(%arg11 : memref<!tpu.dma_semaphore, #tpu.memory_space<semaphore_mem>>)
    %dma_wait3A_96 = arith.constant 0 : i32
    %dma_wait3A_97 = tpu.memref_slice %arg2[%add3A_68, %dma_wait3A_96] : memref<8192x1024xf32, #tpu.memory_space<hbm>> -> memref<16x1024xf32, #tpu.memory_space<hbm>>
    %dma_wait3A_98 = arith.constant 0 : i32
    %dma_wait3A_99 = tpu.memref_slice %arg2[%add3A_68, %dma_wait3A_98] : memref<8192x1024xf32, #tpu.memory_space<hbm>> -> memref<16x1024xf32, #tpu.memory_space<hbm>>
    tpu.wait_dma2 semaphore(%arg10 : memref<!tpu.dma_semaphore, #tpu.memory_space<semaphore_mem>>) src(%dma_wait3A_99 : memref<16x1024xf32, #tpu.memory_space<hbm>>) dst(%arg6 : memref<16x1024xf32, #tpu.memory_space<vmem>>)
    %dma_wait3A_100 = arith.constant 0 : i32
    %dma_wait3A_101 = tpu.memref_slice %arg4[%add3A_62, %dma_wait3A_100] : memref<8192x1024xf32, #tpu.memory_space<hbm>> -> memref<16x1024xf32, #tpu.memory_space<hbm>>
    %dma_wait3A_102 = arith.constant 0 : i32
    %dma_wait3A_103 = tpu.memref_slice %arg4[%add3A_62, %dma_wait3A_102] : memref<8192x1024xf32, #tpu.memory_space<hbm>> -> memref<16x1024xf32, #tpu.memory_space<hbm>>
    tpu.wait_dma2 semaphore(%arg12 : memref<!tpu.dma_semaphore, #tpu.memory_space<semaphore_mem>>) src(%arg8 : memref<16x1024xf32, #tpu.memory_space<vmem>>) dst(%dma_wait3A_103 : memref<16x1024xf32, #tpu.memory_space<hbm>>)
    %parallel_loop3A_104 = arith.constant 0 : i32
    %parallel_loop3A_105 = arith.constant 64 : i32
    %parallel_loop3A_106 = arith.constant 1 : i32
    scf.for %parallel_loop3A_368 = %parallel_loop3A_104 to %parallel_loop3A_105 step %parallel_loop3A_106  : i32 {
      %parallel_loop3A_369 = arith.constant 16 : i32
      %parallel_loop3A_370 = arith.muli %parallel_loop3A_368, %parallel_loop3A_369 : i32
      %parallel_loop3A_371 = arith.index_cast %parallel_loop3A_370 : i32 to index
      %parallel_loop3A_372 = tpu.vector_load %arg5[%parallel_loop3A_371] {strides = array<i32>} : memref<1024xi32, #tpu.memory_space<vmem>>, vector<16xi32>,
      %parallel_loop3A_373 = tpu.iota {dimensions = array<i32: 0>} : vector<16xi32>
      %parallel_loop3A_374 = vector.broadcast %parallel_loop3A_370 : i32 to vector<16xi32>
      %parallel_loop3A_375 = arith.addi %parallel_loop3A_373, %parallel_loop3A_374 : vector<16xi32>
      %parallel_loop3A_376 = arith.constant 0 : i32
      %parallel_loop3A_377 = vector.broadcast %parallel_loop3A_376 : i32 to vector<16xi32>
      %parallel_loop3A_378 = tpu.vector_load_idx %arg6[%parallel_loop3A_377, %parallel_loop3A_372] : memref<16x1024xf32, #tpu.memory_space<vmem>>[vector<16xi32>, vector<16xi32>], vector<16xf32>,
      %parallel_loop3A_379 = arith.constant 1 : i32
      %parallel_loop3A_380 = vector.broadcast %parallel_loop3A_379 : i32 to vector<16xi32>
      %parallel_loop3A_381 = tpu.vector_load_idx %arg6[%parallel_loop3A_380, %parallel_loop3A_372] : memref<16x1024xf32, #tpu.memory_space<vmem>>[vector<16xi32>, vector<16xi32>], vector<16xf32>,
      %parallel_loop3A_382 = arith.constant 2 : i32
      %parallel_loop3A_383 = vector.broadcast %parallel_loop3A_382 : i32 to vector<16xi32>
      %parallel_loop3A_384 = tpu.vector_load_idx %arg6[%parallel_loop3A_383, %parallel_loop3A_372] : memref<16x1024xf32, #tpu.memory_space<vmem>>[vector<16xi32>, vector<16xi32>], vector<16xf32>,
      %parallel_loop3A_385 = arith.constant 3 : i32
      %parallel_loop3A_386 = vector.broadcast %parallel_loop3A_385 : i32 to vector<16xi32>
      %parallel_loop3A_387 = tpu.vector_load_idx %arg6[%parallel_loop3A_386, %parallel_loop3A_372] : memref<16x1024xf32, #tpu.memory_space<vmem>>[vector<16xi32>, vector<16xi32>], vector<16xf32>,
      %parallel_loop3A_388 = arith.constant 4 : i32
      %parallel_loop3A_389 = vector.broadcast %parallel_loop3A_388 : i32 to vector<16xi32>
      %parallel_loop3A_390 = tpu.vector_load_idx %arg6[%parallel_loop3A_389, %parallel_loop3A_372] : memref<16x1024xf32, #tpu.memory_space<vmem>>[vector<16xi32>, vector<16xi32>], vector<16xf32>,
      %parallel_loop3A_391 = arith.constant 5 : i32
      %parallel_loop3A_392 = vector.broadcast %parallel_loop3A_391 : i32 to vector<16xi32>
      %parallel_loop3A_393 = tpu.vector_load_idx %arg6[%parallel_loop3A_392, %parallel_loop3A_372] : memref<16x1024xf32, #tpu.memory_space<vmem>>[vector<16xi32>, vector<16xi32>], vector<16xf32>,
      %parallel_loop3A_394 = arith.constant 6 : i32
      %parallel_loop3A_395 = vector.broadcast %parallel_loop3A_394 : i32 to vector<16xi32>
      %parallel_loop3A_396 = tpu.vector_load_idx %arg6[%parallel_loop3A_395, %parallel_loop3A_372] : memref<16x1024xf32, #tpu.memory_space<vmem>>[vector<16xi32>, vector<16xi32>], vector<16xf32>,
      %parallel_loop3A_397 = arith.constant 7 : i32
      %parallel_loop3A_398 = vector.broadcast %parallel_loop3A_397 : i32 to vector<16xi32>
      %parallel_loop3A_399 = tpu.vector_load_idx %arg6[%parallel_loop3A_398, %parallel_loop3A_372] : memref<16x1024xf32, #tpu.memory_space<vmem>>[vector<16xi32>, vector<16xi32>], vector<16xf32>,
      %parallel_loop3A_400 = arith.constant 8 : i32
      %parallel_loop3A_401 = vector.broadcast %parallel_loop3A_400 : i32 to vector<16xi32>
      %parallel_loop3A_402 = tpu.vector_load_idx %arg6[%parallel_loop3A_401, %parallel_loop3A_372] : memref<16x1024xf32, #tpu.memory_space<vmem>>[vector<16xi32>, vector<16xi32>], vector<16xf32>,
      %parallel_loop3A_403 = arith.constant 9 : i32
      %parallel_loop3A_404 = vector.broadcast %parallel_loop3A_403 : i32 to vector<16xi32>
      %parallel_loop3A_405 = tpu.vector_load_idx %arg6[%parallel_loop3A_404, %parallel_loop3A_372] : memref<16x1024xf32, #tpu.memory_space<vmem>>[vector<16xi32>, vector<16xi32>], vector<16xf32>,
      %parallel_loop3A_406 = arith.constant 10 : i32
      %parallel_loop3A_407 = vector.broadcast %parallel_loop3A_406 : i32 to vector<16xi32>
      %parallel_loop3A_408 = tpu.vector_load_idx %arg6[%parallel_loop3A_407, %parallel_loop3A_372] : memref<16x1024xf32, #tpu.memory_space<vmem>>[vector<16xi32>, vector<16xi32>], vector<16xf32>,
      %parallel_loop3A_409 = arith.constant 11 : i32
      %parallel_loop3A_410 = vector.broadcast %parallel_loop3A_409 : i32 to vector<16xi32>
      %parallel_loop3A_411 = tpu.vector_load_idx %arg6[%parallel_loop3A_410, %parallel_loop3A_372] : memref<16x1024xf32, #tpu.memory_space<vmem>>[vector<16xi32>, vector<16xi32>], vector<16xf32>,
      %parallel_loop3A_412 = arith.constant 12 : i32
      %parallel_loop3A_413 = vector.broadcast %parallel_loop3A_412 : i32 to vector<16xi32>
      %parallel_loop3A_414 = tpu.vector_load_idx %arg6[%parallel_loop3A_413, %parallel_loop3A_372] : memref<16x1024xf32, #tpu.memory_space<vmem>>[vector<16xi32>, vector<16xi32>], vector<16xf32>,
      %parallel_loop3A_415 = arith.constant 13 : i32
      %parallel_loop3A_416 = vector.broadcast %parallel_loop3A_415 : i32 to vector<16xi32>
      %parallel_loop3A_417 = tpu.vector_load_idx %arg6[%parallel_loop3A_416, %parallel_loop3A_372] : memref<16x1024xf32, #tpu.memory_space<vmem>>[vector<16xi32>, vector<16xi32>], vector<16xf32>,
      %parallel_loop3A_418 = arith.constant 14 : i32
      %parallel_loop3A_419 = vector.broadcast %parallel_loop3A_418 : i32 to vector<16xi32>
      %parallel_loop3A_420 = tpu.vector_load_idx %arg6[%parallel_loop3A_419, %parallel_loop3A_372] : memref<16x1024xf32, #tpu.memory_space<vmem>>[vector<16xi32>, vector<16xi32>], vector<16xf32>,
      %parallel_loop3A_421 = arith.constant 15 : i32
      %parallel_loop3A_422 = vector.broadcast %parallel_loop3A_421 : i32 to vector<16xi32>
      %parallel_loop3A_423 = tpu.vector_load_idx %arg6[%parallel_loop3A_422, %parallel_loop3A_372] : memref<16x1024xf32, #tpu.memory_space<vmem>>[vector<16xi32>, vector<16xi32>], vector<16xf32>,
      %parallel_loop3A_424 = arith.constant 0 : i32
      %parallel_loop3A_425 = vector.broadcast %parallel_loop3A_424 : i32 to vector<16xi32>
      tpu.vector_store_idx %arg8[%parallel_loop3A_425, %parallel_loop3A_375], %parallel_loop3A_378 : memref<16x1024xf32, #tpu.memory_space<vmem>>[vector<16xi32>, vector<16xi32>], vector<16xf32>,
      %parallel_loop3A_426 = arith.constant 1 : i32
      %parallel_loop3A_427 = vector.broadcast %parallel_loop3A_426 : i32 to vector<16xi32>
      tpu.vector_store_idx %arg8[%parallel_loop3A_427, %parallel_loop3A_375], %parallel_loop3A_381 : memref<16x1024xf32, #tpu.memory_space<vmem>>[vector<16xi32>, vector<16xi32>], vector<16xf32>,
      %parallel_loop3A_428 = arith.constant 2 : i32
      %parallel_loop3A_429 = vector.broadcast %parallel_loop3A_428 : i32 to vector<16xi32>
      tpu.vector_store_idx %arg8[%parallel_loop3A_429, %parallel_loop3A_375], %parallel_loop3A_384 : memref<16x1024xf32, #tpu.memory_space<vmem>>[vector<16xi32>, vector<16xi32>], vector<16xf32>,
      %parallel_loop3A_430 = arith.constant 3 : i32
      %parallel_loop3A_431 = vector.broadcast %parallel_loop3A_430 : i32 to vector<16xi32>
      tpu.vector_store_idx %arg8[%parallel_loop3A_431, %parallel_loop3A_375], %parallel_loop3A_387 : memref<16x1024xf32, #tpu.memory_space<vmem>>[vector<16xi32>, vector<16xi32>], vector<16xf32>,
      %parallel_loop3A_432 = arith.constant 4 : i32
      %parallel_loop3A_433 = vector.broadcast %parallel_loop3A_432 : i32 to vector<16xi32>
      tpu.vector_store_idx %arg8[%parallel_loop3A_433, %parallel_loop3A_375], %parallel_loop3A_390 : memref<16x1024xf32, #tpu.memory_space<vmem>>[vector<16xi32>, vector<16xi32>], vector<16xf32>,
      %parallel_loop3A_434 = arith.constant 5 : i32
      %parallel_loop3A_435 = vector.broadcast %parallel_loop3A_434 : i32 to vector<16xi32>
      tpu.vector_store_idx %arg8[%parallel_loop3A_435, %parallel_loop3A_375], %parallel_loop3A_393 : memref<16x1024xf32, #tpu.memory_space<vmem>>[vector<16xi32>, vector<16xi32>], vector<16xf32>,
      %parallel_loop3A_436 = arith.constant 6 : i32
      %parallel_loop3A_437 = vector.broadcast %parallel_loop3A_436 : i32 to vector<16xi32>
      tpu.vector_store_idx %arg8[%parallel_loop3A_437, %parallel_loop3A_375], %parallel_loop3A_396 : memref<16x1024xf32, #tpu.memory_space<vmem>>[vector<16xi32>, vector<16xi32>], vector<16xf32>,
      %parallel_loop3A_438 = arith.constant 7 : i32
      %parallel_loop3A_439 = vector.broadcast %parallel_loop3A_438 : i32 to vector<16xi32>
      tpu.vector_store_idx %arg8[%parallel_loop3A_439, %parallel_loop3A_375], %parallel_loop3A_399 : memref<16x1024xf32, #tpu.memory_space<vmem>>[vector<16xi32>, vector<16xi32>], vector<16xf32>,
      %parallel_loop3A_440 = arith.constant 8 : i32
      %parallel_loop3A_441 = vector.broadcast %parallel_loop3A_440 : i32 to vector<16xi32>
      tpu.vector_store_idx %arg8[%parallel_loop3A_441, %parallel_loop3A_375], %parallel_loop3A_402 : memref<16x1024xf32, #tpu.memory_space<vmem>>[vector<16xi32>, vector<16xi32>], vector<16xf32>,
      %parallel_loop3A_442 = arith.constant 9 : i32
      %parallel_loop3A_443 = vector.broadcast %parallel_loop3A_442 : i32 to vector<16xi32>
      tpu.vector_store_idx %arg8[%parallel_loop3A_443, %parallel_loop3A_375], %parallel_loop3A_405 : memref<16x1024xf32, #tpu.memory_space<vmem>>[vector<16xi32>, vector<16xi32>], vector<16xf32>,
      %parallel_loop3A_444 = arith.constant 10 : i32
      %parallel_loop3A_445 = vector.broadcast %parallel_loop3A_444 : i32 to vector<16xi32>
      tpu.vector_store_idx %arg8[%parallel_loop3A_445, %parallel_loop3A_375], %parallel_loop3A_408 : memref<16x1024xf32, #tpu.memory_space<vmem>>[vector<16xi32>, vector<16xi32>], vector<16xf32>,
      %parallel_loop3A_446 = arith.constant 11 : i32
      %parallel_loop3A_447 = vector.broadcast %parallel_loop3A_446 : i32 to vector<16xi32>
      tpu.vector_store_idx %arg8[%parallel_loop3A_447, %parallel_loop3A_375], %parallel_loop3A_411 : memref<16x1024xf32, #tpu.memory_space<vmem>>[vector<16xi32>, vector<16xi32>], vector<16xf32>,
      %parallel_loop3A_448 = arith.constant 12 : i32
      %parallel_loop3A_449 = vector.broadcast %parallel_loop3A_448 : i32 to vector<16xi32>
      tpu.vector_store_idx %arg8[%parallel_loop3A_449, %parallel_loop3A_375], %parallel_loop3A_414 : memref<16x1024xf32, #tpu.memory_space<vmem>>[vector<16xi32>, vector<16xi32>], vector<16xf32>,
      %parallel_loop3A_450 = arith.constant 13 : i32
      %parallel_loop3A_451 = vector.broadcast %parallel_loop3A_450 : i32 to vector<16xi32>
      tpu.vector_store_idx %arg8[%parallel_loop3A_451, %parallel_loop3A_375], %parallel_loop3A_417 : memref<16x1024xf32, #tpu.memory_space<vmem>>[vector<16xi32>, vector<16xi32>], vector<16xf32>,
      %parallel_loop3A_452 = arith.constant 14 : i32
      %parallel_loop3A_453 = vector.broadcast %parallel_loop3A_452 : i32 to vector<16xi32>
      tpu.vector_store_idx %arg8[%parallel_loop3A_453, %parallel_loop3A_375], %parallel_loop3A_420 : memref<16x1024xf32, #tpu.memory_space<vmem>>[vector<16xi32>, vector<16xi32>], vector<16xf32>,
      %parallel_loop3A_454 = arith.constant 15 : i32
      %parallel_loop3A_455 = vector.broadcast %parallel_loop3A_454 : i32 to vector<16xi32>
      tpu.vector_store_idx %arg8[%parallel_loop3A_455, %parallel_loop3A_375], %parallel_loop3A_423 : memref<16x1024xf32, #tpu.memory_space<vmem>>[vector<16xi32>, vector<16xi32>], vector<16xf32>,
    } {sc.loop_unroll_factor = 4 : i64, sc.parallel_access}
    %add3A_107 = arith.constant 64 : i32
    %add3A_108 = arith.addi %mul3A_2, %add3A_107 : i32
    %dma_start3A_109 = arith.constant 0 : i32
    %dma_start3A_110 = tpu.memref_slice %arg4[%add3A_108, %dma_start3A_109] : memref<8192x1024xf32, #tpu.memory_space<hbm>> -> memref<16x1024xf32, #tpu.memory_space<hbm>>
    %dma_start3A_111 = arith.constant 0 : i32
    %dma_start3A_112 = tpu.memref_slice %arg4[%add3A_108, %dma_start3A_111] : memref<8192x1024xf32, #tpu.memory_space<hbm>> -> memref<16x1024xf32, #tpu.memory_space<hbm>>
    tpu.enqueue_dma source(%arg8 : memref<16x1024xf32, #tpu.memory_space<vmem>>) target(%dma_start3A_112 : memref<16x1024xf32, #tpu.memory_space<hbm>>) target_semaphore(%arg12 : memref<!tpu.dma_semaphore, #tpu.memory_space<semaphore_mem>>)
    %add3A_113 = arith.constant 96 : i32
    %add3A_114 = arith.addi %mul3A_2, %add3A_113 : i32
    %dma_start3A_115 = arith.constant 0 : i32
    %dma_start3A_116 = tpu.memref_slice %arg2[%add3A_114, %dma_start3A_115] : memref<8192x1024xf32, #tpu.memory_space<hbm>> -> memref<16x1024xf32, #tpu.memory_space<hbm>>
    %dma_start3A_117 = arith.constant 0 : i32
    %dma_start3A_118 = tpu.memref_slice %arg2[%add3A_114, %dma_start3A_117] : memref<8192x1024xf32, #tpu.memory_space<hbm>> -> memref<16x1024xf32, #tpu.memory_space<hbm>>
    tpu.enqueue_dma source(%dma_start3A_118 : memref<16x1024xf32, #tpu.memory_space<hbm>>) target(%arg6 : memref<16x1024xf32, #tpu.memory_space<vmem>>) target_semaphore(%arg10 : memref<!tpu.dma_semaphore, #tpu.memory_space<semaphore_mem>>)
    %dma_wait3A_119 = arith.constant 0 : i32
    %dma_wait3A_120 = tpu.memref_slice %arg2[%add3A_91, %dma_wait3A_119] : memref<8192x1024xf32, #tpu.memory_space<hbm>> -> memref<16x1024xf32, #tpu.memory_space<hbm>>
    %dma_wait3A_121 = arith.constant 0 : i32
    %dma_wait3A_122 = tpu.memref_slice %arg2[%add3A_91, %dma_wait3A_121] : memref<8192x1024xf32, #tpu.memory_space<hbm>> -> memref<16x1024xf32, #tpu.memory_space<hbm>>
    tpu.wait_dma2 semaphore(%arg11 : memref<!tpu.dma_semaphore, #tpu.memory_space<semaphore_mem>>) src(%dma_wait3A_122 : memref<16x1024xf32, #tpu.memory_space<hbm>>) dst(%arg7 : memref<16x1024xf32, #tpu.memory_space<vmem>>)
    %dma_wait3A_123 = arith.constant 0 : i32
    %dma_wait3A_124 = tpu.memref_slice %arg4[%add3A_85, %dma_wait3A_123] : memref<8192x1024xf32, #tpu.memory_space<hbm>> -> memref<16x1024xf32, #tpu.memory_space<hbm>>
    %dma_wait3A_125 = arith.constant 0 : i32
    %dma_wait3A_126 = tpu.memref_slice %arg4[%add3A_85, %dma_wait3A_125] : memref<8192x1024xf32, #tpu.memory_space<hbm>> -> memref<16x1024xf32, #tpu.memory_space<hbm>>
    tpu.wait_dma2 semaphore(%arg13 : memref<!tpu.dma_semaphore, #tpu.memory_space<semaphore_mem>>) src(%arg9 : memref<16x1024xf32, #tpu.memory_space<vmem>>) dst(%dma_wait3A_126 : memref<16x1024xf32, #tpu.memory_space<hbm>>)
    %parallel_loop3A_127 = arith.constant 0 : i32
    %parallel_loop3A_128 = arith.constant 64 : i32
    %parallel_loop3A_129 = arith.constant 1 : i32
    scf.for %parallel_loop3A_368 = %parallel_loop3A_127 to %parallel_loop3A_128 step %parallel_loop3A_129  : i32 {
      %parallel_loop3A_369 = arith.constant 16 : i32
      %parallel_loop3A_370 = arith.muli %parallel_loop3A_368, %parallel_loop3A_369 : i32
      %parallel_loop3A_371 = arith.index_cast %parallel_loop3A_370 : i32 to index
      %parallel_loop3A_372 = tpu.vector_load %arg5[%parallel_loop3A_371] {strides = array<i32>} : memref<1024xi32, #tpu.memory_space<vmem>>, vector<16xi32>,
      %parallel_loop3A_373 = tpu.iota {dimensions = array<i32: 0>} : vector<16xi32>
      %parallel_loop3A_374 = vector.broadcast %parallel_loop3A_370 : i32 to vector<16xi32>
      %parallel_loop3A_375 = arith.addi %parallel_loop3A_373, %parallel_loop3A_374 : vector<16xi32>
      %parallel_loop3A_376 = arith.constant 0 : i32
      %parallel_loop3A_377 = vector.broadcast %parallel_loop3A_376 : i32 to vector<16xi32>
      %parallel_loop3A_378 = tpu.vector_load_idx %arg7[%parallel_loop3A_377, %parallel_loop3A_372] : memref<16x1024xf32, #tpu.memory_space<vmem>>[vector<16xi32>, vector<16xi32>], vector<16xf32>,
      %parallel_loop3A_379 = arith.constant 1 : i32
      %parallel_loop3A_380 = vector.broadcast %parallel_loop3A_379 : i32 to vector<16xi32>
      %parallel_loop3A_381 = tpu.vector_load_idx %arg7[%parallel_loop3A_380, %parallel_loop3A_372] : memref<16x1024xf32, #tpu.memory_space<vmem>>[vector<16xi32>, vector<16xi32>], vector<16xf32>,
      %parallel_loop3A_382 = arith.constant 2 : i32
      %parallel_loop3A_383 = vector.broadcast %parallel_loop3A_382 : i32 to vector<16xi32>
      %parallel_loop3A_384 = tpu.vector_load_idx %arg7[%parallel_loop3A_383, %parallel_loop3A_372] : memref<16x1024xf32, #tpu.memory_space<vmem>>[vector<16xi32>, vector<16xi32>], vector<16xf32>,
      %parallel_loop3A_385 = arith.constant 3 : i32
      %parallel_loop3A_386 = vector.broadcast %parallel_loop3A_385 : i32 to vector<16xi32>
      %parallel_loop3A_387 = tpu.vector_load_idx %arg7[%parallel_loop3A_386, %parallel_loop3A_372] : memref<16x1024xf32, #tpu.memory_space<vmem>>[vector<16xi32>, vector<16xi32>], vector<16xf32>,
      %parallel_loop3A_388 = arith.constant 4 : i32
      %parallel_loop3A_389 = vector.broadcast %parallel_loop3A_388 : i32 to vector<16xi32>
      %parallel_loop3A_390 = tpu.vector_load_idx %arg7[%parallel_loop3A_389, %parallel_loop3A_372] : memref<16x1024xf32, #tpu.memory_space<vmem>>[vector<16xi32>, vector<16xi32>], vector<16xf32>,
      %parallel_loop3A_391 = arith.constant 5 : i32
      %parallel_loop3A_392 = vector.broadcast %parallel_loop3A_391 : i32 to vector<16xi32>
      %parallel_loop3A_393 = tpu.vector_load_idx %arg7[%parallel_loop3A_392, %parallel_loop3A_372] : memref<16x1024xf32, #tpu.memory_space<vmem>>[vector<16xi32>, vector<16xi32>], vector<16xf32>,
      %parallel_loop3A_394 = arith.constant 6 : i32
      %parallel_loop3A_395 = vector.broadcast %parallel_loop3A_394 : i32 to vector<16xi32>
      %parallel_loop3A_396 = tpu.vector_load_idx %arg7[%parallel_loop3A_395, %parallel_loop3A_372] : memref<16x1024xf32, #tpu.memory_space<vmem>>[vector<16xi32>, vector<16xi32>], vector<16xf32>,
      %parallel_loop3A_397 = arith.constant 7 : i32
      %parallel_loop3A_398 = vector.broadcast %parallel_loop3A_397 : i32 to vector<16xi32>
      %parallel_loop3A_399 = tpu.vector_load_idx %arg7[%parallel_loop3A_398, %parallel_loop3A_372] : memref<16x1024xf32, #tpu.memory_space<vmem>>[vector<16xi32>, vector<16xi32>], vector<16xf32>,
      %parallel_loop3A_400 = arith.constant 8 : i32
      %parallel_loop3A_401 = vector.broadcast %parallel_loop3A_400 : i32 to vector<16xi32>
      %parallel_loop3A_402 = tpu.vector_load_idx %arg7[%parallel_loop3A_401, %parallel_loop3A_372] : memref<16x1024xf32, #tpu.memory_space<vmem>>[vector<16xi32>, vector<16xi32>], vector<16xf32>,
      %parallel_loop3A_403 = arith.constant 9 : i32
      %parallel_loop3A_404 = vector.broadcast %parallel_loop3A_403 : i32 to vector<16xi32>
      %parallel_loop3A_405 = tpu.vector_load_idx %arg7[%parallel_loop3A_404, %parallel_loop3A_372] : memref<16x1024xf32, #tpu.memory_space<vmem>>[vector<16xi32>, vector<16xi32>], vector<16xf32>,
      %parallel_loop3A_406 = arith.constant 10 : i32
      %parallel_loop3A_407 = vector.broadcast %parallel_loop3A_406 : i32 to vector<16xi32>
      %parallel_loop3A_408 = tpu.vector_load_idx %arg7[%parallel_loop3A_407, %parallel_loop3A_372] : memref<16x1024xf32, #tpu.memory_space<vmem>>[vector<16xi32>, vector<16xi32>], vector<16xf32>,
      %parallel_loop3A_409 = arith.constant 11 : i32
      %parallel_loop3A_410 = vector.broadcast %parallel_loop3A_409 : i32 to vector<16xi32>
      %parallel_loop3A_411 = tpu.vector_load_idx %arg7[%parallel_loop3A_410, %parallel_loop3A_372] : memref<16x1024xf32, #tpu.memory_space<vmem>>[vector<16xi32>, vector<16xi32>], vector<16xf32>,
      %parallel_loop3A_412 = arith.constant 12 : i32
      %parallel_loop3A_413 = vector.broadcast %parallel_loop3A_412 : i32 to vector<16xi32>
      %parallel_loop3A_414 = tpu.vector_load_idx %arg7[%parallel_loop3A_413, %parallel_loop3A_372] : memref<16x1024xf32, #tpu.memory_space<vmem>>[vector<16xi32>, vector<16xi32>], vector<16xf32>,
      %parallel_loop3A_415 = arith.constant 13 : i32
      %parallel_loop3A_416 = vector.broadcast %parallel_loop3A_415 : i32 to vector<16xi32>
      %parallel_loop3A_417 = tpu.vector_load_idx %arg7[%parallel_loop3A_416, %parallel_loop3A_372] : memref<16x1024xf32, #tpu.memory_space<vmem>>[vector<16xi32>, vector<16xi32>], vector<16xf32>,
      %parallel_loop3A_418 = arith.constant 14 : i32
      %parallel_loop3A_419 = vector.broadcast %parallel_loop3A_418 : i32 to vector<16xi32>
      %parallel_loop3A_420 = tpu.vector_load_idx %arg7[%parallel_loop3A_419, %parallel_loop3A_372] : memref<16x1024xf32, #tpu.memory_space<vmem>>[vector<16xi32>, vector<16xi32>], vector<16xf32>,
      %parallel_loop3A_421 = arith.constant 15 : i32
      %parallel_loop3A_422 = vector.broadcast %parallel_loop3A_421 : i32 to vector<16xi32>
      %parallel_loop3A_423 = tpu.vector_load_idx %arg7[%parallel_loop3A_422, %parallel_loop3A_372] : memref<16x1024xf32, #tpu.memory_space<vmem>>[vector<16xi32>, vector<16xi32>], vector<16xf32>,
      %parallel_loop3A_424 = arith.constant 0 : i32
      %parallel_loop3A_425 = vector.broadcast %parallel_loop3A_424 : i32 to vector<16xi32>
      tpu.vector_store_idx %arg9[%parallel_loop3A_425, %parallel_loop3A_375], %parallel_loop3A_378 : memref<16x1024xf32, #tpu.memory_space<vmem>>[vector<16xi32>, vector<16xi32>], vector<16xf32>,
      %parallel_loop3A_426 = arith.constant 1 : i32
      %parallel_loop3A_427 = vector.broadcast %parallel_loop3A_426 : i32 to vector<16xi32>
      tpu.vector_store_idx %arg9[%parallel_loop3A_427, %parallel_loop3A_375], %parallel_loop3A_381 : memref<16x1024xf32, #tpu.memory_space<vmem>>[vector<16xi32>, vector<16xi32>], vector<16xf32>,
      %parallel_loop3A_428 = arith.constant 2 : i32
      %parallel_loop3A_429 = vector.broadcast %parallel_loop3A_428 : i32 to vector<16xi32>
      tpu.vector_store_idx %arg9[%parallel_loop3A_429, %parallel_loop3A_375], %parallel_loop3A_384 : memref<16x1024xf32, #tpu.memory_space<vmem>>[vector<16xi32>, vector<16xi32>], vector<16xf32>,
      %parallel_loop3A_430 = arith.constant 3 : i32
      %parallel_loop3A_431 = vector.broadcast %parallel_loop3A_430 : i32 to vector<16xi32>
      tpu.vector_store_idx %arg9[%parallel_loop3A_431, %parallel_loop3A_375], %parallel_loop3A_387 : memref<16x1024xf32, #tpu.memory_space<vmem>>[vector<16xi32>, vector<16xi32>], vector<16xf32>,
      %parallel_loop3A_432 = arith.constant 4 : i32
      %parallel_loop3A_433 = vector.broadcast %parallel_loop3A_432 : i32 to vector<16xi32>
      tpu.vector_store_idx %arg9[%parallel_loop3A_433, %parallel_loop3A_375], %parallel_loop3A_390 : memref<16x1024xf32, #tpu.memory_space<vmem>>[vector<16xi32>, vector<16xi32>], vector<16xf32>,
      %parallel_loop3A_434 = arith.constant 5 : i32
      %parallel_loop3A_435 = vector.broadcast %parallel_loop3A_434 : i32 to vector<16xi32>
      tpu.vector_store_idx %arg9[%parallel_loop3A_435, %parallel_loop3A_375], %parallel_loop3A_393 : memref<16x1024xf32, #tpu.memory_space<vmem>>[vector<16xi32>, vector<16xi32>], vector<16xf32>,
      %parallel_loop3A_436 = arith.constant 6 : i32
      %parallel_loop3A_437 = vector.broadcast %parallel_loop3A_436 : i32 to vector<16xi32>
      tpu.vector_store_idx %arg9[%parallel_loop3A_437, %parallel_loop3A_375], %parallel_loop3A_396 : memref<16x1024xf32, #tpu.memory_space<vmem>>[vector<16xi32>, vector<16xi32>], vector<16xf32>,
      %parallel_loop3A_438 = arith.constant 7 : i32
      %parallel_loop3A_439 = vector.broadcast %parallel_loop3A_438 : i32 to vector<16xi32>
      tpu.vector_store_idx %arg9[%parallel_loop3A_439, %parallel_loop3A_375], %parallel_loop3A_399 : memref<16x1024xf32, #tpu.memory_space<vmem>>[vector<16xi32>, vector<16xi32>], vector<16xf32>,
      %parallel_loop3A_440 = arith.constant 8 : i32
      %parallel_loop3A_441 = vector.broadcast %parallel_loop3A_440 : i32 to vector<16xi32>
      tpu.vector_store_idx %arg9[%parallel_loop3A_441, %parallel_loop3A_375], %parallel_loop3A_402 : memref<16x1024xf32, #tpu.memory_space<vmem>>[vector<16xi32>, vector<16xi32>], vector<16xf32>,
      %parallel_loop3A_442 = arith.constant 9 : i32
      %parallel_loop3A_443 = vector.broadcast %parallel_loop3A_442 : i32 to vector<16xi32>
      tpu.vector_store_idx %arg9[%parallel_loop3A_443, %parallel_loop3A_375], %parallel_loop3A_405 : memref<16x1024xf32, #tpu.memory_space<vmem>>[vector<16xi32>, vector<16xi32>], vector<16xf32>,
      %parallel_loop3A_444 = arith.constant 10 : i32
      %parallel_loop3A_445 = vector.broadcast %parallel_loop3A_444 : i32 to vector<16xi32>
      tpu.vector_store_idx %arg9[%parallel_loop3A_445, %parallel_loop3A_375], %parallel_loop3A_408 : memref<16x1024xf32, #tpu.memory_space<vmem>>[vector<16xi32>, vector<16xi32>], vector<16xf32>,
      %parallel_loop3A_446 = arith.constant 11 : i32
      %parallel_loop3A_447 = vector.broadcast %parallel_loop3A_446 : i32 to vector<16xi32>
      tpu.vector_store_idx %arg9[%parallel_loop3A_447, %parallel_loop3A_375], %parallel_loop3A_411 : memref<16x1024xf32, #tpu.memory_space<vmem>>[vector<16xi32>, vector<16xi32>], vector<16xf32>,
      %parallel_loop3A_448 = arith.constant 12 : i32
      %parallel_loop3A_449 = vector.broadcast %parallel_loop3A_448 : i32 to vector<16xi32>
      tpu.vector_store_idx %arg9[%parallel_loop3A_449, %parallel_loop3A_375], %parallel_loop3A_414 : memref<16x1024xf32, #tpu.memory_space<vmem>>[vector<16xi32>, vector<16xi32>], vector<16xf32>,
      %parallel_loop3A_450 = arith.constant 13 : i32
      %parallel_loop3A_451 = vector.broadcast %parallel_loop3A_450 : i32 to vector<16xi32>
      tpu.vector_store_idx %arg9[%parallel_loop3A_451, %parallel_loop3A_375], %parallel_loop3A_417 : memref<16x1024xf32, #tpu.memory_space<vmem>>[vector<16xi32>, vector<16xi32>], vector<16xf32>,
      %parallel_loop3A_452 = arith.constant 14 : i32
      %parallel_loop3A_453 = vector.broadcast %parallel_loop3A_452 : i32 to vector<16xi32>
      tpu.vector_store_idx %arg9[%parallel_loop3A_453, %parallel_loop3A_375], %parallel_loop3A_420 : memref<16x1024xf32, #tpu.memory_space<vmem>>[vector<16xi32>, vector<16xi32>], vector<16xf32>,
      %parallel_loop3A_454 = arith.constant 15 : i32
      %parallel_loop3A_455 = vector.broadcast %parallel_loop3A_454 : i32 to vector<16xi32>
      tpu.vector_store_idx %arg9[%parallel_loop3A_455, %parallel_loop3A_375], %parallel_loop3A_423 : memref<16x1024xf32, #tpu.memory_space<vmem>>[vector<16xi32>, vector<16xi32>], vector<16xf32>,
    } {sc.loop_unroll_factor = 4 : i64, sc.parallel_access}
    %add3A_130 = arith.constant 80 : i32
    %add3A_131 = arith.addi %mul3A_2, %add3A_130 : i32
    %dma_start3A_132 = arith.constant 0 : i32
    %dma_start3A_133 = tpu.memref_slice %arg4[%add3A_131, %dma_start3A_132] : memref<8192x1024xf32, #tpu.memory_space<hbm>> -> memref<16x1024xf32, #tpu.memory_space<hbm>>
    %dma_start3A_134 = arith.constant 0 : i32
    %dma_start3A_135 = tpu.memref_slice %arg4[%add3A_131, %dma_start3A_134] : memref<8192x1024xf32, #tpu.memory_space<hbm>> -> memref<16x1024xf32, #tpu.memory_space<hbm>>
    tpu.enqueue_dma source(%arg9 : memref<16x1024xf32, #tpu.memory_space<vmem>>) target(%dma_start3A_135 : memref<16x1024xf32, #tpu.memory_space<hbm>>) target_semaphore(%arg13 : memref<!tpu.dma_semaphore, #tpu.memory_space<semaphore_mem>>)
    %add3A_136 = arith.constant 112 : i32
    %add3A_137 = arith.addi %mul3A_2, %add3A_136 : i32
    %dma_start3A_138 = arith.constant 0 : i32
    %dma_start3A_139 = tpu.memref_slice %arg2[%add3A_137, %dma_start3A_138] : memref<8192x1024xf32, #tpu.memory_space<hbm>> -> memref<16x1024xf32, #tpu.memory_space<hbm>>
    %dma_start3A_140 = arith.constant 0 : i32
    %dma_start3A_141 = tpu.memref_slice %arg2[%add3A_137, %dma_start3A_140] : memref<8192x1024xf32, #tpu.memory_space<hbm>> -> memref<16x1024xf32, #tpu.memory_space<hbm>>
    tpu.enqueue_dma source(%dma_start3A_141 : memref<16x1024xf32, #tpu.memory_space<hbm>>) target(%arg7 : memref<16x1024xf32, #tpu.memory_space<vmem>>) target_semaphore(%arg11 : memref<!tpu.dma_semaphore, #tpu.memory_space<semaphore_mem>>)
    %dma_wait3A_142 = arith.constant 0 : i32
    %dma_wait3A_143 = tpu.memref_slice %arg2[%add3A_114, %dma_wait3A_142] : memref<8192x1024xf32, #tpu.memory_space<hbm>> -> memref<16x1024xf32, #tpu.memory_space<hbm>>
    %dma_wait3A_144 = arith.constant 0 : i32
    %dma_wait3A_145 = tpu.memref_slice %arg2[%add3A_114, %dma_wait3A_144] : memref<8192x1024xf32, #tpu.memory_space<hbm>> -> memref<16x1024xf32, #tpu.memory_space<hbm>>
    tpu.wait_dma2 semaphore(%arg10 : memref<!tpu.dma_semaphore, #tpu.memory_space<semaphore_mem>>) src(%dma_wait3A_145 : memref<16x1024xf32, #tpu.memory_space<hbm>>) dst(%arg6 : memref<16x1024xf32, #tpu.memory_space<vmem>>)
    %dma_wait3A_146 = arith.constant 0 : i32
    %dma_wait3A_147 = tpu.memref_slice %arg4[%add3A_108, %dma_wait3A_146] : memref<8192x1024xf32, #tpu.memory_space<hbm>> -> memref<16x1024xf32, #tpu.memory_space<hbm>>
    %dma_wait3A_148 = arith.constant 0 : i32
    %dma_wait3A_149 = tpu.memref_slice %arg4[%add3A_108, %dma_wait3A_148] : memref<8192x1024xf32, #tpu.memory_space<hbm>> -> memref<16x1024xf32, #tpu.memory_space<hbm>>
    tpu.wait_dma2 semaphore(%arg12 : memref<!tpu.dma_semaphore, #tpu.memory_space<semaphore_mem>>) src(%arg8 : memref<16x1024xf32, #tpu.memory_space<vmem>>) dst(%dma_wait3A_149 : memref<16x1024xf32, #tpu.memory_space<hbm>>)
    %parallel_loop3A_150 = arith.constant 0 : i32
    %parallel_loop3A_151 = arith.constant 64 : i32
    %parallel_loop3A_152 = arith.constant 1 : i32
    scf.for %parallel_loop3A_368 = %parallel_loop3A_150 to %parallel_loop3A_151 step %parallel_loop3A_152  : i32 {
      %parallel_loop3A_369 = arith.constant 16 : i32
      %parallel_loop3A_370 = arith.muli %parallel_loop3A_368, %parallel_loop3A_369 : i32
      %parallel_loop3A_371 = arith.index_cast %parallel_loop3A_370 : i32 to index
      %parallel_loop3A_372 = tpu.vector_load %arg5[%parallel_loop3A_371] {strides = array<i32>} : memref<1024xi32, #tpu.memory_space<vmem>>, vector<16xi32>,
      %parallel_loop3A_373 = tpu.iota {dimensions = array<i32: 0>} : vector<16xi32>
      %parallel_loop3A_374 = vector.broadcast %parallel_loop3A_370 : i32 to vector<16xi32>
      %parallel_loop3A_375 = arith.addi %parallel_loop3A_373, %parallel_loop3A_374 : vector<16xi32>
      %parallel_loop3A_376 = arith.constant 0 : i32
      %parallel_loop3A_377 = vector.broadcast %parallel_loop3A_376 : i32 to vector<16xi32>
      %parallel_loop3A_378 = tpu.vector_load_idx %arg6[%parallel_loop3A_377, %parallel_loop3A_372] : memref<16x1024xf32, #tpu.memory_space<vmem>>[vector<16xi32>, vector<16xi32>], vector<16xf32>,
      %parallel_loop3A_379 = arith.constant 1 : i32
      %parallel_loop3A_380 = vector.broadcast %parallel_loop3A_379 : i32 to vector<16xi32>
      %parallel_loop3A_381 = tpu.vector_load_idx %arg6[%parallel_loop3A_380, %parallel_loop3A_372] : memref<16x1024xf32, #tpu.memory_space<vmem>>[vector<16xi32>, vector<16xi32>], vector<16xf32>,
      %parallel_loop3A_382 = arith.constant 2 : i32
      %parallel_loop3A_383 = vector.broadcast %parallel_loop3A_382 : i32 to vector<16xi32>
      %parallel_loop3A_384 = tpu.vector_load_idx %arg6[%parallel_loop3A_383, %parallel_loop3A_372] : memref<16x1024xf32, #tpu.memory_space<vmem>>[vector<16xi32>, vector<16xi32>], vector<16xf32>,
      %parallel_loop3A_385 = arith.constant 3 : i32
      %parallel_loop3A_386 = vector.broadcast %parallel_loop3A_385 : i32 to vector<16xi32>
      %parallel_loop3A_387 = tpu.vector_load_idx %arg6[%parallel_loop3A_386, %parallel_loop3A_372] : memref<16x1024xf32, #tpu.memory_space<vmem>>[vector<16xi32>, vector<16xi32>], vector<16xf32>,
      %parallel_loop3A_388 = arith.constant 4 : i32
      %parallel_loop3A_389 = vector.broadcast %parallel_loop3A_388 : i32 to vector<16xi32>
      %parallel_loop3A_390 = tpu.vector_load_idx %arg6[%parallel_loop3A_389, %parallel_loop3A_372] : memref<16x1024xf32, #tpu.memory_space<vmem>>[vector<16xi32>, vector<16xi32>], vector<16xf32>,
      %parallel_loop3A_391 = arith.constant 5 : i32
      %parallel_loop3A_392 = vector.broadcast %parallel_loop3A_391 : i32 to vector<16xi32>
      %parallel_loop3A_393 = tpu.vector_load_idx %arg6[%parallel_loop3A_392, %parallel_loop3A_372] : memref<16x1024xf32, #tpu.memory_space<vmem>>[vector<16xi32>, vector<16xi32>], vector<16xf32>,
      %parallel_loop3A_394 = arith.constant 6 : i32
      %parallel_loop3A_395 = vector.broadcast %parallel_loop3A_394 : i32 to vector<16xi32>
      %parallel_loop3A_396 = tpu.vector_load_idx %arg6[%parallel_loop3A_395, %parallel_loop3A_372] : memref<16x1024xf32, #tpu.memory_space<vmem>>[vector<16xi32>, vector<16xi32>], vector<16xf32>,
      %parallel_loop3A_397 = arith.constant 7 : i32
      %parallel_loop3A_398 = vector.broadcast %parallel_loop3A_397 : i32 to vector<16xi32>
      %parallel_loop3A_399 = tpu.vector_load_idx %arg6[%parallel_loop3A_398, %parallel_loop3A_372] : memref<16x1024xf32, #tpu.memory_space<vmem>>[vector<16xi32>, vector<16xi32>], vector<16xf32>,
      %parallel_loop3A_400 = arith.constant 8 : i32
      %parallel_loop3A_401 = vector.broadcast %parallel_loop3A_400 : i32 to vector<16xi32>
      %parallel_loop3A_402 = tpu.vector_load_idx %arg6[%parallel_loop3A_401, %parallel_loop3A_372] : memref<16x1024xf32, #tpu.memory_space<vmem>>[vector<16xi32>, vector<16xi32>], vector<16xf32>,
      %parallel_loop3A_403 = arith.constant 9 : i32
      %parallel_loop3A_404 = vector.broadcast %parallel_loop3A_403 : i32 to vector<16xi32>
      %parallel_loop3A_405 = tpu.vector_load_idx %arg6[%parallel_loop3A_404, %parallel_loop3A_372] : memref<16x1024xf32, #tpu.memory_space<vmem>>[vector<16xi32>, vector<16xi32>], vector<16xf32>,
      %parallel_loop3A_406 = arith.constant 10 : i32
      %parallel_loop3A_407 = vector.broadcast %parallel_loop3A_406 : i32 to vector<16xi32>
      %parallel_loop3A_408 = tpu.vector_load_idx %arg6[%parallel_loop3A_407, %parallel_loop3A_372] : memref<16x1024xf32, #tpu.memory_space<vmem>>[vector<16xi32>, vector<16xi32>], vector<16xf32>,
      %parallel_loop3A_409 = arith.constant 11 : i32
      %parallel_loop3A_410 = vector.broadcast %parallel_loop3A_409 : i32 to vector<16xi32>
      %parallel_loop3A_411 = tpu.vector_load_idx %arg6[%parallel_loop3A_410, %parallel_loop3A_372] : memref<16x1024xf32, #tpu.memory_space<vmem>>[vector<16xi32>, vector<16xi32>], vector<16xf32>,
      %parallel_loop3A_412 = arith.constant 12 : i32
      %parallel_loop3A_413 = vector.broadcast %parallel_loop3A_412 : i32 to vector<16xi32>
      %parallel_loop3A_414 = tpu.vector_load_idx %arg6[%parallel_loop3A_413, %parallel_loop3A_372] : memref<16x1024xf32, #tpu.memory_space<vmem>>[vector<16xi32>, vector<16xi32>], vector<16xf32>,
      %parallel_loop3A_415 = arith.constant 13 : i32
      %parallel_loop3A_416 = vector.broadcast %parallel_loop3A_415 : i32 to vector<16xi32>
      %parallel_loop3A_417 = tpu.vector_load_idx %arg6[%parallel_loop3A_416, %parallel_loop3A_372] : memref<16x1024xf32, #tpu.memory_space<vmem>>[vector<16xi32>, vector<16xi32>], vector<16xf32>,
      %parallel_loop3A_418 = arith.constant 14 : i32
      %parallel_loop3A_419 = vector.broadcast %parallel_loop3A_418 : i32 to vector<16xi32>
      %parallel_loop3A_420 = tpu.vector_load_idx %arg6[%parallel_loop3A_419, %parallel_loop3A_372] : memref<16x1024xf32, #tpu.memory_space<vmem>>[vector<16xi32>, vector<16xi32>], vector<16xf32>,
      %parallel_loop3A_421 = arith.constant 15 : i32
      %parallel_loop3A_422 = vector.broadcast %parallel_loop3A_421 : i32 to vector<16xi32>
      %parallel_loop3A_423 = tpu.vector_load_idx %arg6[%parallel_loop3A_422, %parallel_loop3A_372] : memref<16x1024xf32, #tpu.memory_space<vmem>>[vector<16xi32>, vector<16xi32>], vector<16xf32>,
      %parallel_loop3A_424 = arith.constant 0 : i32
      %parallel_loop3A_425 = vector.broadcast %parallel_loop3A_424 : i32 to vector<16xi32>
      tpu.vector_store_idx %arg8[%parallel_loop3A_425, %parallel_loop3A_375], %parallel_loop3A_378 : memref<16x1024xf32, #tpu.memory_space<vmem>>[vector<16xi32>, vector<16xi32>], vector<16xf32>,
      %parallel_loop3A_426 = arith.constant 1 : i32
      %parallel_loop3A_427 = vector.broadcast %parallel_loop3A_426 : i32 to vector<16xi32>
      tpu.vector_store_idx %arg8[%parallel_loop3A_427, %parallel_loop3A_375], %parallel_loop3A_381 : memref<16x1024xf32, #tpu.memory_space<vmem>>[vector<16xi32>, vector<16xi32>], vector<16xf32>,
      %parallel_loop3A_428 = arith.constant 2 : i32
      %parallel_loop3A_429 = vector.broadcast %parallel_loop3A_428 : i32 to vector<16xi32>
      tpu.vector_store_idx %arg8[%parallel_loop3A_429, %parallel_loop3A_375], %parallel_loop3A_384 : memref<16x1024xf32, #tpu.memory_space<vmem>>[vector<16xi32>, vector<16xi32>], vector<16xf32>,
      %parallel_loop3A_430 = arith.constant 3 : i32
      %parallel_loop3A_431 = vector.broadcast %parallel_loop3A_430 : i32 to vector<16xi32>
      tpu.vector_store_idx %arg8[%parallel_loop3A_431, %parallel_loop3A_375], %parallel_loop3A_387 : memref<16x1024xf32, #tpu.memory_space<vmem>>[vector<16xi32>, vector<16xi32>], vector<16xf32>,
      %parallel_loop3A_432 = arith.constant 4 : i32
      %parallel_loop3A_433 = vector.broadcast %parallel_loop3A_432 : i32 to vector<16xi32>
      tpu.vector_store_idx %arg8[%parallel_loop3A_433, %parallel_loop3A_375], %parallel_loop3A_390 : memref<16x1024xf32, #tpu.memory_space<vmem>>[vector<16xi32>, vector<16xi32>], vector<16xf32>,
      %parallel_loop3A_434 = arith.constant 5 : i32
      %parallel_loop3A_435 = vector.broadcast %parallel_loop3A_434 : i32 to vector<16xi32>
      tpu.vector_store_idx %arg8[%parallel_loop3A_435, %parallel_loop3A_375], %parallel_loop3A_393 : memref<16x1024xf32, #tpu.memory_space<vmem>>[vector<16xi32>, vector<16xi32>], vector<16xf32>,
      %parallel_loop3A_436 = arith.constant 6 : i32
      %parallel_loop3A_437 = vector.broadcast %parallel_loop3A_436 : i32 to vector<16xi32>
      tpu.vector_store_idx %arg8[%parallel_loop3A_437, %parallel_loop3A_375], %parallel_loop3A_396 : memref<16x1024xf32, #tpu.memory_space<vmem>>[vector<16xi32>, vector<16xi32>], vector<16xf32>,
      %parallel_loop3A_438 = arith.constant 7 : i32
      %parallel_loop3A_439 = vector.broadcast %parallel_loop3A_438 : i32 to vector<16xi32>
      tpu.vector_store_idx %arg8[%parallel_loop3A_439, %parallel_loop3A_375], %parallel_loop3A_399 : memref<16x1024xf32, #tpu.memory_space<vmem>>[vector<16xi32>, vector<16xi32>], vector<16xf32>,
      %parallel_loop3A_440 = arith.constant 8 : i32
      %parallel_loop3A_441 = vector.broadcast %parallel_loop3A_440 : i32 to vector<16xi32>
      tpu.vector_store_idx %arg8[%parallel_loop3A_441, %parallel_loop3A_375], %parallel_loop3A_402 : memref<16x1024xf32, #tpu.memory_space<vmem>>[vector<16xi32>, vector<16xi32>], vector<16xf32>,
      %parallel_loop3A_442 = arith.constant 9 : i32
      %parallel_loop3A_443 = vector.broadcast %parallel_loop3A_442 : i32 to vector<16xi32>
      tpu.vector_store_idx %arg8[%parallel_loop3A_443, %parallel_loop3A_375], %parallel_loop3A_405 : memref<16x1024xf32, #tpu.memory_space<vmem>>[vector<16xi32>, vector<16xi32>], vector<16xf32>,
      %parallel_loop3A_444 = arith.constant 10 : i32
      %parallel_loop3A_445 = vector.broadcast %parallel_loop3A_444 : i32 to vector<16xi32>
      tpu.vector_store_idx %arg8[%parallel_loop3A_445, %parallel_loop3A_375], %parallel_loop3A_408 : memref<16x1024xf32, #tpu.memory_space<vmem>>[vector<16xi32>, vector<16xi32>], vector<16xf32>,
      %parallel_loop3A_446 = arith.constant 11 : i32
      %parallel_loop3A_447 = vector.broadcast %parallel_loop3A_446 : i32 to vector<16xi32>
      tpu.vector_store_idx %arg8[%parallel_loop3A_447, %parallel_loop3A_375], %parallel_loop3A_411 : memref<16x1024xf32, #tpu.memory_space<vmem>>[vector<16xi32>, vector<16xi32>], vector<16xf32>,
      %parallel_loop3A_448 = arith.constant 12 : i32
      %parallel_loop3A_449 = vector.broadcast %parallel_loop3A_448 : i32 to vector<16xi32>
      tpu.vector_store_idx %arg8[%parallel_loop3A_449, %parallel_loop3A_375], %parallel_loop3A_414 : memref<16x1024xf32, #tpu.memory_space<vmem>>[vector<16xi32>, vector<16xi32>], vector<16xf32>,
      %parallel_loop3A_450 = arith.constant 13 : i32
      %parallel_loop3A_451 = vector.broadcast %parallel_loop3A_450 : i32 to vector<16xi32>
      tpu.vector_store_idx %arg8[%parallel_loop3A_451, %parallel_loop3A_375], %parallel_loop3A_417 : memref<16x1024xf32, #tpu.memory_space<vmem>>[vector<16xi32>, vector<16xi32>], vector<16xf32>,
      %parallel_loop3A_452 = arith.constant 14 : i32
      %parallel_loop3A_453 = vector.broadcast %parallel_loop3A_452 : i32 to vector<16xi32>
      tpu.vector_store_idx %arg8[%parallel_loop3A_453, %parallel_loop3A_375], %parallel_loop3A_420 : memref<16x1024xf32, #tpu.memory_space<vmem>>[vector<16xi32>, vector<16xi32>], vector<16xf32>,
      %parallel_loop3A_454 = arith.constant 15 : i32
      %parallel_loop3A_455 = vector.broadcast %parallel_loop3A_454 : i32 to vector<16xi32>
      tpu.vector_store_idx %arg8[%parallel_loop3A_455, %parallel_loop3A_375], %parallel_loop3A_423 : memref<16x1024xf32, #tpu.memory_space<vmem>>[vector<16xi32>, vector<16xi32>], vector<16xf32>,
    } {sc.loop_unroll_factor = 4 : i64, sc.parallel_access}
    %add3A_153 = arith.constant 96 : i32
    %add3A_154 = arith.addi %mul3A_2, %add3A_153 : i32
    %dma_start3A_155 = arith.constant 0 : i32
    %dma_start3A_156 = tpu.memref_slice %arg4[%add3A_154, %dma_start3A_155] : memref<8192x1024xf32, #tpu.memory_space<hbm>> -> memref<16x1024xf32, #tpu.memory_space<hbm>>
    %dma_start3A_157 = arith.constant 0 : i32
    %dma_start3A_158 = tpu.memref_slice %arg4[%add3A_154, %dma_start3A_157] : memref<8192x1024xf32, #tpu.memory_space<hbm>> -> memref<16x1024xf32, #tpu.memory_space<hbm>>
    tpu.enqueue_dma source(%arg8 : memref<16x1024xf32, #tpu.memory_space<vmem>>) target(%dma_start3A_158 : memref<16x1024xf32, #tpu.memory_space<hbm>>) target_semaphore(%arg12 : memref<!tpu.dma_semaphore, #tpu.memory_space<semaphore_mem>>)
    %add3A_159 = arith.constant 128 : i32
    %add3A_160 = arith.addi %mul3A_2, %add3A_159 : i32
    %dma_start3A_161 = arith.constant 0 : i32
    %dma_start3A_162 = tpu.memref_slice %arg2[%add3A_160, %dma_start3A_161] : memref<8192x1024xf32, #tpu.memory_space<hbm>> -> memref<16x1024xf32, #tpu.memory_space<hbm>>
    %dma_start3A_163 = arith.constant 0 : i32
    %dma_start3A_164 = tpu.memref_slice %arg2[%add3A_160, %dma_start3A_163] : memref<8192x1024xf32, #tpu.memory_space<hbm>> -> memref<16x1024xf32, #tpu.memory_space<hbm>>
    tpu.enqueue_dma source(%dma_start3A_164 : memref<16x1024xf32, #tpu.memory_space<hbm>>) target(%arg6 : memref<16x1024xf32, #tpu.memory_space<vmem>>) target_semaphore(%arg10 : memref<!tpu.dma_semaphore, #tpu.memory_space<semaphore_mem>>)
    %dma_wait3A_165 = arith.constant 0 : i32
    %dma_wait3A_166 = tpu.memref_slice %arg2[%add3A_137, %dma_wait3A_165] : memref<8192x1024xf32, #tpu.memory_space<hbm>> -> memref<16x1024xf32, #tpu.memory_space<hbm>>
    %dma_wait3A_167 = arith.constant 0 : i32
    %dma_wait3A_168 = tpu.memref_slice %arg2[%add3A_137, %dma_wait3A_167] : memref<8192x1024xf32, #tpu.memory_space<hbm>> -> memref<16x1024xf32, #tpu.memory_space<hbm>>
    tpu.wait_dma2 semaphore(%arg11 : memref<!tpu.dma_semaphore, #tpu.memory_space<semaphore_mem>>) src(%dma_wait3A_168 : memref<16x1024xf32, #tpu.memory_space<hbm>>) dst(%arg7 : memref<16x1024xf32, #tpu.memory_space<vmem>>)
    %dma_wait3A_169 = arith.constant 0 : i32
    %dma_wait3A_170 = tpu.memref_slice %arg4[%add3A_131, %dma_wait3A_169] : memref<8192x1024xf32, #tpu.memory_space<hbm>> -> memref<16x1024xf32, #tpu.memory_space<hbm>>
    %dma_wait3A_171 = arith.constant 0 : i32
    %dma_wait3A_172 = tpu.memref_slice %arg4[%add3A_131, %dma_wait3A_171] : memref<8192x1024xf32, #tpu.memory_space<hbm>> -> memref<16x1024xf32, #tpu.memory_space<hbm>>
    tpu.wait_dma2 semaphore(%arg13 : memref<!tpu.dma_semaphore, #tpu.memory_space<semaphore_mem>>) src(%arg9 : memref<16x1024xf32, #tpu.memory_space<vmem>>) dst(%dma_wait3A_172 : memref<16x1024xf32, #tpu.memory_space<hbm>>)
    %parallel_loop3A_173 = arith.constant 0 : i32
    %parallel_loop3A_174 = arith.constant 64 : i32
    %parallel_loop3A_175 = arith.constant 1 : i32
    scf.for %parallel_loop3A_368 = %parallel_loop3A_173 to %parallel_loop3A_174 step %parallel_loop3A_175  : i32 {
      %parallel_loop3A_369 = arith.constant 16 : i32
      %parallel_loop3A_370 = arith.muli %parallel_loop3A_368, %parallel_loop3A_369 : i32
      %parallel_loop3A_371 = arith.index_cast %parallel_loop3A_370 : i32 to index
      %parallel_loop3A_372 = tpu.vector_load %arg5[%parallel_loop3A_371] {strides = array<i32>} : memref<1024xi32, #tpu.memory_space<vmem>>, vector<16xi32>,
      %parallel_loop3A_373 = tpu.iota {dimensions = array<i32: 0>} : vector<16xi32>
      %parallel_loop3A_374 = vector.broadcast %parallel_loop3A_370 : i32 to vector<16xi32>
      %parallel_loop3A_375 = arith.addi %parallel_loop3A_373, %parallel_loop3A_374 : vector<16xi32>
      %parallel_loop3A_376 = arith.constant 0 : i32
      %parallel_loop3A_377 = vector.broadcast %parallel_loop3A_376 : i32 to vector<16xi32>
      %parallel_loop3A_378 = tpu.vector_load_idx %arg7[%parallel_loop3A_377, %parallel_loop3A_372] : memref<16x1024xf32, #tpu.memory_space<vmem>>[vector<16xi32>, vector<16xi32>], vector<16xf32>,
      %parallel_loop3A_379 = arith.constant 1 : i32
      %parallel_loop3A_380 = vector.broadcast %parallel_loop3A_379 : i32 to vector<16xi32>
      %parallel_loop3A_381 = tpu.vector_load_idx %arg7[%parallel_loop3A_380, %parallel_loop3A_372] : memref<16x1024xf32, #tpu.memory_space<vmem>>[vector<16xi32>, vector<16xi32>], vector<16xf32>,
      %parallel_loop3A_382 = arith.constant 2 : i32
      %parallel_loop3A_383 = vector.broadcast %parallel_loop3A_382 : i32 to vector<16xi32>
      %parallel_loop3A_384 = tpu.vector_load_idx %arg7[%parallel_loop3A_383, %parallel_loop3A_372] : memref<16x1024xf32, #tpu.memory_space<vmem>>[vector<16xi32>, vector<16xi32>], vector<16xf32>,
      %parallel_loop3A_385 = arith.constant 3 : i32
      %parallel_loop3A_386 = vector.broadcast %parallel_loop3A_385 : i32 to vector<16xi32>
      %parallel_loop3A_387 = tpu.vector_load_idx %arg7[%parallel_loop3A_386, %parallel_loop3A_372] : memref<16x1024xf32, #tpu.memory_space<vmem>>[vector<16xi32>, vector<16xi32>], vector<16xf32>,
      %parallel_loop3A_388 = arith.constant 4 : i32
      %parallel_loop3A_389 = vector.broadcast %parallel_loop3A_388 : i32 to vector<16xi32>
      %parallel_loop3A_390 = tpu.vector_load_idx %arg7[%parallel_loop3A_389, %parallel_loop3A_372] : memref<16x1024xf32, #tpu.memory_space<vmem>>[vector<16xi32>, vector<16xi32>], vector<16xf32>,
      %parallel_loop3A_391 = arith.constant 5 : i32
      %parallel_loop3A_392 = vector.broadcast %parallel_loop3A_391 : i32 to vector<16xi32>
      %parallel_loop3A_393 = tpu.vector_load_idx %arg7[%parallel_loop3A_392, %parallel_loop3A_372] : memref<16x1024xf32, #tpu.memory_space<vmem>>[vector<16xi32>, vector<16xi32>], vector<16xf32>,
      %parallel_loop3A_394 = arith.constant 6 : i32
      %parallel_loop3A_395 = vector.broadcast %parallel_loop3A_394 : i32 to vector<16xi32>
      %parallel_loop3A_396 = tpu.vector_load_idx %arg7[%parallel_loop3A_395, %parallel_loop3A_372] : memref<16x1024xf32, #tpu.memory_space<vmem>>[vector<16xi32>, vector<16xi32>], vector<16xf32>,
      %parallel_loop3A_397 = arith.constant 7 : i32
      %parallel_loop3A_398 = vector.broadcast %parallel_loop3A_397 : i32 to vector<16xi32>
      %parallel_loop3A_399 = tpu.vector_load_idx %arg7[%parallel_loop3A_398, %parallel_loop3A_372] : memref<16x1024xf32, #tpu.memory_space<vmem>>[vector<16xi32>, vector<16xi32>], vector<16xf32>,
      %parallel_loop3A_400 = arith.constant 8 : i32
      %parallel_loop3A_401 = vector.broadcast %parallel_loop3A_400 : i32 to vector<16xi32>
      %parallel_loop3A_402 = tpu.vector_load_idx %arg7[%parallel_loop3A_401, %parallel_loop3A_372] : memref<16x1024xf32, #tpu.memory_space<vmem>>[vector<16xi32>, vector<16xi32>], vector<16xf32>,
      %parallel_loop3A_403 = arith.constant 9 : i32
      %parallel_loop3A_404 = vector.broadcast %parallel_loop3A_403 : i32 to vector<16xi32>
      %parallel_loop3A_405 = tpu.vector_load_idx %arg7[%parallel_loop3A_404, %parallel_loop3A_372] : memref<16x1024xf32, #tpu.memory_space<vmem>>[vector<16xi32>, vector<16xi32>], vector<16xf32>,
      %parallel_loop3A_406 = arith.constant 10 : i32
      %parallel_loop3A_407 = vector.broadcast %parallel_loop3A_406 : i32 to vector<16xi32>
      %parallel_loop3A_408 = tpu.vector_load_idx %arg7[%parallel_loop3A_407, %parallel_loop3A_372] : memref<16x1024xf32, #tpu.memory_space<vmem>>[vector<16xi32>, vector<16xi32>], vector<16xf32>,
      %parallel_loop3A_409 = arith.constant 11 : i32
      %parallel_loop3A_410 = vector.broadcast %parallel_loop3A_409 : i32 to vector<16xi32>
      %parallel_loop3A_411 = tpu.vector_load_idx %arg7[%parallel_loop3A_410, %parallel_loop3A_372] : memref<16x1024xf32, #tpu.memory_space<vmem>>[vector<16xi32>, vector<16xi32>], vector<16xf32>,
      %parallel_loop3A_412 = arith.constant 12 : i32
      %parallel_loop3A_413 = vector.broadcast %parallel_loop3A_412 : i32 to vector<16xi32>
      %parallel_loop3A_414 = tpu.vector_load_idx %arg7[%parallel_loop3A_413, %parallel_loop3A_372] : memref<16x1024xf32, #tpu.memory_space<vmem>>[vector<16xi32>, vector<16xi32>], vector<16xf32>,
      %parallel_loop3A_415 = arith.constant 13 : i32
      %parallel_loop3A_416 = vector.broadcast %parallel_loop3A_415 : i32 to vector<16xi32>
      %parallel_loop3A_417 = tpu.vector_load_idx %arg7[%parallel_loop3A_416, %parallel_loop3A_372] : memref<16x1024xf32, #tpu.memory_space<vmem>>[vector<16xi32>, vector<16xi32>], vector<16xf32>,
      %parallel_loop3A_418 = arith.constant 14 : i32
      %parallel_loop3A_419 = vector.broadcast %parallel_loop3A_418 : i32 to vector<16xi32>
      %parallel_loop3A_420 = tpu.vector_load_idx %arg7[%parallel_loop3A_419, %parallel_loop3A_372] : memref<16x1024xf32, #tpu.memory_space<vmem>>[vector<16xi32>, vector<16xi32>], vector<16xf32>,
      %parallel_loop3A_421 = arith.constant 15 : i32
      %parallel_loop3A_422 = vector.broadcast %parallel_loop3A_421 : i32 to vector<16xi32>
      %parallel_loop3A_423 = tpu.vector_load_idx %arg7[%parallel_loop3A_422, %parallel_loop3A_372] : memref<16x1024xf32, #tpu.memory_space<vmem>>[vector<16xi32>, vector<16xi32>], vector<16xf32>,
      %parallel_loop3A_424 = arith.constant 0 : i32
      %parallel_loop3A_425 = vector.broadcast %parallel_loop3A_424 : i32 to vector<16xi32>
      tpu.vector_store_idx %arg9[%parallel_loop3A_425, %parallel_loop3A_375], %parallel_loop3A_378 : memref<16x1024xf32, #tpu.memory_space<vmem>>[vector<16xi32>, vector<16xi32>], vector<16xf32>,
      %parallel_loop3A_426 = arith.constant 1 : i32
      %parallel_loop3A_427 = vector.broadcast %parallel_loop3A_426 : i32 to vector<16xi32>
      tpu.vector_store_idx %arg9[%parallel_loop3A_427, %parallel_loop3A_375], %parallel_loop3A_381 : memref<16x1024xf32, #tpu.memory_space<vmem>>[vector<16xi32>, vector<16xi32>], vector<16xf32>,
      %parallel_loop3A_428 = arith.constant 2 : i32
      %parallel_loop3A_429 = vector.broadcast %parallel_loop3A_428 : i32 to vector<16xi32>
      tpu.vector_store_idx %arg9[%parallel_loop3A_429, %parallel_loop3A_375], %parallel_loop3A_384 : memref<16x1024xf32, #tpu.memory_space<vmem>>[vector<16xi32>, vector<16xi32>], vector<16xf32>,
      %parallel_loop3A_430 = arith.constant 3 : i32
      %parallel_loop3A_431 = vector.broadcast %parallel_loop3A_430 : i32 to vector<16xi32>
      tpu.vector_store_idx %arg9[%parallel_loop3A_431, %parallel_loop3A_375], %parallel_loop3A_387 : memref<16x1024xf32, #tpu.memory_space<vmem>>[vector<16xi32>, vector<16xi32>], vector<16xf32>,
      %parallel_loop3A_432 = arith.constant 4 : i32
      %parallel_loop3A_433 = vector.broadcast %parallel_loop3A_432 : i32 to vector<16xi32>
      tpu.vector_store_idx %arg9[%parallel_loop3A_433, %parallel_loop3A_375], %parallel_loop3A_390 : memref<16x1024xf32, #tpu.memory_space<vmem>>[vector<16xi32>, vector<16xi32>], vector<16xf32>,
      %parallel_loop3A_434 = arith.constant 5 : i32
      %parallel_loop3A_435 = vector.broadcast %parallel_loop3A_434 : i32 to vector<16xi32>
      tpu.vector_store_idx %arg9[%parallel_loop3A_435, %parallel_loop3A_375], %parallel_loop3A_393 : memref<16x1024xf32, #tpu.memory_space<vmem>>[vector<16xi32>, vector<16xi32>], vector<16xf32>,
      %parallel_loop3A_436 = arith.constant 6 : i32
      %parallel_loop3A_437 = vector.broadcast %parallel_loop3A_436 : i32 to vector<16xi32>
      tpu.vector_store_idx %arg9[%parallel_loop3A_437, %parallel_loop3A_375], %parallel_loop3A_396 : memref<16x1024xf32, #tpu.memory_space<vmem>>[vector<16xi32>, vector<16xi32>], vector<16xf32>,
      %parallel_loop3A_438 = arith.constant 7 : i32
      %parallel_loop3A_439 = vector.broadcast %parallel_loop3A_438 : i32 to vector<16xi32>
      tpu.vector_store_idx %arg9[%parallel_loop3A_439, %parallel_loop3A_375], %parallel_loop3A_399 : memref<16x1024xf32, #tpu.memory_space<vmem>>[vector<16xi32>, vector<16xi32>], vector<16xf32>,
      %parallel_loop3A_440 = arith.constant 8 : i32
      %parallel_loop3A_441 = vector.broadcast %parallel_loop3A_440 : i32 to vector<16xi32>
      tpu.vector_store_idx %arg9[%parallel_loop3A_441, %parallel_loop3A_375], %parallel_loop3A_402 : memref<16x1024xf32, #tpu.memory_space<vmem>>[vector<16xi32>, vector<16xi32>], vector<16xf32>,
      %parallel_loop3A_442 = arith.constant 9 : i32
      %parallel_loop3A_443 = vector.broadcast %parallel_loop3A_442 : i32 to vector<16xi32>
      tpu.vector_store_idx %arg9[%parallel_loop3A_443, %parallel_loop3A_375], %parallel_loop3A_405 : memref<16x1024xf32, #tpu.memory_space<vmem>>[vector<16xi32>, vector<16xi32>], vector<16xf32>,
      %parallel_loop3A_444 = arith.constant 10 : i32
      %parallel_loop3A_445 = vector.broadcast %parallel_loop3A_444 : i32 to vector<16xi32>
      tpu.vector_store_idx %arg9[%parallel_loop3A_445, %parallel_loop3A_375], %parallel_loop3A_408 : memref<16x1024xf32, #tpu.memory_space<vmem>>[vector<16xi32>, vector<16xi32>], vector<16xf32>,
      %parallel_loop3A_446 = arith.constant 11 : i32
      %parallel_loop3A_447 = vector.broadcast %parallel_loop3A_446 : i32 to vector<16xi32>
      tpu.vector_store_idx %arg9[%parallel_loop3A_447, %parallel_loop3A_375], %parallel_loop3A_411 : memref<16x1024xf32, #tpu.memory_space<vmem>>[vector<16xi32>, vector<16xi32>], vector<16xf32>,
      %parallel_loop3A_448 = arith.constant 12 : i32
      %parallel_loop3A_449 = vector.broadcast %parallel_loop3A_448 : i32 to vector<16xi32>
      tpu.vector_store_idx %arg9[%parallel_loop3A_449, %parallel_loop3A_375], %parallel_loop3A_414 : memref<16x1024xf32, #tpu.memory_space<vmem>>[vector<16xi32>, vector<16xi32>], vector<16xf32>,
      %parallel_loop3A_450 = arith.constant 13 : i32
      %parallel_loop3A_451 = vector.broadcast %parallel_loop3A_450 : i32 to vector<16xi32>
      tpu.vector_store_idx %arg9[%parallel_loop3A_451, %parallel_loop3A_375], %parallel_loop3A_417 : memref<16x1024xf32, #tpu.memory_space<vmem>>[vector<16xi32>, vector<16xi32>], vector<16xf32>,
      %parallel_loop3A_452 = arith.constant 14 : i32
      %parallel_loop3A_453 = vector.broadcast %parallel_loop3A_452 : i32 to vector<16xi32>
      tpu.vector_store_idx %arg9[%parallel_loop3A_453, %parallel_loop3A_375], %parallel_loop3A_420 : memref<16x1024xf32, #tpu.memory_space<vmem>>[vector<16xi32>, vector<16xi32>], vector<16xf32>,
      %parallel_loop3A_454 = arith.constant 15 : i32
      %parallel_loop3A_455 = vector.broadcast %parallel_loop3A_454 : i32 to vector<16xi32>
      tpu.vector_store_idx %arg9[%parallel_loop3A_455, %parallel_loop3A_375], %parallel_loop3A_423 : memref<16x1024xf32, #tpu.memory_space<vmem>>[vector<16xi32>, vector<16xi32>], vector<16xf32>,
    } {sc.loop_unroll_factor = 4 : i64, sc.parallel_access}
    %add3A_176 = arith.constant 112 : i32
    %add3A_177 = arith.addi %mul3A_2, %add3A_176 : i32
    %dma_start3A_178 = arith.constant 0 : i32
    %dma_start3A_179 = tpu.memref_slice %arg4[%add3A_177, %dma_start3A_178] : memref<8192x1024xf32, #tpu.memory_space<hbm>> -> memref<16x1024xf32, #tpu.memory_space<hbm>>
    %dma_start3A_180 = arith.constant 0 : i32
    %dma_start3A_181 = tpu.memref_slice %arg4[%add3A_177, %dma_start3A_180] : memref<8192x1024xf32, #tpu.memory_space<hbm>> -> memref<16x1024xf32, #tpu.memory_space<hbm>>
    tpu.enqueue_dma source(%arg9 : memref<16x1024xf32, #tpu.memory_space<vmem>>) target(%dma_start3A_181 : memref<16x1024xf32, #tpu.memory_space<hbm>>) target_semaphore(%arg13 : memref<!tpu.dma_semaphore, #tpu.memory_space<semaphore_mem>>)
    %add3A_182 = arith.constant 144 : i32
    %add3A_183 = arith.addi %mul3A_2, %add3A_182 : i32
    %dma_start3A_184 = arith.constant 0 : i32
    %dma_start3A_185 = tpu.memref_slice %arg2[%add3A_183, %dma_start3A_184] : memref<8192x1024xf32, #tpu.memory_space<hbm>> -> memref<16x1024xf32, #tpu.memory_space<hbm>>
    %dma_start3A_186 = arith.constant 0 : i32
    %dma_start3A_187 = tpu.memref_slice %arg2[%add3A_183, %dma_start3A_186] : memref<8192x1024xf32, #tpu.memory_space<hbm>> -> memref<16x1024xf32, #tpu.memory_space<hbm>>
    tpu.enqueue_dma source(%dma_start3A_187 : memref<16x1024xf32, #tpu.memory_space<hbm>>) target(%arg7 : memref<16x1024xf32, #tpu.memory_space<vmem>>) target_semaphore(%arg11 : memref<!tpu.dma_semaphore, #tpu.memory_space<semaphore_mem>>)
    %dma_wait3A_188 = arith.constant 0 : i32
    %dma_wait3A_189 = tpu.memref_slice %arg2[%add3A_160, %dma_wait3A_188] : memref<8192x1024xf32, #tpu.memory_space<hbm>> -> memref<16x1024xf32, #tpu.memory_space<hbm>>
    %dma_wait3A_190 = arith.constant 0 : i32
    %dma_wait3A_191 = tpu.memref_slice %arg2[%add3A_160, %dma_wait3A_190] : memref<8192x1024xf32, #tpu.memory_space<hbm>> -> memref<16x1024xf32, #tpu.memory_space<hbm>>
    tpu.wait_dma2 semaphore(%arg10 : memref<!tpu.dma_semaphore, #tpu.memory_space<semaphore_mem>>) src(%dma_wait3A_191 : memref<16x1024xf32, #tpu.memory_space<hbm>>) dst(%arg6 : memref<16x1024xf32, #tpu.memory_space<vmem>>)
    %dma_wait3A_192 = arith.constant 0 : i32
    %dma_wait3A_193 = tpu.memref_slice %arg4[%add3A_154, %dma_wait3A_192] : memref<8192x1024xf32, #tpu.memory_space<hbm>> -> memref<16x1024xf32, #tpu.memory_space<hbm>>
    %dma_wait3A_194 = arith.constant 0 : i32
    %dma_wait3A_195 = tpu.memref_slice %arg4[%add3A_154, %dma_wait3A_194] : memref<8192x1024xf32, #tpu.memory_space<hbm>> -> memref<16x1024xf32, #tpu.memory_space<hbm>>
    tpu.wait_dma2 semaphore(%arg12 : memref<!tpu.dma_semaphore, #tpu.memory_space<semaphore_mem>>) src(%arg8 : memref<16x1024xf32, #tpu.memory_space<vmem>>) dst(%dma_wait3A_195 : memref<16x1024xf32, #tpu.memory_space<hbm>>)
    %parallel_loop3A_196 = arith.constant 0 : i32
    %parallel_loop3A_197 = arith.constant 64 : i32
    %parallel_loop3A_198 = arith.constant 1 : i32
    scf.for %parallel_loop3A_368 = %parallel_loop3A_196 to %parallel_loop3A_197 step %parallel_loop3A_198  : i32 {
      %parallel_loop3A_369 = arith.constant 16 : i32
      %parallel_loop3A_370 = arith.muli %parallel_loop3A_368, %parallel_loop3A_369 : i32
      %parallel_loop3A_371 = arith.index_cast %parallel_loop3A_370 : i32 to index
      %parallel_loop3A_372 = tpu.vector_load %arg5[%parallel_loop3A_371] {strides = array<i32>} : memref<1024xi32, #tpu.memory_space<vmem>>, vector<16xi32>,
      %parallel_loop3A_373 = tpu.iota {dimensions = array<i32: 0>} : vector<16xi32>
      %parallel_loop3A_374 = vector.broadcast %parallel_loop3A_370 : i32 to vector<16xi32>
      %parallel_loop3A_375 = arith.addi %parallel_loop3A_373, %parallel_loop3A_374 : vector<16xi32>
      %parallel_loop3A_376 = arith.constant 0 : i32
      %parallel_loop3A_377 = vector.broadcast %parallel_loop3A_376 : i32 to vector<16xi32>
      %parallel_loop3A_378 = tpu.vector_load_idx %arg6[%parallel_loop3A_377, %parallel_loop3A_372] : memref<16x1024xf32, #tpu.memory_space<vmem>>[vector<16xi32>, vector<16xi32>], vector<16xf32>,
      %parallel_loop3A_379 = arith.constant 1 : i32
      %parallel_loop3A_380 = vector.broadcast %parallel_loop3A_379 : i32 to vector<16xi32>
      %parallel_loop3A_381 = tpu.vector_load_idx %arg6[%parallel_loop3A_380, %parallel_loop3A_372] : memref<16x1024xf32, #tpu.memory_space<vmem>>[vector<16xi32>, vector<16xi32>], vector<16xf32>,
      %parallel_loop3A_382 = arith.constant 2 : i32
      %parallel_loop3A_383 = vector.broadcast %parallel_loop3A_382 : i32 to vector<16xi32>
      %parallel_loop3A_384 = tpu.vector_load_idx %arg6[%parallel_loop3A_383, %parallel_loop3A_372] : memref<16x1024xf32, #tpu.memory_space<vmem>>[vector<16xi32>, vector<16xi32>], vector<16xf32>,
      %parallel_loop3A_385 = arith.constant 3 : i32
      %parallel_loop3A_386 = vector.broadcast %parallel_loop3A_385 : i32 to vector<16xi32>
      %parallel_loop3A_387 = tpu.vector_load_idx %arg6[%parallel_loop3A_386, %parallel_loop3A_372] : memref<16x1024xf32, #tpu.memory_space<vmem>>[vector<16xi32>, vector<16xi32>], vector<16xf32>,
      %parallel_loop3A_388 = arith.constant 4 : i32
      %parallel_loop3A_389 = vector.broadcast %parallel_loop3A_388 : i32 to vector<16xi32>
      %parallel_loop3A_390 = tpu.vector_load_idx %arg6[%parallel_loop3A_389, %parallel_loop3A_372] : memref<16x1024xf32, #tpu.memory_space<vmem>>[vector<16xi32>, vector<16xi32>], vector<16xf32>,
      %parallel_loop3A_391 = arith.constant 5 : i32
      %parallel_loop3A_392 = vector.broadcast %parallel_loop3A_391 : i32 to vector<16xi32>
      %parallel_loop3A_393 = tpu.vector_load_idx %arg6[%parallel_loop3A_392, %parallel_loop3A_372] : memref<16x1024xf32, #tpu.memory_space<vmem>>[vector<16xi32>, vector<16xi32>], vector<16xf32>,
      %parallel_loop3A_394 = arith.constant 6 : i32
      %parallel_loop3A_395 = vector.broadcast %parallel_loop3A_394 : i32 to vector<16xi32>
      %parallel_loop3A_396 = tpu.vector_load_idx %arg6[%parallel_loop3A_395, %parallel_loop3A_372] : memref<16x1024xf32, #tpu.memory_space<vmem>>[vector<16xi32>, vector<16xi32>], vector<16xf32>,
      %parallel_loop3A_397 = arith.constant 7 : i32
      %parallel_loop3A_398 = vector.broadcast %parallel_loop3A_397 : i32 to vector<16xi32>
      %parallel_loop3A_399 = tpu.vector_load_idx %arg6[%parallel_loop3A_398, %parallel_loop3A_372] : memref<16x1024xf32, #tpu.memory_space<vmem>>[vector<16xi32>, vector<16xi32>], vector<16xf32>,
      %parallel_loop3A_400 = arith.constant 8 : i32
      %parallel_loop3A_401 = vector.broadcast %parallel_loop3A_400 : i32 to vector<16xi32>
      %parallel_loop3A_402 = tpu.vector_load_idx %arg6[%parallel_loop3A_401, %parallel_loop3A_372] : memref<16x1024xf32, #tpu.memory_space<vmem>>[vector<16xi32>, vector<16xi32>], vector<16xf32>,
      %parallel_loop3A_403 = arith.constant 9 : i32
      %parallel_loop3A_404 = vector.broadcast %parallel_loop3A_403 : i32 to vector<16xi32>
      %parallel_loop3A_405 = tpu.vector_load_idx %arg6[%parallel_loop3A_404, %parallel_loop3A_372] : memref<16x1024xf32, #tpu.memory_space<vmem>>[vector<16xi32>, vector<16xi32>], vector<16xf32>,
      %parallel_loop3A_406 = arith.constant 10 : i32
      %parallel_loop3A_407 = vector.broadcast %parallel_loop3A_406 : i32 to vector<16xi32>
      %parallel_loop3A_408 = tpu.vector_load_idx %arg6[%parallel_loop3A_407, %parallel_loop3A_372] : memref<16x1024xf32, #tpu.memory_space<vmem>>[vector<16xi32>, vector<16xi32>], vector<16xf32>,
      %parallel_loop3A_409 = arith.constant 11 : i32
      %parallel_loop3A_410 = vector.broadcast %parallel_loop3A_409 : i32 to vector<16xi32>
      %parallel_loop3A_411 = tpu.vector_load_idx %arg6[%parallel_loop3A_410, %parallel_loop3A_372] : memref<16x1024xf32, #tpu.memory_space<vmem>>[vector<16xi32>, vector<16xi32>], vector<16xf32>,
      %parallel_loop3A_412 = arith.constant 12 : i32
      %parallel_loop3A_413 = vector.broadcast %parallel_loop3A_412 : i32 to vector<16xi32>
      %parallel_loop3A_414 = tpu.vector_load_idx %arg6[%parallel_loop3A_413, %parallel_loop3A_372] : memref<16x1024xf32, #tpu.memory_space<vmem>>[vector<16xi32>, vector<16xi32>], vector<16xf32>,
      %parallel_loop3A_415 = arith.constant 13 : i32
      %parallel_loop3A_416 = vector.broadcast %parallel_loop3A_415 : i32 to vector<16xi32>
      %parallel_loop3A_417 = tpu.vector_load_idx %arg6[%parallel_loop3A_416, %parallel_loop3A_372] : memref<16x1024xf32, #tpu.memory_space<vmem>>[vector<16xi32>, vector<16xi32>], vector<16xf32>,
      %parallel_loop3A_418 = arith.constant 14 : i32
      %parallel_loop3A_419 = vector.broadcast %parallel_loop3A_418 : i32 to vector<16xi32>
      %parallel_loop3A_420 = tpu.vector_load_idx %arg6[%parallel_loop3A_419, %parallel_loop3A_372] : memref<16x1024xf32, #tpu.memory_space<vmem>>[vector<16xi32>, vector<16xi32>], vector<16xf32>,
      %parallel_loop3A_421 = arith.constant 15 : i32
      %parallel_loop3A_422 = vector.broadcast %parallel_loop3A_421 : i32 to vector<16xi32>
      %parallel_loop3A_423 = tpu.vector_load_idx %arg6[%parallel_loop3A_422, %parallel_loop3A_372] : memref<16x1024xf32, #tpu.memory_space<vmem>>[vector<16xi32>, vector<16xi32>], vector<16xf32>,
      %parallel_loop3A_424 = arith.constant 0 : i32
      %parallel_loop3A_425 = vector.broadcast %parallel_loop3A_424 : i32 to vector<16xi32>
      tpu.vector_store_idx %arg8[%parallel_loop3A_425, %parallel_loop3A_375], %parallel_loop3A_378 : memref<16x1024xf32, #tpu.memory_space<vmem>>[vector<16xi32>, vector<16xi32>], vector<16xf32>,
      %parallel_loop3A_426 = arith.constant 1 : i32
      %parallel_loop3A_427 = vector.broadcast %parallel_loop3A_426 : i32 to vector<16xi32>
      tpu.vector_store_idx %arg8[%parallel_loop3A_427, %parallel_loop3A_375], %parallel_loop3A_381 : memref<16x1024xf32, #tpu.memory_space<vmem>>[vector<16xi32>, vector<16xi32>], vector<16xf32>,
      %parallel_loop3A_428 = arith.constant 2 : i32
      %parallel_loop3A_429 = vector.broadcast %parallel_loop3A_428 : i32 to vector<16xi32>
      tpu.vector_store_idx %arg8[%parallel_loop3A_429, %parallel_loop3A_375], %parallel_loop3A_384 : memref<16x1024xf32, #tpu.memory_space<vmem>>[vector<16xi32>, vector<16xi32>], vector<16xf32>,
      %parallel_loop3A_430 = arith.constant 3 : i32
      %parallel_loop3A_431 = vector.broadcast %parallel_loop3A_430 : i32 to vector<16xi32>
      tpu.vector_store_idx %arg8[%parallel_loop3A_431, %parallel_loop3A_375], %parallel_loop3A_387 : memref<16x1024xf32, #tpu.memory_space<vmem>>[vector<16xi32>, vector<16xi32>], vector<16xf32>,
      %parallel_loop3A_432 = arith.constant 4 : i32
      %parallel_loop3A_433 = vector.broadcast %parallel_loop3A_432 : i32 to vector<16xi32>
      tpu.vector_store_idx %arg8[%parallel_loop3A_433, %parallel_loop3A_375], %parallel_loop3A_390 : memref<16x1024xf32, #tpu.memory_space<vmem>>[vector<16xi32>, vector<16xi32>], vector<16xf32>,
      %parallel_loop3A_434 = arith.constant 5 : i32
      %parallel_loop3A_435 = vector.broadcast %parallel_loop3A_434 : i32 to vector<16xi32>
      tpu.vector_store_idx %arg8[%parallel_loop3A_435, %parallel_loop3A_375], %parallel_loop3A_393 : memref<16x1024xf32, #tpu.memory_space<vmem>>[vector<16xi32>, vector<16xi32>], vector<16xf32>,
      %parallel_loop3A_436 = arith.constant 6 : i32
      %parallel_loop3A_437 = vector.broadcast %parallel_loop3A_436 : i32 to vector<16xi32>
      tpu.vector_store_idx %arg8[%parallel_loop3A_437, %parallel_loop3A_375], %parallel_loop3A_396 : memref<16x1024xf32, #tpu.memory_space<vmem>>[vector<16xi32>, vector<16xi32>], vector<16xf32>,
      %parallel_loop3A_438 = arith.constant 7 : i32
      %parallel_loop3A_439 = vector.broadcast %parallel_loop3A_438 : i32 to vector<16xi32>
      tpu.vector_store_idx %arg8[%parallel_loop3A_439, %parallel_loop3A_375], %parallel_loop3A_399 : memref<16x1024xf32, #tpu.memory_space<vmem>>[vector<16xi32>, vector<16xi32>], vector<16xf32>,
      %parallel_loop3A_440 = arith.constant 8 : i32
      %parallel_loop3A_441 = vector.broadcast %parallel_loop3A_440 : i32 to vector<16xi32>
      tpu.vector_store_idx %arg8[%parallel_loop3A_441, %parallel_loop3A_375], %parallel_loop3A_402 : memref<16x1024xf32, #tpu.memory_space<vmem>>[vector<16xi32>, vector<16xi32>], vector<16xf32>,
      %parallel_loop3A_442 = arith.constant 9 : i32
      %parallel_loop3A_443 = vector.broadcast %parallel_loop3A_442 : i32 to vector<16xi32>
      tpu.vector_store_idx %arg8[%parallel_loop3A_443, %parallel_loop3A_375], %parallel_loop3A_405 : memref<16x1024xf32, #tpu.memory_space<vmem>>[vector<16xi32>, vector<16xi32>], vector<16xf32>,
      %parallel_loop3A_444 = arith.constant 10 : i32
      %parallel_loop3A_445 = vector.broadcast %parallel_loop3A_444 : i32 to vector<16xi32>
      tpu.vector_store_idx %arg8[%parallel_loop3A_445, %parallel_loop3A_375], %parallel_loop3A_408 : memref<16x1024xf32, #tpu.memory_space<vmem>>[vector<16xi32>, vector<16xi32>], vector<16xf32>,
      %parallel_loop3A_446 = arith.constant 11 : i32
      %parallel_loop3A_447 = vector.broadcast %parallel_loop3A_446 : i32 to vector<16xi32>
      tpu.vector_store_idx %arg8[%parallel_loop3A_447, %parallel_loop3A_375], %parallel_loop3A_411 : memref<16x1024xf32, #tpu.memory_space<vmem>>[vector<16xi32>, vector<16xi32>], vector<16xf32>,
      %parallel_loop3A_448 = arith.constant 12 : i32
      %parallel_loop3A_449 = vector.broadcast %parallel_loop3A_448 : i32 to vector<16xi32>
      tpu.vector_store_idx %arg8[%parallel_loop3A_449, %parallel_loop3A_375], %parallel_loop3A_414 : memref<16x1024xf32, #tpu.memory_space<vmem>>[vector<16xi32>, vector<16xi32>], vector<16xf32>,
      %parallel_loop3A_450 = arith.constant 13 : i32
      %parallel_loop3A_451 = vector.broadcast %parallel_loop3A_450 : i32 to vector<16xi32>
      tpu.vector_store_idx %arg8[%parallel_loop3A_451, %parallel_loop3A_375], %parallel_loop3A_417 : memref<16x1024xf32, #tpu.memory_space<vmem>>[vector<16xi32>, vector<16xi32>], vector<16xf32>,
      %parallel_loop3A_452 = arith.constant 14 : i32
      %parallel_loop3A_453 = vector.broadcast %parallel_loop3A_452 : i32 to vector<16xi32>
      tpu.vector_store_idx %arg8[%parallel_loop3A_453, %parallel_loop3A_375], %parallel_loop3A_420 : memref<16x1024xf32, #tpu.memory_space<vmem>>[vector<16xi32>, vector<16xi32>], vector<16xf32>,
      %parallel_loop3A_454 = arith.constant 15 : i32
      %parallel_loop3A_455 = vector.broadcast %parallel_loop3A_454 : i32 to vector<16xi32>
      tpu.vector_store_idx %arg8[%parallel_loop3A_455, %parallel_loop3A_375], %parallel_loop3A_423 : memref<16x1024xf32, #tpu.memory_space<vmem>>[vector<16xi32>, vector<16xi32>], vector<16xf32>,
    } {sc.loop_unroll_factor = 4 : i64, sc.parallel_access}
    %add3A_199 = arith.constant 128 : i32
    %add3A_200 = arith.addi %mul3A_2, %add3A_199 : i32
    %dma_start3A_201 = arith.constant 0 : i32
    %dma_start3A_202 = tpu.memref_slice %arg4[%add3A_200, %dma_start3A_201] : memref<8192x1024xf32, #tpu.memory_space<hbm>> -> memref<16x1024xf32, #tpu.memory_space<hbm>>
    %dma_start3A_203 = arith.constant 0 : i32
    %dma_start3A_204 = tpu.memref_slice %arg4[%add3A_200, %dma_start3A_203] : memref<8192x1024xf32, #tpu.memory_space<hbm>> -> memref<16x1024xf32, #tpu.memory_space<hbm>>
    tpu.enqueue_dma source(%arg8 : memref<16x1024xf32, #tpu.memory_space<vmem>>) target(%dma_start3A_204 : memref<16x1024xf32, #tpu.memory_space<hbm>>) target_semaphore(%arg12 : memref<!tpu.dma_semaphore, #tpu.memory_space<semaphore_mem>>)
    %add3A_205 = arith.constant 160 : i32
    %add3A_206 = arith.addi %mul3A_2, %add3A_205 : i32
    %dma_start3A_207 = arith.constant 0 : i32
    %dma_start3A_208 = tpu.memref_slice %arg2[%add3A_206, %dma_start3A_207] : memref<8192x1024xf32, #tpu.memory_space<hbm>> -> memref<16x1024xf32, #tpu.memory_space<hbm>>
    %dma_start3A_209 = arith.constant 0 : i32
    %dma_start3A_210 = tpu.memref_slice %arg2[%add3A_206, %dma_start3A_209] : memref<8192x1024xf32, #tpu.memory_space<hbm>> -> memref<16x1024xf32, #tpu.memory_space<hbm>>
    tpu.enqueue_dma source(%dma_start3A_210 : memref<16x1024xf32, #tpu.memory_space<hbm>>) target(%arg6 : memref<16x1024xf32, #tpu.memory_space<vmem>>) target_semaphore(%arg10 : memref<!tpu.dma_semaphore, #tpu.memory_space<semaphore_mem>>)
    %dma_wait3A_211 = arith.constant 0 : i32
    %dma_wait3A_212 = tpu.memref_slice %arg2[%add3A_183, %dma_wait3A_211] : memref<8192x1024xf32, #tpu.memory_space<hbm>> -> memref<16x1024xf32, #tpu.memory_space<hbm>>
    %dma_wait3A_213 = arith.constant 0 : i32
    %dma_wait3A_214 = tpu.memref_slice %arg2[%add3A_183, %dma_wait3A_213] : memref<8192x1024xf32, #tpu.memory_space<hbm>> -> memref<16x1024xf32, #tpu.memory_space<hbm>>
    tpu.wait_dma2 semaphore(%arg11 : memref<!tpu.dma_semaphore, #tpu.memory_space<semaphore_mem>>) src(%dma_wait3A_214 : memref<16x1024xf32, #tpu.memory_space<hbm>>) dst(%arg7 : memref<16x1024xf32, #tpu.memory_space<vmem>>)
    %dma_wait3A_215 = arith.constant 0 : i32
    %dma_wait3A_216 = tpu.memref_slice %arg4[%add3A_177, %dma_wait3A_215] : memref<8192x1024xf32, #tpu.memory_space<hbm>> -> memref<16x1024xf32, #tpu.memory_space<hbm>>
    %dma_wait3A_217 = arith.constant 0 : i32
    %dma_wait3A_218 = tpu.memref_slice %arg4[%add3A_177, %dma_wait3A_217] : memref<8192x1024xf32, #tpu.memory_space<hbm>> -> memref<16x1024xf32, #tpu.memory_space<hbm>>
    tpu.wait_dma2 semaphore(%arg13 : memref<!tpu.dma_semaphore, #tpu.memory_space<semaphore_mem>>) src(%arg9 : memref<16x1024xf32, #tpu.memory_space<vmem>>) dst(%dma_wait3A_218 : memref<16x1024xf32, #tpu.memory_space<hbm>>)
    %parallel_loop3A_219 = arith.constant 0 : i32
    %parallel_loop3A_220 = arith.constant 64 : i32
    %parallel_loop3A_221 = arith.constant 1 : i32
    scf.for %parallel_loop3A_368 = %parallel_loop3A_219 to %parallel_loop3A_220 step %parallel_loop3A_221  : i32 {
      %parallel_loop3A_369 = arith.constant 16 : i32
      %parallel_loop3A_370 = arith.muli %parallel_loop3A_368, %parallel_loop3A_369 : i32
      %parallel_loop3A_371 = arith.index_cast %parallel_loop3A_370 : i32 to index
      %parallel_loop3A_372 = tpu.vector_load %arg5[%parallel_loop3A_371] {strides = array<i32>} : memref<1024xi32, #tpu.memory_space<vmem>>, vector<16xi32>,
      %parallel_loop3A_373 = tpu.iota {dimensions = array<i32: 0>} : vector<16xi32>
      %parallel_loop3A_374 = vector.broadcast %parallel_loop3A_370 : i32 to vector<16xi32>
      %parallel_loop3A_375 = arith.addi %parallel_loop3A_373, %parallel_loop3A_374 : vector<16xi32>
      %parallel_loop3A_376 = arith.constant 0 : i32
      %parallel_loop3A_377 = vector.broadcast %parallel_loop3A_376 : i32 to vector<16xi32>
      %parallel_loop3A_378 = tpu.vector_load_idx %arg7[%parallel_loop3A_377, %parallel_loop3A_372] : memref<16x1024xf32, #tpu.memory_space<vmem>>[vector<16xi32>, vector<16xi32>], vector<16xf32>,
      %parallel_loop3A_379 = arith.constant 1 : i32
      %parallel_loop3A_380 = vector.broadcast %parallel_loop3A_379 : i32 to vector<16xi32>
      %parallel_loop3A_381 = tpu.vector_load_idx %arg7[%parallel_loop3A_380, %parallel_loop3A_372] : memref<16x1024xf32, #tpu.memory_space<vmem>>[vector<16xi32>, vector<16xi32>], vector<16xf32>,
      %parallel_loop3A_382 = arith.constant 2 : i32
      %parallel_loop3A_383 = vector.broadcast %parallel_loop3A_382 : i32 to vector<16xi32>
      %parallel_loop3A_384 = tpu.vector_load_idx %arg7[%parallel_loop3A_383, %parallel_loop3A_372] : memref<16x1024xf32, #tpu.memory_space<vmem>>[vector<16xi32>, vector<16xi32>], vector<16xf32>,
      %parallel_loop3A_385 = arith.constant 3 : i32
      %parallel_loop3A_386 = vector.broadcast %parallel_loop3A_385 : i32 to vector<16xi32>
      %parallel_loop3A_387 = tpu.vector_load_idx %arg7[%parallel_loop3A_386, %parallel_loop3A_372] : memref<16x1024xf32, #tpu.memory_space<vmem>>[vector<16xi32>, vector<16xi32>], vector<16xf32>,
      %parallel_loop3A_388 = arith.constant 4 : i32
      %parallel_loop3A_389 = vector.broadcast %parallel_loop3A_388 : i32 to vector<16xi32>
      %parallel_loop3A_390 = tpu.vector_load_idx %arg7[%parallel_loop3A_389, %parallel_loop3A_372] : memref<16x1024xf32, #tpu.memory_space<vmem>>[vector<16xi32>, vector<16xi32>], vector<16xf32>,
      %parallel_loop3A_391 = arith.constant 5 : i32
      %parallel_loop3A_392 = vector.broadcast %parallel_loop3A_391 : i32 to vector<16xi32>
      %parallel_loop3A_393 = tpu.vector_load_idx %arg7[%parallel_loop3A_392, %parallel_loop3A_372] : memref<16x1024xf32, #tpu.memory_space<vmem>>[vector<16xi32>, vector<16xi32>], vector<16xf32>,
      %parallel_loop3A_394 = arith.constant 6 : i32
      %parallel_loop3A_395 = vector.broadcast %parallel_loop3A_394 : i32 to vector<16xi32>
      %parallel_loop3A_396 = tpu.vector_load_idx %arg7[%parallel_loop3A_395, %parallel_loop3A_372] : memref<16x1024xf32, #tpu.memory_space<vmem>>[vector<16xi32>, vector<16xi32>], vector<16xf32>,
      %parallel_loop3A_397 = arith.constant 7 : i32
      %parallel_loop3A_398 = vector.broadcast %parallel_loop3A_397 : i32 to vector<16xi32>
      %parallel_loop3A_399 = tpu.vector_load_idx %arg7[%parallel_loop3A_398, %parallel_loop3A_372] : memref<16x1024xf32, #tpu.memory_space<vmem>>[vector<16xi32>, vector<16xi32>], vector<16xf32>,
      %parallel_loop3A_400 = arith.constant 8 : i32
      %parallel_loop3A_401 = vector.broadcast %parallel_loop3A_400 : i32 to vector<16xi32>
      %parallel_loop3A_402 = tpu.vector_load_idx %arg7[%parallel_loop3A_401, %parallel_loop3A_372] : memref<16x1024xf32, #tpu.memory_space<vmem>>[vector<16xi32>, vector<16xi32>], vector<16xf32>,
      %parallel_loop3A_403 = arith.constant 9 : i32
      %parallel_loop3A_404 = vector.broadcast %parallel_loop3A_403 : i32 to vector<16xi32>
      %parallel_loop3A_405 = tpu.vector_load_idx %arg7[%parallel_loop3A_404, %parallel_loop3A_372] : memref<16x1024xf32, #tpu.memory_space<vmem>>[vector<16xi32>, vector<16xi32>], vector<16xf32>,
      %parallel_loop3A_406 = arith.constant 10 : i32
      %parallel_loop3A_407 = vector.broadcast %parallel_loop3A_406 : i32 to vector<16xi32>
      %parallel_loop3A_408 = tpu.vector_load_idx %arg7[%parallel_loop3A_407, %parallel_loop3A_372] : memref<16x1024xf32, #tpu.memory_space<vmem>>[vector<16xi32>, vector<16xi32>], vector<16xf32>,
      %parallel_loop3A_409 = arith.constant 11 : i32
      %parallel_loop3A_410 = vector.broadcast %parallel_loop3A_409 : i32 to vector<16xi32>
      %parallel_loop3A_411 = tpu.vector_load_idx %arg7[%parallel_loop3A_410, %parallel_loop3A_372] : memref<16x1024xf32, #tpu.memory_space<vmem>>[vector<16xi32>, vector<16xi32>], vector<16xf32>,
      %parallel_loop3A_412 = arith.constant 12 : i32
      %parallel_loop3A_413 = vector.broadcast %parallel_loop3A_412 : i32 to vector<16xi32>
      %parallel_loop3A_414 = tpu.vector_load_idx %arg7[%parallel_loop3A_413, %parallel_loop3A_372] : memref<16x1024xf32, #tpu.memory_space<vmem>>[vector<16xi32>, vector<16xi32>], vector<16xf32>,
      %parallel_loop3A_415 = arith.constant 13 : i32
      %parallel_loop3A_416 = vector.broadcast %parallel_loop3A_415 : i32 to vector<16xi32>
      %parallel_loop3A_417 = tpu.vector_load_idx %arg7[%parallel_loop3A_416, %parallel_loop3A_372] : memref<16x1024xf32, #tpu.memory_space<vmem>>[vector<16xi32>, vector<16xi32>], vector<16xf32>,
      %parallel_loop3A_418 = arith.constant 14 : i32
      %parallel_loop3A_419 = vector.broadcast %parallel_loop3A_418 : i32 to vector<16xi32>
      %parallel_loop3A_420 = tpu.vector_load_idx %arg7[%parallel_loop3A_419, %parallel_loop3A_372] : memref<16x1024xf32, #tpu.memory_space<vmem>>[vector<16xi32>, vector<16xi32>], vector<16xf32>,
      %parallel_loop3A_421 = arith.constant 15 : i32
      %parallel_loop3A_422 = vector.broadcast %parallel_loop3A_421 : i32 to vector<16xi32>
      %parallel_loop3A_423 = tpu.vector_load_idx %arg7[%parallel_loop3A_422, %parallel_loop3A_372] : memref<16x1024xf32, #tpu.memory_space<vmem>>[vector<16xi32>, vector<16xi32>], vector<16xf32>,
      %parallel_loop3A_424 = arith.constant 0 : i32
      %parallel_loop3A_425 = vector.broadcast %parallel_loop3A_424 : i32 to vector<16xi32>
      tpu.vector_store_idx %arg9[%parallel_loop3A_425, %parallel_loop3A_375], %parallel_loop3A_378 : memref<16x1024xf32, #tpu.memory_space<vmem>>[vector<16xi32>, vector<16xi32>], vector<16xf32>,
      %parallel_loop3A_426 = arith.constant 1 : i32
      %parallel_loop3A_427 = vector.broadcast %parallel_loop3A_426 : i32 to vector<16xi32>
      tpu.vector_store_idx %arg9[%parallel_loop3A_427, %parallel_loop3A_375], %parallel_loop3A_381 : memref<16x1024xf32, #tpu.memory_space<vmem>>[vector<16xi32>, vector<16xi32>], vector<16xf32>,
      %parallel_loop3A_428 = arith.constant 2 : i32
      %parallel_loop3A_429 = vector.broadcast %parallel_loop3A_428 : i32 to vector<16xi32>
      tpu.vector_store_idx %arg9[%parallel_loop3A_429, %parallel_loop3A_375], %parallel_loop3A_384 : memref<16x1024xf32, #tpu.memory_space<vmem>>[vector<16xi32>, vector<16xi32>], vector<16xf32>,
      %parallel_loop3A_430 = arith.constant 3 : i32
      %parallel_loop3A_431 = vector.broadcast %parallel_loop3A_430 : i32 to vector<16xi32>
      tpu.vector_store_idx %arg9[%parallel_loop3A_431, %parallel_loop3A_375], %parallel_loop3A_387 : memref<16x1024xf32, #tpu.memory_space<vmem>>[vector<16xi32>, vector<16xi32>], vector<16xf32>,
      %parallel_loop3A_432 = arith.constant 4 : i32
      %parallel_loop3A_433 = vector.broadcast %parallel_loop3A_432 : i32 to vector<16xi32>
      tpu.vector_store_idx %arg9[%parallel_loop3A_433, %parallel_loop3A_375], %parallel_loop3A_390 : memref<16x1024xf32, #tpu.memory_space<vmem>>[vector<16xi32>, vector<16xi32>], vector<16xf32>,
      %parallel_loop3A_434 = arith.constant 5 : i32
      %parallel_loop3A_435 = vector.broadcast %parallel_loop3A_434 : i32 to vector<16xi32>
      tpu.vector_store_idx %arg9[%parallel_loop3A_435, %parallel_loop3A_375], %parallel_loop3A_393 : memref<16x1024xf32, #tpu.memory_space<vmem>>[vector<16xi32>, vector<16xi32>], vector<16xf32>,
      %parallel_loop3A_436 = arith.constant 6 : i32
      %parallel_loop3A_437 = vector.broadcast %parallel_loop3A_436 : i32 to vector<16xi32>
      tpu.vector_store_idx %arg9[%parallel_loop3A_437, %parallel_loop3A_375], %parallel_loop3A_396 : memref<16x1024xf32, #tpu.memory_space<vmem>>[vector<16xi32>, vector<16xi32>], vector<16xf32>,
      %parallel_loop3A_438 = arith.constant 7 : i32
      %parallel_loop3A_439 = vector.broadcast %parallel_loop3A_438 : i32 to vector<16xi32>
      tpu.vector_store_idx %arg9[%parallel_loop3A_439, %parallel_loop3A_375], %parallel_loop3A_399 : memref<16x1024xf32, #tpu.memory_space<vmem>>[vector<16xi32>, vector<16xi32>], vector<16xf32>,
      %parallel_loop3A_440 = arith.constant 8 : i32
      %parallel_loop3A_441 = vector.broadcast %parallel_loop3A_440 : i32 to vector<16xi32>
      tpu.vector_store_idx %arg9[%parallel_loop3A_441, %parallel_loop3A_375], %parallel_loop3A_402 : memref<16x1024xf32, #tpu.memory_space<vmem>>[vector<16xi32>, vector<16xi32>], vector<16xf32>,
      %parallel_loop3A_442 = arith.constant 9 : i32
      %parallel_loop3A_443 = vector.broadcast %parallel_loop3A_442 : i32 to vector<16xi32>
      tpu.vector_store_idx %arg9[%parallel_loop3A_443, %parallel_loop3A_375], %parallel_loop3A_405 : memref<16x1024xf32, #tpu.memory_space<vmem>>[vector<16xi32>, vector<16xi32>], vector<16xf32>,
      %parallel_loop3A_444 = arith.constant 10 : i32
      %parallel_loop3A_445 = vector.broadcast %parallel_loop3A_444 : i32 to vector<16xi32>
      tpu.vector_store_idx %arg9[%parallel_loop3A_445, %parallel_loop3A_375], %parallel_loop3A_408 : memref<16x1024xf32, #tpu.memory_space<vmem>>[vector<16xi32>, vector<16xi32>], vector<16xf32>,
      %parallel_loop3A_446 = arith.constant 11 : i32
      %parallel_loop3A_447 = vector.broadcast %parallel_loop3A_446 : i32 to vector<16xi32>
      tpu.vector_store_idx %arg9[%parallel_loop3A_447, %parallel_loop3A_375], %parallel_loop3A_411 : memref<16x1024xf32, #tpu.memory_space<vmem>>[vector<16xi32>, vector<16xi32>], vector<16xf32>,
      %parallel_loop3A_448 = arith.constant 12 : i32
      %parallel_loop3A_449 = vector.broadcast %parallel_loop3A_448 : i32 to vector<16xi32>
      tpu.vector_store_idx %arg9[%parallel_loop3A_449, %parallel_loop3A_375], %parallel_loop3A_414 : memref<16x1024xf32, #tpu.memory_space<vmem>>[vector<16xi32>, vector<16xi32>], vector<16xf32>,
      %parallel_loop3A_450 = arith.constant 13 : i32
      %parallel_loop3A_451 = vector.broadcast %parallel_loop3A_450 : i32 to vector<16xi32>
      tpu.vector_store_idx %arg9[%parallel_loop3A_451, %parallel_loop3A_375], %parallel_loop3A_417 : memref<16x1024xf32, #tpu.memory_space<vmem>>[vector<16xi32>, vector<16xi32>], vector<16xf32>,
      %parallel_loop3A_452 = arith.constant 14 : i32
      %parallel_loop3A_453 = vector.broadcast %parallel_loop3A_452 : i32 to vector<16xi32>
      tpu.vector_store_idx %arg9[%parallel_loop3A_453, %parallel_loop3A_375], %parallel_loop3A_420 : memref<16x1024xf32, #tpu.memory_space<vmem>>[vector<16xi32>, vector<16xi32>], vector<16xf32>,
      %parallel_loop3A_454 = arith.constant 15 : i32
      %parallel_loop3A_455 = vector.broadcast %parallel_loop3A_454 : i32 to vector<16xi32>
      tpu.vector_store_idx %arg9[%parallel_loop3A_455, %parallel_loop3A_375], %parallel_loop3A_423 : memref<16x1024xf32, #tpu.memory_space<vmem>>[vector<16xi32>, vector<16xi32>], vector<16xf32>,
    } {sc.loop_unroll_factor = 4 : i64, sc.parallel_access}
    %add3A_222 = arith.constant 144 : i32
    %add3A_223 = arith.addi %mul3A_2, %add3A_222 : i32
    %dma_start3A_224 = arith.constant 0 : i32
    %dma_start3A_225 = tpu.memref_slice %arg4[%add3A_223, %dma_start3A_224] : memref<8192x1024xf32, #tpu.memory_space<hbm>> -> memref<16x1024xf32, #tpu.memory_space<hbm>>
    %dma_start3A_226 = arith.constant 0 : i32
    %dma_start3A_227 = tpu.memref_slice %arg4[%add3A_223, %dma_start3A_226] : memref<8192x1024xf32, #tpu.memory_space<hbm>> -> memref<16x1024xf32, #tpu.memory_space<hbm>>
    tpu.enqueue_dma source(%arg9 : memref<16x1024xf32, #tpu.memory_space<vmem>>) target(%dma_start3A_227 : memref<16x1024xf32, #tpu.memory_space<hbm>>) target_semaphore(%arg13 : memref<!tpu.dma_semaphore, #tpu.memory_space<semaphore_mem>>)
    %add3A_228 = arith.constant 176 : i32
    %add3A_229 = arith.addi %mul3A_2, %add3A_228 : i32
    %dma_start3A_230 = arith.constant 0 : i32
    %dma_start3A_231 = tpu.memref_slice %arg2[%add3A_229, %dma_start3A_230] : memref<8192x1024xf32, #tpu.memory_space<hbm>> -> memref<16x1024xf32, #tpu.memory_space<hbm>>
    %dma_start3A_232 = arith.constant 0 : i32
    %dma_start3A_233 = tpu.memref_slice %arg2[%add3A_229, %dma_start3A_232] : memref<8192x1024xf32, #tpu.memory_space<hbm>> -> memref<16x1024xf32, #tpu.memory_space<hbm>>
    tpu.enqueue_dma source(%dma_start3A_233 : memref<16x1024xf32, #tpu.memory_space<hbm>>) target(%arg7 : memref<16x1024xf32, #tpu.memory_space<vmem>>) target_semaphore(%arg11 : memref<!tpu.dma_semaphore, #tpu.memory_space<semaphore_mem>>)
    %dma_wait3A_234 = arith.constant 0 : i32
    %dma_wait3A_235 = tpu.memref_slice %arg2[%add3A_206, %dma_wait3A_234] : memref<8192x1024xf32, #tpu.memory_space<hbm>> -> memref<16x1024xf32, #tpu.memory_space<hbm>>
    %dma_wait3A_236 = arith.constant 0 : i32
    %dma_wait3A_237 = tpu.memref_slice %arg2[%add3A_206, %dma_wait3A_236] : memref<8192x1024xf32, #tpu.memory_space<hbm>> -> memref<16x1024xf32, #tpu.memory_space<hbm>>
    tpu.wait_dma2 semaphore(%arg10 : memref<!tpu.dma_semaphore, #tpu.memory_space<semaphore_mem>>) src(%dma_wait3A_237 : memref<16x1024xf32, #tpu.memory_space<hbm>>) dst(%arg6 : memref<16x1024xf32, #tpu.memory_space<vmem>>)
    %dma_wait3A_238 = arith.constant 0 : i32
    %dma_wait3A_239 = tpu.memref_slice %arg4[%add3A_200, %dma_wait3A_238] : memref<8192x1024xf32, #tpu.memory_space<hbm>> -> memref<16x1024xf32, #tpu.memory_space<hbm>>
    %dma_wait3A_240 = arith.constant 0 : i32
    %dma_wait3A_241 = tpu.memref_slice %arg4[%add3A_200, %dma_wait3A_240] : memref<8192x1024xf32, #tpu.memory_space<hbm>> -> memref<16x1024xf32, #tpu.memory_space<hbm>>
    tpu.wait_dma2 semaphore(%arg12 : memref<!tpu.dma_semaphore, #tpu.memory_space<semaphore_mem>>) src(%arg8 : memref<16x1024xf32, #tpu.memory_space<vmem>>) dst(%dma_wait3A_241 : memref<16x1024xf32, #tpu.memory_space<hbm>>)
    %parallel_loop3A_242 = arith.constant 0 : i32
    %parallel_loop3A_243 = arith.constant 64 : i32
    %parallel_loop3A_244 = arith.constant 1 : i32
    scf.for %parallel_loop3A_368 = %parallel_loop3A_242 to %parallel_loop3A_243 step %parallel_loop3A_244  : i32 {
      %parallel_loop3A_369 = arith.constant 16 : i32
      %parallel_loop3A_370 = arith.muli %parallel_loop3A_368, %parallel_loop3A_369 : i32
      %parallel_loop3A_371 = arith.index_cast %parallel_loop3A_370 : i32 to index
      %parallel_loop3A_372 = tpu.vector_load %arg5[%parallel_loop3A_371] {strides = array<i32>} : memref<1024xi32, #tpu.memory_space<vmem>>, vector<16xi32>,
      %parallel_loop3A_373 = tpu.iota {dimensions = array<i32: 0>} : vector<16xi32>
      %parallel_loop3A_374 = vector.broadcast %parallel_loop3A_370 : i32 to vector<16xi32>
      %parallel_loop3A_375 = arith.addi %parallel_loop3A_373, %parallel_loop3A_374 : vector<16xi32>
      %parallel_loop3A_376 = arith.constant 0 : i32
      %parallel_loop3A_377 = vector.broadcast %parallel_loop3A_376 : i32 to vector<16xi32>
      %parallel_loop3A_378 = tpu.vector_load_idx %arg6[%parallel_loop3A_377, %parallel_loop3A_372] : memref<16x1024xf32, #tpu.memory_space<vmem>>[vector<16xi32>, vector<16xi32>], vector<16xf32>,
      %parallel_loop3A_379 = arith.constant 1 : i32
      %parallel_loop3A_380 = vector.broadcast %parallel_loop3A_379 : i32 to vector<16xi32>
      %parallel_loop3A_381 = tpu.vector_load_idx %arg6[%parallel_loop3A_380, %parallel_loop3A_372] : memref<16x1024xf32, #tpu.memory_space<vmem>>[vector<16xi32>, vector<16xi32>], vector<16xf32>,
      %parallel_loop3A_382 = arith.constant 2 : i32
      %parallel_loop3A_383 = vector.broadcast %parallel_loop3A_382 : i32 to vector<16xi32>
      %parallel_loop3A_384 = tpu.vector_load_idx %arg6[%parallel_loop3A_383, %parallel_loop3A_372] : memref<16x1024xf32, #tpu.memory_space<vmem>>[vector<16xi32>, vector<16xi32>], vector<16xf32>,
      %parallel_loop3A_385 = arith.constant 3 : i32
      %parallel_loop3A_386 = vector.broadcast %parallel_loop3A_385 : i32 to vector<16xi32>
      %parallel_loop3A_387 = tpu.vector_load_idx %arg6[%parallel_loop3A_386, %parallel_loop3A_372] : memref<16x1024xf32, #tpu.memory_space<vmem>>[vector<16xi32>, vector<16xi32>], vector<16xf32>,
      %parallel_loop3A_388 = arith.constant 4 : i32
      %parallel_loop3A_389 = vector.broadcast %parallel_loop3A_388 : i32 to vector<16xi32>
      %parallel_loop3A_390 = tpu.vector_load_idx %arg6[%parallel_loop3A_389, %parallel_loop3A_372] : memref<16x1024xf32, #tpu.memory_space<vmem>>[vector<16xi32>, vector<16xi32>], vector<16xf32>,
      %parallel_loop3A_391 = arith.constant 5 : i32
      %parallel_loop3A_392 = vector.broadcast %parallel_loop3A_391 : i32 to vector<16xi32>
      %parallel_loop3A_393 = tpu.vector_load_idx %arg6[%parallel_loop3A_392, %parallel_loop3A_372] : memref<16x1024xf32, #tpu.memory_space<vmem>>[vector<16xi32>, vector<16xi32>], vector<16xf32>,
      %parallel_loop3A_394 = arith.constant 6 : i32
      %parallel_loop3A_395 = vector.broadcast %parallel_loop3A_394 : i32 to vector<16xi32>
      %parallel_loop3A_396 = tpu.vector_load_idx %arg6[%parallel_loop3A_395, %parallel_loop3A_372] : memref<16x1024xf32, #tpu.memory_space<vmem>>[vector<16xi32>, vector<16xi32>], vector<16xf32>,
      %parallel_loop3A_397 = arith.constant 7 : i32
      %parallel_loop3A_398 = vector.broadcast %parallel_loop3A_397 : i32 to vector<16xi32>
      %parallel_loop3A_399 = tpu.vector_load_idx %arg6[%parallel_loop3A_398, %parallel_loop3A_372] : memref<16x1024xf32, #tpu.memory_space<vmem>>[vector<16xi32>, vector<16xi32>], vector<16xf32>,
      %parallel_loop3A_400 = arith.constant 8 : i32
      %parallel_loop3A_401 = vector.broadcast %parallel_loop3A_400 : i32 to vector<16xi32>
      %parallel_loop3A_402 = tpu.vector_load_idx %arg6[%parallel_loop3A_401, %parallel_loop3A_372] : memref<16x1024xf32, #tpu.memory_space<vmem>>[vector<16xi32>, vector<16xi32>], vector<16xf32>,
      %parallel_loop3A_403 = arith.constant 9 : i32
      %parallel_loop3A_404 = vector.broadcast %parallel_loop3A_403 : i32 to vector<16xi32>
      %parallel_loop3A_405 = tpu.vector_load_idx %arg6[%parallel_loop3A_404, %parallel_loop3A_372] : memref<16x1024xf32, #tpu.memory_space<vmem>>[vector<16xi32>, vector<16xi32>], vector<16xf32>,
      %parallel_loop3A_406 = arith.constant 10 : i32
      %parallel_loop3A_407 = vector.broadcast %parallel_loop3A_406 : i32 to vector<16xi32>
      %parallel_loop3A_408 = tpu.vector_load_idx %arg6[%parallel_loop3A_407, %parallel_loop3A_372] : memref<16x1024xf32, #tpu.memory_space<vmem>>[vector<16xi32>, vector<16xi32>], vector<16xf32>,
      %parallel_loop3A_409 = arith.constant 11 : i32
      %parallel_loop3A_410 = vector.broadcast %parallel_loop3A_409 : i32 to vector<16xi32>
      %parallel_loop3A_411 = tpu.vector_load_idx %arg6[%parallel_loop3A_410, %parallel_loop3A_372] : memref<16x1024xf32, #tpu.memory_space<vmem>>[vector<16xi32>, vector<16xi32>], vector<16xf32>,
      %parallel_loop3A_412 = arith.constant 12 : i32
      %parallel_loop3A_413 = vector.broadcast %parallel_loop3A_412 : i32 to vector<16xi32>
      %parallel_loop3A_414 = tpu.vector_load_idx %arg6[%parallel_loop3A_413, %parallel_loop3A_372] : memref<16x1024xf32, #tpu.memory_space<vmem>>[vector<16xi32>, vector<16xi32>], vector<16xf32>,
      %parallel_loop3A_415 = arith.constant 13 : i32
      %parallel_loop3A_416 = vector.broadcast %parallel_loop3A_415 : i32 to vector<16xi32>
      %parallel_loop3A_417 = tpu.vector_load_idx %arg6[%parallel_loop3A_416, %parallel_loop3A_372] : memref<16x1024xf32, #tpu.memory_space<vmem>>[vector<16xi32>, vector<16xi32>], vector<16xf32>,
      %parallel_loop3A_418 = arith.constant 14 : i32
      %parallel_loop3A_419 = vector.broadcast %parallel_loop3A_418 : i32 to vector<16xi32>
      %parallel_loop3A_420 = tpu.vector_load_idx %arg6[%parallel_loop3A_419, %parallel_loop3A_372] : memref<16x1024xf32, #tpu.memory_space<vmem>>[vector<16xi32>, vector<16xi32>], vector<16xf32>,
      %parallel_loop3A_421 = arith.constant 15 : i32
      %parallel_loop3A_422 = vector.broadcast %parallel_loop3A_421 : i32 to vector<16xi32>
      %parallel_loop3A_423 = tpu.vector_load_idx %arg6[%parallel_loop3A_422, %parallel_loop3A_372] : memref<16x1024xf32, #tpu.memory_space<vmem>>[vector<16xi32>, vector<16xi32>], vector<16xf32>,
      %parallel_loop3A_424 = arith.constant 0 : i32
      %parallel_loop3A_425 = vector.broadcast %parallel_loop3A_424 : i32 to vector<16xi32>
      tpu.vector_store_idx %arg8[%parallel_loop3A_425, %parallel_loop3A_375], %parallel_loop3A_378 : memref<16x1024xf32, #tpu.memory_space<vmem>>[vector<16xi32>, vector<16xi32>], vector<16xf32>,
      %parallel_loop3A_426 = arith.constant 1 : i32
      %parallel_loop3A_427 = vector.broadcast %parallel_loop3A_426 : i32 to vector<16xi32>
      tpu.vector_store_idx %arg8[%parallel_loop3A_427, %parallel_loop3A_375], %parallel_loop3A_381 : memref<16x1024xf32, #tpu.memory_space<vmem>>[vector<16xi32>, vector<16xi32>], vector<16xf32>,
      %parallel_loop3A_428 = arith.constant 2 : i32
      %parallel_loop3A_429 = vector.broadcast %parallel_loop3A_428 : i32 to vector<16xi32>
      tpu.vector_store_idx %arg8[%parallel_loop3A_429, %parallel_loop3A_375], %parallel_loop3A_384 : memref<16x1024xf32, #tpu.memory_space<vmem>>[vector<16xi32>, vector<16xi32>], vector<16xf32>,
      %parallel_loop3A_430 = arith.constant 3 : i32
      %parallel_loop3A_431 = vector.broadcast %parallel_loop3A_430 : i32 to vector<16xi32>
      tpu.vector_store_idx %arg8[%parallel_loop3A_431, %parallel_loop3A_375], %parallel_loop3A_387 : memref<16x1024xf32, #tpu.memory_space<vmem>>[vector<16xi32>, vector<16xi32>], vector<16xf32>,
      %parallel_loop3A_432 = arith.constant 4 : i32
      %parallel_loop3A_433 = vector.broadcast %parallel_loop3A_432 : i32 to vector<16xi32>
      tpu.vector_store_idx %arg8[%parallel_loop3A_433, %parallel_loop3A_375], %parallel_loop3A_390 : memref<16x1024xf32, #tpu.memory_space<vmem>>[vector<16xi32>, vector<16xi32>], vector<16xf32>,
      %parallel_loop3A_434 = arith.constant 5 : i32
      %parallel_loop3A_435 = vector.broadcast %parallel_loop3A_434 : i32 to vector<16xi32>
      tpu.vector_store_idx %arg8[%parallel_loop3A_435, %parallel_loop3A_375], %parallel_loop3A_393 : memref<16x1024xf32, #tpu.memory_space<vmem>>[vector<16xi32>, vector<16xi32>], vector<16xf32>,
      %parallel_loop3A_436 = arith.constant 6 : i32
      %parallel_loop3A_437 = vector.broadcast %parallel_loop3A_436 : i32 to vector<16xi32>
      tpu.vector_store_idx %arg8[%parallel_loop3A_437, %parallel_loop3A_375], %parallel_loop3A_396 : memref<16x1024xf32, #tpu.memory_space<vmem>>[vector<16xi32>, vector<16xi32>], vector<16xf32>,
      %parallel_loop3A_438 = arith.constant 7 : i32
      %parallel_loop3A_439 = vector.broadcast %parallel_loop3A_438 : i32 to vector<16xi32>
      tpu.vector_store_idx %arg8[%parallel_loop3A_439, %parallel_loop3A_375], %parallel_loop3A_399 : memref<16x1024xf32, #tpu.memory_space<vmem>>[vector<16xi32>, vector<16xi32>], vector<16xf32>,
      %parallel_loop3A_440 = arith.constant 8 : i32
      %parallel_loop3A_441 = vector.broadcast %parallel_loop3A_440 : i32 to vector<16xi32>
      tpu.vector_store_idx %arg8[%parallel_loop3A_441, %parallel_loop3A_375], %parallel_loop3A_402 : memref<16x1024xf32, #tpu.memory_space<vmem>>[vector<16xi32>, vector<16xi32>], vector<16xf32>,
      %parallel_loop3A_442 = arith.constant 9 : i32
      %parallel_loop3A_443 = vector.broadcast %parallel_loop3A_442 : i32 to vector<16xi32>
      tpu.vector_store_idx %arg8[%parallel_loop3A_443, %parallel_loop3A_375], %parallel_loop3A_405 : memref<16x1024xf32, #tpu.memory_space<vmem>>[vector<16xi32>, vector<16xi32>], vector<16xf32>,
      %parallel_loop3A_444 = arith.constant 10 : i32
      %parallel_loop3A_445 = vector.broadcast %parallel_loop3A_444 : i32 to vector<16xi32>
      tpu.vector_store_idx %arg8[%parallel_loop3A_445, %parallel_loop3A_375], %parallel_loop3A_408 : memref<16x1024xf32, #tpu.memory_space<vmem>>[vector<16xi32>, vector<16xi32>], vector<16xf32>,
      %parallel_loop3A_446 = arith.constant 11 : i32
      %parallel_loop3A_447 = vector.broadcast %parallel_loop3A_446 : i32 to vector<16xi32>
      tpu.vector_store_idx %arg8[%parallel_loop3A_447, %parallel_loop3A_375], %parallel_loop3A_411 : memref<16x1024xf32, #tpu.memory_space<vmem>>[vector<16xi32>, vector<16xi32>], vector<16xf32>,
      %parallel_loop3A_448 = arith.constant 12 : i32
      %parallel_loop3A_449 = vector.broadcast %parallel_loop3A_448 : i32 to vector<16xi32>
      tpu.vector_store_idx %arg8[%parallel_loop3A_449, %parallel_loop3A_375], %parallel_loop3A_414 : memref<16x1024xf32, #tpu.memory_space<vmem>>[vector<16xi32>, vector<16xi32>], vector<16xf32>,
      %parallel_loop3A_450 = arith.constant 13 : i32
      %parallel_loop3A_451 = vector.broadcast %parallel_loop3A_450 : i32 to vector<16xi32>
      tpu.vector_store_idx %arg8[%parallel_loop3A_451, %parallel_loop3A_375], %parallel_loop3A_417 : memref<16x1024xf32, #tpu.memory_space<vmem>>[vector<16xi32>, vector<16xi32>], vector<16xf32>,
      %parallel_loop3A_452 = arith.constant 14 : i32
      %parallel_loop3A_453 = vector.broadcast %parallel_loop3A_452 : i32 to vector<16xi32>
      tpu.vector_store_idx %arg8[%parallel_loop3A_453, %parallel_loop3A_375], %parallel_loop3A_420 : memref<16x1024xf32, #tpu.memory_space<vmem>>[vector<16xi32>, vector<16xi32>], vector<16xf32>,
      %parallel_loop3A_454 = arith.constant 15 : i32
      %parallel_loop3A_455 = vector.broadcast %parallel_loop3A_454 : i32 to vector<16xi32>
      tpu.vector_store_idx %arg8[%parallel_loop3A_455, %parallel_loop3A_375], %parallel_loop3A_423 : memref<16x1024xf32, #tpu.memory_space<vmem>>[vector<16xi32>, vector<16xi32>], vector<16xf32>,
    } {sc.loop_unroll_factor = 4 : i64, sc.parallel_access}
    %add3A_245 = arith.constant 160 : i32
    %add3A_246 = arith.addi %mul3A_2, %add3A_245 : i32
    %dma_start3A_247 = arith.constant 0 : i32
    %dma_start3A_248 = tpu.memref_slice %arg4[%add3A_246, %dma_start3A_247] : memref<8192x1024xf32, #tpu.memory_space<hbm>> -> memref<16x1024xf32, #tpu.memory_space<hbm>>
    %dma_start3A_249 = arith.constant 0 : i32
    %dma_start3A_250 = tpu.memref_slice %arg4[%add3A_246, %dma_start3A_249] : memref<8192x1024xf32, #tpu.memory_space<hbm>> -> memref<16x1024xf32, #tpu.memory_space<hbm>>
    tpu.enqueue_dma source(%arg8 : memref<16x1024xf32, #tpu.memory_space<vmem>>) target(%dma_start3A_250 : memref<16x1024xf32, #tpu.memory_space<hbm>>) target_semaphore(%arg12 : memref<!tpu.dma_semaphore, #tpu.memory_space<semaphore_mem>>)
    %add3A_251 = arith.constant 192 : i32
    %add3A_252 = arith.addi %mul3A_2, %add3A_251 : i32
    %dma_start3A_253 = arith.constant 0 : i32
    %dma_start3A_254 = tpu.memref_slice %arg2[%add3A_252, %dma_start3A_253] : memref<8192x1024xf32, #tpu.memory_space<hbm>> -> memref<16x1024xf32, #tpu.memory_space<hbm>>
    %dma_start3A_255 = arith.constant 0 : i32
    %dma_start3A_256 = tpu.memref_slice %arg2[%add3A_252, %dma_start3A_255] : memref<8192x1024xf32, #tpu.memory_space<hbm>> -> memref<16x1024xf32, #tpu.memory_space<hbm>>
    tpu.enqueue_dma source(%dma_start3A_256 : memref<16x1024xf32, #tpu.memory_space<hbm>>) target(%arg6 : memref<16x1024xf32, #tpu.memory_space<vmem>>) target_semaphore(%arg10 : memref<!tpu.dma_semaphore, #tpu.memory_space<semaphore_mem>>)
    %dma_wait3A_257 = arith.constant 0 : i32
    %dma_wait3A_258 = tpu.memref_slice %arg2[%add3A_229, %dma_wait3A_257] : memref<8192x1024xf32, #tpu.memory_space<hbm>> -> memref<16x1024xf32, #tpu.memory_space<hbm>>
    %dma_wait3A_259 = arith.constant 0 : i32
    %dma_wait3A_260 = tpu.memref_slice %arg2[%add3A_229, %dma_wait3A_259] : memref<8192x1024xf32, #tpu.memory_space<hbm>> -> memref<16x1024xf32, #tpu.memory_space<hbm>>
    tpu.wait_dma2 semaphore(%arg11 : memref<!tpu.dma_semaphore, #tpu.memory_space<semaphore_mem>>) src(%dma_wait3A_260 : memref<16x1024xf32, #tpu.memory_space<hbm>>) dst(%arg7 : memref<16x1024xf32, #tpu.memory_space<vmem>>)
    %dma_wait3A_261 = arith.constant 0 : i32
    %dma_wait3A_262 = tpu.memref_slice %arg4[%add3A_223, %dma_wait3A_261] : memref<8192x1024xf32, #tpu.memory_space<hbm>> -> memref<16x1024xf32, #tpu.memory_space<hbm>>
    %dma_wait3A_263 = arith.constant 0 : i32
    %dma_wait3A_264 = tpu.memref_slice %arg4[%add3A_223, %dma_wait3A_263] : memref<8192x1024xf32, #tpu.memory_space<hbm>> -> memref<16x1024xf32, #tpu.memory_space<hbm>>
    tpu.wait_dma2 semaphore(%arg13 : memref<!tpu.dma_semaphore, #tpu.memory_space<semaphore_mem>>) src(%arg9 : memref<16x1024xf32, #tpu.memory_space<vmem>>) dst(%dma_wait3A_264 : memref<16x1024xf32, #tpu.memory_space<hbm>>)
    %parallel_loop3A_265 = arith.constant 0 : i32
    %parallel_loop3A_266 = arith.constant 64 : i32
    %parallel_loop3A_267 = arith.constant 1 : i32
    scf.for %parallel_loop3A_368 = %parallel_loop3A_265 to %parallel_loop3A_266 step %parallel_loop3A_267  : i32 {
      %parallel_loop3A_369 = arith.constant 16 : i32
      %parallel_loop3A_370 = arith.muli %parallel_loop3A_368, %parallel_loop3A_369 : i32
      %parallel_loop3A_371 = arith.index_cast %parallel_loop3A_370 : i32 to index
      %parallel_loop3A_372 = tpu.vector_load %arg5[%parallel_loop3A_371] {strides = array<i32>} : memref<1024xi32, #tpu.memory_space<vmem>>, vector<16xi32>,
      %parallel_loop3A_373 = tpu.iota {dimensions = array<i32: 0>} : vector<16xi32>
      %parallel_loop3A_374 = vector.broadcast %parallel_loop3A_370 : i32 to vector<16xi32>
      %parallel_loop3A_375 = arith.addi %parallel_loop3A_373, %parallel_loop3A_374 : vector<16xi32>
      %parallel_loop3A_376 = arith.constant 0 : i32
      %parallel_loop3A_377 = vector.broadcast %parallel_loop3A_376 : i32 to vector<16xi32>
      %parallel_loop3A_378 = tpu.vector_load_idx %arg7[%parallel_loop3A_377, %parallel_loop3A_372] : memref<16x1024xf32, #tpu.memory_space<vmem>>[vector<16xi32>, vector<16xi32>], vector<16xf32>,
      %parallel_loop3A_379 = arith.constant 1 : i32
      %parallel_loop3A_380 = vector.broadcast %parallel_loop3A_379 : i32 to vector<16xi32>
      %parallel_loop3A_381 = tpu.vector_load_idx %arg7[%parallel_loop3A_380, %parallel_loop3A_372] : memref<16x1024xf32, #tpu.memory_space<vmem>>[vector<16xi32>, vector<16xi32>], vector<16xf32>,
      %parallel_loop3A_382 = arith.constant 2 : i32
      %parallel_loop3A_383 = vector.broadcast %parallel_loop3A_382 : i32 to vector<16xi32>
      %parallel_loop3A_384 = tpu.vector_load_idx %arg7[%parallel_loop3A_383, %parallel_loop3A_372] : memref<16x1024xf32, #tpu.memory_space<vmem>>[vector<16xi32>, vector<16xi32>], vector<16xf32>,
      %parallel_loop3A_385 = arith.constant 3 : i32
      %parallel_loop3A_386 = vector.broadcast %parallel_loop3A_385 : i32 to vector<16xi32>
      %parallel_loop3A_387 = tpu.vector_load_idx %arg7[%parallel_loop3A_386, %parallel_loop3A_372] : memref<16x1024xf32, #tpu.memory_space<vmem>>[vector<16xi32>, vector<16xi32>], vector<16xf32>,
      %parallel_loop3A_388 = arith.constant 4 : i32
      %parallel_loop3A_389 = vector.broadcast %parallel_loop3A_388 : i32 to vector<16xi32>
      %parallel_loop3A_390 = tpu.vector_load_idx %arg7[%parallel_loop3A_389, %parallel_loop3A_372] : memref<16x1024xf32, #tpu.memory_space<vmem>>[vector<16xi32>, vector<16xi32>], vector<16xf32>,
      %parallel_loop3A_391 = arith.constant 5 : i32
      %parallel_loop3A_392 = vector.broadcast %parallel_loop3A_391 : i32 to vector<16xi32>
      %parallel_loop3A_393 = tpu.vector_load_idx %arg7[%parallel_loop3A_392, %parallel_loop3A_372] : memref<16x1024xf32, #tpu.memory_space<vmem>>[vector<16xi32>, vector<16xi32>], vector<16xf32>,
      %parallel_loop3A_394 = arith.constant 6 : i32
      %parallel_loop3A_395 = vector.broadcast %parallel_loop3A_394 : i32 to vector<16xi32>
      %parallel_loop3A_396 = tpu.vector_load_idx %arg7[%parallel_loop3A_395, %parallel_loop3A_372] : memref<16x1024xf32, #tpu.memory_space<vmem>>[vector<16xi32>, vector<16xi32>], vector<16xf32>,
      %parallel_loop3A_397 = arith.constant 7 : i32
      %parallel_loop3A_398 = vector.broadcast %parallel_loop3A_397 : i32 to vector<16xi32>
      %parallel_loop3A_399 = tpu.vector_load_idx %arg7[%parallel_loop3A_398, %parallel_loop3A_372] : memref<16x1024xf32, #tpu.memory_space<vmem>>[vector<16xi32>, vector<16xi32>], vector<16xf32>,
      %parallel_loop3A_400 = arith.constant 8 : i32
      %parallel_loop3A_401 = vector.broadcast %parallel_loop3A_400 : i32 to vector<16xi32>
      %parallel_loop3A_402 = tpu.vector_load_idx %arg7[%parallel_loop3A_401, %parallel_loop3A_372] : memref<16x1024xf32, #tpu.memory_space<vmem>>[vector<16xi32>, vector<16xi32>], vector<16xf32>,
      %parallel_loop3A_403 = arith.constant 9 : i32
      %parallel_loop3A_404 = vector.broadcast %parallel_loop3A_403 : i32 to vector<16xi32>
      %parallel_loop3A_405 = tpu.vector_load_idx %arg7[%parallel_loop3A_404, %parallel_loop3A_372] : memref<16x1024xf32, #tpu.memory_space<vmem>>[vector<16xi32>, vector<16xi32>], vector<16xf32>,
      %parallel_loop3A_406 = arith.constant 10 : i32
      %parallel_loop3A_407 = vector.broadcast %parallel_loop3A_406 : i32 to vector<16xi32>
      %parallel_loop3A_408 = tpu.vector_load_idx %arg7[%parallel_loop3A_407, %parallel_loop3A_372] : memref<16x1024xf32, #tpu.memory_space<vmem>>[vector<16xi32>, vector<16xi32>], vector<16xf32>,
      %parallel_loop3A_409 = arith.constant 11 : i32
      %parallel_loop3A_410 = vector.broadcast %parallel_loop3A_409 : i32 to vector<16xi32>
      %parallel_loop3A_411 = tpu.vector_load_idx %arg7[%parallel_loop3A_410, %parallel_loop3A_372] : memref<16x1024xf32, #tpu.memory_space<vmem>>[vector<16xi32>, vector<16xi32>], vector<16xf32>,
      %parallel_loop3A_412 = arith.constant 12 : i32
      %parallel_loop3A_413 = vector.broadcast %parallel_loop3A_412 : i32 to vector<16xi32>
      %parallel_loop3A_414 = tpu.vector_load_idx %arg7[%parallel_loop3A_413, %parallel_loop3A_372] : memref<16x1024xf32, #tpu.memory_space<vmem>>[vector<16xi32>, vector<16xi32>], vector<16xf32>,
      %parallel_loop3A_415 = arith.constant 13 : i32
      %parallel_loop3A_416 = vector.broadcast %parallel_loop3A_415 : i32 to vector<16xi32>
      %parallel_loop3A_417 = tpu.vector_load_idx %arg7[%parallel_loop3A_416, %parallel_loop3A_372] : memref<16x1024xf32, #tpu.memory_space<vmem>>[vector<16xi32>, vector<16xi32>], vector<16xf32>,
      %parallel_loop3A_418 = arith.constant 14 : i32
      %parallel_loop3A_419 = vector.broadcast %parallel_loop3A_418 : i32 to vector<16xi32>
      %parallel_loop3A_420 = tpu.vector_load_idx %arg7[%parallel_loop3A_419, %parallel_loop3A_372] : memref<16x1024xf32, #tpu.memory_space<vmem>>[vector<16xi32>, vector<16xi32>], vector<16xf32>,
      %parallel_loop3A_421 = arith.constant 15 : i32
      %parallel_loop3A_422 = vector.broadcast %parallel_loop3A_421 : i32 to vector<16xi32>
      %parallel_loop3A_423 = tpu.vector_load_idx %arg7[%parallel_loop3A_422, %parallel_loop3A_372] : memref<16x1024xf32, #tpu.memory_space<vmem>>[vector<16xi32>, vector<16xi32>], vector<16xf32>,
      %parallel_loop3A_424 = arith.constant 0 : i32
      %parallel_loop3A_425 = vector.broadcast %parallel_loop3A_424 : i32 to vector<16xi32>
      tpu.vector_store_idx %arg9[%parallel_loop3A_425, %parallel_loop3A_375], %parallel_loop3A_378 : memref<16x1024xf32, #tpu.memory_space<vmem>>[vector<16xi32>, vector<16xi32>], vector<16xf32>,
      %parallel_loop3A_426 = arith.constant 1 : i32
      %parallel_loop3A_427 = vector.broadcast %parallel_loop3A_426 : i32 to vector<16xi32>
      tpu.vector_store_idx %arg9[%parallel_loop3A_427, %parallel_loop3A_375], %parallel_loop3A_381 : memref<16x1024xf32, #tpu.memory_space<vmem>>[vector<16xi32>, vector<16xi32>], vector<16xf32>,
      %parallel_loop3A_428 = arith.constant 2 : i32
      %parallel_loop3A_429 = vector.broadcast %parallel_loop3A_428 : i32 to vector<16xi32>
      tpu.vector_store_idx %arg9[%parallel_loop3A_429, %parallel_loop3A_375], %parallel_loop3A_384 : memref<16x1024xf32, #tpu.memory_space<vmem>>[vector<16xi32>, vector<16xi32>], vector<16xf32>,
      %parallel_loop3A_430 = arith.constant 3 : i32
      %parallel_loop3A_431 = vector.broadcast %parallel_loop3A_430 : i32 to vector<16xi32>
      tpu.vector_store_idx %arg9[%parallel_loop3A_431, %parallel_loop3A_375], %parallel_loop3A_387 : memref<16x1024xf32, #tpu.memory_space<vmem>>[vector<16xi32>, vector<16xi32>], vector<16xf32>,
      %parallel_loop3A_432 = arith.constant 4 : i32
      %parallel_loop3A_433 = vector.broadcast %parallel_loop3A_432 : i32 to vector<16xi32>
      tpu.vector_store_idx %arg9[%parallel_loop3A_433, %parallel_loop3A_375], %parallel_loop3A_390 : memref<16x1024xf32, #tpu.memory_space<vmem>>[vector<16xi32>, vector<16xi32>], vector<16xf32>,
      %parallel_loop3A_434 = arith.constant 5 : i32
      %parallel_loop3A_435 = vector.broadcast %parallel_loop3A_434 : i32 to vector<16xi32>
      tpu.vector_store_idx %arg9[%parallel_loop3A_435, %parallel_loop3A_375], %parallel_loop3A_393 : memref<16x1024xf32, #tpu.memory_space<vmem>>[vector<16xi32>, vector<16xi32>], vector<16xf32>,
      %parallel_loop3A_436 = arith.constant 6 : i32
      %parallel_loop3A_437 = vector.broadcast %parallel_loop3A_436 : i32 to vector<16xi32>
      tpu.vector_store_idx %arg9[%parallel_loop3A_437, %parallel_loop3A_375], %parallel_loop3A_396 : memref<16x1024xf32, #tpu.memory_space<vmem>>[vector<16xi32>, vector<16xi32>], vector<16xf32>,
      %parallel_loop3A_438 = arith.constant 7 : i32
      %parallel_loop3A_439 = vector.broadcast %parallel_loop3A_438 : i32 to vector<16xi32>
      tpu.vector_store_idx %arg9[%parallel_loop3A_439, %parallel_loop3A_375], %parallel_loop3A_399 : memref<16x1024xf32, #tpu.memory_space<vmem>>[vector<16xi32>, vector<16xi32>], vector<16xf32>,
      %parallel_loop3A_440 = arith.constant 8 : i32
      %parallel_loop3A_441 = vector.broadcast %parallel_loop3A_440 : i32 to vector<16xi32>
      tpu.vector_store_idx %arg9[%parallel_loop3A_441, %parallel_loop3A_375], %parallel_loop3A_402 : memref<16x1024xf32, #tpu.memory_space<vmem>>[vector<16xi32>, vector<16xi32>], vector<16xf32>,
      %parallel_loop3A_442 = arith.constant 9 : i32
      %parallel_loop3A_443 = vector.broadcast %parallel_loop3A_442 : i32 to vector<16xi32>
      tpu.vector_store_idx %arg9[%parallel_loop3A_443, %parallel_loop3A_375], %parallel_loop3A_405 : memref<16x1024xf32, #tpu.memory_space<vmem>>[vector<16xi32>, vector<16xi32>], vector<16xf32>,
      %parallel_loop3A_444 = arith.constant 10 : i32
      %parallel_loop3A_445 = vector.broadcast %parallel_loop3A_444 : i32 to vector<16xi32>
      tpu.vector_store_idx %arg9[%parallel_loop3A_445, %parallel_loop3A_375], %parallel_loop3A_408 : memref<16x1024xf32, #tpu.memory_space<vmem>>[vector<16xi32>, vector<16xi32>], vector<16xf32>,
      %parallel_loop3A_446 = arith.constant 11 : i32
      %parallel_loop3A_447 = vector.broadcast %parallel_loop3A_446 : i32 to vector<16xi32>
      tpu.vector_store_idx %arg9[%parallel_loop3A_447, %parallel_loop3A_375], %parallel_loop3A_411 : memref<16x1024xf32, #tpu.memory_space<vmem>>[vector<16xi32>, vector<16xi32>], vector<16xf32>,
      %parallel_loop3A_448 = arith.constant 12 : i32
      %parallel_loop3A_449 = vector.broadcast %parallel_loop3A_448 : i32 to vector<16xi32>
      tpu.vector_store_idx %arg9[%parallel_loop3A_449, %parallel_loop3A_375], %parallel_loop3A_414 : memref<16x1024xf32, #tpu.memory_space<vmem>>[vector<16xi32>, vector<16xi32>], vector<16xf32>,
      %parallel_loop3A_450 = arith.constant 13 : i32
      %parallel_loop3A_451 = vector.broadcast %parallel_loop3A_450 : i32 to vector<16xi32>
      tpu.vector_store_idx %arg9[%parallel_loop3A_451, %parallel_loop3A_375], %parallel_loop3A_417 : memref<16x1024xf32, #tpu.memory_space<vmem>>[vector<16xi32>, vector<16xi32>], vector<16xf32>,
      %parallel_loop3A_452 = arith.constant 14 : i32
      %parallel_loop3A_453 = vector.broadcast %parallel_loop3A_452 : i32 to vector<16xi32>
      tpu.vector_store_idx %arg9[%parallel_loop3A_453, %parallel_loop3A_375], %parallel_loop3A_420 : memref<16x1024xf32, #tpu.memory_space<vmem>>[vector<16xi32>, vector<16xi32>], vector<16xf32>,
      %parallel_loop3A_454 = arith.constant 15 : i32
      %parallel_loop3A_455 = vector.broadcast %parallel_loop3A_454 : i32 to vector<16xi32>
      tpu.vector_store_idx %arg9[%parallel_loop3A_455, %parallel_loop3A_375], %parallel_loop3A_423 : memref<16x1024xf32, #tpu.memory_space<vmem>>[vector<16xi32>, vector<16xi32>], vector<16xf32>,
    } {sc.loop_unroll_factor = 4 : i64, sc.parallel_access}
    %add3A_268 = arith.constant 176 : i32
    %add3A_269 = arith.addi %mul3A_2, %add3A_268 : i32
    %dma_start3A_270 = arith.constant 0 : i32
    %dma_start3A_271 = tpu.memref_slice %arg4[%add3A_269, %dma_start3A_270] : memref<8192x1024xf32, #tpu.memory_space<hbm>> -> memref<16x1024xf32, #tpu.memory_space<hbm>>
    %dma_start3A_272 = arith.constant 0 : i32
    %dma_start3A_273 = tpu.memref_slice %arg4[%add3A_269, %dma_start3A_272] : memref<8192x1024xf32, #tpu.memory_space<hbm>> -> memref<16x1024xf32, #tpu.memory_space<hbm>>
    tpu.enqueue_dma source(%arg9 : memref<16x1024xf32, #tpu.memory_space<vmem>>) target(%dma_start3A_273 : memref<16x1024xf32, #tpu.memory_space<hbm>>) target_semaphore(%arg13 : memref<!tpu.dma_semaphore, #tpu.memory_space<semaphore_mem>>)
    %add3A_274 = arith.constant 208 : i32
    %add3A_275 = arith.addi %mul3A_2, %add3A_274 : i32
    %dma_start3A_276 = arith.constant 0 : i32
    %dma_start3A_277 = tpu.memref_slice %arg2[%add3A_275, %dma_start3A_276] : memref<8192x1024xf32, #tpu.memory_space<hbm>> -> memref<16x1024xf32, #tpu.memory_space<hbm>>
    %dma_start3A_278 = arith.constant 0 : i32
    %dma_start3A_279 = tpu.memref_slice %arg2[%add3A_275, %dma_start3A_278] : memref<8192x1024xf32, #tpu.memory_space<hbm>> -> memref<16x1024xf32, #tpu.memory_space<hbm>>
    tpu.enqueue_dma source(%dma_start3A_279 : memref<16x1024xf32, #tpu.memory_space<hbm>>) target(%arg7 : memref<16x1024xf32, #tpu.memory_space<vmem>>) target_semaphore(%arg11 : memref<!tpu.dma_semaphore, #tpu.memory_space<semaphore_mem>>)
    %dma_wait3A_280 = arith.constant 0 : i32
    %dma_wait3A_281 = tpu.memref_slice %arg2[%add3A_252, %dma_wait3A_280] : memref<8192x1024xf32, #tpu.memory_space<hbm>> -> memref<16x1024xf32, #tpu.memory_space<hbm>>
    %dma_wait3A_282 = arith.constant 0 : i32
    %dma_wait3A_283 = tpu.memref_slice %arg2[%add3A_252, %dma_wait3A_282] : memref<8192x1024xf32, #tpu.memory_space<hbm>> -> memref<16x1024xf32, #tpu.memory_space<hbm>>
    tpu.wait_dma2 semaphore(%arg10 : memref<!tpu.dma_semaphore, #tpu.memory_space<semaphore_mem>>) src(%dma_wait3A_283 : memref<16x1024xf32, #tpu.memory_space<hbm>>) dst(%arg6 : memref<16x1024xf32, #tpu.memory_space<vmem>>)
    %dma_wait3A_284 = arith.constant 0 : i32
    %dma_wait3A_285 = tpu.memref_slice %arg4[%add3A_246, %dma_wait3A_284] : memref<8192x1024xf32, #tpu.memory_space<hbm>> -> memref<16x1024xf32, #tpu.memory_space<hbm>>
    %dma_wait3A_286 = arith.constant 0 : i32
    %dma_wait3A_287 = tpu.memref_slice %arg4[%add3A_246, %dma_wait3A_286] : memref<8192x1024xf32, #tpu.memory_space<hbm>> -> memref<16x1024xf32, #tpu.memory_space<hbm>>
    tpu.wait_dma2 semaphore(%arg12 : memref<!tpu.dma_semaphore, #tpu.memory_space<semaphore_mem>>) src(%arg8 : memref<16x1024xf32, #tpu.memory_space<vmem>>) dst(%dma_wait3A_287 : memref<16x1024xf32, #tpu.memory_space<hbm>>)
    %parallel_loop3A_288 = arith.constant 0 : i32
    %parallel_loop3A_289 = arith.constant 64 : i32
    %parallel_loop3A_290 = arith.constant 1 : i32
    scf.for %parallel_loop3A_368 = %parallel_loop3A_288 to %parallel_loop3A_289 step %parallel_loop3A_290  : i32 {
      %parallel_loop3A_369 = arith.constant 16 : i32
      %parallel_loop3A_370 = arith.muli %parallel_loop3A_368, %parallel_loop3A_369 : i32
      %parallel_loop3A_371 = arith.index_cast %parallel_loop3A_370 : i32 to index
      %parallel_loop3A_372 = tpu.vector_load %arg5[%parallel_loop3A_371] {strides = array<i32>} : memref<1024xi32, #tpu.memory_space<vmem>>, vector<16xi32>,
      %parallel_loop3A_373 = tpu.iota {dimensions = array<i32: 0>} : vector<16xi32>
      %parallel_loop3A_374 = vector.broadcast %parallel_loop3A_370 : i32 to vector<16xi32>
      %parallel_loop3A_375 = arith.addi %parallel_loop3A_373, %parallel_loop3A_374 : vector<16xi32>
      %parallel_loop3A_376 = arith.constant 0 : i32
      %parallel_loop3A_377 = vector.broadcast %parallel_loop3A_376 : i32 to vector<16xi32>
      %parallel_loop3A_378 = tpu.vector_load_idx %arg6[%parallel_loop3A_377, %parallel_loop3A_372] : memref<16x1024xf32, #tpu.memory_space<vmem>>[vector<16xi32>, vector<16xi32>], vector<16xf32>,
      %parallel_loop3A_379 = arith.constant 1 : i32
      %parallel_loop3A_380 = vector.broadcast %parallel_loop3A_379 : i32 to vector<16xi32>
      %parallel_loop3A_381 = tpu.vector_load_idx %arg6[%parallel_loop3A_380, %parallel_loop3A_372] : memref<16x1024xf32, #tpu.memory_space<vmem>>[vector<16xi32>, vector<16xi32>], vector<16xf32>,
      %parallel_loop3A_382 = arith.constant 2 : i32
      %parallel_loop3A_383 = vector.broadcast %parallel_loop3A_382 : i32 to vector<16xi32>
      %parallel_loop3A_384 = tpu.vector_load_idx %arg6[%parallel_loop3A_383, %parallel_loop3A_372] : memref<16x1024xf32, #tpu.memory_space<vmem>>[vector<16xi32>, vector<16xi32>], vector<16xf32>,
      %parallel_loop3A_385 = arith.constant 3 : i32
      %parallel_loop3A_386 = vector.broadcast %parallel_loop3A_385 : i32 to vector<16xi32>
      %parallel_loop3A_387 = tpu.vector_load_idx %arg6[%parallel_loop3A_386, %parallel_loop3A_372] : memref<16x1024xf32, #tpu.memory_space<vmem>>[vector<16xi32>, vector<16xi32>], vector<16xf32>,
      %parallel_loop3A_388 = arith.constant 4 : i32
      %parallel_loop3A_389 = vector.broadcast %parallel_loop3A_388 : i32 to vector<16xi32>
      %parallel_loop3A_390 = tpu.vector_load_idx %arg6[%parallel_loop3A_389, %parallel_loop3A_372] : memref<16x1024xf32, #tpu.memory_space<vmem>>[vector<16xi32>, vector<16xi32>], vector<16xf32>,
      %parallel_loop3A_391 = arith.constant 5 : i32
      %parallel_loop3A_392 = vector.broadcast %parallel_loop3A_391 : i32 to vector<16xi32>
      %parallel_loop3A_393 = tpu.vector_load_idx %arg6[%parallel_loop3A_392, %parallel_loop3A_372] : memref<16x1024xf32, #tpu.memory_space<vmem>>[vector<16xi32>, vector<16xi32>], vector<16xf32>,
      %parallel_loop3A_394 = arith.constant 6 : i32
      %parallel_loop3A_395 = vector.broadcast %parallel_loop3A_394 : i32 to vector<16xi32>
      %parallel_loop3A_396 = tpu.vector_load_idx %arg6[%parallel_loop3A_395, %parallel_loop3A_372] : memref<16x1024xf32, #tpu.memory_space<vmem>>[vector<16xi32>, vector<16xi32>], vector<16xf32>,
      %parallel_loop3A_397 = arith.constant 7 : i32
      %parallel_loop3A_398 = vector.broadcast %parallel_loop3A_397 : i32 to vector<16xi32>
      %parallel_loop3A_399 = tpu.vector_load_idx %arg6[%parallel_loop3A_398, %parallel_loop3A_372] : memref<16x1024xf32, #tpu.memory_space<vmem>>[vector<16xi32>, vector<16xi32>], vector<16xf32>,
      %parallel_loop3A_400 = arith.constant 8 : i32
      %parallel_loop3A_401 = vector.broadcast %parallel_loop3A_400 : i32 to vector<16xi32>
      %parallel_loop3A_402 = tpu.vector_load_idx %arg6[%parallel_loop3A_401, %parallel_loop3A_372] : memref<16x1024xf32, #tpu.memory_space<vmem>>[vector<16xi32>, vector<16xi32>], vector<16xf32>,
      %parallel_loop3A_403 = arith.constant 9 : i32
      %parallel_loop3A_404 = vector.broadcast %parallel_loop3A_403 : i32 to vector<16xi32>
      %parallel_loop3A_405 = tpu.vector_load_idx %arg6[%parallel_loop3A_404, %parallel_loop3A_372] : memref<16x1024xf32, #tpu.memory_space<vmem>>[vector<16xi32>, vector<16xi32>], vector<16xf32>,
      %parallel_loop3A_406 = arith.constant 10 : i32
      %parallel_loop3A_407 = vector.broadcast %parallel_loop3A_406 : i32 to vector<16xi32>
      %parallel_loop3A_408 = tpu.vector_load_idx %arg6[%parallel_loop3A_407, %parallel_loop3A_372] : memref<16x1024xf32, #tpu.memory_space<vmem>>[vector<16xi32>, vector<16xi32>], vector<16xf32>,
      %parallel_loop3A_409 = arith.constant 11 : i32
      %parallel_loop3A_410 = vector.broadcast %parallel_loop3A_409 : i32 to vector<16xi32>
      %parallel_loop3A_411 = tpu.vector_load_idx %arg6[%parallel_loop3A_410, %parallel_loop3A_372] : memref<16x1024xf32, #tpu.memory_space<vmem>>[vector<16xi32>, vector<16xi32>], vector<16xf32>,
      %parallel_loop3A_412 = arith.constant 12 : i32
      %parallel_loop3A_413 = vector.broadcast %parallel_loop3A_412 : i32 to vector<16xi32>
      %parallel_loop3A_414 = tpu.vector_load_idx %arg6[%parallel_loop3A_413, %parallel_loop3A_372] : memref<16x1024xf32, #tpu.memory_space<vmem>>[vector<16xi32>, vector<16xi32>], vector<16xf32>,
      %parallel_loop3A_415 = arith.constant 13 : i32
      %parallel_loop3A_416 = vector.broadcast %parallel_loop3A_415 : i32 to vector<16xi32>
      %parallel_loop3A_417 = tpu.vector_load_idx %arg6[%parallel_loop3A_416, %parallel_loop3A_372] : memref<16x1024xf32, #tpu.memory_space<vmem>>[vector<16xi32>, vector<16xi32>], vector<16xf32>,
      %parallel_loop3A_418 = arith.constant 14 : i32
      %parallel_loop3A_419 = vector.broadcast %parallel_loop3A_418 : i32 to vector<16xi32>
      %parallel_loop3A_420 = tpu.vector_load_idx %arg6[%parallel_loop3A_419, %parallel_loop3A_372] : memref<16x1024xf32, #tpu.memory_space<vmem>>[vector<16xi32>, vector<16xi32>], vector<16xf32>,
      %parallel_loop3A_421 = arith.constant 15 : i32
      %parallel_loop3A_422 = vector.broadcast %parallel_loop3A_421 : i32 to vector<16xi32>
      %parallel_loop3A_423 = tpu.vector_load_idx %arg6[%parallel_loop3A_422, %parallel_loop3A_372] : memref<16x1024xf32, #tpu.memory_space<vmem>>[vector<16xi32>, vector<16xi32>], vector<16xf32>,
      %parallel_loop3A_424 = arith.constant 0 : i32
      %parallel_loop3A_425 = vector.broadcast %parallel_loop3A_424 : i32 to vector<16xi32>
      tpu.vector_store_idx %arg8[%parallel_loop3A_425, %parallel_loop3A_375], %parallel_loop3A_378 : memref<16x1024xf32, #tpu.memory_space<vmem>>[vector<16xi32>, vector<16xi32>], vector<16xf32>,
      %parallel_loop3A_426 = arith.constant 1 : i32
      %parallel_loop3A_427 = vector.broadcast %parallel_loop3A_426 : i32 to vector<16xi32>
      tpu.vector_store_idx %arg8[%parallel_loop3A_427, %parallel_loop3A_375], %parallel_loop3A_381 : memref<16x1024xf32, #tpu.memory_space<vmem>>[vector<16xi32>, vector<16xi32>], vector<16xf32>,
      %parallel_loop3A_428 = arith.constant 2 : i32
      %parallel_loop3A_429 = vector.broadcast %parallel_loop3A_428 : i32 to vector<16xi32>
      tpu.vector_store_idx %arg8[%parallel_loop3A_429, %parallel_loop3A_375], %parallel_loop3A_384 : memref<16x1024xf32, #tpu.memory_space<vmem>>[vector<16xi32>, vector<16xi32>], vector<16xf32>,
      %parallel_loop3A_430 = arith.constant 3 : i32
      %parallel_loop3A_431 = vector.broadcast %parallel_loop3A_430 : i32 to vector<16xi32>
      tpu.vector_store_idx %arg8[%parallel_loop3A_431, %parallel_loop3A_375], %parallel_loop3A_387 : memref<16x1024xf32, #tpu.memory_space<vmem>>[vector<16xi32>, vector<16xi32>], vector<16xf32>,
      %parallel_loop3A_432 = arith.constant 4 : i32
      %parallel_loop3A_433 = vector.broadcast %parallel_loop3A_432 : i32 to vector<16xi32>
      tpu.vector_store_idx %arg8[%parallel_loop3A_433, %parallel_loop3A_375], %parallel_loop3A_390 : memref<16x1024xf32, #tpu.memory_space<vmem>>[vector<16xi32>, vector<16xi32>], vector<16xf32>,
      %parallel_loop3A_434 = arith.constant 5 : i32
      %parallel_loop3A_435 = vector.broadcast %parallel_loop3A_434 : i32 to vector<16xi32>
      tpu.vector_store_idx %arg8[%parallel_loop3A_435, %parallel_loop3A_375], %parallel_loop3A_393 : memref<16x1024xf32, #tpu.memory_space<vmem>>[vector<16xi32>, vector<16xi32>], vector<16xf32>,
      %parallel_loop3A_436 = arith.constant 6 : i32
      %parallel_loop3A_437 = vector.broadcast %parallel_loop3A_436 : i32 to vector<16xi32>
      tpu.vector_store_idx %arg8[%parallel_loop3A_437, %parallel_loop3A_375], %parallel_loop3A_396 : memref<16x1024xf32, #tpu.memory_space<vmem>>[vector<16xi32>, vector<16xi32>], vector<16xf32>,
      %parallel_loop3A_438 = arith.constant 7 : i32
      %parallel_loop3A_439 = vector.broadcast %parallel_loop3A_438 : i32 to vector<16xi32>
      tpu.vector_store_idx %arg8[%parallel_loop3A_439, %parallel_loop3A_375], %parallel_loop3A_399 : memref<16x1024xf32, #tpu.memory_space<vmem>>[vector<16xi32>, vector<16xi32>], vector<16xf32>,
      %parallel_loop3A_440 = arith.constant 8 : i32
      %parallel_loop3A_441 = vector.broadcast %parallel_loop3A_440 : i32 to vector<16xi32>
      tpu.vector_store_idx %arg8[%parallel_loop3A_441, %parallel_loop3A_375], %parallel_loop3A_402 : memref<16x1024xf32, #tpu.memory_space<vmem>>[vector<16xi32>, vector<16xi32>], vector<16xf32>,
      %parallel_loop3A_442 = arith.constant 9 : i32
      %parallel_loop3A_443 = vector.broadcast %parallel_loop3A_442 : i32 to vector<16xi32>
      tpu.vector_store_idx %arg8[%parallel_loop3A_443, %parallel_loop3A_375], %parallel_loop3A_405 : memref<16x1024xf32, #tpu.memory_space<vmem>>[vector<16xi32>, vector<16xi32>], vector<16xf32>,
      %parallel_loop3A_444 = arith.constant 10 : i32
      %parallel_loop3A_445 = vector.broadcast %parallel_loop3A_444 : i32 to vector<16xi32>
      tpu.vector_store_idx %arg8[%parallel_loop3A_445, %parallel_loop3A_375], %parallel_loop3A_408 : memref<16x1024xf32, #tpu.memory_space<vmem>>[vector<16xi32>, vector<16xi32>], vector<16xf32>,
      %parallel_loop3A_446 = arith.constant 11 : i32
      %parallel_loop3A_447 = vector.broadcast %parallel_loop3A_446 : i32 to vector<16xi32>
      tpu.vector_store_idx %arg8[%parallel_loop3A_447, %parallel_loop3A_375], %parallel_loop3A_411 : memref<16x1024xf32, #tpu.memory_space<vmem>>[vector<16xi32>, vector<16xi32>], vector<16xf32>,
      %parallel_loop3A_448 = arith.constant 12 : i32
      %parallel_loop3A_449 = vector.broadcast %parallel_loop3A_448 : i32 to vector<16xi32>
      tpu.vector_store_idx %arg8[%parallel_loop3A_449, %parallel_loop3A_375], %parallel_loop3A_414 : memref<16x1024xf32, #tpu.memory_space<vmem>>[vector<16xi32>, vector<16xi32>], vector<16xf32>,
      %parallel_loop3A_450 = arith.constant 13 : i32
      %parallel_loop3A_451 = vector.broadcast %parallel_loop3A_450 : i32 to vector<16xi32>
      tpu.vector_store_idx %arg8[%parallel_loop3A_451, %parallel_loop3A_375], %parallel_loop3A_417 : memref<16x1024xf32, #tpu.memory_space<vmem>>[vector<16xi32>, vector<16xi32>], vector<16xf32>,
      %parallel_loop3A_452 = arith.constant 14 : i32
      %parallel_loop3A_453 = vector.broadcast %parallel_loop3A_452 : i32 to vector<16xi32>
      tpu.vector_store_idx %arg8[%parallel_loop3A_453, %parallel_loop3A_375], %parallel_loop3A_420 : memref<16x1024xf32, #tpu.memory_space<vmem>>[vector<16xi32>, vector<16xi32>], vector<16xf32>,
      %parallel_loop3A_454 = arith.constant 15 : i32
      %parallel_loop3A_455 = vector.broadcast %parallel_loop3A_454 : i32 to vector<16xi32>
      tpu.vector_store_idx %arg8[%parallel_loop3A_455, %parallel_loop3A_375], %parallel_loop3A_423 : memref<16x1024xf32, #tpu.memory_space<vmem>>[vector<16xi32>, vector<16xi32>], vector<16xf32>,
    } {sc.loop_unroll_factor = 4 : i64, sc.parallel_access}
    %add3A_291 = arith.constant 192 : i32
    %add3A_292 = arith.addi %mul3A_2, %add3A_291 : i32
    %dma_start3A_293 = arith.constant 0 : i32
    %dma_start3A_294 = tpu.memref_slice %arg4[%add3A_292, %dma_start3A_293] : memref<8192x1024xf32, #tpu.memory_space<hbm>> -> memref<16x1024xf32, #tpu.memory_space<hbm>>
    %dma_start3A_295 = arith.constant 0 : i32
    %dma_start3A_296 = tpu.memref_slice %arg4[%add3A_292, %dma_start3A_295] : memref<8192x1024xf32, #tpu.memory_space<hbm>> -> memref<16x1024xf32, #tpu.memory_space<hbm>>
    tpu.enqueue_dma source(%arg8 : memref<16x1024xf32, #tpu.memory_space<vmem>>) target(%dma_start3A_296 : memref<16x1024xf32, #tpu.memory_space<hbm>>) target_semaphore(%arg12 : memref<!tpu.dma_semaphore, #tpu.memory_space<semaphore_mem>>)
    %add3A_297 = arith.constant 224 : i32
    %add3A_298 = arith.addi %mul3A_2, %add3A_297 : i32
    %dma_start3A_299 = arith.constant 0 : i32
    %dma_start3A_300 = tpu.memref_slice %arg2[%add3A_298, %dma_start3A_299] : memref<8192x1024xf32, #tpu.memory_space<hbm>> -> memref<16x1024xf32, #tpu.memory_space<hbm>>
    %dma_start3A_301 = arith.constant 0 : i32
    %dma_start3A_302 = tpu.memref_slice %arg2[%add3A_298, %dma_start3A_301] : memref<8192x1024xf32, #tpu.memory_space<hbm>> -> memref<16x1024xf32, #tpu.memory_space<hbm>>
    tpu.enqueue_dma source(%dma_start3A_302 : memref<16x1024xf32, #tpu.memory_space<hbm>>) target(%arg6 : memref<16x1024xf32, #tpu.memory_space<vmem>>) target_semaphore(%arg10 : memref<!tpu.dma_semaphore, #tpu.memory_space<semaphore_mem>>)
    %dma_wait3A_303 = arith.constant 0 : i32
    %dma_wait3A_304 = tpu.memref_slice %arg2[%add3A_275, %dma_wait3A_303] : memref<8192x1024xf32, #tpu.memory_space<hbm>> -> memref<16x1024xf32, #tpu.memory_space<hbm>>
    %dma_wait3A_305 = arith.constant 0 : i32
    %dma_wait3A_306 = tpu.memref_slice %arg2[%add3A_275, %dma_wait3A_305] : memref<8192x1024xf32, #tpu.memory_space<hbm>> -> memref<16x1024xf32, #tpu.memory_space<hbm>>
    tpu.wait_dma2 semaphore(%arg11 : memref<!tpu.dma_semaphore, #tpu.memory_space<semaphore_mem>>) src(%dma_wait3A_306 : memref<16x1024xf32, #tpu.memory_space<hbm>>) dst(%arg7 : memref<16x1024xf32, #tpu.memory_space<vmem>>)
    %dma_wait3A_307 = arith.constant 0 : i32
    %dma_wait3A_308 = tpu.memref_slice %arg4[%add3A_269, %dma_wait3A_307] : memref<8192x1024xf32, #tpu.memory_space<hbm>> -> memref<16x1024xf32, #tpu.memory_space<hbm>>
    %dma_wait3A_309 = arith.constant 0 : i32
    %dma_wait3A_310 = tpu.memref_slice %arg4[%add3A_269, %dma_wait3A_309] : memref<8192x1024xf32, #tpu.memory_space<hbm>> -> memref<16x1024xf32, #tpu.memory_space<hbm>>
    tpu.wait_dma2 semaphore(%arg13 : memref<!tpu.dma_semaphore, #tpu.memory_space<semaphore_mem>>) src(%arg9 : memref<16x1024xf32, #tpu.memory_space<vmem>>) dst(%dma_wait3A_310 : memref<16x1024xf32, #tpu.memory_space<hbm>>)
    %parallel_loop3A_311 = arith.constant 0 : i32
    %parallel_loop3A_312 = arith.constant 64 : i32
    %parallel_loop3A_313 = arith.constant 1 : i32
    scf.for %parallel_loop3A_368 = %parallel_loop3A_311 to %parallel_loop3A_312 step %parallel_loop3A_313  : i32 {
      %parallel_loop3A_369 = arith.constant 16 : i32
      %parallel_loop3A_370 = arith.muli %parallel_loop3A_368, %parallel_loop3A_369 : i32
      %parallel_loop3A_371 = arith.index_cast %parallel_loop3A_370 : i32 to index
      %parallel_loop3A_372 = tpu.vector_load %arg5[%parallel_loop3A_371] {strides = array<i32>} : memref<1024xi32, #tpu.memory_space<vmem>>, vector<16xi32>,
      %parallel_loop3A_373 = tpu.iota {dimensions = array<i32: 0>} : vector<16xi32>
      %parallel_loop3A_374 = vector.broadcast %parallel_loop3A_370 : i32 to vector<16xi32>
      %parallel_loop3A_375 = arith.addi %parallel_loop3A_373, %parallel_loop3A_374 : vector<16xi32>
      %parallel_loop3A_376 = arith.constant 0 : i32
      %parallel_loop3A_377 = vector.broadcast %parallel_loop3A_376 : i32 to vector<16xi32>
      %parallel_loop3A_378 = tpu.vector_load_idx %arg7[%parallel_loop3A_377, %parallel_loop3A_372] : memref<16x1024xf32, #tpu.memory_space<vmem>>[vector<16xi32>, vector<16xi32>], vector<16xf32>,
      %parallel_loop3A_379 = arith.constant 1 : i32
      %parallel_loop3A_380 = vector.broadcast %parallel_loop3A_379 : i32 to vector<16xi32>
      %parallel_loop3A_381 = tpu.vector_load_idx %arg7[%parallel_loop3A_380, %parallel_loop3A_372] : memref<16x1024xf32, #tpu.memory_space<vmem>>[vector<16xi32>, vector<16xi32>], vector<16xf32>,
      %parallel_loop3A_382 = arith.constant 2 : i32
      %parallel_loop3A_383 = vector.broadcast %parallel_loop3A_382 : i32 to vector<16xi32>
      %parallel_loop3A_384 = tpu.vector_load_idx %arg7[%parallel_loop3A_383, %parallel_loop3A_372] : memref<16x1024xf32, #tpu.memory_space<vmem>>[vector<16xi32>, vector<16xi32>], vector<16xf32>,
      %parallel_loop3A_385 = arith.constant 3 : i32
      %parallel_loop3A_386 = vector.broadcast %parallel_loop3A_385 : i32 to vector<16xi32>
      %parallel_loop3A_387 = tpu.vector_load_idx %arg7[%parallel_loop3A_386, %parallel_loop3A_372] : memref<16x1024xf32, #tpu.memory_space<vmem>>[vector<16xi32>, vector<16xi32>], vector<16xf32>,
      %parallel_loop3A_388 = arith.constant 4 : i32
      %parallel_loop3A_389 = vector.broadcast %parallel_loop3A_388 : i32 to vector<16xi32>
      %parallel_loop3A_390 = tpu.vector_load_idx %arg7[%parallel_loop3A_389, %parallel_loop3A_372] : memref<16x1024xf32, #tpu.memory_space<vmem>>[vector<16xi32>, vector<16xi32>], vector<16xf32>,
      %parallel_loop3A_391 = arith.constant 5 : i32
      %parallel_loop3A_392 = vector.broadcast %parallel_loop3A_391 : i32 to vector<16xi32>
      %parallel_loop3A_393 = tpu.vector_load_idx %arg7[%parallel_loop3A_392, %parallel_loop3A_372] : memref<16x1024xf32, #tpu.memory_space<vmem>>[vector<16xi32>, vector<16xi32>], vector<16xf32>,
      %parallel_loop3A_394 = arith.constant 6 : i32
      %parallel_loop3A_395 = vector.broadcast %parallel_loop3A_394 : i32 to vector<16xi32>
      %parallel_loop3A_396 = tpu.vector_load_idx %arg7[%parallel_loop3A_395, %parallel_loop3A_372] : memref<16x1024xf32, #tpu.memory_space<vmem>>[vector<16xi32>, vector<16xi32>], vector<16xf32>,
      %parallel_loop3A_397 = arith.constant 7 : i32
      %parallel_loop3A_398 = vector.broadcast %parallel_loop3A_397 : i32 to vector<16xi32>
      %parallel_loop3A_399 = tpu.vector_load_idx %arg7[%parallel_loop3A_398, %parallel_loop3A_372] : memref<16x1024xf32, #tpu.memory_space<vmem>>[vector<16xi32>, vector<16xi32>], vector<16xf32>,
      %parallel_loop3A_400 = arith.constant 8 : i32
      %parallel_loop3A_401 = vector.broadcast %parallel_loop3A_400 : i32 to vector<16xi32>
      %parallel_loop3A_402 = tpu.vector_load_idx %arg7[%parallel_loop3A_401, %parallel_loop3A_372] : memref<16x1024xf32, #tpu.memory_space<vmem>>[vector<16xi32>, vector<16xi32>], vector<16xf32>,
      %parallel_loop3A_403 = arith.constant 9 : i32
      %parallel_loop3A_404 = vector.broadcast %parallel_loop3A_403 : i32 to vector<16xi32>
      %parallel_loop3A_405 = tpu.vector_load_idx %arg7[%parallel_loop3A_404, %parallel_loop3A_372] : memref<16x1024xf32, #tpu.memory_space<vmem>>[vector<16xi32>, vector<16xi32>], vector<16xf32>,
      %parallel_loop3A_406 = arith.constant 10 : i32
      %parallel_loop3A_407 = vector.broadcast %parallel_loop3A_406 : i32 to vector<16xi32>
      %parallel_loop3A_408 = tpu.vector_load_idx %arg7[%parallel_loop3A_407, %parallel_loop3A_372] : memref<16x1024xf32, #tpu.memory_space<vmem>>[vector<16xi32>, vector<16xi32>], vector<16xf32>,
      %parallel_loop3A_409 = arith.constant 11 : i32
      %parallel_loop3A_410 = vector.broadcast %parallel_loop3A_409 : i32 to vector<16xi32>
      %parallel_loop3A_411 = tpu.vector_load_idx %arg7[%parallel_loop3A_410, %parallel_loop3A_372] : memref<16x1024xf32, #tpu.memory_space<vmem>>[vector<16xi32>, vector<16xi32>], vector<16xf32>,
      %parallel_loop3A_412 = arith.constant 12 : i32
      %parallel_loop3A_413 = vector.broadcast %parallel_loop3A_412 : i32 to vector<16xi32>
      %parallel_loop3A_414 = tpu.vector_load_idx %arg7[%parallel_loop3A_413, %parallel_loop3A_372] : memref<16x1024xf32, #tpu.memory_space<vmem>>[vector<16xi32>, vector<16xi32>], vector<16xf32>,
      %parallel_loop3A_415 = arith.constant 13 : i32
      %parallel_loop3A_416 = vector.broadcast %parallel_loop3A_415 : i32 to vector<16xi32>
      %parallel_loop3A_417 = tpu.vector_load_idx %arg7[%parallel_loop3A_416, %parallel_loop3A_372] : memref<16x1024xf32, #tpu.memory_space<vmem>>[vector<16xi32>, vector<16xi32>], vector<16xf32>,
      %parallel_loop3A_418 = arith.constant 14 : i32
      %parallel_loop3A_419 = vector.broadcast %parallel_loop3A_418 : i32 to vector<16xi32>
      %parallel_loop3A_420 = tpu.vector_load_idx %arg7[%parallel_loop3A_419, %parallel_loop3A_372] : memref<16x1024xf32, #tpu.memory_space<vmem>>[vector<16xi32>, vector<16xi32>], vector<16xf32>,
      %parallel_loop3A_421 = arith.constant 15 : i32
      %parallel_loop3A_422 = vector.broadcast %parallel_loop3A_421 : i32 to vector<16xi32>
      %parallel_loop3A_423 = tpu.vector_load_idx %arg7[%parallel_loop3A_422, %parallel_loop3A_372] : memref<16x1024xf32, #tpu.memory_space<vmem>>[vector<16xi32>, vector<16xi32>], vector<16xf32>,
      %parallel_loop3A_424 = arith.constant 0 : i32
      %parallel_loop3A_425 = vector.broadcast %parallel_loop3A_424 : i32 to vector<16xi32>
      tpu.vector_store_idx %arg9[%parallel_loop3A_425, %parallel_loop3A_375], %parallel_loop3A_378 : memref<16x1024xf32, #tpu.memory_space<vmem>>[vector<16xi32>, vector<16xi32>], vector<16xf32>,
      %parallel_loop3A_426 = arith.constant 1 : i32
      %parallel_loop3A_427 = vector.broadcast %parallel_loop3A_426 : i32 to vector<16xi32>
      tpu.vector_store_idx %arg9[%parallel_loop3A_427, %parallel_loop3A_375], %parallel_loop3A_381 : memref<16x1024xf32, #tpu.memory_space<vmem>>[vector<16xi32>, vector<16xi32>], vector<16xf32>,
      %parallel_loop3A_428 = arith.constant 2 : i32
      %parallel_loop3A_429 = vector.broadcast %parallel_loop3A_428 : i32 to vector<16xi32>
      tpu.vector_store_idx %arg9[%parallel_loop3A_429, %parallel_loop3A_375], %parallel_loop3A_384 : memref<16x1024xf32, #tpu.memory_space<vmem>>[vector<16xi32>, vector<16xi32>], vector<16xf32>,
      %parallel_loop3A_430 = arith.constant 3 : i32
      %parallel_loop3A_431 = vector.broadcast %parallel_loop3A_430 : i32 to vector<16xi32>
      tpu.vector_store_idx %arg9[%parallel_loop3A_431, %parallel_loop3A_375], %parallel_loop3A_387 : memref<16x1024xf32, #tpu.memory_space<vmem>>[vector<16xi32>, vector<16xi32>], vector<16xf32>,
      %parallel_loop3A_432 = arith.constant 4 : i32
      %parallel_loop3A_433 = vector.broadcast %parallel_loop3A_432 : i32 to vector<16xi32>
      tpu.vector_store_idx %arg9[%parallel_loop3A_433, %parallel_loop3A_375], %parallel_loop3A_390 : memref<16x1024xf32, #tpu.memory_space<vmem>>[vector<16xi32>, vector<16xi32>], vector<16xf32>,
      %parallel_loop3A_434 = arith.constant 5 : i32
      %parallel_loop3A_435 = vector.broadcast %parallel_loop3A_434 : i32 to vector<16xi32>
      tpu.vector_store_idx %arg9[%parallel_loop3A_435, %parallel_loop3A_375], %parallel_loop3A_393 : memref<16x1024xf32, #tpu.memory_space<vmem>>[vector<16xi32>, vector<16xi32>], vector<16xf32>,
      %parallel_loop3A_436 = arith.constant 6 : i32
      %parallel_loop3A_437 = vector.broadcast %parallel_loop3A_436 : i32 to vector<16xi32>
      tpu.vector_store_idx %arg9[%parallel_loop3A_437, %parallel_loop3A_375], %parallel_loop3A_396 : memref<16x1024xf32, #tpu.memory_space<vmem>>[vector<16xi32>, vector<16xi32>], vector<16xf32>,
      %parallel_loop3A_438 = arith.constant 7 : i32
      %parallel_loop3A_439 = vector.broadcast %parallel_loop3A_438 : i32 to vector<16xi32>
      tpu.vector_store_idx %arg9[%parallel_loop3A_439, %parallel_loop3A_375], %parallel_loop3A_399 : memref<16x1024xf32, #tpu.memory_space<vmem>>[vector<16xi32>, vector<16xi32>], vector<16xf32>,
      %parallel_loop3A_440 = arith.constant 8 : i32
      %parallel_loop3A_441 = vector.broadcast %parallel_loop3A_440 : i32 to vector<16xi32>
      tpu.vector_store_idx %arg9[%parallel_loop3A_441, %parallel_loop3A_375], %parallel_loop3A_402 : memref<16x1024xf32, #tpu.memory_space<vmem>>[vector<16xi32>, vector<16xi32>], vector<16xf32>,
      %parallel_loop3A_442 = arith.constant 9 : i32
      %parallel_loop3A_443 = vector.broadcast %parallel_loop3A_442 : i32 to vector<16xi32>
      tpu.vector_store_idx %arg9[%parallel_loop3A_443, %parallel_loop3A_375], %parallel_loop3A_405 : memref<16x1024xf32, #tpu.memory_space<vmem>>[vector<16xi32>, vector<16xi32>], vector<16xf32>,
      %parallel_loop3A_444 = arith.constant 10 : i32
      %parallel_loop3A_445 = vector.broadcast %parallel_loop3A_444 : i32 to vector<16xi32>
      tpu.vector_store_idx %arg9[%parallel_loop3A_445, %parallel_loop3A_375], %parallel_loop3A_408 : memref<16x1024xf32, #tpu.memory_space<vmem>>[vector<16xi32>, vector<16xi32>], vector<16xf32>,
      %parallel_loop3A_446 = arith.constant 11 : i32
      %parallel_loop3A_447 = vector.broadcast %parallel_loop3A_446 : i32 to vector<16xi32>
      tpu.vector_store_idx %arg9[%parallel_loop3A_447, %parallel_loop3A_375], %parallel_loop3A_411 : memref<16x1024xf32, #tpu.memory_space<vmem>>[vector<16xi32>, vector<16xi32>], vector<16xf32>,
      %parallel_loop3A_448 = arith.constant 12 : i32
      %parallel_loop3A_449 = vector.broadcast %parallel_loop3A_448 : i32 to vector<16xi32>
      tpu.vector_store_idx %arg9[%parallel_loop3A_449, %parallel_loop3A_375], %parallel_loop3A_414 : memref<16x1024xf32, #tpu.memory_space<vmem>>[vector<16xi32>, vector<16xi32>], vector<16xf32>,
      %parallel_loop3A_450 = arith.constant 13 : i32
      %parallel_loop3A_451 = vector.broadcast %parallel_loop3A_450 : i32 to vector<16xi32>
      tpu.vector_store_idx %arg9[%parallel_loop3A_451, %parallel_loop3A_375], %parallel_loop3A_417 : memref<16x1024xf32, #tpu.memory_space<vmem>>[vector<16xi32>, vector<16xi32>], vector<16xf32>,
      %parallel_loop3A_452 = arith.constant 14 : i32
      %parallel_loop3A_453 = vector.broadcast %parallel_loop3A_452 : i32 to vector<16xi32>
      tpu.vector_store_idx %arg9[%parallel_loop3A_453, %parallel_loop3A_375], %parallel_loop3A_420 : memref<16x1024xf32, #tpu.memory_space<vmem>>[vector<16xi32>, vector<16xi32>], vector<16xf32>,
      %parallel_loop3A_454 = arith.constant 15 : i32
      %parallel_loop3A_455 = vector.broadcast %parallel_loop3A_454 : i32 to vector<16xi32>
      tpu.vector_store_idx %arg9[%parallel_loop3A_455, %parallel_loop3A_375], %parallel_loop3A_423 : memref<16x1024xf32, #tpu.memory_space<vmem>>[vector<16xi32>, vector<16xi32>], vector<16xf32>,
    } {sc.loop_unroll_factor = 4 : i64, sc.parallel_access}
    %add3A_314 = arith.constant 208 : i32
    %add3A_315 = arith.addi %mul3A_2, %add3A_314 : i32
    %dma_start3A_316 = arith.constant 0 : i32
    %dma_start3A_317 = tpu.memref_slice %arg4[%add3A_315, %dma_start3A_316] : memref<8192x1024xf32, #tpu.memory_space<hbm>> -> memref<16x1024xf32, #tpu.memory_space<hbm>>
    %dma_start3A_318 = arith.constant 0 : i32
    %dma_start3A_319 = tpu.memref_slice %arg4[%add3A_315, %dma_start3A_318] : memref<8192x1024xf32, #tpu.memory_space<hbm>> -> memref<16x1024xf32, #tpu.memory_space<hbm>>
    tpu.enqueue_dma source(%arg9 : memref<16x1024xf32, #tpu.memory_space<vmem>>) target(%dma_start3A_319 : memref<16x1024xf32, #tpu.memory_space<hbm>>) target_semaphore(%arg13 : memref<!tpu.dma_semaphore, #tpu.memory_space<semaphore_mem>>)
    %add3A_320 = arith.constant 240 : i32
    %add3A_321 = arith.addi %mul3A_2, %add3A_320 : i32
    %dma_start3A_322 = arith.constant 0 : i32
    %dma_start3A_323 = tpu.memref_slice %arg2[%add3A_321, %dma_start3A_322] : memref<8192x1024xf32, #tpu.memory_space<hbm>> -> memref<16x1024xf32, #tpu.memory_space<hbm>>
    %dma_start3A_324 = arith.constant 0 : i32
    %dma_start3A_325 = tpu.memref_slice %arg2[%add3A_321, %dma_start3A_324] : memref<8192x1024xf32, #tpu.memory_space<hbm>> -> memref<16x1024xf32, #tpu.memory_space<hbm>>
    tpu.enqueue_dma source(%dma_start3A_325 : memref<16x1024xf32, #tpu.memory_space<hbm>>) target(%arg7 : memref<16x1024xf32, #tpu.memory_space<vmem>>) target_semaphore(%arg11 : memref<!tpu.dma_semaphore, #tpu.memory_space<semaphore_mem>>)
    %dma_wait3A_326 = arith.constant 0 : i32
    %dma_wait3A_327 = tpu.memref_slice %arg2[%add3A_298, %dma_wait3A_326] : memref<8192x1024xf32, #tpu.memory_space<hbm>> -> memref<16x1024xf32, #tpu.memory_space<hbm>>
    %dma_wait3A_328 = arith.constant 0 : i32
    %dma_wait3A_329 = tpu.memref_slice %arg2[%add3A_298, %dma_wait3A_328] : memref<8192x1024xf32, #tpu.memory_space<hbm>> -> memref<16x1024xf32, #tpu.memory_space<hbm>>
    tpu.wait_dma2 semaphore(%arg10 : memref<!tpu.dma_semaphore, #tpu.memory_space<semaphore_mem>>) src(%dma_wait3A_329 : memref<16x1024xf32, #tpu.memory_space<hbm>>) dst(%arg6 : memref<16x1024xf32, #tpu.memory_space<vmem>>)
    %dma_wait3A_330 = arith.constant 0 : i32
    %dma_wait3A_331 = tpu.memref_slice %arg4[%add3A_292, %dma_wait3A_330] : memref<8192x1024xf32, #tpu.memory_space<hbm>> -> memref<16x1024xf32, #tpu.memory_space<hbm>>
    %dma_wait3A_332 = arith.constant 0 : i32
    %dma_wait3A_333 = tpu.memref_slice %arg4[%add3A_292, %dma_wait3A_332] : memref<8192x1024xf32, #tpu.memory_space<hbm>> -> memref<16x1024xf32, #tpu.memory_space<hbm>>
    tpu.wait_dma2 semaphore(%arg12 : memref<!tpu.dma_semaphore, #tpu.memory_space<semaphore_mem>>) src(%arg8 : memref<16x1024xf32, #tpu.memory_space<vmem>>) dst(%dma_wait3A_333 : memref<16x1024xf32, #tpu.memory_space<hbm>>)
    %parallel_loop3A_334 = arith.constant 0 : i32
    %parallel_loop3A_335 = arith.constant 64 : i32
    %parallel_loop3A_336 = arith.constant 1 : i32
    scf.for %parallel_loop3A_368 = %parallel_loop3A_334 to %parallel_loop3A_335 step %parallel_loop3A_336  : i32 {
      %parallel_loop3A_369 = arith.constant 16 : i32
      %parallel_loop3A_370 = arith.muli %parallel_loop3A_368, %parallel_loop3A_369 : i32
      %parallel_loop3A_371 = arith.index_cast %parallel_loop3A_370 : i32 to index
      %parallel_loop3A_372 = tpu.vector_load %arg5[%parallel_loop3A_371] {strides = array<i32>} : memref<1024xi32, #tpu.memory_space<vmem>>, vector<16xi32>,
      %parallel_loop3A_373 = tpu.iota {dimensions = array<i32: 0>} : vector<16xi32>
      %parallel_loop3A_374 = vector.broadcast %parallel_loop3A_370 : i32 to vector<16xi32>
      %parallel_loop3A_375 = arith.addi %parallel_loop3A_373, %parallel_loop3A_374 : vector<16xi32>
      %parallel_loop3A_376 = arith.constant 0 : i32
      %parallel_loop3A_377 = vector.broadcast %parallel_loop3A_376 : i32 to vector<16xi32>
      %parallel_loop3A_378 = tpu.vector_load_idx %arg6[%parallel_loop3A_377, %parallel_loop3A_372] : memref<16x1024xf32, #tpu.memory_space<vmem>>[vector<16xi32>, vector<16xi32>], vector<16xf32>,
      %parallel_loop3A_379 = arith.constant 1 : i32
      %parallel_loop3A_380 = vector.broadcast %parallel_loop3A_379 : i32 to vector<16xi32>
      %parallel_loop3A_381 = tpu.vector_load_idx %arg6[%parallel_loop3A_380, %parallel_loop3A_372] : memref<16x1024xf32, #tpu.memory_space<vmem>>[vector<16xi32>, vector<16xi32>], vector<16xf32>,
      %parallel_loop3A_382 = arith.constant 2 : i32
      %parallel_loop3A_383 = vector.broadcast %parallel_loop3A_382 : i32 to vector<16xi32>
      %parallel_loop3A_384 = tpu.vector_load_idx %arg6[%parallel_loop3A_383, %parallel_loop3A_372] : memref<16x1024xf32, #tpu.memory_space<vmem>>[vector<16xi32>, vector<16xi32>], vector<16xf32>,
      %parallel_loop3A_385 = arith.constant 3 : i32
      %parallel_loop3A_386 = vector.broadcast %parallel_loop3A_385 : i32 to vector<16xi32>
      %parallel_loop3A_387 = tpu.vector_load_idx %arg6[%parallel_loop3A_386, %parallel_loop3A_372] : memref<16x1024xf32, #tpu.memory_space<vmem>>[vector<16xi32>, vector<16xi32>], vector<16xf32>,
      %parallel_loop3A_388 = arith.constant 4 : i32
      %parallel_loop3A_389 = vector.broadcast %parallel_loop3A_388 : i32 to vector<16xi32>
      %parallel_loop3A_390 = tpu.vector_load_idx %arg6[%parallel_loop3A_389, %parallel_loop3A_372] : memref<16x1024xf32, #tpu.memory_space<vmem>>[vector<16xi32>, vector<16xi32>], vector<16xf32>,
      %parallel_loop3A_391 = arith.constant 5 : i32
      %parallel_loop3A_392 = vector.broadcast %parallel_loop3A_391 : i32 to vector<16xi32>
      %parallel_loop3A_393 = tpu.vector_load_idx %arg6[%parallel_loop3A_392, %parallel_loop3A_372] : memref<16x1024xf32, #tpu.memory_space<vmem>>[vector<16xi32>, vector<16xi32>], vector<16xf32>,
      %parallel_loop3A_394 = arith.constant 6 : i32
      %parallel_loop3A_395 = vector.broadcast %parallel_loop3A_394 : i32 to vector<16xi32>
      %parallel_loop3A_396 = tpu.vector_load_idx %arg6[%parallel_loop3A_395, %parallel_loop3A_372] : memref<16x1024xf32, #tpu.memory_space<vmem>>[vector<16xi32>, vector<16xi32>], vector<16xf32>,
      %parallel_loop3A_397 = arith.constant 7 : i32
      %parallel_loop3A_398 = vector.broadcast %parallel_loop3A_397 : i32 to vector<16xi32>
      %parallel_loop3A_399 = tpu.vector_load_idx %arg6[%parallel_loop3A_398, %parallel_loop3A_372] : memref<16x1024xf32, #tpu.memory_space<vmem>>[vector<16xi32>, vector<16xi32>], vector<16xf32>,
      %parallel_loop3A_400 = arith.constant 8 : i32
      %parallel_loop3A_401 = vector.broadcast %parallel_loop3A_400 : i32 to vector<16xi32>
      %parallel_loop3A_402 = tpu.vector_load_idx %arg6[%parallel_loop3A_401, %parallel_loop3A_372] : memref<16x1024xf32, #tpu.memory_space<vmem>>[vector<16xi32>, vector<16xi32>], vector<16xf32>,
      %parallel_loop3A_403 = arith.constant 9 : i32
      %parallel_loop3A_404 = vector.broadcast %parallel_loop3A_403 : i32 to vector<16xi32>
      %parallel_loop3A_405 = tpu.vector_load_idx %arg6[%parallel_loop3A_404, %parallel_loop3A_372] : memref<16x1024xf32, #tpu.memory_space<vmem>>[vector<16xi32>, vector<16xi32>], vector<16xf32>,
      %parallel_loop3A_406 = arith.constant 10 : i32
      %parallel_loop3A_407 = vector.broadcast %parallel_loop3A_406 : i32 to vector<16xi32>
      %parallel_loop3A_408 = tpu.vector_load_idx %arg6[%parallel_loop3A_407, %parallel_loop3A_372] : memref<16x1024xf32, #tpu.memory_space<vmem>>[vector<16xi32>, vector<16xi32>], vector<16xf32>,
      %parallel_loop3A_409 = arith.constant 11 : i32
      %parallel_loop3A_410 = vector.broadcast %parallel_loop3A_409 : i32 to vector<16xi32>
      %parallel_loop3A_411 = tpu.vector_load_idx %arg6[%parallel_loop3A_410, %parallel_loop3A_372] : memref<16x1024xf32, #tpu.memory_space<vmem>>[vector<16xi32>, vector<16xi32>], vector<16xf32>,
      %parallel_loop3A_412 = arith.constant 12 : i32
      %parallel_loop3A_413 = vector.broadcast %parallel_loop3A_412 : i32 to vector<16xi32>
      %parallel_loop3A_414 = tpu.vector_load_idx %arg6[%parallel_loop3A_413, %parallel_loop3A_372] : memref<16x1024xf32, #tpu.memory_space<vmem>>[vector<16xi32>, vector<16xi32>], vector<16xf32>,
      %parallel_loop3A_415 = arith.constant 13 : i32
      %parallel_loop3A_416 = vector.broadcast %parallel_loop3A_415 : i32 to vector<16xi32>
      %parallel_loop3A_417 = tpu.vector_load_idx %arg6[%parallel_loop3A_416, %parallel_loop3A_372] : memref<16x1024xf32, #tpu.memory_space<vmem>>[vector<16xi32>, vector<16xi32>], vector<16xf32>,
      %parallel_loop3A_418 = arith.constant 14 : i32
      %parallel_loop3A_419 = vector.broadcast %parallel_loop3A_418 : i32 to vector<16xi32>
      %parallel_loop3A_420 = tpu.vector_load_idx %arg6[%parallel_loop3A_419, %parallel_loop3A_372] : memref<16x1024xf32, #tpu.memory_space<vmem>>[vector<16xi32>, vector<16xi32>], vector<16xf32>,
      %parallel_loop3A_421 = arith.constant 15 : i32
      %parallel_loop3A_422 = vector.broadcast %parallel_loop3A_421 : i32 to vector<16xi32>
      %parallel_loop3A_423 = tpu.vector_load_idx %arg6[%parallel_loop3A_422, %parallel_loop3A_372] : memref<16x1024xf32, #tpu.memory_space<vmem>>[vector<16xi32>, vector<16xi32>], vector<16xf32>,
      %parallel_loop3A_424 = arith.constant 0 : i32
      %parallel_loop3A_425 = vector.broadcast %parallel_loop3A_424 : i32 to vector<16xi32>
      tpu.vector_store_idx %arg8[%parallel_loop3A_425, %parallel_loop3A_375], %parallel_loop3A_378 : memref<16x1024xf32, #tpu.memory_space<vmem>>[vector<16xi32>, vector<16xi32>], vector<16xf32>,
      %parallel_loop3A_426 = arith.constant 1 : i32
      %parallel_loop3A_427 = vector.broadcast %parallel_loop3A_426 : i32 to vector<16xi32>
      tpu.vector_store_idx %arg8[%parallel_loop3A_427, %parallel_loop3A_375], %parallel_loop3A_381 : memref<16x1024xf32, #tpu.memory_space<vmem>>[vector<16xi32>, vector<16xi32>], vector<16xf32>,
      %parallel_loop3A_428 = arith.constant 2 : i32
      %parallel_loop3A_429 = vector.broadcast %parallel_loop3A_428 : i32 to vector<16xi32>
      tpu.vector_store_idx %arg8[%parallel_loop3A_429, %parallel_loop3A_375], %parallel_loop3A_384 : memref<16x1024xf32, #tpu.memory_space<vmem>>[vector<16xi32>, vector<16xi32>], vector<16xf32>,
      %parallel_loop3A_430 = arith.constant 3 : i32
      %parallel_loop3A_431 = vector.broadcast %parallel_loop3A_430 : i32 to vector<16xi32>
      tpu.vector_store_idx %arg8[%parallel_loop3A_431, %parallel_loop3A_375], %parallel_loop3A_387 : memref<16x1024xf32, #tpu.memory_space<vmem>>[vector<16xi32>, vector<16xi32>], vector<16xf32>,
      %parallel_loop3A_432 = arith.constant 4 : i32
      %parallel_loop3A_433 = vector.broadcast %parallel_loop3A_432 : i32 to vector<16xi32>
      tpu.vector_store_idx %arg8[%parallel_loop3A_433, %parallel_loop3A_375], %parallel_loop3A_390 : memref<16x1024xf32, #tpu.memory_space<vmem>>[vector<16xi32>, vector<16xi32>], vector<16xf32>,
      %parallel_loop3A_434 = arith.constant 5 : i32
      %parallel_loop3A_435 = vector.broadcast %parallel_loop3A_434 : i32 to vector<16xi32>
      tpu.vector_store_idx %arg8[%parallel_loop3A_435, %parallel_loop3A_375], %parallel_loop3A_393 : memref<16x1024xf32, #tpu.memory_space<vmem>>[vector<16xi32>, vector<16xi32>], vector<16xf32>,
      %parallel_loop3A_436 = arith.constant 6 : i32
      %parallel_loop3A_437 = vector.broadcast %parallel_loop3A_436 : i32 to vector<16xi32>
      tpu.vector_store_idx %arg8[%parallel_loop3A_437, %parallel_loop3A_375], %parallel_loop3A_396 : memref<16x1024xf32, #tpu.memory_space<vmem>>[vector<16xi32>, vector<16xi32>], vector<16xf32>,
      %parallel_loop3A_438 = arith.constant 7 : i32
      %parallel_loop3A_439 = vector.broadcast %parallel_loop3A_438 : i32 to vector<16xi32>
      tpu.vector_store_idx %arg8[%parallel_loop3A_439, %parallel_loop3A_375], %parallel_loop3A_399 : memref<16x1024xf32, #tpu.memory_space<vmem>>[vector<16xi32>, vector<16xi32>], vector<16xf32>,
      %parallel_loop3A_440 = arith.constant 8 : i32
      %parallel_loop3A_441 = vector.broadcast %parallel_loop3A_440 : i32 to vector<16xi32>
      tpu.vector_store_idx %arg8[%parallel_loop3A_441, %parallel_loop3A_375], %parallel_loop3A_402 : memref<16x1024xf32, #tpu.memory_space<vmem>>[vector<16xi32>, vector<16xi32>], vector<16xf32>,
      %parallel_loop3A_442 = arith.constant 9 : i32
      %parallel_loop3A_443 = vector.broadcast %parallel_loop3A_442 : i32 to vector<16xi32>
      tpu.vector_store_idx %arg8[%parallel_loop3A_443, %parallel_loop3A_375], %parallel_loop3A_405 : memref<16x1024xf32, #tpu.memory_space<vmem>>[vector<16xi32>, vector<16xi32>], vector<16xf32>,
      %parallel_loop3A_444 = arith.constant 10 : i32
      %parallel_loop3A_445 = vector.broadcast %parallel_loop3A_444 : i32 to vector<16xi32>
      tpu.vector_store_idx %arg8[%parallel_loop3A_445, %parallel_loop3A_375], %parallel_loop3A_408 : memref<16x1024xf32, #tpu.memory_space<vmem>>[vector<16xi32>, vector<16xi32>], vector<16xf32>,
      %parallel_loop3A_446 = arith.constant 11 : i32
      %parallel_loop3A_447 = vector.broadcast %parallel_loop3A_446 : i32 to vector<16xi32>
      tpu.vector_store_idx %arg8[%parallel_loop3A_447, %parallel_loop3A_375], %parallel_loop3A_411 : memref<16x1024xf32, #tpu.memory_space<vmem>>[vector<16xi32>, vector<16xi32>], vector<16xf32>,
      %parallel_loop3A_448 = arith.constant 12 : i32
      %parallel_loop3A_449 = vector.broadcast %parallel_loop3A_448 : i32 to vector<16xi32>
      tpu.vector_store_idx %arg8[%parallel_loop3A_449, %parallel_loop3A_375], %parallel_loop3A_414 : memref<16x1024xf32, #tpu.memory_space<vmem>>[vector<16xi32>, vector<16xi32>], vector<16xf32>,
      %parallel_loop3A_450 = arith.constant 13 : i32
      %parallel_loop3A_451 = vector.broadcast %parallel_loop3A_450 : i32 to vector<16xi32>
      tpu.vector_store_idx %arg8[%parallel_loop3A_451, %parallel_loop3A_375], %parallel_loop3A_417 : memref<16x1024xf32, #tpu.memory_space<vmem>>[vector<16xi32>, vector<16xi32>], vector<16xf32>,
      %parallel_loop3A_452 = arith.constant 14 : i32
      %parallel_loop3A_453 = vector.broadcast %parallel_loop3A_452 : i32 to vector<16xi32>
      tpu.vector_store_idx %arg8[%parallel_loop3A_453, %parallel_loop3A_375], %parallel_loop3A_420 : memref<16x1024xf32, #tpu.memory_space<vmem>>[vector<16xi32>, vector<16xi32>], vector<16xf32>,
      %parallel_loop3A_454 = arith.constant 15 : i32
      %parallel_loop3A_455 = vector.broadcast %parallel_loop3A_454 : i32 to vector<16xi32>
      tpu.vector_store_idx %arg8[%parallel_loop3A_455, %parallel_loop3A_375], %parallel_loop3A_423 : memref<16x1024xf32, #tpu.memory_space<vmem>>[vector<16xi32>, vector<16xi32>], vector<16xf32>,
    } {sc.loop_unroll_factor = 4 : i64, sc.parallel_access}
    %add3A_337 = arith.constant 224 : i32
    %add3A_338 = arith.addi %mul3A_2, %add3A_337 : i32
    %dma_start3A_339 = arith.constant 0 : i32
    %dma_start3A_340 = tpu.memref_slice %arg4[%add3A_338, %dma_start3A_339] : memref<8192x1024xf32, #tpu.memory_space<hbm>> -> memref<16x1024xf32, #tpu.memory_space<hbm>>
    %dma_start3A_341 = arith.constant 0 : i32
    %dma_start3A_342 = tpu.memref_slice %arg4[%add3A_338, %dma_start3A_341] : memref<8192x1024xf32, #tpu.memory_space<hbm>> -> memref<16x1024xf32, #tpu.memory_space<hbm>>
    tpu.enqueue_dma source(%arg8 : memref<16x1024xf32, #tpu.memory_space<vmem>>) target(%dma_start3A_342 : memref<16x1024xf32, #tpu.memory_space<hbm>>) target_semaphore(%arg12 : memref<!tpu.dma_semaphore, #tpu.memory_space<semaphore_mem>>)
    %dma_wait3A_343 = arith.constant 0 : i32
    %dma_wait3A_344 = tpu.memref_slice %arg2[%add3A_321, %dma_wait3A_343] : memref<8192x1024xf32, #tpu.memory_space<hbm>> -> memref<16x1024xf32, #tpu.memory_space<hbm>>
    %dma_wait3A_345 = arith.constant 0 : i32
    %dma_wait3A_346 = tpu.memref_slice %arg2[%add3A_321, %dma_wait3A_345] : memref<8192x1024xf32, #tpu.memory_space<hbm>> -> memref<16x1024xf32, #tpu.memory_space<hbm>>
    tpu.wait_dma2 semaphore(%arg11 : memref<!tpu.dma_semaphore, #tpu.memory_space<semaphore_mem>>) src(%dma_wait3A_346 : memref<16x1024xf32, #tpu.memory_space<hbm>>) dst(%arg7 : memref<16x1024xf32, #tpu.memory_space<vmem>>)
    %dma_wait3A_347 = arith.constant 0 : i32
    %dma_wait3A_348 = tpu.memref_slice %arg4[%add3A_315, %dma_wait3A_347] : memref<8192x1024xf32, #tpu.memory_space<hbm>> -> memref<16x1024xf32, #tpu.memory_space<hbm>>
    %dma_wait3A_349 = arith.constant 0 : i32
    %dma_wait3A_350 = tpu.memref_slice %arg4[%add3A_315, %dma_wait3A_349] : memref<8192x1024xf32, #tpu.memory_space<hbm>> -> memref<16x1024xf32, #tpu.memory_space<hbm>>
    tpu.wait_dma2 semaphore(%arg13 : memref<!tpu.dma_semaphore, #tpu.memory_space<semaphore_mem>>) src(%arg9 : memref<16x1024xf32, #tpu.memory_space<vmem>>) dst(%dma_wait3A_350 : memref<16x1024xf32, #tpu.memory_space<hbm>>)
    %parallel_loop3A_351 = arith.constant 0 : i32
    %parallel_loop3A_352 = arith.constant 64 : i32
    %parallel_loop3A_353 = arith.constant 1 : i32
    scf.for %parallel_loop3A_368 = %parallel_loop3A_351 to %parallel_loop3A_352 step %parallel_loop3A_353  : i32 {
      %parallel_loop3A_369 = arith.constant 16 : i32
      %parallel_loop3A_370 = arith.muli %parallel_loop3A_368, %parallel_loop3A_369 : i32
      %parallel_loop3A_371 = arith.index_cast %parallel_loop3A_370 : i32 to index
      %parallel_loop3A_372 = tpu.vector_load %arg5[%parallel_loop3A_371] {strides = array<i32>} : memref<1024xi32, #tpu.memory_space<vmem>>, vector<16xi32>,
      %parallel_loop3A_373 = tpu.iota {dimensions = array<i32: 0>} : vector<16xi32>
      %parallel_loop3A_374 = vector.broadcast %parallel_loop3A_370 : i32 to vector<16xi32>
      %parallel_loop3A_375 = arith.addi %parallel_loop3A_373, %parallel_loop3A_374 : vector<16xi32>
      %parallel_loop3A_376 = arith.constant 0 : i32
      %parallel_loop3A_377 = vector.broadcast %parallel_loop3A_376 : i32 to vector<16xi32>
      %parallel_loop3A_378 = tpu.vector_load_idx %arg7[%parallel_loop3A_377, %parallel_loop3A_372] : memref<16x1024xf32, #tpu.memory_space<vmem>>[vector<16xi32>, vector<16xi32>], vector<16xf32>,
      %parallel_loop3A_379 = arith.constant 1 : i32
      %parallel_loop3A_380 = vector.broadcast %parallel_loop3A_379 : i32 to vector<16xi32>
      %parallel_loop3A_381 = tpu.vector_load_idx %arg7[%parallel_loop3A_380, %parallel_loop3A_372] : memref<16x1024xf32, #tpu.memory_space<vmem>>[vector<16xi32>, vector<16xi32>], vector<16xf32>,
      %parallel_loop3A_382 = arith.constant 2 : i32
      %parallel_loop3A_383 = vector.broadcast %parallel_loop3A_382 : i32 to vector<16xi32>
      %parallel_loop3A_384 = tpu.vector_load_idx %arg7[%parallel_loop3A_383, %parallel_loop3A_372] : memref<16x1024xf32, #tpu.memory_space<vmem>>[vector<16xi32>, vector<16xi32>], vector<16xf32>,
      %parallel_loop3A_385 = arith.constant 3 : i32
      %parallel_loop3A_386 = vector.broadcast %parallel_loop3A_385 : i32 to vector<16xi32>
      %parallel_loop3A_387 = tpu.vector_load_idx %arg7[%parallel_loop3A_386, %parallel_loop3A_372] : memref<16x1024xf32, #tpu.memory_space<vmem>>[vector<16xi32>, vector<16xi32>], vector<16xf32>,
      %parallel_loop3A_388 = arith.constant 4 : i32
      %parallel_loop3A_389 = vector.broadcast %parallel_loop3A_388 : i32 to vector<16xi32>
      %parallel_loop3A_390 = tpu.vector_load_idx %arg7[%parallel_loop3A_389, %parallel_loop3A_372] : memref<16x1024xf32, #tpu.memory_space<vmem>>[vector<16xi32>, vector<16xi32>], vector<16xf32>,
      %parallel_loop3A_391 = arith.constant 5 : i32
      %parallel_loop3A_392 = vector.broadcast %parallel_loop3A_391 : i32 to vector<16xi32>
      %parallel_loop3A_393 = tpu.vector_load_idx %arg7[%parallel_loop3A_392, %parallel_loop3A_372] : memref<16x1024xf32, #tpu.memory_space<vmem>>[vector<16xi32>, vector<16xi32>], vector<16xf32>,
      %parallel_loop3A_394 = arith.constant 6 : i32
      %parallel_loop3A_395 = vector.broadcast %parallel_loop3A_394 : i32 to vector<16xi32>
      %parallel_loop3A_396 = tpu.vector_load_idx %arg7[%parallel_loop3A_395, %parallel_loop3A_372] : memref<16x1024xf32, #tpu.memory_space<vmem>>[vector<16xi32>, vector<16xi32>], vector<16xf32>,
      %parallel_loop3A_397 = arith.constant 7 : i32
      %parallel_loop3A_398 = vector.broadcast %parallel_loop3A_397 : i32 to vector<16xi32>
      %parallel_loop3A_399 = tpu.vector_load_idx %arg7[%parallel_loop3A_398, %parallel_loop3A_372] : memref<16x1024xf32, #tpu.memory_space<vmem>>[vector<16xi32>, vector<16xi32>], vector<16xf32>,
      %parallel_loop3A_400 = arith.constant 8 : i32
      %parallel_loop3A_401 = vector.broadcast %parallel_loop3A_400 : i32 to vector<16xi32>
      %parallel_loop3A_402 = tpu.vector_load_idx %arg7[%parallel_loop3A_401, %parallel_loop3A_372] : memref<16x1024xf32, #tpu.memory_space<vmem>>[vector<16xi32>, vector<16xi32>], vector<16xf32>,
      %parallel_loop3A_403 = arith.constant 9 : i32
      %parallel_loop3A_404 = vector.broadcast %parallel_loop3A_403 : i32 to vector<16xi32>
      %parallel_loop3A_405 = tpu.vector_load_idx %arg7[%parallel_loop3A_404, %parallel_loop3A_372] : memref<16x1024xf32, #tpu.memory_space<vmem>>[vector<16xi32>, vector<16xi32>], vector<16xf32>,
      %parallel_loop3A_406 = arith.constant 10 : i32
      %parallel_loop3A_407 = vector.broadcast %parallel_loop3A_406 : i32 to vector<16xi32>
      %parallel_loop3A_408 = tpu.vector_load_idx %arg7[%parallel_loop3A_407, %parallel_loop3A_372] : memref<16x1024xf32, #tpu.memory_space<vmem>>[vector<16xi32>, vector<16xi32>], vector<16xf32>,
      %parallel_loop3A_409 = arith.constant 11 : i32
      %parallel_loop3A_410 = vector.broadcast %parallel_loop3A_409 : i32 to vector<16xi32>
      %parallel_loop3A_411 = tpu.vector_load_idx %arg7[%parallel_loop3A_410, %parallel_loop3A_372] : memref<16x1024xf32, #tpu.memory_space<vmem>>[vector<16xi32>, vector<16xi32>], vector<16xf32>,
      %parallel_loop3A_412 = arith.constant 12 : i32
      %parallel_loop3A_413 = vector.broadcast %parallel_loop3A_412 : i32 to vector<16xi32>
      %parallel_loop3A_414 = tpu.vector_load_idx %arg7[%parallel_loop3A_413, %parallel_loop3A_372] : memref<16x1024xf32, #tpu.memory_space<vmem>>[vector<16xi32>, vector<16xi32>], vector<16xf32>,
      %parallel_loop3A_415 = arith.constant 13 : i32
      %parallel_loop3A_416 = vector.broadcast %parallel_loop3A_415 : i32 to vector<16xi32>
      %parallel_loop3A_417 = tpu.vector_load_idx %arg7[%parallel_loop3A_416, %parallel_loop3A_372] : memref<16x1024xf32, #tpu.memory_space<vmem>>[vector<16xi32>, vector<16xi32>], vector<16xf32>,
      %parallel_loop3A_418 = arith.constant 14 : i32
      %parallel_loop3A_419 = vector.broadcast %parallel_loop3A_418 : i32 to vector<16xi32>
      %parallel_loop3A_420 = tpu.vector_load_idx %arg7[%parallel_loop3A_419, %parallel_loop3A_372] : memref<16x1024xf32, #tpu.memory_space<vmem>>[vector<16xi32>, vector<16xi32>], vector<16xf32>,
      %parallel_loop3A_421 = arith.constant 15 : i32
      %parallel_loop3A_422 = vector.broadcast %parallel_loop3A_421 : i32 to vector<16xi32>
      %parallel_loop3A_423 = tpu.vector_load_idx %arg7[%parallel_loop3A_422, %parallel_loop3A_372] : memref<16x1024xf32, #tpu.memory_space<vmem>>[vector<16xi32>, vector<16xi32>], vector<16xf32>,
      %parallel_loop3A_424 = arith.constant 0 : i32
      %parallel_loop3A_425 = vector.broadcast %parallel_loop3A_424 : i32 to vector<16xi32>
      tpu.vector_store_idx %arg9[%parallel_loop3A_425, %parallel_loop3A_375], %parallel_loop3A_378 : memref<16x1024xf32, #tpu.memory_space<vmem>>[vector<16xi32>, vector<16xi32>], vector<16xf32>,
      %parallel_loop3A_426 = arith.constant 1 : i32
      %parallel_loop3A_427 = vector.broadcast %parallel_loop3A_426 : i32 to vector<16xi32>
      tpu.vector_store_idx %arg9[%parallel_loop3A_427, %parallel_loop3A_375], %parallel_loop3A_381 : memref<16x1024xf32, #tpu.memory_space<vmem>>[vector<16xi32>, vector<16xi32>], vector<16xf32>,
      %parallel_loop3A_428 = arith.constant 2 : i32
      %parallel_loop3A_429 = vector.broadcast %parallel_loop3A_428 : i32 to vector<16xi32>
      tpu.vector_store_idx %arg9[%parallel_loop3A_429, %parallel_loop3A_375], %parallel_loop3A_384 : memref<16x1024xf32, #tpu.memory_space<vmem>>[vector<16xi32>, vector<16xi32>], vector<16xf32>,
      %parallel_loop3A_430 = arith.constant 3 : i32
      %parallel_loop3A_431 = vector.broadcast %parallel_loop3A_430 : i32 to vector<16xi32>
      tpu.vector_store_idx %arg9[%parallel_loop3A_431, %parallel_loop3A_375], %parallel_loop3A_387 : memref<16x1024xf32, #tpu.memory_space<vmem>>[vector<16xi32>, vector<16xi32>], vector<16xf32>,
      %parallel_loop3A_432 = arith.constant 4 : i32
      %parallel_loop3A_433 = vector.broadcast %parallel_loop3A_432 : i32 to vector<16xi32>
      tpu.vector_store_idx %arg9[%parallel_loop3A_433, %parallel_loop3A_375], %parallel_loop3A_390 : memref<16x1024xf32, #tpu.memory_space<vmem>>[vector<16xi32>, vector<16xi32>], vector<16xf32>,
      %parallel_loop3A_434 = arith.constant 5 : i32
      %parallel_loop3A_435 = vector.broadcast %parallel_loop3A_434 : i32 to vector<16xi32>
      tpu.vector_store_idx %arg9[%parallel_loop3A_435, %parallel_loop3A_375], %parallel_loop3A_393 : memref<16x1024xf32, #tpu.memory_space<vmem>>[vector<16xi32>, vector<16xi32>], vector<16xf32>,
      %parallel_loop3A_436 = arith.constant 6 : i32
      %parallel_loop3A_437 = vector.broadcast %parallel_loop3A_436 : i32 to vector<16xi32>
      tpu.vector_store_idx %arg9[%parallel_loop3A_437, %parallel_loop3A_375], %parallel_loop3A_396 : memref<16x1024xf32, #tpu.memory_space<vmem>>[vector<16xi32>, vector<16xi32>], vector<16xf32>,
      %parallel_loop3A_438 = arith.constant 7 : i32
      %parallel_loop3A_439 = vector.broadcast %parallel_loop3A_438 : i32 to vector<16xi32>
      tpu.vector_store_idx %arg9[%parallel_loop3A_439, %parallel_loop3A_375], %parallel_loop3A_399 : memref<16x1024xf32, #tpu.memory_space<vmem>>[vector<16xi32>, vector<16xi32>], vector<16xf32>,
      %parallel_loop3A_440 = arith.constant 8 : i32
      %parallel_loop3A_441 = vector.broadcast %parallel_loop3A_440 : i32 to vector<16xi32>
      tpu.vector_store_idx %arg9[%parallel_loop3A_441, %parallel_loop3A_375], %parallel_loop3A_402 : memref<16x1024xf32, #tpu.memory_space<vmem>>[vector<16xi32>, vector<16xi32>], vector<16xf32>,
      %parallel_loop3A_442 = arith.constant 9 : i32
      %parallel_loop3A_443 = vector.broadcast %parallel_loop3A_442 : i32 to vector<16xi32>
      tpu.vector_store_idx %arg9[%parallel_loop3A_443, %parallel_loop3A_375], %parallel_loop3A_405 : memref<16x1024xf32, #tpu.memory_space<vmem>>[vector<16xi32>, vector<16xi32>], vector<16xf32>,
      %parallel_loop3A_444 = arith.constant 10 : i32
      %parallel_loop3A_445 = vector.broadcast %parallel_loop3A_444 : i32 to vector<16xi32>
      tpu.vector_store_idx %arg9[%parallel_loop3A_445, %parallel_loop3A_375], %parallel_loop3A_408 : memref<16x1024xf32, #tpu.memory_space<vmem>>[vector<16xi32>, vector<16xi32>], vector<16xf32>,
      %parallel_loop3A_446 = arith.constant 11 : i32
      %parallel_loop3A_447 = vector.broadcast %parallel_loop3A_446 : i32 to vector<16xi32>
      tpu.vector_store_idx %arg9[%parallel_loop3A_447, %parallel_loop3A_375], %parallel_loop3A_411 : memref<16x1024xf32, #tpu.memory_space<vmem>>[vector<16xi32>, vector<16xi32>], vector<16xf32>,
      %parallel_loop3A_448 = arith.constant 12 : i32
      %parallel_loop3A_449 = vector.broadcast %parallel_loop3A_448 : i32 to vector<16xi32>
      tpu.vector_store_idx %arg9[%parallel_loop3A_449, %parallel_loop3A_375], %parallel_loop3A_414 : memref<16x1024xf32, #tpu.memory_space<vmem>>[vector<16xi32>, vector<16xi32>], vector<16xf32>,
      %parallel_loop3A_450 = arith.constant 13 : i32
      %parallel_loop3A_451 = vector.broadcast %parallel_loop3A_450 : i32 to vector<16xi32>
      tpu.vector_store_idx %arg9[%parallel_loop3A_451, %parallel_loop3A_375], %parallel_loop3A_417 : memref<16x1024xf32, #tpu.memory_space<vmem>>[vector<16xi32>, vector<16xi32>], vector<16xf32>,
      %parallel_loop3A_452 = arith.constant 14 : i32
      %parallel_loop3A_453 = vector.broadcast %parallel_loop3A_452 : i32 to vector<16xi32>
      tpu.vector_store_idx %arg9[%parallel_loop3A_453, %parallel_loop3A_375], %parallel_loop3A_420 : memref<16x1024xf32, #tpu.memory_space<vmem>>[vector<16xi32>, vector<16xi32>], vector<16xf32>,
      %parallel_loop3A_454 = arith.constant 15 : i32
      %parallel_loop3A_455 = vector.broadcast %parallel_loop3A_454 : i32 to vector<16xi32>
      tpu.vector_store_idx %arg9[%parallel_loop3A_455, %parallel_loop3A_375], %parallel_loop3A_423 : memref<16x1024xf32, #tpu.memory_space<vmem>>[vector<16xi32>, vector<16xi32>], vector<16xf32>,
    } {sc.loop_unroll_factor = 4 : i64, sc.parallel_access}
    %add3A_354 = arith.constant 240 : i32
    %add3A_355 = arith.addi %mul3A_2, %add3A_354 : i32
    %dma_start3A_356 = arith.constant 0 : i32
    %dma_start3A_357 = tpu.memref_slice %arg4[%add3A_355, %dma_start3A_356] : memref<8192x1024xf32, #tpu.memory_space<hbm>> -> memref<16x1024xf32, #tpu.memory_space<hbm>>
    %dma_start3A_358 = arith.constant 0 : i32
    %dma_start3A_359 = tpu.memref_slice %arg4[%add3A_355, %dma_start3A_358] : memref<8192x1024xf32, #tpu.memory_space<hbm>> -> memref<16x1024xf32, #tpu.memory_space<hbm>>
    tpu.enqueue_dma source(%arg9 : memref<16x1024xf32, #tpu.memory_space<vmem>>) target(%dma_start3A_359 : memref<16x1024xf32, #tpu.memory_space<hbm>>) target_semaphore(%arg13 : memref<!tpu.dma_semaphore, #tpu.memory_space<semaphore_mem>>)
    %dma_wait3A_360 = arith.constant 0 : i32
    %dma_wait3A_361 = tpu.memref_slice %arg4[%add3A_338, %dma_wait3A_360] : memref<8192x1024xf32, #tpu.memory_space<hbm>> -> memref<16x1024xf32, #tpu.memory_space<hbm>>
    %dma_wait3A_362 = arith.constant 0 : i32
    %dma_wait3A_363 = tpu.memref_slice %arg4[%add3A_338, %dma_wait3A_362] : memref<8192x1024xf32, #tpu.memory_space<hbm>> -> memref<16x1024xf32, #tpu.memory_space<hbm>>
    tpu.wait_dma2 semaphore(%arg12 : memref<!tpu.dma_semaphore, #tpu.memory_space<semaphore_mem>>) src(%arg8 : memref<16x1024xf32, #tpu.memory_space<vmem>>) dst(%dma_wait3A_363 : memref<16x1024xf32, #tpu.memory_space<hbm>>)
    %dma_wait3A_364 = arith.constant 0 : i32
    %dma_wait3A_365 = tpu.memref_slice %arg4[%add3A_355, %dma_wait3A_364] : memref<8192x1024xf32, #tpu.memory_space<hbm>> -> memref<16x1024xf32, #tpu.memory_space<hbm>>
    %dma_wait3A_366 = arith.constant 0 : i32
    %dma_wait3A_367 = tpu.memref_slice %arg4[%add3A_355, %dma_wait3A_366] : memref<8192x1024xf32, #tpu.memory_space<hbm>> -> memref<16x1024xf32, #tpu.memory_space<hbm>>
    tpu.wait_dma2 semaphore(%arg13 : memref<!tpu.dma_semaphore, #tpu.memory_space<semaphore_mem>>) src(%arg9 : memref<16x1024xf32, #tpu.memory_space<vmem>>) dst(%dma_wait3A_367 : memref<16x1024xf32, #tpu.memory_space<hbm>>)
    return
  }
}

</mosaic_0001>

<sc_bundles>
// kernel: kernel.3.cloned.1.call-start
scs
__scs_entry_jumppad:
0x0: {  	(pc) =	sbr.rel $0x88, $3  }
0x1: {  	(tag) =	ssettag $0x0;
	lr =	simm.s32 $0x1  }
0x2: {  	[smem:$0x3FA0] =	sst lr;
	_ =	strace $0xD0000000  }
0x3: {  	_ = 	snop  }
0x4: {  	_ = 	snop  }
0x5: {  	_ = 	snop  }
0x6: {  	_ = 	snop  }
0x7: {  	_ = 	snop  }
__scs_overlays_trampoline_lowered:
0x8: {  	[smem:$0x3FAF] =	sst s0  }
0x9: {  	[smem:$0x3FB0] =	sst s1  }
0xa: {  	[smem:$0x3FB1] =	sst s2  }
0xb: {  	[smem:$0x3FB2] =	sst s3  }
0xc: {  	[smem:$0x3FB3] =	sst s4  }
0xd: {  	[smem:$0x3FB4] =	sst s5  }
0xe: {  	[smem:$0x3FB5] =	sst s6  }
0xf: {  	[smem:$0x3FB6] =	sst s7  }
0x10: {  	[smem:$0x3FB7] =	sst s8  }
0x11: {  	[smem:$0x3FB8] =	sst s9;
	s0 =	simm.s32 @!p0 $0x0  }
0x12: {  	s1 =	sld [smem:$0x3F9E];
	s0 =	simm.s32 @p0 $0x1  }
0x13: {  	[smem:$0x3FB9] =	sst s0;
	s0 =	simm.s32 @!p1 $0x0  }
0x14: {  	s2 =	sld [smem:$0x3F9D];
	s0 =	simm.s32 @p1 $0x1  }
0x15: {  	[smem:$0x3FBA] =	sst s0;
	s0 =	simm.s32 @!p2 $0x0  }
0x16: {  	s3 =	sld [smem:$0x3FDB];
	s0 =	simm.s32 @p2 $0x1  }
0x17: {  	s4 =	simm.s32 $0x1BF5;
	[smem:$0x3FBC] =	sst s0  }
0x18: {  	s0 =	sld [smem:$0x3F9F];
	_ =	swait.ge [sflag:s4], $0x0  }
0x19: {  	s7 =	sld [smem:$0x3FA0]  }
0x1a: {  	s8 =	sadd.s32 $0xFFFFE003, lr  }
0x1b: {  	s9 =	sadd.s32 $0xFFFFFEF7, lr;
	s5 =	simm.s32 $0xFFFFFFFF;
	p2 =	slt.u32 s8, $0xFFFFF086  }
0x1c: {  	p1 =	slt.u32 s9, $0xF7A;
	s5 =	simm.s32 @!p2 $0x0  }
0x1d: {  	s5 =	simm.s32 @p1 $0x1;
	p0 =	seq.s32 s7, s2  }
0x1e: {  	s7 =	smul.u32 @!p0 $0xF7A, s2;
	p2 =	seq.s32 @!p0 s5, $0x0  }
0x1f: {  	s9 =	smul.u32 $0xF7A, s1;
	s8 =	simm.s32 @!p0 $0x1BF5;
	p2 =	por !p2, p0  }
0x20: {  	[sflag:s8] =	ssyncset.s32 @!p0 $0xFFFFF086;
	s6 =	sadd.s32 @!p0 s3, s7;
	s7 =	simm.s32 @!p0 $0x108  }
0x21: {  	s3 =	sadd.s32 s3, s9;
	s6 =	sadd.s32 @!p0 $0x88, s6;
	s7 =	simm.s32 @p2 $0x1082  }
0x22: {  	[simem:s7], [sflag:s8] =	dma.local @!p0 [hbm:s6], $0xF7A  }
0x23: {  	s9 =	sor.u32 $0xD0000000, s2;
	s6 =	simm.s32 $0x108;
	_ =	swait.ge @!p0 [sflag:s8], $0x0  }
0x24: {  	s3 =	sadd.s32 $0x88, s3;
	s6 =	simm.s32 @!p1 $0x1082;
	[sflag:s4] =	ssyncset.s32 $0xFFFFF086  }
0x25: {  	[simem:s6], [sflag:s4] =	dma.local [hbm:s3], $0xF7A  }
0x26: {  	[smem:$0x3FA0] =	sst s1;
	(tag) =	ssettag s2;
	_ =	strace s9  }
0x27: {  	s1 =	sld [smem:$0x3FB0]  }
0x28: {  	s2 =	sld [smem:$0x3FB1]  }
0x29: {  	s4 =	sld [smem:$0x3FB3]  }
0x2a: {  	p0 =	seq.s32 s5, $0x0;
	s5 =	sld [smem:$0x3FB4]  }
0x2b: {  	s6 =	sld [smem:$0x3FB5]  }
0x2c: {  	s7 =	sld [smem:$0x3FB6]  }
0x2d: {  	s3 =	simm.s32 $0x108;
	s8 =	sld [smem:$0x3FB7]  }
0x2e: {  	s3 =	simm.s32 @!p0 $0x1082;
	s9 =	sld [smem:$0x3FB8]  }
0x2f: {  	lr =	sadd.s32 s0, s3;
	s0 =	sld [smem:$0x3FAF]  }
0x30: {  	s3 =	sld [smem:$0x3FB2]  }
0x31: {  	[smem:$0x3FBB] =	sst s10  }
0x32: {  	s10 =	sld [smem:$0x3FB9];
	_ =	sdelay $0x3  }
0x33: {  	p0 =	seq.s32 s10, $0x1;
	s10 =	sld [smem:$0x3FBB];
	_ =	sdelay $0x3  }
0x34: {  	[smem:$0x3FBB] =	sst s10  }
0x35: {  	s10 =	sld [smem:$0x3FBA];
	_ =	sdelay $0x3  }
0x36: {  	p1 =	seq.s32 s10, $0x1;
	s10 =	sld [smem:$0x3FBB];
	_ =	sdelay $0x3  }
0x37: {  	[smem:$0x3FBB] =	sst s10  }
0x38: {  	s10 =	sld [smem:$0x3FBC]  }
0x39: {  	_ = 	snop;
	(pc) =	sbr.ind lr, $3  }
0x3a: {  	_ = 	snop  }
0x3b: {  	_ = 	snop  }
0x3c: {  	p2 =	seq.s32 s10, $0x1;
	s10 =	sld [smem:$0x3FBB]  }
0x3d: {  	_ =	shalt  }
0x3e: {  	_ =	shalt  }
0x3f: {  	_ =	shalt  }
0x40: {  	_ =	shalt  }
0x41: {  	_ =	shalt  }
0x42: {  	_ =	shalt  }
0x43: {  	_ =	shalt  }
0x44: {  	_ =	shalt  }
0x45: {  	_ =	shalt  }
0x46: {  	_ =	shalt  }
0x47: {  	_ =	shalt  }
0x48: {  	_ =	shalt  }
0x49: {  	_ =	shalt  }
0x4a: {  	_ =	shalt  }
0x4b: {  	_ =	shalt  }
0x4c: {  	_ =	shalt  }
0x4d: {  	_ =	shalt  }
0x4e: {  	_ =	shalt  }
0x4f: {  	_ =	shalt  }
0x50: {  	_ =	shalt  }
0x51: {  	_ =	shalt  }
0x52: {  	_ =	shalt  }
0x53: {  	_ =	shalt  }
0x54: {  	_ =	shalt  }
0x55: {  	_ =	shalt  }
0x56: {  	_ =	shalt  }
0x57: {  	_ =	shalt  }
0x58: {  	_ =	shalt  }
0x59: {  	_ =	shalt  }
0x5a: {  	_ =	shalt  }
0x5b: {  	_ =	shalt  }
0x5c: {  	_ =	shalt  }
0x5d: {  	_ =	shalt  }
0x5e: {  	_ =	shalt  }
0x5f: {  	_ =	shalt  }
0x60: {  	_ =	shalt  }
0x61: {  	_ =	shalt  }
0x62: {  	_ =	shalt  }
0x63: {  	_ =	shalt  }
0x64: {  	_ =	shalt  }
0x65: {  	_ =	shalt  }
0x66: {  	_ =	shalt  }
0x67: {  	_ =	shalt  }
0x68: {  	_ =	shalt  }
0x69: {  	_ =	shalt  }
0x6a: {  	_ =	shalt  }
0x6b: {  	_ =	shalt  }
0x6c: {  	_ =	shalt  }
0x6d: {  	_ =	shalt  }
0x6e: {  	_ =	shalt  }
0x6f: {  	_ =	shalt  }
0x70: {  	_ =	shalt  }
0x71: {  	_ =	shalt  }
0x72: {  	_ =	shalt  }
0x73: {  	_ =	shalt  }
0x74: {  	_ =	shalt  }
0x75: {  	_ =	shalt  }
0x76: {  	_ =	shalt  }
0x77: {  	_ =	shalt  }
0x78: {  	_ =	shalt  }
0x79: {  	_ =	shalt  }
0x7a: {  	_ =	shalt  }
0x7b: {  	_ =	shalt  }
0x7c: {  	_ =	shalt  }
0x7d: {  	_ =	shalt  }
0x7e: {  	_ =	shalt  }
0x7f: {  	_ =	shalt  }
0x80: {  	_ =	shalt  }
0x81: {  	_ =	shalt  }
0x82: {  	_ =	shalt  }
0x83: {  	_ =	shalt  }
0x84: {  	_ =	shalt  }
0x85: {  	_ =	shalt  }
0x86: {  	_ =	shalt  }
0x87: {  	_ =	shalt  }
.Lfunc_end0:
.L_simem_size_0:
called_computation_lowered:
.L_overlay_start_0:
0x88: {  	s2 =	sld [smem:$0x3FD9]  }
0x89: {  	s3 =	sld [smem:$0x3FFE];
	_ =	sdelay $0x1  }
0x8a: {  	s1 =	srdreg.scid  }
0x8b: {  	s0 =	sand.u32 $0x1, s1  }
0x8c: {  	s14 =	sshll.u32 s0, $0xA;
	s2 =	sadd.s32 s3, s2  }
0x8d: {  	s2 =	sadd.s32 s2, s14  }
0x8e: {  	[smem:$0x3FC7] =	sst s2  }
0x8f: {  	_ = 	snop  }
0x90: {  	s2 =	sld [smem:$0x3FD0];
	_ =	sdelay $0x2  }
0x91: {  	s4 =	simm.s32 $0xA;
	s5 =	simm.s32 $0x10;
	s15 =	sld [smem:$0x3FC9]  }
0x92: {  	[smem:s5], [sflag:s4] =	dma.local [hbm:s2], $0x1  }
0x93: {  	_ =	swait.eq [sflag:s4], $0x1  }
0x94: {  	[sflag:s4] =	ssyncset.done $0x0  }
0x95: {  	[sflag:s4] =	ssyncadd.s32 $0xFFFFFFFF  }
0x96: {  	s16 =	sld [smem:$0x10];
	(tm) =	ssettm $0x1  }
0x97: {  	s17 =	sld [smem:$0x3FFB];
	_ =	sdelay $0x3  }
0x98: {  	_ =	strace s17  }
0x99: {  	s4 =	sld [smem:$0x3FFC];
	_ =	sdelay $0x3  }
0x9a: {  	_ =	strace s4  }
0x9b: {  	s4 =	sld [smem:$0x3FFD];
	_ =	sdelay $0x3  }
0x9c: {  	_ =	strace s4  }
0x9d: {  	_ =	strace $0x8FFFFFFF  }
0x9e: {  	s18 =	sld [smem:$0x3FDB];
	_ =	sdelay $0x1  }
0x9f: {  	s19 =	simm.s32 $_scs_section_size  }
0xa0: {  	s6 =	simm.s32 $_size__tile_overlayer_lowered;
	s7 =	simm.s32 $_tile_overlayer_lowered  }
0xa1: {  	s22 =	simm.s32 $0x1BFF;
	s21 =	sshll.u32 s7, $0x1;
	s4 =	sadd.s32 s19, s18  }
0xa2: {  	s8 =	simm.s32 $0x0;
	s20 =	sshll.u32 s6, $0x1;
	s6 =	sadd.s32 s21, s4  }
0xa3: {  	[timem:s8], [sflag:s22] =	dma.local [hbm:s6], s20  }
0xa4: {  	_ =	swait.ge [sflag:s22], s20  }
0xa5: {  	s5 =	ssub.s32 $0x0, s20;
	[sflag:s22] =	ssyncset.done $0x0  }
0xa6: {  	[sflag:s22] =	ssyncadd.s32 s5;
	_ =	sdelay $0x1  }
0xa7: {  	s23 =	simm.s32 $0x1B8B  }
0xa8: {  	_ =	swait.ge [sflag:s23], $0x1  }
0xa9: {  	[sflag:s23] =	ssyncset.done $0x0  }
0xaa: {  	s25 =	simm.s32 $0x1B8E;
	s24 =	sld [smem:$0x3FFE];
	[sflag:s23] =	ssyncadd.s32 $0xFFFFFFFF  }
0xab: {  	s26 =	simm.s32 $execute0_lowered;
	[smem:$0x3FD2] =	sst s25  }
0xac: {  	s6 =	sshll.u32 s26, $0x1;
	_ =	strace $0x80000046;
	[dreg:$0x1] =	wrdreg $0xFFFFFFFF  }
0xad: {  	s28 =	simm.s32 $_size_execute0_lowered;
	s4 =	sadd.s32 s4, s6;
	[dreg:$0x0] =	wrdreg $0x0  }
0xae: {  	s6 =	sshll.u32 s28, $0x1;
	[dreg:$0x2] =	wrdreg s4  }
0xaf: {  	[dreg:$0x3] =	wrdreg s6  }
0xb0: {  	[dreg:$0x4] =	wrdreg $0xC0  }
0xb1: {  	_ =	task [dreg:s8], $0x5FFFF  }
0xb2: {  	[dreg:$0x1] =	wrdreg $0xFFFFFFFF  }
0xb3: {  	[dreg:$0x0] =	wrdreg $0x60  }
0xb4: {  	[dreg:$0x2] =	wrdreg s15  }
0xb5: {  	[dreg:$0x3] =	wrdreg s24  }
0xb6: {  	[dreg:$0x4] =	wrdreg s16  }
0xb7: {  	[dreg:$0x5] =	wrdreg $0x9  }
0xb8: {  	_ =	task.clear_ibuf [dreg:s8], $0x6FFFF;
	_ =	strace $0x90000046  }
0xb9: {  	s29 =	simm.s32 $0x9;
	_ =	strace $0x80000048  }
0xba: {  	_ =	swait.ge [sflag:s29], $0x1  }
0xbb: {  	[sflag:s29] =	ssyncadd.s32 $0xFFFFFFFF  }
0xbc: {  	_ =	strace $0x90000048  }
0xbd: {  	_ =	sfence  }
0xbe: {  	s30 =	sld [smem:$0x0];
	_ =	sdelay $0x2  }
0xbf: {  	s31 =	sshll.u32 s1, $0xD;
	s1 =	sshrl.u32 s1, $0x2  }
0xc0: {  	s3 =	sand.u32 $0x4000, s31;
	s1 =	sadd.s32 s1, s30  }
0xc1: {  	s0 =	sor.u32 s3, s0;
	s1 =	sshll.u32 s1, $0x11  }
0xc2: {  	s0 =	sor.u32 s1, s0  }
0xc3: {  	s0 =	sadd.s32 $0x8F2B, s0  }
0xc4: {  	[sflag:s0] =	ssyncadd.remote.s32 $0x1  }
0xc5: {  	_ =	sfence.sel $0xFFFF  }
0xc6: {  	[dreg:$0x0] =	wrdreg $0xFFFFFFFF;
	(pc) =	sbr.abs _section_cstart, $3  }
0xc7: {  	[dreg:$0x1] =	wrdreg $0xFFFFFFFF  }
0xc8: {  	_ =	task.clear_ibuf [dreg:s8], $0x2FFFF;
	_ =	strace $0x9FFFFFFF  }
0xc9: {  	(tm) =	ssettm $0x7FFFFFFF  }
tec
execute0_lowered:
.L_overlay_start_1:
0x0: {  	(tag) =	ssettag $0x1  }
0x1: {  	s0 =	rddreg [dreg:$0x0];
	s2 =	srdreg.scid  }
0x2: {  	s3 =	rddreg [dreg:$0x2];
	s5 =	stileid.u32;
	s2 =	sand.u32 $0x1, s2  }
0x3: {  	s5 =	sshll.u32 s5, $0x10;
	s4 =	ssub.s32 $0x2, s2;
	s2 =	sshll.u32 s2, $0xF  }
0x4: {  	s1 =	simm.s32 $0x0;
	s6 =	sshrl.u32 s4, $0x1;
	s2 =	sor.u32 s2, s5  }
0x5: {  	[smem:$0x7FF] =	sst s1;
	s5 =	ssub.s32 s4, s6;
	s13 =	sor.u32 $0x800, s2  }
0x6: {  	s14 =	sor.u32 $0x1000, s2;
	s16 =	sor.u32 $0x1800, s2;
	s18 =	sor.u32 $0x2000, s2  }
0x7: {  	s20 =	sor.u32 $0x2800, s2;
	s22 =	sor.u32 $0x3000, s2;
	s7 =	sadd.s32 s0, s13  }
0x8: {  	s24 =	sor.u32 $0x3800, s2;
	s15 =	sadd.s32 s0, s14;
	[dreg:$0x4] =	wrdreg s7  }
0x9: {  	s26 =	sor.u32 $0x4000, s2;
	s4 =	sadd.s32 s3, s13;
	[dreg:$0x5] =	wrdreg s15  }
0xa: {  	s9 =	sor.u32 $0x4800, s2;
	s17 =	sadd.s32 s0, s16;
	[dreg:$0x6] =	wrdreg s4  }
0xb: {  	s12 =	sor.u32 $0x5000, s2;
	s6 =	sadd.s32 s3, s14;
	[dreg:$0x7] =	wrdreg s17  }
0xc: {  	s29 =	sadd.s32 s0, s2;
	s19 =	sadd.s32 s0, s18;
	[dreg:$0x8] =	wrdreg s6  }
0xd: {  	s31 =	sadd.s32 s3, s2;
	s21 =	sadd.s32 s0, s20;
	[dreg:$0x9] =	wrdreg s19  }
0xe: {  	s23 =	sadd.s32 s0, s22;
	s25 =	sadd.s32 s0, s24;
	[dreg:$0xb] =	wrdreg s21  }
0xf: {  	s8 =	sadd.s32 s0, s26;
	s10 =	sadd.s32 s0, s9;
	[dreg:$0xd] =	wrdreg s23  }
0x10: {  	s11 =	sadd.s32 s3, s26;
	s13 =	sadd.s32 s3, s9;
	[dreg:$0xf] =	wrdreg s25  }
0x11: {  	s14 =	sor.u32 $0x5800, s2;
	s5 =	smax.u32 s5, $0x1;
	[dreg:$0x11] =	wrdreg s8  }
0x12: {  	s9 =	simm.s32 $0x1;
	s7 =	sadd.s32 s3, s16;
	[dreg:$0x13] =	wrdreg s10  }
0x13: {  	s4 =	sadd.s32 s3, s18;
	s6 =	sadd.s32 s3, s20;
	[dreg:$0x14] =	wrdreg s11  }
0x14: {  	[dreg:$0x15] =	wrdreg s13;
	s20 =	sadd.s32 s0, s12;
	s21 =	sadd.s32 s3, s12  }
0x15: {  	s23 =	sadd.s32 s3, s14;
	s15 =	sor.u32 $0x6000, s2;
	s16 =	sor.u32 $0x6800, s2  }
0x16: {  	s17 =	sor.u32 $0x7000, s2;
	s18 =	sor.u32 $0x7800, s2;
	s19 =	rddreg [dreg:$0x1]  }
0x17: {  	s8 =	simm.s32 $0x4400;
	s10 =	simm.s32 $0x8400;
	[dreg:$0xa] =	wrdreg s7  }
0x18: {  	s11 =	simm.s32 $0x2;
	s12 =	simm.s32 $0xC400;
	[dreg:$0xc] =	wrdreg s4  }
0x19: {  	s13 =	simm.s32 $0x3;
	[dreg:$0xe] =	wrdreg s6;
	s7 =	sadd.s32 s3, s22  }
0x1a: {  	s4 =	sadd.s32 s3, s24;
	s22 =	sadd.s32 s0, s14;
	s24 =	sadd.s32 s0, s15  }
0x1b: {  	s25 =	sadd.s32 s3, s15;
	s26 =	sadd.s32 s0, s16;
	s28 =	sadd.s32 s3, s16  }
0x1c: {  	s30 =	sadd.s32 s0, s17;
	s0 =	sadd.s32 s0, s18;
	s2 =	sadd.s32 s3, s17  }
0x1d: {  	s3 =	sadd.s32 s3, s18;
	s6 =	simm.s32 $0x5;
	[dreg:$0x10] =	wrdreg s7  }
0x1e: {  	s14 =	simm.s32 $0x4;
	s15 =	simm.s32 $0x0;
	[dreg:$0x12] =	wrdreg s4  }
0x1f: {  	v0 =	vlaneseq.u32;
	s4 =	sadd.s32 $0x400, s19;
	s7 =	simm.s32 $0x400;
	_ =	strace $0x80000047  }
.LBB2_1:
0x20: {  	[tilespmem:s1], [sflag:$0x5] =	stream.linear.gather [hbm4b:s4+s1], $0x400, $0x38;
	[tilespmem:$0x10400] =	vst v63  }
0x21: {  	_ =	swait.ge [sflag:s6], $0x400  }
0x22: {  	[sflag:s6] =	ssyncset.done $0x0  }
0x23: {  	[sflag:s6] =	ssyncadd.s32 $0xFFFFFC00  }
0x24: {  	[tilespmem:s7], [sflag:$0x1] =	stream.linear.gather [hbm4b:s29+s1], $0x4000, $0x38;
	[tilespmem:$0x10400] =	vst v63  }
0x25: {  	s16 =	rddreg [dreg:$0x4]  }
0x26: {  	[tilespmem:s8], [sflag:$0x2] =	stream.linear.gather [hbm4b:s16+s1], $0x4000, $0x38;
	[tilespmem:$0x10400] =	vst v63  }
0x27: {  	_ =	swait.ge [sflag:s9], $0x4000  }
0x28: {  	s17 =	simm.s32 $0x20;
	[sflag:s9] =	ssyncset.done $0x0  }
0x29: {  	s18 =	simm.s32 $0x0;
	s16 =	simm.s32 $0xFFFFFFFC;
	[sflag:s9] =	ssyncadd.s32 $0xFFFFC000  }
.LBB2_2:
0x2a: {  	v1 =	vld [tilespmem:s17+$0xFFFFFFE0]  }
0x2b: {  	v12 =	vld [tilespmem:s17+$0xFFFFFFF0];
	_ =	sdelay $0x3  }
0x2c: {  	v2 =	vshll.u32 v1, $0x3  }
0x2d: {  	v1 =	vand.u32 $0x7F, v1;
	v19 =	vshll.u32 v12, $0x3;
	v2 =	vand.u32 $0xFFFFFC00, v2  }
0x2e: {  	v12 =	vand.u32 $0x7F, v12;
	v19 =	vand.u32 $0xFFFFFC00, v19;
	v1 =	vor.u32 v1, v2  }
0x2f: {  	v12 =	vor.u32 v12, v19  }
0x30: {  	v2 =	vor.u32 $0x80, v1  }
0x31: {  	v3 =	vor.u32 $0x100, v1  }
0x32: {  	v32 =	vld [tilespmem:s17+$0x0];
	v4 =	vor.u32 $0x180, v1  }
0x33: {  	v5 =	vor.u32 $0x200, v1;
	v6 =	vld.idx.msk [tilespmem:v1+s7+$0x0], $0xffff  }
0x34: {  	v7 =	vor.u32 $0x280, v1;
	v51 =	vld.idx.msk [tilespmem:v12+s7+$0x0], $0xffff  }
0x35: {  	v8 =	vor.u32 $0x300, v1;
	v2 =	vld.idx.msk [tilespmem:v2+s7+$0x0], $0xffff  }
0x36: {  	v9 =	vor.u32 $0x380, v1;
	v3 =	vld.idx.msk [tilespmem:v3+s7+$0x0], $0xffff  }
0x37: {  	v10 =	vadd.s32 $0x2000, v1;
	v4 =	vld.idx.msk [tilespmem:v4+s7+$0x0], $0xffff  }
0x38: {  	v11 =	vadd.s32 $0x2080, v1;
	v5 =	vld.idx.msk [tilespmem:v5+s7+$0x0], $0xffff  }
0x39: {  	v13 =	vadd.s32 $0x2100, v1;
	v7 =	vld.idx.msk [tilespmem:v7+s7+$0x0], $0xffff  }
0x3a: {  	v14 =	vadd.s32 $0x2180, v1;
	v8 =	vld.idx.msk [tilespmem:v8+s7+$0x0], $0xffff  }
0x3b: {  	v17 =	vmov s18;
	v15 =	vadd.s32 $0x2200, v1;
	v9 =	vld.idx.msk [tilespmem:v9+s7+$0x0], $0xffff  }
0x3c: {  	v20 =	vor.u32 s18, v0;
	v17 =	vshll.u32 v17, $0x3;
	v16 =	vadd.s32 $0x2280, v1;
	v10 =	vld.idx.msk [tilespmem:v10+s7+$0x0], $0xffff  }
0x3d: {  	v49 =	vand.u32 $0x4F, v20;
	v50 =	vand.u32 $0x1C00, v17;
	v18 =	vadd.s32 $0x2300, v1;
	v11 =	vld.idx.msk [tilespmem:v11+s7+$0x0], $0xffff  }
0x3e: {  	v20 =	vor.u32 v49, v50;
	v1 =	vadd.s32 $0x2380, v1;
	v13 =	vld.idx.msk [tilespmem:v13+s7+$0x0], $0xffff  }
0x3f: {  	v23 =	vor.u32 $0x80, v20;
	v21 =	vor.u32 $0x80, v12;
	v14 =	vld.idx.msk [tilespmem:v14+s7+$0x0], $0xffff  }
0x40: {  	v25 =	vor.u32 $0x100, v20;
	v22 =	vor.u32 $0x100, v12;
	v15 =	vld.idx.msk [tilespmem:v15+s7+$0x0], $0xffff  }
0x41: {  	v17 =	vor.u32 v17, v49;
	v27 =	vor.u32 $0x180, v20;
	v24 =	vor.u32 $0x180, v12;
	v16 =	vld.idx.msk [tilespmem:v16+s7+$0x0], $0xffff  }
0x42: {  	v28 =	vor.u32 $0x200, v17;
	v30 =	vor.u32 $0x300, v12;
	v18 =	vld.idx.msk [tilespmem:v18+s7+$0x0], $0xffff  }
0x43: {  	v52 =	vor.u32 $0x280, v17;
	v34 =	vadd.s32 $0x2280, v12;
	v1 =	vld.idx.msk [tilespmem:v1+s7+$0x0], $0xffff;
	[tilespmem:v20+s10+$0x0] =	vst.idx.msk $0xffff, v6  }
0x44: {  	v26 =	vor.u32 $0x200, v12;
	v21 =	vld.idx.msk [tilespmem:v21+s7+$0x0], $0xffff;
	[tilespmem:v23+s10+$0x0] =	vst.idx.msk $0xffff, v2;
	v2 =	vor.u32 $0x300, v17  }
0x45: {  	s19 =	sadd.s32 $0x10, s18;
	v55 =	vadd.s32 $0x2000, v12;
	v22 =	vld.idx.msk [tilespmem:v22+s7+$0x0], $0xffff;
	[tilespmem:v25+s10+$0x0] =	vst.idx.msk $0xffff, v3;
	v3 =	vor.u32 $0x380, v17  }
0x46: {  	v36 =	vor.u32 s19, v0;
	v56 =	vor.u32 $0x2000, v20;
	v31 =	vadd.s32 $0x2080, v12;
	v53 =	vld.idx.msk [tilespmem:v24+s7+$0x0], $0xffff;
	[tilespmem:v27+s10+$0x0] =	vst.idx.msk $0xffff, v4  }
0x47: {  	v60 =	vor.u32 $0x2200, v17;
	v57 =	vor.u32 $0x2080, v20;
	v29 =	vor.u32 $0x280, v12;
	v30 =	vld.idx.msk [tilespmem:v30+s7+$0x0], $0xffff;
	[tilespmem:v28+s10+$0x0] =	vst.idx.msk $0xffff, v5  }
0x48: {  	v61 =	vor.u32 $0x2280, v17;
	v58 =	vor.u32 $0x2100, v20;
	v33 =	vadd.s32 $0x2180, v12;
	v6 =	vld.idx.msk [tilespmem:v34+s7+$0x0], $0xffff;
	[tilespmem:v52+s10+$0x0] =	vst.idx.msk $0xffff, v7  }
0x49: {  	v38 =	vshll.u32 v32, $0x3;
	v37 =	vadd.s32 $0x2300, v12;
	v20 =	vor.u32 $0x2180, v20;
	v25 =	vld.idx.msk [tilespmem:v26+s7+$0x0], $0xffff;
	[tilespmem:v2+s10+$0x0] =	vst.idx.msk $0xffff, v8  }
0x4a: {  	v39 =	vand.u32 $0x7F, v32;
	v40 =	vand.u32 $0xFFFFFC00, v38;
	v54 =	vor.u32 $0x380, v12;
	v26 =	vld.idx.msk [tilespmem:v55+s7+$0x0], $0xffff;
	[tilespmem:v3+s10+$0x0] =	vst.idx.msk $0xffff, v9  }
0x4b: {  	v62 =	vor.u32 $0x2380, v17;
	v4 =	vld.idx.msk [tilespmem:v31+s7+$0x0], $0xffff;
	v27 =	vor.u32 v39, v40;
	v3 =	vmov s19;
	[tilespmem:v56+s10+$0x0] =	vst.idx.msk $0xffff, v10  }
0x4c: {  	v59 =	vadd.s32 $0x2100, v12;
	v28 =	vld.idx.msk [tilespmem:v29+s7+$0x0], $0xffff;
	v2 =	vor.u32 $0x2300, v17;
	v3 =	vshll.u32 v3, $0x3;
	[tilespmem:v57+s10+$0x0] =	vst.idx.msk $0xffff, v11  }
0x4d: {  	v63 =	vadd.s32 $0x2200, v12;
	v5 =	vld.idx.msk [tilespmem:v33+s7+$0x0], $0xffff;
	v9 =	vand.u32 $0x5F, v36;
	v41 =	vand.u32 $0x1C00, v3;
	[tilespmem:v58+s10+$0x0] =	vst.idx.msk $0xffff, v13  }
0x4e: {  	v12 =	vadd.s32 $0x2380, v12;
	v7 =	vld.idx.msk [tilespmem:v37+s7+$0x0], $0xffff;
	v13 =	vor.u32 v9, v41;
	[tilespmem:v20+s10+$0x0] =	vst.idx.msk $0xffff, v14  }
0x4f: {  	v46 =	vor.u32 $0x180, v27;
	v17 =	vld.idx.msk [tilespmem:v54+s7+$0x0], $0xffff;
	v43 =	vor.u32 $0x80, v13;
	[tilespmem:v60+s10+$0x0] =	vst.idx.msk $0xffff, v15  }
0x50: {  	v29 =	vor.u32 $0x280, v27;
	v8 =	vld.idx.msk [tilespmem:v27+s7+$0x0], $0xffff;
	v45 =	vor.u32 $0x100, v13;
	[tilespmem:v61+s10+$0x0] =	vst.idx.msk $0xffff, v16  }
0x51: {  	v55 =	vadd.s32 $0x2000, v27;
	v11 =	vld.idx.msk [tilespmem:v59+s7+$0x0], $0xffff;
	v47 =	vor.u32 $0x180, v13;
	[tilespmem:v2+s10+$0x0] =	vst.idx.msk $0xffff, v18  }
0x52: {  	v14 =	vld.idx.msk [tilespmem:v63+s7+$0x0], $0xffff;
	[tilespmem:v62+s10+$0x0] =	vst.idx.msk $0xffff, v1;
	v1 =	vor.u32 $0x200, v13  }
0x53: {  	v44 =	vor.u32 $0x100, v27;
	v49 =	vor.u32 $0x280, v13;
	v2 =	vld.idx.msk [tilespmem:v12+s7+$0x0], $0xffff;
	[tilespmem:v13+s10+$0x0] =	vst.idx.msk $0xffff, v51  }
0x54: {  	v42 =	vor.u32 $0x80, v27;
	v3 =	vor.u32 v9, v3;
	v10 =	vld.idx.msk [tilespmem:v46+s7+$0x0], $0xffff;
	v50 =	vor.u32 $0x300, v13;
	[tilespmem:v43+s10+$0x0] =	vst.idx.msk $0xffff, v21  }
0x55: {  	v52 =	vor.u32 $0x380, v27;
	v29 =	vld.idx.msk [tilespmem:v29+s7+$0x0], $0xffff;
	v3 =	vor.u32 $0x380, v3;
	[tilespmem:v45+s10+$0x0] =	vst.idx.msk $0xffff, v22  }
0x56: {  	v48 =	vor.u32 $0x200, v27;
	v38 =	vld.idx.msk [tilespmem:v55+s7+$0x0], $0xffff;
	[tilespmem:v47+s10+$0x0] =	vst.idx.msk $0xffff, v53;
	v53 =	vor.u32 $0x2000, v13  }
0x57: {  	v39 =	vadd.s32 $0x2280, v27;
	v58 =	vld [tilespmem:s17+$0x10];
	v54 =	vor.u32 $0x2080, v13;
	v51 =	vor.u32 $0x300, v27;
	[tilespmem:v1+s10+$0x0] =	vst.idx.msk $0xffff, v25  }
0x58: {  	v40 =	vadd.s32 $0x2300, v27;
	v57 =	vadd.s32 $0x2080, v27;
	v9 =	vld.idx.msk [tilespmem:v44+s7+$0x0], $0xffff;
	v1 =	vor.u32 $0x2100, v13;
	[tilespmem:v49+s10+$0x0] =	vst.idx.msk $0xffff, v28  }
0x59: {  	v37 =	vadd.s32 $0x2200, v27;
	s19 =	sadd.s32 $0x20, s18;
	v20 =	vld.idx.msk [tilespmem:v42+s7+$0x0], $0xffff;
	v56 =	vor.u32 $0x2180, v13;
	v61 =	vadd.s32 $0x2100, v27;
	[tilespmem:v50+s10+$0x0] =	vst.idx.msk $0xffff, v30  }
0x5a: {  	v36 =	vor.u32 s19, v0;
	v59 =	vor.u32 $0x2200, v13;
	v63 =	vadd.s32 $0x2180, v27;
	v16 =	vld.idx.msk [tilespmem:v52+s7+$0x0], $0xffff;
	[tilespmem:v3+s10+$0x0] =	vst.idx.msk $0xffff, v17  }
0x5b: {  	v60 =	vor.u32 $0x2280, v13;
	v18 =	vld.idx.msk [tilespmem:v48+s7+$0x0], $0xffff;
	v62 =	vor.u32 $0x2300, v13;
	v3 =	vmov s19;
	[tilespmem:v53+s10+$0x0] =	vst.idx.msk $0xffff, v26  }
0x5c: {  	v27 =	vadd.s32 $0x2380, v27;
	v41 =	vshll.u32 v58, $0x3;
	v21 =	vld.idx.msk [tilespmem:v51+s7+$0x0], $0xffff;
	v3 =	vshll.u32 v3, $0x3;
	[tilespmem:v54+s10+$0x0] =	vst.idx.msk $0xffff, v4  }
0x5d: {  	v13 =	vor.u32 $0x2380, v13;
	v17 =	vand.u32 $0x6F, v36;
	v4 =	vld.idx.msk [tilespmem:v57+s7+$0x0], $0xffff;
	v42 =	vand.u32 $0x1C00, v3;
	[tilespmem:v1+s10+$0x0] =	vst.idx.msk $0xffff, v11  }
0x5e: {  	v43 =	vand.u32 $0x7F, v58;
	v22 =	vand.u32 $0xFFFFFC00, v41;
	v1 =	vld.idx.msk [tilespmem:v61+s7+$0x0], $0xffff;
	v11 =	vor.u32 v17, v42;
	[tilespmem:v56+s10+$0x0] =	vst.idx.msk $0xffff, v5  }
0x5f: {  	v22 =	vor.u32 v43, v22;
	v5 =	vld.idx.msk [tilespmem:v63+s7+$0x0], $0xffff;
	v44 =	vor.u32 $0x80, v11;
	[tilespmem:v59+s10+$0x0] =	vst.idx.msk $0xffff, v14  }
0x60: {  	v48 =	vor.u32 $0x180, v22;
	v46 =	vor.u32 $0x100, v11;
	v14 =	vld.idx.msk [tilespmem:v37+s7+$0x0], $0xffff;
	[tilespmem:v60+s10+$0x0] =	vst.idx.msk $0xffff, v6  }
0x61: {  	v55 =	vor.u32 $0x380, v22;
	v47 =	vor.u32 $0x180, v11;
	v6 =	vld.idx.msk [tilespmem:v39+s7+$0x0], $0xffff;
	[tilespmem:v62+s10+$0x0] =	vst.idx.msk $0xffff, v7  }
0x62: {  	v45 =	vor.u32 $0x80, v22;
	v49 =	vor.u32 $0x200, v11;
	v7 =	vld.idx.msk [tilespmem:v40+s7+$0x0], $0xffff;
	[tilespmem:v13+s10+$0x0] =	vst.idx.msk $0xffff, v2  }
0x63: {  	v50 =	vor.u32 $0x200, v22;
	v51 =	vor.u32 $0x280, v11;
	v2 =	vld.idx.msk [tilespmem:v27+s7+$0x0], $0xffff;
	[tilespmem:v11+s10+$0x0] =	vst.idx.msk $0xffff, v8  }
0x64: {  	v52 =	vor.u32 $0x280, v22;
	v28 =	vld.idx.msk [tilespmem:v22+s7+$0x0], $0xffff;
	v3 =	vor.u32 v17, v3;
	v53 =	vor.u32 $0x300, v11;
	[tilespmem:v44+s10+$0x0] =	vst.idx.msk $0xffff, v20  }
0x65: {  	v15 =	vld.idx.msk [tilespmem:v48+s7+$0x0], $0xffff;
	v57 =	vadd.s32 $0x2000, v22;
	v3 =	vor.u32 $0x380, v3;
	[tilespmem:v46+s10+$0x0] =	vst.idx.msk $0xffff, v9  }
0x66: {  	v23 =	vld.idx.msk [tilespmem:v55+s7+$0x0], $0xffff;
	v54 =	vor.u32 $0x300, v22;
	v56 =	vor.u32 $0x2000, v11;
	[tilespmem:v47+s10+$0x0] =	vst.idx.msk $0xffff, v10  }
0x67: {  	v25 =	vor.u32 $0x100, v22;
	v17 =	vld.idx.msk [tilespmem:v45+s7+$0x0], $0xffff;
	v58 =	vor.u32 $0x2080, v11;
	[tilespmem:v49+s10+$0x0] =	vst.idx.msk $0xffff, v18  }
0x68: {  	s19 =	sadd.s32 $0x30, s18;
	v61 =	vor.u32 $0x2100, v11;
	v59 =	vld.idx.msk [tilespmem:v50+s7+$0x0], $0xffff;
	v60 =	vadd.s32 $0x2080, v22;
	[tilespmem:v51+s10+$0x0] =	vst.idx.msk $0xffff, v29  }
0x69: {  	v35 =	vadd.s32 $0x2180, v22;
	v42 =	vor.u32 s19, v0;
	v33 =	vor.u32 $0x2180, v11;
	v62 =	vld.idx.msk [tilespmem:v52+s7+$0x0], $0xffff;
	[tilespmem:v53+s10+$0x0] =	vst.idx.msk $0xffff, v21  }
0x6a: {  	v63 =	vadd.s32 $0x2100, v22;
	v34 =	vor.u32 $0x2200, v11;
	v37 =	vadd.s32 $0x2200, v22;
	v40 =	vld.idx.msk [tilespmem:v57+s7+$0x0], $0xffff;
	[tilespmem:v3+s10+$0x0] =	vst.idx.msk $0xffff, v16  }
0x6b: {  	v39 =	vmov s19;
	v20 =	vld.idx.msk [tilespmem:v54+s7+$0x0], $0xffff;
	v44 =	vadd.s32 $0x2300, v22;
	v3 =	vor.u32 $0x2280, v11;
	[tilespmem:v56+s10+$0x0] =	vst.idx.msk $0xffff, v38  }
0x6c: {  	v36 =	vor.u32 $0x2300, v11;
	v9 =	vld.idx.msk [tilespmem:v25+s7+$0x0], $0xffff;
	v38 =	vor.u32 $0x2380, v11;
	v11 =	vshll.u32 v39, $0x3;
	[tilespmem:v58+s10+$0x0] =	vst.idx.msk $0xffff, v4  }
0x6d: {  	v41 =	vadd.s32 $0x2280, v22;
	v43 =	vld.idx.msk [tilespmem:v60+s7+$0x0], $0xffff;
	v4 =	vand.u32 $0x7F, v42;
	v46 =	vand.u32 $0x1C00, v11;
	[tilespmem:v61+s10+$0x0] =	vst.idx.msk $0xffff, v1  }
0x6e: {  	v45 =	vadd.s32 $0x2380, v22;
	v47 =	vld.idx.msk [tilespmem:v35+s7+$0x0], $0xffff;
	v48 =	vor.u32 v4, v46;
	[tilespmem:v33+s10+$0x0] =	vst.idx.msk $0xffff, v5  }
0x6f: {  	v49 =	vld.idx.msk [tilespmem:v37+s7+$0x0], $0xffff;
	v50 =	vor.u32 $0x80, v48;
	[tilespmem:v34+s10+$0x0] =	vst.idx.msk $0xffff, v14  }
0x70: {  	v52 =	vld.idx.msk [tilespmem:v44+s7+$0x0], $0xffff;
	v51 =	vor.u32 $0x100, v48;
	[tilespmem:v3+s10+$0x0] =	vst.idx.msk $0xffff, v6  }
0x71: {  	v1 =	vld.idx.msk [tilespmem:v63+s7+$0x0], $0xffff;
	v53 =	vor.u32 $0x180, v48;
	[tilespmem:v36+s10+$0x0] =	vst.idx.msk $0xffff, v7  }
0x72: {  	v54 =	vor.u32 $0x200, v48;
	v3 =	vld.idx.msk [tilespmem:v41+s7+$0x0], $0xffff;
	[tilespmem:v38+s10+$0x0] =	vst.idx.msk $0xffff, v2  }
0x73: {  	v55 =	vor.u32 $0x280, v48;
	v2 =	vld.idx.msk [tilespmem:v45+s7+$0x0], $0xffff;
	[tilespmem:v48+s10+$0x0] =	vst.idx.msk $0xffff, v28  }
0x74: {  	v4 =	vor.u32 v4, v11;
	v56 =	vor.u32 $0x300, v48;
	[tilespmem:v50+s10+$0x0] =	vst.idx.msk $0xffff, v17  }
0x75: {  	v4 =	vor.u32 $0x380, v4;
	[tilespmem:v51+s10+$0x0] =	vst.idx.msk $0xffff, v9  }
0x76: {  	v57 =	vor.u32 $0x2000, v48;
	[tilespmem:v53+s10+$0x0] =	vst.idx.msk $0xffff, v15  }
0x77: {  	v58 =	vor.u32 $0x2080, v48;
	[tilespmem:v54+s10+$0x0] =	vst.idx.msk $0xffff, v59  }
0x78: {  	v59 =	vor.u32 $0x2100, v48;
	[tilespmem:v55+s10+$0x0] =	vst.idx.msk $0xffff, v62  }
0x79: {  	v60 =	vor.u32 $0x2180, v48;
	[tilespmem:v56+s10+$0x0] =	vst.idx.msk $0xffff, v20  }
0x7a: {  	v61 =	vor.u32 $0x2200, v48;
	[tilespmem:v4+s10+$0x0] =	vst.idx.msk $0xffff, v23  }
0x7b: {  	v62 =	vor.u32 $0x2280, v48;
	[tilespmem:v57+s10+$0x0] =	vst.idx.msk $0xffff, v40  }
0x7c: {  	s16 =	sadd.s32 $0x4, s16;
	v63 =	vor.u32 $0x2300, v48;
	[tilespmem:v58+s10+$0x0] =	vst.idx.msk $0xffff, v43  }
0x7d: {  	p0 =	slt.u32 s16, $0x3C;
	[tilespmem:v59+s10+$0x0] =	vst.idx.msk $0xffff, v1;
	v1 =	vor.u32 $0x2380, v48  }
.Ltmp0:
0x7e: {  	[tilespmem:v60+s10+$0x0] =	vst.idx.msk $0xffff, v47;
	(pc) =	sbr.rel @p0 .LBB2_2-.Ltmp0, $4  }
0x7f: {  	[tilespmem:v61+s10+$0x0] =	vst.idx.msk $0xffff, v49  }
0x80: {  	[tilespmem:v62+s10+$0x0] =	vst.idx.msk $0xffff, v3  }
0x81: {  	[tilespmem:v63+s10+$0x0] =	vst.idx.msk $0xffff, v52  }
0x82: {  	s17 =	sadd.s32 $0x40, s17;
	s18 =	sadd.s32 $0x40, s18;
	[tilespmem:v1+s10+$0x0] =	vst.idx.msk $0xffff, v2  }
0x83: {  	s16 =	simm.s32 $0x0  }
0x84: {  	[hbm4b:s31+s16] =	stream.linear.scatter [tilespmem:s10], [sflag:$0x3], $0x4000, $0x38;
	[tilespmem:$0x10400] =	vst v63  }
0x85: {  	s17 =	rddreg [dreg:$0x5]  }
0x86: {  	[tilespmem:s7], [sflag:$0x1] =	stream.linear.gather [hbm4b:s17+s16], $0x4000, $0x38;
	[tilespmem:$0x10400] =	vst v63  }
0x87: {  	_ =	swait.ge [sflag:s11], $0x4000  }
0x88: {  	[sflag:s11] =	ssyncset.done $0x0  }
0x89: {  	s18 =	simm.s32 $0x20;
	s17 =	simm.s32 $0xFFFFFFFC;
	[sflag:s11] =	ssyncadd.s32 $0xFFFFC000  }
.LBB2_4:
0x8a: {  	v1 =	vld [tilespmem:s18+$0xFFFFFFE0]  }
0x8b: {  	v12 =	vld [tilespmem:s18+$0xFFFFFFF0];
	_ =	sdelay $0x3  }
0x8c: {  	v2 =	vshll.u32 v1, $0x3  }
0x8d: {  	v1 =	vand.u32 $0x7F, v1;
	v19 =	vshll.u32 v12, $0x3;
	v2 =	vand.u32 $0xFFFFFC00, v2  }
0x8e: {  	v12 =	vand.u32 $0x7F, v12;
	v19 =	vand.u32 $0xFFFFFC00, v19;
	v1 =	vor.u32 v1, v2  }
0x8f: {  	v12 =	vor.u32 v12, v19  }
0x90: {  	v2 =	vor.u32 $0x80, v1  }
0x91: {  	v3 =	vor.u32 $0x100, v1  }
0x92: {  	v32 =	vld [tilespmem:s18+$0x0];
	v4 =	vor.u32 $0x180, v1  }
0x93: {  	v5 =	vor.u32 $0x200, v1;
	v6 =	vld.idx.msk [tilespmem:v1+s8+$0x0], $0xffff  }
0x94: {  	v7 =	vor.u32 $0x280, v1;
	v51 =	vld.idx.msk [tilespmem:v12+s8+$0x0], $0xffff  }
0x95: {  	v8 =	vor.u32 $0x300, v1;
	v2 =	vld.idx.msk [tilespmem:v2+s8+$0x0], $0xffff  }
0x96: {  	v9 =	vor.u32 $0x380, v1;
	v3 =	vld.idx.msk [tilespmem:v3+s8+$0x0], $0xffff  }
0x97: {  	v10 =	vadd.s32 $0x2000, v1;
	v4 =	vld.idx.msk [tilespmem:v4+s8+$0x0], $0xffff  }
0x98: {  	v11 =	vadd.s32 $0x2080, v1;
	v5 =	vld.idx.msk [tilespmem:v5+s8+$0x0], $0xffff  }
0x99: {  	v13 =	vadd.s32 $0x2100, v1;
	v7 =	vld.idx.msk [tilespmem:v7+s8+$0x0], $0xffff  }
0x9a: {  	v14 =	vadd.s32 $0x2180, v1;
	v8 =	vld.idx.msk [tilespmem:v8+s8+$0x0], $0xffff  }
0x9b: {  	v17 =	vmov s16;
	v15 =	vadd.s32 $0x2200, v1;
	v9 =	vld.idx.msk [tilespmem:v9+s8+$0x0], $0xffff  }
0x9c: {  	v20 =	vor.u32 s16, v0;
	v17 =	vshll.u32 v17, $0x3;
	v16 =	vadd.s32 $0x2280, v1;
	v10 =	vld.idx.msk [tilespmem:v10+s8+$0x0], $0xffff  }
0x9d: {  	v49 =	vand.u32 $0x4F, v20;
	v50 =	vand.u32 $0x1C00, v17;
	v18 =	vadd.s32 $0x2300, v1;
	v11 =	vld.idx.msk [tilespmem:v11+s8+$0x0], $0xffff  }
0x9e: {  	v20 =	vor.u32 v49, v50;
	v1 =	vadd.s32 $0x2380, v1;
	v13 =	vld.idx.msk [tilespmem:v13+s8+$0x0], $0xffff  }
0x9f: {  	v23 =	vor.u32 $0x80, v20;
	v21 =	vor.u32 $0x80, v12;
	v14 =	vld.idx.msk [tilespmem:v14+s8+$0x0], $0xffff  }
0xa0: {  	v25 =	vor.u32 $0x100, v20;
	v22 =	vor.u32 $0x100, v12;
	v15 =	vld.idx.msk [tilespmem:v15+s8+$0x0], $0xffff  }
0xa1: {  	v17 =	vor.u32 v17, v49;
	v27 =	vor.u32 $0x180, v20;
	v24 =	vor.u32 $0x180, v12;
	v16 =	vld.idx.msk [tilespmem:v16+s8+$0x0], $0xffff  }
0xa2: {  	v28 =	vor.u32 $0x200, v17;
	v30 =	vor.u32 $0x300, v12;
	v18 =	vld.idx.msk [tilespmem:v18+s8+$0x0], $0xffff  }
0xa3: {  	v52 =	vor.u32 $0x280, v17;
	v34 =	vadd.s32 $0x2280, v12;
	v1 =	vld.idx.msk [tilespmem:v1+s8+$0x0], $0xffff;
	[tilespmem:v20+s12+$0x0] =	vst.idx.msk $0xffff, v6  }
0xa4: {  	v26 =	vor.u32 $0x200, v12;
	v21 =	vld.idx.msk [tilespmem:v21+s8+$0x0], $0xffff;
	[tilespmem:v23+s12+$0x0] =	vst.idx.msk $0xffff, v2;
	v2 =	vor.u32 $0x300, v17  }
0xa5: {  	s19 =	sadd.s32 $0x10, s16;
	v55 =	vadd.s32 $0x2000, v12;
	v22 =	vld.idx.msk [tilespmem:v22+s8+$0x0], $0xffff;
	[tilespmem:v25+s12+$0x0] =	vst.idx.msk $0xffff, v3;
	v3 =	vor.u32 $0x380, v17  }
0xa6: {  	v36 =	vor.u32 s19, v0;
	v56 =	vor.u32 $0x2000, v20;
	v31 =	vadd.s32 $0x2080, v12;
	v53 =	vld.idx.msk [tilespmem:v24+s8+$0x0], $0xffff;
	[tilespmem:v27+s12+$0x0] =	vst.idx.msk $0xffff, v4  }
0xa7: {  	v60 =	vor.u32 $0x2200, v17;
	v57 =	vor.u32 $0x2080, v20;
	v29 =	vor.u32 $0x280, v12;
	v30 =	vld.idx.msk [tilespmem:v30+s8+$0x0], $0xffff;
	[tilespmem:v28+s12+$0x0] =	vst.idx.msk $0xffff, v5  }
0xa8: {  	v61 =	vor.u32 $0x2280, v17;
	v58 =	vor.u32 $0x2100, v20;
	v33 =	vadd.s32 $0x2180, v12;
	v6 =	vld.idx.msk [tilespmem:v34+s8+$0x0], $0xffff;
	[tilespmem:v52+s12+$0x0] =	vst.idx.msk $0xffff, v7  }
0xa9: {  	v38 =	vshll.u32 v32, $0x3;
	v37 =	vadd.s32 $0x2300, v12;
	v20 =	vor.u32 $0x2180, v20;
	v25 =	vld.idx.msk [tilespmem:v26+s8+$0x0], $0xffff;
	[tilespmem:v2+s12+$0x0] =	vst.idx.msk $0xffff, v8  }
0xaa: {  	v39 =	vand.u32 $0x7F, v32;
	v40 =	vand.u32 $0xFFFFFC00, v38;
	v54 =	vor.u32 $0x380, v12;
	v26 =	vld.idx.msk [tilespmem:v55+s8+$0x0], $0xffff;
	[tilespmem:v3+s12+$0x0] =	vst.idx.msk $0xffff, v9  }
0xab: {  	v62 =	vor.u32 $0x2380, v17;
	v4 =	vld.idx.msk [tilespmem:v31+s8+$0x0], $0xffff;
	v27 =	vor.u32 v39, v40;
	v3 =	vmov s19;
	[tilespmem:v56+s12+$0x0] =	vst.idx.msk $0xffff, v10  }
0xac: {  	v59 =	vadd.s32 $0x2100, v12;
	v28 =	vld.idx.msk [tilespmem:v29+s8+$0x0], $0xffff;
	v2 =	vor.u32 $0x2300, v17;
	v3 =	vshll.u32 v3, $0x3;
	[tilespmem:v57+s12+$0x0] =	vst.idx.msk $0xffff, v11  }
0xad: {  	v63 =	vadd.s32 $0x2200, v12;
	v5 =	vld.idx.msk [tilespmem:v33+s8+$0x0], $0xffff;
	v9 =	vand.u32 $0x5F, v36;
	v41 =	vand.u32 $0x1C00, v3;
	[tilespmem:v58+s12+$0x0] =	vst.idx.msk $0xffff, v13  }
0xae: {  	v12 =	vadd.s32 $0x2380, v12;
	v7 =	vld.idx.msk [tilespmem:v37+s8+$0x0], $0xffff;
	v13 =	vor.u32 v9, v41;
	[tilespmem:v20+s12+$0x0] =	vst.idx.msk $0xffff, v14  }
0xaf: {  	v46 =	vor.u32 $0x180, v27;
	v17 =	vld.idx.msk [tilespmem:v54+s8+$0x0], $0xffff;
	v43 =	vor.u32 $0x80, v13;
	[tilespmem:v60+s12+$0x0] =	vst.idx.msk $0xffff, v15  }
0xb0: {  	v29 =	vor.u32 $0x280, v27;
	v8 =	vld.idx.msk [tilespmem:v27+s8+$0x0], $0xffff;
	v45 =	vor.u32 $0x100, v13;
	[tilespmem:v61+s12+$0x0] =	vst.idx.msk $0xffff, v16  }
0xb1: {  	v55 =	vadd.s32 $0x2000, v27;
	v11 =	vld.idx.msk [tilespmem:v59+s8+$0x0], $0xffff;
	v47 =	vor.u32 $0x180, v13;
	[tilespmem:v2+s12+$0x0] =	vst.idx.msk $0xffff, v18  }
0xb2: {  	v14 =	vld.idx.msk [tilespmem:v63+s8+$0x0], $0xffff;
	[tilespmem:v62+s12+$0x0] =	vst.idx.msk $0xffff, v1;
	v1 =	vor.u32 $0x200, v13  }
0xb3: {  	v44 =	vor.u32 $0x100, v27;
	v49 =	vor.u32 $0x280, v13;
	v2 =	vld.idx.msk [tilespmem:v12+s8+$0x0], $0xffff;
	[tilespmem:v13+s12+$0x0] =	vst.idx.msk $0xffff, v51  }
0xb4: {  	v42 =	vor.u32 $0x80, v27;
	v3 =	vor.u32 v9, v3;
	v10 =	vld.idx.msk [tilespmem:v46+s8+$0x0], $0xffff;
	v50 =	vor.u32 $0x300, v13;
	[tilespmem:v43+s12+$0x0] =	vst.idx.msk $0xffff, v21  }
0xb5: {  	v52 =	vor.u32 $0x380, v27;
	v29 =	vld.idx.msk [tilespmem:v29+s8+$0x0], $0xffff;
	v3 =	vor.u32 $0x380, v3;
	[tilespmem:v45+s12+$0x0] =	vst.idx.msk $0xffff, v22  }
0xb6: {  	v48 =	vor.u32 $0x200, v27;
	v38 =	vld.idx.msk [tilespmem:v55+s8+$0x0], $0xffff;
	[tilespmem:v47+s12+$0x0] =	vst.idx.msk $0xffff, v53;
	v53 =	vor.u32 $0x2000, v13  }
0xb7: {  	v39 =	vadd.s32 $0x2280, v27;
	v58 =	vld [tilespmem:s18+$0x10];
	v54 =	vor.u32 $0x2080, v13;
	v51 =	vor.u32 $0x300, v27;
	[tilespmem:v1+s12+$0x0] =	vst.idx.msk $0xffff, v25  }
0xb8: {  	v40 =	vadd.s32 $0x2300, v27;
	v57 =	vadd.s32 $0x2080, v27;
	v9 =	vld.idx.msk [tilespmem:v44+s8+$0x0], $0xffff;
	v1 =	vor.u32 $0x2100, v13;
	[tilespmem:v49+s12+$0x0] =	vst.idx.msk $0xffff, v28  }
0xb9: {  	v37 =	vadd.s32 $0x2200, v27;
	s19 =	sadd.s32 $0x20, s16;
	v20 =	vld.idx.msk [tilespmem:v42+s8+$0x0], $0xffff;
	v56 =	vor.u32 $0x2180, v13;
	v61 =	vadd.s32 $0x2100, v27;
	[tilespmem:v50+s12+$0x0] =	vst.idx.msk $0xffff, v30  }
0xba: {  	v36 =	vor.u32 s19, v0;
	v59 =	vor.u32 $0x2200, v13;
	v63 =	vadd.s32 $0x2180, v27;
	v16 =	vld.idx.msk [tilespmem:v52+s8+$0x0], $0xffff;
	[tilespmem:v3+s12+$0x0] =	vst.idx.msk $0xffff, v17  }
0xbb: {  	v60 =	vor.u32 $0x2280, v13;
	v18 =	vld.idx.msk [tilespmem:v48+s8+$0x0], $0xffff;
	v62 =	vor.u32 $0x2300, v13;
	v3 =	vmov s19;
	[tilespmem:v53+s12+$0x0] =	vst.idx.msk $0xffff, v26  }
0xbc: {  	v27 =	vadd.s32 $0x2380, v27;
	v41 =	vshll.u32 v58, $0x3;
	v21 =	vld.idx.msk [tilespmem:v51+s8+$0x0], $0xffff;
	v3 =	vshll.u32 v3, $0x3;
	[tilespmem:v54+s12+$0x0] =	vst.idx.msk $0xffff, v4  }
0xbd: {  	v13 =	vor.u32 $0x2380, v13;
	v17 =	vand.u32 $0x6F, v36;
	v4 =	vld.idx.msk [tilespmem:v57+s8+$0x0], $0xffff;
	v42 =	vand.u32 $0x1C00, v3;
	[tilespmem:v1+s12+$0x0] =	vst.idx.msk $0xffff, v11  }
0xbe: {  	v43 =	vand.u32 $0x7F, v58;
	v22 =	vand.u32 $0xFFFFFC00, v41;
	v1 =	vld.idx.msk [tilespmem:v61+s8+$0x0], $0xffff;
	v11 =	vor.u32 v17, v42;
	[tilespmem:v56+s12+$0x0] =	vst.idx.msk $0xffff, v5  }
0xbf: {  	v22 =	vor.u32 v43, v22;
	v5 =	vld.idx.msk [tilespmem:v63+s8+$0x0], $0xffff;
	v44 =	vor.u32 $0x80, v11;
	[tilespmem:v59+s12+$0x0] =	vst.idx.msk $0xffff, v14  }
0xc0: {  	v48 =	vor.u32 $0x180, v22;
	v46 =	vor.u32 $0x100, v11;
	v14 =	vld.idx.msk [tilespmem:v37+s8+$0x0], $0xffff;
	[tilespmem:v60+s12+$0x0] =	vst.idx.msk $0xffff, v6  }
0xc1: {  	v55 =	vor.u32 $0x380, v22;
	v47 =	vor.u32 $0x180, v11;
	v6 =	vld.idx.msk [tilespmem:v39+s8+$0x0], $0xffff;
	[tilespmem:v62+s12+$0x0] =	vst.idx.msk $0xffff, v7  }
0xc2: {  	v45 =	vor.u32 $0x80, v22;
	v49 =	vor.u32 $0x200, v11;
	v7 =	vld.idx.msk [tilespmem:v40+s8+$0x0], $0xffff;
	[tilespmem:v13+s12+$0x0] =	vst.idx.msk $0xffff, v2  }
0xc3: {  	v50 =	vor.u32 $0x200, v22;
	v51 =	vor.u32 $0x280, v11;
	v2 =	vld.idx.msk [tilespmem:v27+s8+$0x0], $0xffff;
	[tilespmem:v11+s12+$0x0] =	vst.idx.msk $0xffff, v8  }
0xc4: {  	v52 =	vor.u32 $0x280, v22;
	v28 =	vld.idx.msk [tilespmem:v22+s8+$0x0], $0xffff;
	v3 =	vor.u32 v17, v3;
	v53 =	vor.u32 $0x300, v11;
	[tilespmem:v44+s12+$0x0] =	vst.idx.msk $0xffff, v20  }
0xc5: {  	v15 =	vld.idx.msk [tilespmem:v48+s8+$0x0], $0xffff;
	v57 =	vadd.s32 $0x2000, v22;
	v3 =	vor.u32 $0x380, v3;
	[tilespmem:v46+s12+$0x0] =	vst.idx.msk $0xffff, v9  }
0xc6: {  	v23 =	vld.idx.msk [tilespmem:v55+s8+$0x0], $0xffff;
	v54 =	vor.u32 $0x300, v22;
	v56 =	vor.u32 $0x2000, v11;
	[tilespmem:v47+s12+$0x0] =	vst.idx.msk $0xffff, v10  }
0xc7: {  	v25 =	vor.u32 $0x100, v22;
	v17 =	vld.idx.msk [tilespmem:v45+s8+$0x0], $0xffff;
	v58 =	vor.u32 $0x2080, v11;
	[tilespmem:v49+s12+$0x0] =	vst.idx.msk $0xffff, v18  }
0xc8: {  	s19 =	sadd.s32 $0x30, s16;
	v61 =	vor.u32 $0x2100, v11;
	v59 =	vld.idx.msk [tilespmem:v50+s8+$0x0], $0xffff;
	v60 =	vadd.s32 $0x2080, v22;
	[tilespmem:v51+s12+$0x0] =	vst.idx.msk $0xffff, v29  }
0xc9: {  	v35 =	vadd.s32 $0x2180, v22;
	v42 =	vor.u32 s19, v0;
	v33 =	vor.u32 $0x2180, v11;
	v62 =	vld.idx.msk [tilespmem:v52+s8+$0x0], $0xffff;
	[tilespmem:v53+s12+$0x0] =	vst.idx.msk $0xffff, v21  }
0xca: {  	v63 =	vadd.s32 $0x2100, v22;
	v34 =	vor.u32 $0x2200, v11;
	v37 =	vadd.s32 $0x2200, v22;
	v40 =	vld.idx.msk [tilespmem:v57+s8+$0x0], $0xffff;
	[tilespmem:v3+s12+$0x0] =	vst.idx.msk $0xffff, v16  }
0xcb: {  	v39 =	vmov s19;
	v20 =	vld.idx.msk [tilespmem:v54+s8+$0x0], $0xffff;
	v44 =	vadd.s32 $0x2300, v22;
	v3 =	vor.u32 $0x2280, v11;
	[tilespmem:v56+s12+$0x0] =	vst.idx.msk $0xffff, v38  }
0xcc: {  	v36 =	vor.u32 $0x2300, v11;
	v9 =	vld.idx.msk [tilespmem:v25+s8+$0x0], $0xffff;
	v38 =	vor.u32 $0x2380, v11;
	v11 =	vshll.u32 v39, $0x3;
	[tilespmem:v58+s12+$0x0] =	vst.idx.msk $0xffff, v4  }
0xcd: {  	v41 =	vadd.s32 $0x2280, v22;
	v43 =	vld.idx.msk [tilespmem:v60+s8+$0x0], $0xffff;
	v4 =	vand.u32 $0x7F, v42;
	v46 =	vand.u32 $0x1C00, v11;
	[tilespmem:v61+s12+$0x0] =	vst.idx.msk $0xffff, v1  }
0xce: {  	v45 =	vadd.s32 $0x2380, v22;
	v47 =	vld.idx.msk [tilespmem:v35+s8+$0x0], $0xffff;
	v48 =	vor.u32 v4, v46;
	[tilespmem:v33+s12+$0x0] =	vst.idx.msk $0xffff, v5  }
0xcf: {  	v49 =	vld.idx.msk [tilespmem:v37+s8+$0x0], $0xffff;
	v50 =	vor.u32 $0x80, v48;
	[tilespmem:v34+s12+$0x0] =	vst.idx.msk $0xffff, v14  }
0xd0: {  	v52 =	vld.idx.msk [tilespmem:v44+s8+$0x0], $0xffff;
	v51 =	vor.u32 $0x100, v48;
	[tilespmem:v3+s12+$0x0] =	vst.idx.msk $0xffff, v6  }
0xd1: {  	v1 =	vld.idx.msk [tilespmem:v63+s8+$0x0], $0xffff;
	v53 =	vor.u32 $0x180, v48;
	[tilespmem:v36+s12+$0x0] =	vst.idx.msk $0xffff, v7  }
0xd2: {  	v54 =	vor.u32 $0x200, v48;
	v3 =	vld.idx.msk [tilespmem:v41+s8+$0x0], $0xffff;
	[tilespmem:v38+s12+$0x0] =	vst.idx.msk $0xffff, v2  }
0xd3: {  	v55 =	vor.u32 $0x280, v48;
	v2 =	vld.idx.msk [tilespmem:v45+s8+$0x0], $0xffff;
	[tilespmem:v48+s12+$0x0] =	vst.idx.msk $0xffff, v28  }
0xd4: {  	v4 =	vor.u32 v4, v11;
	v56 =	vor.u32 $0x300, v48;
	[tilespmem:v50+s12+$0x0] =	vst.idx.msk $0xffff, v17  }
0xd5: {  	v4 =	vor.u32 $0x380, v4;
	[tilespmem:v51+s12+$0x0] =	vst.idx.msk $0xffff, v9  }
0xd6: {  	v57 =	vor.u32 $0x2000, v48;
	[tilespmem:v53+s12+$0x0] =	vst.idx.msk $0xffff, v15  }
0xd7: {  	v58 =	vor.u32 $0x2080, v48;
	[tilespmem:v54+s12+$0x0] =	vst.idx.msk $0xffff, v59  }
0xd8: {  	v59 =	vor.u32 $0x2100, v48;
	[tilespmem:v55+s12+$0x0] =	vst.idx.msk $0xffff, v62  }
0xd9: {  	v60 =	vor.u32 $0x2180, v48;
	[tilespmem:v56+s12+$0x0] =	vst.idx.msk $0xffff, v20  }
0xda: {  	v61 =	vor.u32 $0x2200, v48;
	[tilespmem:v4+s12+$0x0] =	vst.idx.msk $0xffff, v23  }
0xdb: {  	v62 =	vor.u32 $0x2280, v48;
	[tilespmem:v57+s12+$0x0] =	vst.idx.msk $0xffff, v40  }
0xdc: {  	s17 =	sadd.s32 $0x4, s17;
	v63 =	vor.u32 $0x2300, v48;
	[tilespmem:v58+s12+$0x0] =	vst.idx.msk $0xffff, v43  }
0xdd: {  	p0 =	slt.u32 s17, $0x3C;
	[tilespmem:v59+s12+$0x0] =	vst.idx.msk $0xffff, v1;
	v1 =	vor.u32 $0x2380, v48  }
.Ltmp1:
0xde: {  	[tilespmem:v60+s12+$0x0] =	vst.idx.msk $0xffff, v47;
	(pc) =	sbr.rel @p0 .LBB2_4-.Ltmp1, $4  }
0xdf: {  	[tilespmem:v61+s12+$0x0] =	vst.idx.msk $0xffff, v49  }
0xe0: {  	[tilespmem:v62+s12+$0x0] =	vst.idx.msk $0xffff, v3  }
0xe1: {  	[tilespmem:v63+s12+$0x0] =	vst.idx.msk $0xffff, v52  }
0xe2: {  	s18 =	sadd.s32 $0x40, s18;
	s16 =	sadd.s32 $0x40, s16;
	[tilespmem:v1+s12+$0x0] =	vst.idx.msk $0xffff, v2  }
0xe3: {  	s16 =	simm.s32 $0x0;
	s17 =	rddreg [dreg:$0x6]  }
0xe4: {  	[hbm4b:s17+s16] =	stream.linear.scatter [tilespmem:s12], [sflag:$0x4], $0x4000, $0x38;
	[tilespmem:$0x10400] =	vst v63  }
0xe5: {  	s19 =	rddreg [dreg:$0x7]  }
0xe6: {  	[tilespmem:s8], [sflag:$0x2] =	stream.linear.gather [hbm4b:s19+s16], $0x4000, $0x38;
	[tilespmem:$0x10400] =	vst v63  }
0xe7: {  	_ =	swait.ge [sflag:s9], $0x4000  }
0xe8: {  	[sflag:s9] =	ssyncset.done $0x0  }
0xe9: {  	[sflag:s9] =	ssyncadd.s32 $0xFFFFC000  }
0xea: {  	_ =	swait.ge [sflag:s13], $0x4000  }
0xeb: {  	[sflag:s13] =	ssyncset.done $0x0  }
0xec: {  	s18 =	simm.s32 $0x20;
	s17 =	simm.s32 $0xFFFFFFFC;
	[sflag:s13] =	ssyncadd.s32 $0xFFFFC000  }
.LBB2_6:
0xed: {  	v1 =	vld [tilespmem:s18+$0xFFFFFFE0]  }
0xee: {  	v12 =	vld [tilespmem:s18+$0xFFFFFFF0];
	_ =	sdelay $0x3  }
0xef: {  	v2 =	vshll.u32 v1, $0x3  }
0xf0: {  	v1 =	vand.u32 $0x7F, v1;
	v19 =	vshll.u32 v12, $0x3;
	v2 =	vand.u32 $0xFFFFFC00, v2  }
0xf1: {  	v12 =	vand.u32 $0x7F, v12;
	v19 =	vand.u32 $0xFFFFFC00, v19;
	v1 =	vor.u32 v1, v2  }
0xf2: {  	v12 =	vor.u32 v12, v19  }
0xf3: {  	v2 =	vor.u32 $0x80, v1  }
0xf4: {  	v3 =	vor.u32 $0x100, v1  }
0xf5: {  	v32 =	vld [tilespmem:s18+$0x0];
	v4 =	vor.u32 $0x180, v1  }
0xf6: {  	v5 =	vor.u32 $0x200, v1;
	v6 =	vld.idx.msk [tilespmem:v1+s7+$0x0], $0xffff  }
0xf7: {  	v7 =	vor.u32 $0x280, v1;
	v51 =	vld.idx.msk [tilespmem:v12+s7+$0x0], $0xffff  }
0xf8: {  	v8 =	vor.u32 $0x300, v1;
	v2 =	vld.idx.msk [tilespmem:v2+s7+$0x0], $0xffff  }
0xf9: {  	v9 =	vor.u32 $0x380, v1;
	v3 =	vld.idx.msk [tilespmem:v3+s7+$0x0], $0xffff  }
0xfa: {  	v10 =	vadd.s32 $0x2000, v1;
	v4 =	vld.idx.msk [tilespmem:v4+s7+$0x0], $0xffff  }
0xfb: {  	v11 =	vadd.s32 $0x2080, v1;
	v5 =	vld.idx.msk [tilespmem:v5+s7+$0x0], $0xffff  }
0xfc: {  	v13 =	vadd.s32 $0x2100, v1;
	v7 =	vld.idx.msk [tilespmem:v7+s7+$0x0], $0xffff  }
0xfd: {  	v14 =	vadd.s32 $0x2180, v1;
	v8 =	vld.idx.msk [tilespmem:v8+s7+$0x0], $0xffff  }
0xfe: {  	v17 =	vmov s16;
	v15 =	vadd.s32 $0x2200, v1;
	v9 =	vld.idx.msk [tilespmem:v9+s7+$0x0], $0xffff  }
0xff: {  	v20 =	vor.u32 s16, v0;
	v17 =	vshll.u32 v17, $0x3;
	v16 =	vadd.s32 $0x2280, v1;
	v10 =	vld.idx.msk [tilespmem:v10+s7+$0x0], $0xffff  }
0x100: {  	v49 =	vand.u32 $0x4F, v20;
	v50 =	vand.u32 $0x1C00, v17;
	v18 =	vadd.s32 $0x2300, v1;
	v11 =	vld.idx.msk [tilespmem:v11+s7+$0x0], $0xffff  }
0x101: {  	v20 =	vor.u32 v49, v50;
	v1 =	vadd.s32 $0x2380, v1;
	v13 =	vld.idx.msk [tilespmem:v13+s7+$0x0], $0xffff  }
0x102: {  	v23 =	vor.u32 $0x80, v20;
	v21 =	vor.u32 $0x80, v12;
	v14 =	vld.idx.msk [tilespmem:v14+s7+$0x0], $0xffff  }
0x103: {  	v25 =	vor.u32 $0x100, v20;
	v22 =	vor.u32 $0x100, v12;
	v15 =	vld.idx.msk [tilespmem:v15+s7+$0x0], $0xffff  }
0x104: {  	v17 =	vor.u32 v17, v49;
	v27 =	vor.u32 $0x180, v20;
	v24 =	vor.u32 $0x180, v12;
	v16 =	vld.idx.msk [tilespmem:v16+s7+$0x0], $0xffff  }
0x105: {  	v28 =	vor.u32 $0x200, v17;
	v30 =	vor.u32 $0x300, v12;
	v18 =	vld.idx.msk [tilespmem:v18+s7+$0x0], $0xffff  }
0x106: {  	v52 =	vor.u32 $0x280, v17;
	v34 =	vadd.s32 $0x2280, v12;
	v1 =	vld.idx.msk [tilespmem:v1+s7+$0x0], $0xffff;
	[tilespmem:v20+s10+$0x0] =	vst.idx.msk $0xffff, v6  }
0x107: {  	v26 =	vor.u32 $0x200, v12;
	v21 =	vld.idx.msk [tilespmem:v21+s7+$0x0], $0xffff;
	[tilespmem:v23+s10+$0x0] =	vst.idx.msk $0xffff, v2;
	v2 =	vor.u32 $0x300, v17  }
0x108: {  	s19 =	sadd.s32 $0x10, s16;
	v55 =	vadd.s32 $0x2000, v12;
	v22 =	vld.idx.msk [tilespmem:v22+s7+$0x0], $0xffff;
	[tilespmem:v25+s10+$0x0] =	vst.idx.msk $0xffff, v3;
	v3 =	vor.u32 $0x380, v17  }
0x109: {  	v36 =	vor.u32 s19, v0;
	v56 =	vor.u32 $0x2000, v20;
	v31 =	vadd.s32 $0x2080, v12;
	v53 =	vld.idx.msk [tilespmem:v24+s7+$0x0], $0xffff;
	[tilespmem:v27+s10+$0x0] =	vst.idx.msk $0xffff, v4  }
0x10a: {  	v60 =	vor.u32 $0x2200, v17;
	v57 =	vor.u32 $0x2080, v20;
	v29 =	vor.u32 $0x280, v12;
	v30 =	vld.idx.msk [tilespmem:v30+s7+$0x0], $0xffff;
	[tilespmem:v28+s10+$0x0] =	vst.idx.msk $0xffff, v5  }
0x10b: {  	v61 =	vor.u32 $0x2280, v17;
	v58 =	vor.u32 $0x2100, v20;
	v33 =	vadd.s32 $0x2180, v12;
	v6 =	vld.idx.msk [tilespmem:v34+s7+$0x0], $0xffff;
	[tilespmem:v52+s10+$0x0] =	vst.idx.msk $0xffff, v7  }
0x10c: {  	v38 =	vshll.u32 v32, $0x3;
	v37 =	vadd.s32 $0x2300, v12;
	v20 =	vor.u32 $0x2180, v20;
	v25 =	vld.idx.msk [tilespmem:v26+s7+$0x0], $0xffff;
	[tilespmem:v2+s10+$0x0] =	vst.idx.msk $0xffff, v8  }
0x10d: {  	v39 =	vand.u32 $0x7F, v32;
	v40 =	vand.u32 $0xFFFFFC00, v38;
	v54 =	vor.u32 $0x380, v12;
	v26 =	vld.idx.msk [tilespmem:v55+s7+$0x0], $0xffff;
	[tilespmem:v3+s10+$0x0] =	vst.idx.msk $0xffff, v9  }
0x10e: {  	v62 =	vor.u32 $0x2380, v17;
	v4 =	vld.idx.msk [tilespmem:v31+s7+$0x0], $0xffff;
	v27 =	vor.u32 v39, v40;
	v3 =	vmov s19;
	[tilespmem:v56+s10+$0x0] =	vst.idx.msk $0xffff, v10  }
0x10f: {  	v59 =	vadd.s32 $0x2100, v12;
	v28 =	vld.idx.msk [tilespmem:v29+s7+$0x0], $0xffff;
	v2 =	vor.u32 $0x2300, v17;
	v3 =	vshll.u32 v3, $0x3;
	[tilespmem:v57+s10+$0x0] =	vst.idx.msk $0xffff, v11  }
0x110: {  	v63 =	vadd.s32 $0x2200, v12;
	v5 =	vld.idx.msk [tilespmem:v33+s7+$0x0], $0xffff;
	v9 =	vand.u32 $0x5F, v36;
	v41 =	vand.u32 $0x1C00, v3;
	[tilespmem:v58+s10+$0x0] =	vst.idx.msk $0xffff, v13  }
0x111: {  	v12 =	vadd.s32 $0x2380, v12;
	v7 =	vld.idx.msk [tilespmem:v37+s7+$0x0], $0xffff;
	v13 =	vor.u32 v9, v41;
	[tilespmem:v20+s10+$0x0] =	vst.idx.msk $0xffff, v14  }
0x112: {  	v46 =	vor.u32 $0x180, v27;
	v17 =	vld.idx.msk [tilespmem:v54+s7+$0x0], $0xffff;
	v43 =	vor.u32 $0x80, v13;
	[tilespmem:v60+s10+$0x0] =	vst.idx.msk $0xffff, v15  }
0x113: {  	v29 =	vor.u32 $0x280, v27;
	v8 =	vld.idx.msk [tilespmem:v27+s7+$0x0], $0xffff;
	v45 =	vor.u32 $0x100, v13;
	[tilespmem:v61+s10+$0x0] =	vst.idx.msk $0xffff, v16  }
0x114: {  	v55 =	vadd.s32 $0x2000, v27;
	v11 =	vld.idx.msk [tilespmem:v59+s7+$0x0], $0xffff;
	v47 =	vor.u32 $0x180, v13;
	[tilespmem:v2+s10+$0x0] =	vst.idx.msk $0xffff, v18  }
0x115: {  	v14 =	vld.idx.msk [tilespmem:v63+s7+$0x0], $0xffff;
	[tilespmem:v62+s10+$0x0] =	vst.idx.msk $0xffff, v1;
	v1 =	vor.u32 $0x200, v13  }
0x116: {  	v44 =	vor.u32 $0x100, v27;
	v49 =	vor.u32 $0x280, v13;
	v2 =	vld.idx.msk [tilespmem:v12+s7+$0x0], $0xffff;
	[tilespmem:v13+s10+$0x0] =	vst.idx.msk $0xffff, v51  }
0x117: {  	v42 =	vor.u32 $0x80, v27;
	v3 =	vor.u32 v9, v3;
	v10 =	vld.idx.msk [tilespmem:v46+s7+$0x0], $0xffff;
	v50 =	vor.u32 $0x300, v13;
	[tilespmem:v43+s10+$0x0] =	vst.idx.msk $0xffff, v21  }
0x118: {  	v52 =	vor.u32 $0x380, v27;
	v29 =	vld.idx.msk [tilespmem:v29+s7+$0x0], $0xffff;
	v3 =	vor.u32 $0x380, v3;
	[tilespmem:v45+s10+$0x0] =	vst.idx.msk $0xffff, v22  }
0x119: {  	v48 =	vor.u32 $0x200, v27;
	v38 =	vld.idx.msk [tilespmem:v55+s7+$0x0], $0xffff;
	[tilespmem:v47+s10+$0x0] =	vst.idx.msk $0xffff, v53;
	v53 =	vor.u32 $0x2000, v13  }
0x11a: {  	v39 =	vadd.s32 $0x2280, v27;
	v58 =	vld [tilespmem:s18+$0x10];
	v54 =	vor.u32 $0x2080, v13;
	v51 =	vor.u32 $0x300, v27;
	[tilespmem:v1+s10+$0x0] =	vst.idx.msk $0xffff, v25  }
0x11b: {  	v40 =	vadd.s32 $0x2300, v27;
	v57 =	vadd.s32 $0x2080, v27;
	v9 =	vld.idx.msk [tilespmem:v44+s7+$0x0], $0xffff;
	v1 =	vor.u32 $0x2100, v13;
	[tilespmem:v49+s10+$0x0] =	vst.idx.msk $0xffff, v28  }
0x11c: {  	v37 =	vadd.s32 $0x2200, v27;
	s19 =	sadd.s32 $0x20, s16;
	v20 =	vld.idx.msk [tilespmem:v42+s7+$0x0], $0xffff;
	v56 =	vor.u32 $0x2180, v13;
	v61 =	vadd.s32 $0x2100, v27;
	[tilespmem:v50+s10+$0x0] =	vst.idx.msk $0xffff, v30  }
0x11d: {  	v36 =	vor.u32 s19, v0;
	v59 =	vor.u32 $0x2200, v13;
	v63 =	vadd.s32 $0x2180, v27;
	v16 =	vld.idx.msk [tilespmem:v52+s7+$0x0], $0xffff;
	[tilespmem:v3+s10+$0x0] =	vst.idx.msk $0xffff, v17  }
0x11e: {  	v60 =	vor.u32 $0x2280, v13;
	v18 =	vld.idx.msk [tilespmem:v48+s7+$0x0], $0xffff;
	v62 =	vor.u32 $0x2300, v13;
	v3 =	vmov s19;
	[tilespmem:v53+s10+$0x0] =	vst.idx.msk $0xffff, v26  }
0x11f: {  	v27 =	vadd.s32 $0x2380, v27;
	v41 =	vshll.u32 v58, $0x3;
	v21 =	vld.idx.msk [tilespmem:v51+s7+$0x0], $0xffff;
	v3 =	vshll.u32 v3, $0x3;
	[tilespmem:v54+s10+$0x0] =	vst.idx.msk $0xffff, v4  }
0x120: {  	v13 =	vor.u32 $0x2380, v13;
	v17 =	vand.u32 $0x6F, v36;
	v4 =	vld.idx.msk [tilespmem:v57+s7+$0x0], $0xffff;
	v42 =	vand.u32 $0x1C00, v3;
	[tilespmem:v1+s10+$0x0] =	vst.idx.msk $0xffff, v11  }
0x121: {  	v43 =	vand.u32 $0x7F, v58;
	v22 =	vand.u32 $0xFFFFFC00, v41;
	v1 =	vld.idx.msk [tilespmem:v61+s7+$0x0], $0xffff;
	v11 =	vor.u32 v17, v42;
	[tilespmem:v56+s10+$0x0] =	vst.idx.msk $0xffff, v5  }
0x122: {  	v22 =	vor.u32 v43, v22;
	v5 =	vld.idx.msk [tilespmem:v63+s7+$0x0], $0xffff;
	v44 =	vor.u32 $0x80, v11;
	[tilespmem:v59+s10+$0x0] =	vst.idx.msk $0xffff, v14  }
0x123: {  	v48 =	vor.u32 $0x180, v22;
	v46 =	vor.u32 $0x100, v11;
	v14 =	vld.idx.msk [tilespmem:v37+s7+$0x0], $0xffff;
	[tilespmem:v60+s10+$0x0] =	vst.idx.msk $0xffff, v6  }
0x124: {  	v55 =	vor.u32 $0x380, v22;
	v47 =	vor.u32 $0x180, v11;
	v6 =	vld.idx.msk [tilespmem:v39+s7+$0x0], $0xffff;
	[tilespmem:v62+s10+$0x0] =	vst.idx.msk $0xffff, v7  }
0x125: {  	v45 =	vor.u32 $0x80, v22;
	v49 =	vor.u32 $0x200, v11;
	v7 =	vld.idx.msk [tilespmem:v40+s7+$0x0], $0xffff;
	[tilespmem:v13+s10+$0x0] =	vst.idx.msk $0xffff, v2  }
0x126: {  	v50 =	vor.u32 $0x200, v22;
	v51 =	vor.u32 $0x280, v11;
	v2 =	vld.idx.msk [tilespmem:v27+s7+$0x0], $0xffff;
	[tilespmem:v11+s10+$0x0] =	vst.idx.msk $0xffff, v8  }
0x127: {  	v52 =	vor.u32 $0x280, v22;
	v28 =	vld.idx.msk [tilespmem:v22+s7+$0x0], $0xffff;
	v3 =	vor.u32 v17, v3;
	v53 =	vor.u32 $0x300, v11;
	[tilespmem:v44+s10+$0x0] =	vst.idx.msk $0xffff, v20  }
0x128: {  	v15 =	vld.idx.msk [tilespmem:v48+s7+$0x0], $0xffff;
	v57 =	vadd.s32 $0x2000, v22;
	v3 =	vor.u32 $0x380, v3;
	[tilespmem:v46+s10+$0x0] =	vst.idx.msk $0xffff, v9  }
0x129: {  	v23 =	vld.idx.msk [tilespmem:v55+s7+$0x0], $0xffff;
	v54 =	vor.u32 $0x300, v22;
	v56 =	vor.u32 $0x2000, v11;
	[tilespmem:v47+s10+$0x0] =	vst.idx.msk $0xffff, v10  }
0x12a: {  	v25 =	vor.u32 $0x100, v22;
	v17 =	vld.idx.msk [tilespmem:v45+s7+$0x0], $0xffff;
	v58 =	vor.u32 $0x2080, v11;
	[tilespmem:v49+s10+$0x0] =	vst.idx.msk $0xffff, v18  }
0x12b: {  	s19 =	sadd.s32 $0x30, s16;
	v61 =	vor.u32 $0x2100, v11;
	v59 =	vld.idx.msk [tilespmem:v50+s7+$0x0], $0xffff;
	v60 =	vadd.s32 $0x2080, v22;
	[tilespmem:v51+s10+$0x0] =	vst.idx.msk $0xffff, v29  }
0x12c: {  	v35 =	vadd.s32 $0x2180, v22;
	v42 =	vor.u32 s19, v0;
	v33 =	vor.u32 $0x2180, v11;
	v62 =	vld.idx.msk [tilespmem:v52+s7+$0x0], $0xffff;
	[tilespmem:v53+s10+$0x0] =	vst.idx.msk $0xffff, v21  }
0x12d: {  	v63 =	vadd.s32 $0x2100, v22;
	v34 =	vor.u32 $0x2200, v11;
	v37 =	vadd.s32 $0x2200, v22;
	v40 =	vld.idx.msk [tilespmem:v57+s7+$0x0], $0xffff;
	[tilespmem:v3+s10+$0x0] =	vst.idx.msk $0xffff, v16  }
0x12e: {  	v39 =	vmov s19;
	v20 =	vld.idx.msk [tilespmem:v54+s7+$0x0], $0xffff;
	v44 =	vadd.s32 $0x2300, v22;
	v3 =	vor.u32 $0x2280, v11;
	[tilespmem:v56+s10+$0x0] =	vst.idx.msk $0xffff, v38  }
0x12f: {  	v36 =	vor.u32 $0x2300, v11;
	v9 =	vld.idx.msk [tilespmem:v25+s7+$0x0], $0xffff;
	v38 =	vor.u32 $0x2380, v11;
	v11 =	vshll.u32 v39, $0x3;
	[tilespmem:v58+s10+$0x0] =	vst.idx.msk $0xffff, v4  }
0x130: {  	v41 =	vadd.s32 $0x2280, v22;
	v43 =	vld.idx.msk [tilespmem:v60+s7+$0x0], $0xffff;
	v4 =	vand.u32 $0x7F, v42;
	v46 =	vand.u32 $0x1C00, v11;
	[tilespmem:v61+s10+$0x0] =	vst.idx.msk $0xffff, v1  }
0x131: {  	v45 =	vadd.s32 $0x2380, v22;
	v47 =	vld.idx.msk [tilespmem:v35+s7+$0x0], $0xffff;
	v48 =	vor.u32 v4, v46;
	[tilespmem:v33+s10+$0x0] =	vst.idx.msk $0xffff, v5  }
0x132: {  	v49 =	vld.idx.msk [tilespmem:v37+s7+$0x0], $0xffff;
	v50 =	vor.u32 $0x80, v48;
	[tilespmem:v34+s10+$0x0] =	vst.idx.msk $0xffff, v14  }
0x133: {  	v52 =	vld.idx.msk [tilespmem:v44+s7+$0x0], $0xffff;
	v51 =	vor.u32 $0x100, v48;
	[tilespmem:v3+s10+$0x0] =	vst.idx.msk $0xffff, v6  }
0x134: {  	v1 =	vld.idx.msk [tilespmem:v63+s7+$0x0], $0xffff;
	v53 =	vor.u32 $0x180, v48;
	[tilespmem:v36+s10+$0x0] =	vst.idx.msk $0xffff, v7  }
0x135: {  	v54 =	vor.u32 $0x200, v48;
	v3 =	vld.idx.msk [tilespmem:v41+s7+$0x0], $0xffff;
	[tilespmem:v38+s10+$0x0] =	vst.idx.msk $0xffff, v2  }
0x136: {  	v55 =	vor.u32 $0x280, v48;
	v2 =	vld.idx.msk [tilespmem:v45+s7+$0x0], $0xffff;
	[tilespmem:v48+s10+$0x0] =	vst.idx.msk $0xffff, v28  }
0x137: {  	v4 =	vor.u32 v4, v11;
	v56 =	vor.u32 $0x300, v48;
	[tilespmem:v50+s10+$0x0] =	vst.idx.msk $0xffff, v17  }
0x138: {  	v4 =	vor.u32 $0x380, v4;
	[tilespmem:v51+s10+$0x0] =	vst.idx.msk $0xffff, v9  }
0x139: {  	v57 =	vor.u32 $0x2000, v48;
	[tilespmem:v53+s10+$0x0] =	vst.idx.msk $0xffff, v15  }
0x13a: {  	v58 =	vor.u32 $0x2080, v48;
	[tilespmem:v54+s10+$0x0] =	vst.idx.msk $0xffff, v59  }
0x13b: {  	v59 =	vor.u32 $0x2100, v48;
	[tilespmem:v55+s10+$0x0] =	vst.idx.msk $0xffff, v62  }
0x13c: {  	v60 =	vor.u32 $0x2180, v48;
	[tilespmem:v56+s10+$0x0] =	vst.idx.msk $0xffff, v20  }
0x13d: {  	v61 =	vor.u32 $0x2200, v48;
	[tilespmem:v4+s10+$0x0] =	vst.idx.msk $0xffff, v23  }
0x13e: {  	v62 =	vor.u32 $0x2280, v48;
	[tilespmem:v57+s10+$0x0] =	vst.idx.msk $0xffff, v40  }
0x13f: {  	s17 =	sadd.s32 $0x4, s17;
	v63 =	vor.u32 $0x2300, v48;
	[tilespmem:v58+s10+$0x0] =	vst.idx.msk $0xffff, v43  }
0x140: {  	p0 =	slt.u32 s17, $0x3C;
	[tilespmem:v59+s10+$0x0] =	vst.idx.msk $0xffff, v1;
	v1 =	vor.u32 $0x2380, v48  }
.Ltmp2:
0x141: {  	[tilespmem:v60+s10+$0x0] =	vst.idx.msk $0xffff, v47;
	(pc) =	sbr.rel @p0 .LBB2_6-.Ltmp2, $4  }
0x142: {  	[tilespmem:v61+s10+$0x0] =	vst.idx.msk $0xffff, v49  }
0x143: {  	[tilespmem:v62+s10+$0x0] =	vst.idx.msk $0xffff, v3  }
0x144: {  	[tilespmem:v63+s10+$0x0] =	vst.idx.msk $0xffff, v52  }
0x145: {  	s18 =	sadd.s32 $0x40, s18;
	s16 =	sadd.s32 $0x40, s16;
	[tilespmem:v1+s10+$0x0] =	vst.idx.msk $0xffff, v2  }
0x146: {  	s16 =	simm.s32 $0x0;
	s17 =	rddreg [dreg:$0x8]  }
0x147: {  	[hbm4b:s17+s16] =	stream.linear.scatter [tilespmem:s10], [sflag:$0x3], $0x4000, $0x38;
	[tilespmem:$0x10400] =	vst v63  }
0x148: {  	s19 =	rddreg [dreg:$0x9]  }
0x149: {  	[tilespmem:s7], [sflag:$0x1] =	stream.linear.gather [hbm4b:s19+s16], $0x4000, $0x38;
	[tilespmem:$0x10400] =	vst v63  }
0x14a: {  	_ =	swait.ge [sflag:s11], $0x4000  }
0x14b: {  	[sflag:s11] =	ssyncset.done $0x0  }
0x14c: {  	[sflag:s11] =	ssyncadd.s32 $0xFFFFC000  }
0x14d: {  	_ =	swait.ge [sflag:s14], $0x4000  }
0x14e: {  	[sflag:s14] =	ssyncset.done $0x0  }
0x14f: {  	s18 =	simm.s32 $0x20;
	s17 =	simm.s32 $0xFFFFFFFC;
	[sflag:s14] =	ssyncadd.s32 $0xFFFFC000  }
.LBB2_8:
0x150: {  	v1 =	vld [tilespmem:s18+$0xFFFFFFE0]  }
0x151: {  	v12 =	vld [tilespmem:s18+$0xFFFFFFF0];
	_ =	sdelay $0x3  }
0x152: {  	v2 =	vshll.u32 v1, $0x3  }
0x153: {  	v1 =	vand.u32 $0x7F, v1;
	v19 =	vshll.u32 v12, $0x3;
	v2 =	vand.u32 $0xFFFFFC00, v2  }
0x154: {  	v12 =	vand.u32 $0x7F, v12;
	v19 =	vand.u32 $0xFFFFFC00, v19;
	v1 =	vor.u32 v1, v2  }
0x155: {  	v12 =	vor.u32 v12, v19  }
0x156: {  	v2 =	vor.u32 $0x80, v1  }
0x157: {  	v3 =	vor.u32 $0x100, v1  }
0x158: {  	v32 =	vld [tilespmem:s18+$0x0];
	v4 =	vor.u32 $0x180, v1  }
0x159: {  	v5 =	vor.u32 $0x200, v1;
	v6 =	vld.idx.msk [tilespmem:v1+s8+$0x0], $0xffff  }
0x15a: {  	v7 =	vor.u32 $0x280, v1;
	v51 =	vld.idx.msk [tilespmem:v12+s8+$0x0], $0xffff  }
0x15b: {  	v8 =	vor.u32 $0x300, v1;
	v2 =	vld.idx.msk [tilespmem:v2+s8+$0x0], $0xffff  }
0x15c: {  	v9 =	vor.u32 $0x380, v1;
	v3 =	vld.idx.msk [tilespmem:v3+s8+$0x0], $0xffff  }
0x15d: {  	v10 =	vadd.s32 $0x2000, v1;
	v4 =	vld.idx.msk [tilespmem:v4+s8+$0x0], $0xffff  }
0x15e: {  	v11 =	vadd.s32 $0x2080, v1;
	v5 =	vld.idx.msk [tilespmem:v5+s8+$0x0], $0xffff  }
0x15f: {  	v13 =	vadd.s32 $0x2100, v1;
	v7 =	vld.idx.msk [tilespmem:v7+s8+$0x0], $0xffff  }
0x160: {  	v14 =	vadd.s32 $0x2180, v1;
	v8 =	vld.idx.msk [tilespmem:v8+s8+$0x0], $0xffff  }
0x161: {  	v17 =	vmov s16;
	v15 =	vadd.s32 $0x2200, v1;
	v9 =	vld.idx.msk [tilespmem:v9+s8+$0x0], $0xffff  }
0x162: {  	v20 =	vor.u32 s16, v0;
	v17 =	vshll.u32 v17, $0x3;
	v16 =	vadd.s32 $0x2280, v1;
	v10 =	vld.idx.msk [tilespmem:v10+s8+$0x0], $0xffff  }
0x163: {  	v49 =	vand.u32 $0x4F, v20;
	v50 =	vand.u32 $0x1C00, v17;
	v18 =	vadd.s32 $0x2300, v1;
	v11 =	vld.idx.msk [tilespmem:v11+s8+$0x0], $0xffff  }
0x164: {  	v20 =	vor.u32 v49, v50;
	v1 =	vadd.s32 $0x2380, v1;
	v13 =	vld.idx.msk [tilespmem:v13+s8+$0x0], $0xffff  }
0x165: {  	v23 =	vor.u32 $0x80, v20;
	v21 =	vor.u32 $0x80, v12;
	v14 =	vld.idx.msk [tilespmem:v14+s8+$0x0], $0xffff  }
0x166: {  	v25 =	vor.u32 $0x100, v20;
	v22 =	vor.u32 $0x100, v12;
	v15 =	vld.idx.msk [tilespmem:v15+s8+$0x0], $0xffff  }
0x167: {  	v17 =	vor.u32 v17, v49;
	v27 =	vor.u32 $0x180, v20;
	v24 =	vor.u32 $0x180, v12;
	v16 =	vld.idx.msk [tilespmem:v16+s8+$0x0], $0xffff  }
0x168: {  	v28 =	vor.u32 $0x200, v17;
	v30 =	vor.u32 $0x300, v12;
	v18 =	vld.idx.msk [tilespmem:v18+s8+$0x0], $0xffff  }
0x169: {  	v52 =	vor.u32 $0x280, v17;
	v34 =	vadd.s32 $0x2280, v12;
	v1 =	vld.idx.msk [tilespmem:v1+s8+$0x0], $0xffff;
	[tilespmem:v20+s12+$0x0] =	vst.idx.msk $0xffff, v6  }
0x16a: {  	v26 =	vor.u32 $0x200, v12;
	v21 =	vld.idx.msk [tilespmem:v21+s8+$0x0], $0xffff;
	[tilespmem:v23+s12+$0x0] =	vst.idx.msk $0xffff, v2;
	v2 =	vor.u32 $0x300, v17  }
0x16b: {  	s19 =	sadd.s32 $0x10, s16;
	v55 =	vadd.s32 $0x2000, v12;
	v22 =	vld.idx.msk [tilespmem:v22+s8+$0x0], $0xffff;
	[tilespmem:v25+s12+$0x0] =	vst.idx.msk $0xffff, v3;
	v3 =	vor.u32 $0x380, v17  }
0x16c: {  	v36 =	vor.u32 s19, v0;
	v56 =	vor.u32 $0x2000, v20;
	v31 =	vadd.s32 $0x2080, v12;
	v53 =	vld.idx.msk [tilespmem:v24+s8+$0x0], $0xffff;
	[tilespmem:v27+s12+$0x0] =	vst.idx.msk $0xffff, v4  }
0x16d: {  	v60 =	vor.u32 $0x2200, v17;
	v57 =	vor.u32 $0x2080, v20;
	v29 =	vor.u32 $0x280, v12;
	v30 =	vld.idx.msk [tilespmem:v30+s8+$0x0], $0xffff;
	[tilespmem:v28+s12+$0x0] =	vst.idx.msk $0xffff, v5  }
0x16e: {  	v61 =	vor.u32 $0x2280, v17;
	v58 =	vor.u32 $0x2100, v20;
	v33 =	vadd.s32 $0x2180, v12;
	v6 =	vld.idx.msk [tilespmem:v34+s8+$0x0], $0xffff;
	[tilespmem:v52+s12+$0x0] =	vst.idx.msk $0xffff, v7  }
0x16f: {  	v38 =	vshll.u32 v32, $0x3;
	v37 =	vadd.s32 $0x2300, v12;
	v20 =	vor.u32 $0x2180, v20;
	v25 =	vld.idx.msk [tilespmem:v26+s8+$0x0], $0xffff;
	[tilespmem:v2+s12+$0x0] =	vst.idx.msk $0xffff, v8  }
0x170: {  	v39 =	vand.u32 $0x7F, v32;
	v40 =	vand.u32 $0xFFFFFC00, v38;
	v54 =	vor.u32 $0x380, v12;
	v26 =	vld.idx.msk [tilespmem:v55+s8+$0x0], $0xffff;
	[tilespmem:v3+s12+$0x0] =	vst.idx.msk $0xffff, v9  }
0x171: {  	v62 =	vor.u32 $0x2380, v17;
	v4 =	vld.idx.msk [tilespmem:v31+s8+$0x0], $0xffff;
	v27 =	vor.u32 v39, v40;
	v3 =	vmov s19;
	[tilespmem:v56+s12+$0x0] =	vst.idx.msk $0xffff, v10  }
0x172: {  	v59 =	vadd.s32 $0x2100, v12;
	v28 =	vld.idx.msk [tilespmem:v29+s8+$0x0], $0xffff;
	v2 =	vor.u32 $0x2300, v17;
	v3 =	vshll.u32 v3, $0x3;
	[tilespmem:v57+s12+$0x0] =	vst.idx.msk $0xffff, v11  }
0x173: {  	v63 =	vadd.s32 $0x2200, v12;
	v5 =	vld.idx.msk [tilespmem:v33+s8+$0x0], $0xffff;
	v9 =	vand.u32 $0x5F, v36;
	v41 =	vand.u32 $0x1C00, v3;
	[tilespmem:v58+s12+$0x0] =	vst.idx.msk $0xffff, v13  }
0x174: {  	v12 =	vadd.s32 $0x2380, v12;
	v7 =	vld.idx.msk [tilespmem:v37+s8+$0x0], $0xffff;
	v13 =	vor.u32 v9, v41;
	[tilespmem:v20+s12+$0x0] =	vst.idx.msk $0xffff, v14  }
0x175: {  	v46 =	vor.u32 $0x180, v27;
	v17 =	vld.idx.msk [tilespmem:v54+s8+$0x0], $0xffff;
	v43 =	vor.u32 $0x80, v13;
	[tilespmem:v60+s12+$0x0] =	vst.idx.msk $0xffff, v15  }
0x176: {  	v29 =	vor.u32 $0x280, v27;
	v8 =	vld.idx.msk [tilespmem:v27+s8+$0x0], $0xffff;
	v45 =	vor.u32 $0x100, v13;
	[tilespmem:v61+s12+$0x0] =	vst.idx.msk $0xffff, v16  }
0x177: {  	v55 =	vadd.s32 $0x2000, v27;
	v11 =	vld.idx.msk [tilespmem:v59+s8+$0x0], $0xffff;
	v47 =	vor.u32 $0x180, v13;
	[tilespmem:v2+s12+$0x0] =	vst.idx.msk $0xffff, v18  }
0x178: {  	v14 =	vld.idx.msk [tilespmem:v63+s8+$0x0], $0xffff;
	[tilespmem:v62+s12+$0x0] =	vst.idx.msk $0xffff, v1;
	v1 =	vor.u32 $0x200, v13  }
0x179: {  	v44 =	vor.u32 $0x100, v27;
	v49 =	vor.u32 $0x280, v13;
	v2 =	vld.idx.msk [tilespmem:v12+s8+$0x0], $0xffff;
	[tilespmem:v13+s12+$0x0] =	vst.idx.msk $0xffff, v51  }
0x17a: {  	v42 =	vor.u32 $0x80, v27;
	v3 =	vor.u32 v9, v3;
	v10 =	vld.idx.msk [tilespmem:v46+s8+$0x0], $0xffff;
	v50 =	vor.u32 $0x300, v13;
	[tilespmem:v43+s12+$0x0] =	vst.idx.msk $0xffff, v21  }
0x17b: {  	v52 =	vor.u32 $0x380, v27;
	v29 =	vld.idx.msk [tilespmem:v29+s8+$0x0], $0xffff;
	v3 =	vor.u32 $0x380, v3;
	[tilespmem:v45+s12+$0x0] =	vst.idx.msk $0xffff, v22  }
0x17c: {  	v48 =	vor.u32 $0x200, v27;
	v38 =	vld.idx.msk [tilespmem:v55+s8+$0x0], $0xffff;
	[tilespmem:v47+s12+$0x0] =	vst.idx.msk $0xffff, v53;
	v53 =	vor.u32 $0x2000, v13  }
0x17d: {  	v39 =	vadd.s32 $0x2280, v27;
	v58 =	vld [tilespmem:s18+$0x10];
	v54 =	vor.u32 $0x2080, v13;
	v51 =	vor.u32 $0x300, v27;
	[tilespmem:v1+s12+$0x0] =	vst.idx.msk $0xffff, v25  }
0x17e: {  	v40 =	vadd.s32 $0x2300, v27;
	v57 =	vadd.s32 $0x2080, v27;
	v9 =	vld.idx.msk [tilespmem:v44+s8+$0x0], $0xffff;
	v1 =	vor.u32 $0x2100, v13;
	[tilespmem:v49+s12+$0x0] =	vst.idx.msk $0xffff, v28  }
0x17f: {  	v37 =	vadd.s32 $0x2200, v27;
	s19 =	sadd.s32 $0x20, s16;
	v20 =	vld.idx.msk [tilespmem:v42+s8+$0x0], $0xffff;
	v56 =	vor.u32 $0x2180, v13;
	v61 =	vadd.s32 $0x2100, v27;
	[tilespmem:v50+s12+$0x0] =	vst.idx.msk $0xffff, v30  }
0x180: {  	v36 =	vor.u32 s19, v0;
	v59 =	vor.u32 $0x2200, v13;
	v63 =	vadd.s32 $0x2180, v27;
	v16 =	vld.idx.msk [tilespmem:v52+s8+$0x0], $0xffff;
	[tilespmem:v3+s12+$0x0] =	vst.idx.msk $0xffff, v17  }
0x181: {  	v60 =	vor.u32 $0x2280, v13;
	v18 =	vld.idx.msk [tilespmem:v48+s8+$0x0], $0xffff;
	v62 =	vor.u32 $0x2300, v13;
	v3 =	vmov s19;
	[tilespmem:v53+s12+$0x0] =	vst.idx.msk $0xffff, v26  }
0x182: {  	v27 =	vadd.s32 $0x2380, v27;
	v41 =	vshll.u32 v58, $0x3;
	v21 =	vld.idx.msk [tilespmem:v51+s8+$0x0], $0xffff;
	v3 =	vshll.u32 v3, $0x3;
	[tilespmem:v54+s12+$0x0] =	vst.idx.msk $0xffff, v4  }
0x183: {  	v13 =	vor.u32 $0x2380, v13;
	v17 =	vand.u32 $0x6F, v36;
	v4 =	vld.idx.msk [tilespmem:v57+s8+$0x0], $0xffff;
	v42 =	vand.u32 $0x1C00, v3;
	[tilespmem:v1+s12+$0x0] =	vst.idx.msk $0xffff, v11  }
0x184: {  	v43 =	vand.u32 $0x7F, v58;
	v22 =	vand.u32 $0xFFFFFC00, v41;
	v1 =	vld.idx.msk [tilespmem:v61+s8+$0x0], $0xffff;
	v11 =	vor.u32 v17, v42;
	[tilespmem:v56+s12+$0x0] =	vst.idx.msk $0xffff, v5  }
0x185: {  	v22 =	vor.u32 v43, v22;
	v5 =	vld.idx.msk [tilespmem:v63+s8+$0x0], $0xffff;
	v44 =	vor.u32 $0x80, v11;
	[tilespmem:v59+s12+$0x0] =	vst.idx.msk $0xffff, v14  }
0x186: {  	v48 =	vor.u32 $0x180, v22;
	v46 =	vor.u32 $0x100, v11;
	v14 =	vld.idx.msk [tilespmem:v37+s8+$0x0], $0xffff;
	[tilespmem:v60+s12+$0x0] =	vst.idx.msk $0xffff, v6  }
0x187: {  	v55 =	vor.u32 $0x380, v22;
	v47 =	vor.u32 $0x180, v11;
	v6 =	vld.idx.msk [tilespmem:v39+s8+$0x0], $0xffff;
	[tilespmem:v62+s12+$0x0] =	vst.idx.msk $0xffff, v7  }
0x188: {  	v45 =	vor.u32 $0x80, v22;
	v49 =	vor.u32 $0x200, v11;
	v7 =	vld.idx.msk [tilespmem:v40+s8+$0x0], $0xffff;
	[tilespmem:v13+s12+$0x0] =	vst.idx.msk $0xffff, v2  }
0x189: {  	v50 =	vor.u32 $0x200, v22;
	v51 =	vor.u32 $0x280, v11;
	v2 =	vld.idx.msk [tilespmem:v27+s8+$0x0], $0xffff;
	[tilespmem:v11+s12+$0x0] =	vst.idx.msk $0xffff, v8  }
0x18a: {  	v52 =	vor.u32 $0x280, v22;
	v28 =	vld.idx.msk [tilespmem:v22+s8+$0x0], $0xffff;
	v3 =	vor.u32 v17, v3;
	v53 =	vor.u32 $0x300, v11;
	[tilespmem:v44+s12+$0x0] =	vst.idx.msk $0xffff, v20  }
0x18b: {  	v15 =	vld.idx.msk [tilespmem:v48+s8+$0x0], $0xffff;
	v57 =	vadd.s32 $0x2000, v22;
	v3 =	vor.u32 $0x380, v3;
	[tilespmem:v46+s12+$0x0] =	vst.idx.msk $0xffff, v9  }
0x18c: {  	v23 =	vld.idx.msk [tilespmem:v55+s8+$0x0], $0xffff;
	v54 =	vor.u32 $0x300, v22;
	v56 =	vor.u32 $0x2000, v11;
	[tilespmem:v47+s12+$0x0] =	vst.idx.msk $0xffff, v10  }
0x18d: {  	v25 =	vor.u32 $0x100, v22;
	v17 =	vld.idx.msk [tilespmem:v45+s8+$0x0], $0xffff;
	v58 =	vor.u32 $0x2080, v11;
	[tilespmem:v49+s12+$0x0] =	vst.idx.msk $0xffff, v18  }
0x18e: {  	s19 =	sadd.s32 $0x30, s16;
	v61 =	vor.u32 $0x2100, v11;
	v59 =	vld.idx.msk [tilespmem:v50+s8+$0x0], $0xffff;
	v60 =	vadd.s32 $0x2080, v22;
	[tilespmem:v51+s12+$0x0] =	vst.idx.msk $0xffff, v29  }
0x18f: {  	v35 =	vadd.s32 $0x2180, v22;
	v42 =	vor.u32 s19, v0;
	v33 =	vor.u32 $0x2180, v11;
	v62 =	vld.idx.msk [tilespmem:v52+s8+$0x0], $0xffff;
	[tilespmem:v53+s12+$0x0] =	vst.idx.msk $0xffff, v21  }
0x190: {  	v63 =	vadd.s32 $0x2100, v22;
	v34 =	vor.u32 $0x2200, v11;
	v37 =	vadd.s32 $0x2200, v22;
	v40 =	vld.idx.msk [tilespmem:v57+s8+$0x0], $0xffff;
	[tilespmem:v3+s12+$0x0] =	vst.idx.msk $0xffff, v16  }
0x191: {  	v39 =	vmov s19;
	v20 =	vld.idx.msk [tilespmem:v54+s8+$0x0], $0xffff;
	v44 =	vadd.s32 $0x2300, v22;
	v3 =	vor.u32 $0x2280, v11;
	[tilespmem:v56+s12+$0x0] =	vst.idx.msk $0xffff, v38  }
0x192: {  	v36 =	vor.u32 $0x2300, v11;
	v9 =	vld.idx.msk [tilespmem:v25+s8+$0x0], $0xffff;
	v38 =	vor.u32 $0x2380, v11;
	v11 =	vshll.u32 v39, $0x3;
	[tilespmem:v58+s12+$0x0] =	vst.idx.msk $0xffff, v4  }
0x193: {  	v41 =	vadd.s32 $0x2280, v22;
	v43 =	vld.idx.msk [tilespmem:v60+s8+$0x0], $0xffff;
	v4 =	vand.u32 $0x7F, v42;
	v46 =	vand.u32 $0x1C00, v11;
	[tilespmem:v61+s12+$0x0] =	vst.idx.msk $0xffff, v1  }
0x194: {  	v45 =	vadd.s32 $0x2380, v22;
	v47 =	vld.idx.msk [tilespmem:v35+s8+$0x0], $0xffff;
	v48 =	vor.u32 v4, v46;
	[tilespmem:v33+s12+$0x0] =	vst.idx.msk $0xffff, v5  }
0x195: {  	v49 =	vld.idx.msk [tilespmem:v37+s8+$0x0], $0xffff;
	v50 =	vor.u32 $0x80, v48;
	[tilespmem:v34+s12+$0x0] =	vst.idx.msk $0xffff, v14  }
0x196: {  	v52 =	vld.idx.msk [tilespmem:v44+s8+$0x0], $0xffff;
	v51 =	vor.u32 $0x100, v48;
	[tilespmem:v3+s12+$0x0] =	vst.idx.msk $0xffff, v6  }
0x197: {  	v1 =	vld.idx.msk [tilespmem:v63+s8+$0x0], $0xffff;
	v53 =	vor.u32 $0x180, v48;
	[tilespmem:v36+s12+$0x0] =	vst.idx.msk $0xffff, v7  }
0x198: {  	v54 =	vor.u32 $0x200, v48;
	v3 =	vld.idx.msk [tilespmem:v41+s8+$0x0], $0xffff;
	[tilespmem:v38+s12+$0x0] =	vst.idx.msk $0xffff, v2  }
0x199: {  	v55 =	vor.u32 $0x280, v48;
	v2 =	vld.idx.msk [tilespmem:v45+s8+$0x0], $0xffff;
	[tilespmem:v48+s12+$0x0] =	vst.idx.msk $0xffff, v28  }
0x19a: {  	v4 =	vor.u32 v4, v11;
	v56 =	vor.u32 $0x300, v48;
	[tilespmem:v50+s12+$0x0] =	vst.idx.msk $0xffff, v17  }
0x19b: {  	v4 =	vor.u32 $0x380, v4;
	[tilespmem:v51+s12+$0x0] =	vst.idx.msk $0xffff, v9  }
0x19c: {  	v57 =	vor.u32 $0x2000, v48;
	[tilespmem:v53+s12+$0x0] =	vst.idx.msk $0xffff, v15  }
0x19d: {  	v58 =	vor.u32 $0x2080, v48;
	[tilespmem:v54+s12+$0x0] =	vst.idx.msk $0xffff, v59  }
0x19e: {  	v59 =	vor.u32 $0x2100, v48;
	[tilespmem:v55+s12+$0x0] =	vst.idx.msk $0xffff, v62  }
0x19f: {  	v60 =	vor.u32 $0x2180, v48;
	[tilespmem:v56+s12+$0x0] =	vst.idx.msk $0xffff, v20  }
0x1a0: {  	v61 =	vor.u32 $0x2200, v48;
	[tilespmem:v4+s12+$0x0] =	vst.idx.msk $0xffff, v23  }
0x1a1: {  	v62 =	vor.u32 $0x2280, v48;
	[tilespmem:v57+s12+$0x0] =	vst.idx.msk $0xffff, v40  }
0x1a2: {  	s17 =	sadd.s32 $0x4, s17;
	v63 =	vor.u32 $0x2300, v48;
	[tilespmem:v58+s12+$0x0] =	vst.idx.msk $0xffff, v43  }
0x1a3: {  	p0 =	slt.u32 s17, $0x3C;
	[tilespmem:v59+s12+$0x0] =	vst.idx.msk $0xffff, v1;
	v1 =	vor.u32 $0x2380, v48  }
.Ltmp3:
0x1a4: {  	[tilespmem:v60+s12+$0x0] =	vst.idx.msk $0xffff, v47;
	(pc) =	sbr.rel @p0 .LBB2_8-.Ltmp3, $4  }
0x1a5: {  	[tilespmem:v61+s12+$0x0] =	vst.idx.msk $0xffff, v49  }
0x1a6: {  	[tilespmem:v62+s12+$0x0] =	vst.idx.msk $0xffff, v3  }
0x1a7: {  	[tilespmem:v63+s12+$0x0] =	vst.idx.msk $0xffff, v52  }
0x1a8: {  	s18 =	sadd.s32 $0x40, s18;
	s16 =	sadd.s32 $0x40, s16;
	[tilespmem:v1+s12+$0x0] =	vst.idx.msk $0xffff, v2  }
0x1a9: {  	s16 =	simm.s32 $0x0;
	s17 =	rddreg [dreg:$0xa]  }
0x1aa: {  	[hbm4b:s17+s16] =	stream.linear.scatter [tilespmem:s12], [sflag:$0x4], $0x4000, $0x38;
	[tilespmem:$0x10400] =	vst v63  }
0x1ab: {  	s19 =	rddreg [dreg:$0xb]  }
0x1ac: {  	[tilespmem:s8], [sflag:$0x2] =	stream.linear.gather [hbm4b:s19+s16], $0x4000, $0x38;
	[tilespmem:$0x10400] =	vst v63  }
0x1ad: {  	_ =	swait.ge [sflag:s9], $0x4000  }
0x1ae: {  	[sflag:s9] =	ssyncset.done $0x0  }
0x1af: {  	[sflag:s9] =	ssyncadd.s32 $0xFFFFC000  }
0x1b0: {  	_ =	swait.ge [sflag:s13], $0x4000  }
0x1b1: {  	[sflag:s13] =	ssyncset.done $0x0  }
0x1b2: {  	s18 =	simm.s32 $0x20;
	s17 =	simm.s32 $0xFFFFFFFC;
	[sflag:s13] =	ssyncadd.s32 $0xFFFFC000  }
.LBB2_10:
0x1b3: {  	v1 =	vld [tilespmem:s18+$0xFFFFFFE0]  }
0x1b4: {  	v12 =	vld [tilespmem:s18+$0xFFFFFFF0];
	_ =	sdelay $0x3  }
0x1b5: {  	v2 =	vshll.u32 v1, $0x3  }
0x1b6: {  	v1 =	vand.u32 $0x7F, v1;
	v19 =	vshll.u32 v12, $0x3;
	v2 =	vand.u32 $0xFFFFFC00, v2  }
0x1b7: {  	v12 =	vand.u32 $0x7F, v12;
	v19 =	vand.u32 $0xFFFFFC00, v19;
	v1 =	vor.u32 v1, v2  }
0x1b8: {  	v12 =	vor.u32 v12, v19  }
0x1b9: {  	v2 =	vor.u32 $0x80, v1  }
0x1ba: {  	v3 =	vor.u32 $0x100, v1  }
0x1bb: {  	v32 =	vld [tilespmem:s18+$0x0];
	v4 =	vor.u32 $0x180, v1  }
0x1bc: {  	v5 =	vor.u32 $0x200, v1;
	v6 =	vld.idx.msk [tilespmem:v1+s7+$0x0], $0xffff  }
0x1bd: {  	v7 =	vor.u32 $0x280, v1;
	v51 =	vld.idx.msk [tilespmem:v12+s7+$0x0], $0xffff  }
0x1be: {  	v8 =	vor.u32 $0x300, v1;
	v2 =	vld.idx.msk [tilespmem:v2+s7+$0x0], $0xffff  }
0x1bf: {  	v9 =	vor.u32 $0x380, v1;
	v3 =	vld.idx.msk [tilespmem:v3+s7+$0x0], $0xffff  }
0x1c0: {  	v10 =	vadd.s32 $0x2000, v1;
	v4 =	vld.idx.msk [tilespmem:v4+s7+$0x0], $0xffff  }
0x1c1: {  	v11 =	vadd.s32 $0x2080, v1;
	v5 =	vld.idx.msk [tilespmem:v5+s7+$0x0], $0xffff  }
0x1c2: {  	v13 =	vadd.s32 $0x2100, v1;
	v7 =	vld.idx.msk [tilespmem:v7+s7+$0x0], $0xffff  }
0x1c3: {  	v14 =	vadd.s32 $0x2180, v1;
	v8 =	vld.idx.msk [tilespmem:v8+s7+$0x0], $0xffff  }
0x1c4: {  	v17 =	vmov s16;
	v15 =	vadd.s32 $0x2200, v1;
	v9 =	vld.idx.msk [tilespmem:v9+s7+$0x0], $0xffff  }
0x1c5: {  	v20 =	vor.u32 s16, v0;
	v17 =	vshll.u32 v17, $0x3;
	v16 =	vadd.s32 $0x2280, v1;
	v10 =	vld.idx.msk [tilespmem:v10+s7+$0x0], $0xffff  }
0x1c6: {  	v49 =	vand.u32 $0x4F, v20;
	v50 =	vand.u32 $0x1C00, v17;
	v18 =	vadd.s32 $0x2300, v1;
	v11 =	vld.idx.msk [tilespmem:v11+s7+$0x0], $0xffff  }
0x1c7: {  	v20 =	vor.u32 v49, v50;
	v1 =	vadd.s32 $0x2380, v1;
	v13 =	vld.idx.msk [tilespmem:v13+s7+$0x0], $0xffff  }
0x1c8: {  	v23 =	vor.u32 $0x80, v20;
	v21 =	vor.u32 $0x80, v12;
	v14 =	vld.idx.msk [tilespmem:v14+s7+$0x0], $0xffff  }
0x1c9: {  	v25 =	vor.u32 $0x100, v20;
	v22 =	vor.u32 $0x100, v12;
	v15 =	vld.idx.msk [tilespmem:v15+s7+$0x0], $0xffff  }
0x1ca: {  	v17 =	vor.u32 v17, v49;
	v27 =	vor.u32 $0x180, v20;
	v24 =	vor.u32 $0x180, v12;
	v16 =	vld.idx.msk [tilespmem:v16+s7+$0x0], $0xffff  }
0x1cb: {  	v28 =	vor.u32 $0x200, v17;
	v30 =	vor.u32 $0x300, v12;
	v18 =	vld.idx.msk [tilespmem:v18+s7+$0x0], $0xffff  }
0x1cc: {  	v52 =	vor.u32 $0x280, v17;
	v34 =	vadd.s32 $0x2280, v12;
	v1 =	vld.idx.msk [tilespmem:v1+s7+$0x0], $0xffff;
	[tilespmem:v20+s10+$0x0] =	vst.idx.msk $0xffff, v6  }
0x1cd: {  	v26 =	vor.u32 $0x200, v12;
	v21 =	vld.idx.msk [tilespmem:v21+s7+$0x0], $0xffff;
	[tilespmem:v23+s10+$0x0] =	vst.idx.msk $0xffff, v2;
	v2 =	vor.u32 $0x300, v17  }
0x1ce: {  	s19 =	sadd.s32 $0x10, s16;
	v55 =	vadd.s32 $0x2000, v12;
	v22 =	vld.idx.msk [tilespmem:v22+s7+$0x0], $0xffff;
	[tilespmem:v25+s10+$0x0] =	vst.idx.msk $0xffff, v3;
	v3 =	vor.u32 $0x380, v17  }
0x1cf: {  	v36 =	vor.u32 s19, v0;
	v56 =	vor.u32 $0x2000, v20;
	v31 =	vadd.s32 $0x2080, v12;
	v53 =	vld.idx.msk [tilespmem:v24+s7+$0x0], $0xffff;
	[tilespmem:v27+s10+$0x0] =	vst.idx.msk $0xffff, v4  }
0x1d0: {  	v60 =	vor.u32 $0x2200, v17;
	v57 =	vor.u32 $0x2080, v20;
	v29 =	vor.u32 $0x280, v12;
	v30 =	vld.idx.msk [tilespmem:v30+s7+$0x0], $0xffff;
	[tilespmem:v28+s10+$0x0] =	vst.idx.msk $0xffff, v5  }
0x1d1: {  	v61 =	vor.u32 $0x2280, v17;
	v58 =	vor.u32 $0x2100, v20;
	v33 =	vadd.s32 $0x2180, v12;
	v6 =	vld.idx.msk [tilespmem:v34+s7+$0x0], $0xffff;
	[tilespmem:v52+s10+$0x0] =	vst.idx.msk $0xffff, v7  }
0x1d2: {  	v38 =	vshll.u32 v32, $0x3;
	v37 =	vadd.s32 $0x2300, v12;
	v20 =	vor.u32 $0x2180, v20;
	v25 =	vld.idx.msk [tilespmem:v26+s7+$0x0], $0xffff;
	[tilespmem:v2+s10+$0x0] =	vst.idx.msk $0xffff, v8  }
0x1d3: {  	v39 =	vand.u32 $0x7F, v32;
	v40 =	vand.u32 $0xFFFFFC00, v38;
	v54 =	vor.u32 $0x380, v12;
	v26 =	vld.idx.msk [tilespmem:v55+s7+$0x0], $0xffff;
	[tilespmem:v3+s10+$0x0] =	vst.idx.msk $0xffff, v9  }
0x1d4: {  	v62 =	vor.u32 $0x2380, v17;
	v4 =	vld.idx.msk [tilespmem:v31+s7+$0x0], $0xffff;
	v27 =	vor.u32 v39, v40;
	v3 =	vmov s19;
	[tilespmem:v56+s10+$0x0] =	vst.idx.msk $0xffff, v10  }
0x1d5: {  	v59 =	vadd.s32 $0x2100, v12;
	v28 =	vld.idx.msk [tilespmem:v29+s7+$0x0], $0xffff;
	v2 =	vor.u32 $0x2300, v17;
	v3 =	vshll.u32 v3, $0x3;
	[tilespmem:v57+s10+$0x0] =	vst.idx.msk $0xffff, v11  }
0x1d6: {  	v63 =	vadd.s32 $0x2200, v12;
	v5 =	vld.idx.msk [tilespmem:v33+s7+$0x0], $0xffff;
	v9 =	vand.u32 $0x5F, v36;
	v41 =	vand.u32 $0x1C00, v3;
	[tilespmem:v58+s10+$0x0] =	vst.idx.msk $0xffff, v13  }
0x1d7: {  	v12 =	vadd.s32 $0x2380, v12;
	v7 =	vld.idx.msk [tilespmem:v37+s7+$0x0], $0xffff;
	v13 =	vor.u32 v9, v41;
	[tilespmem:v20+s10+$0x0] =	vst.idx.msk $0xffff, v14  }
0x1d8: {  	v46 =	vor.u32 $0x180, v27;
	v17 =	vld.idx.msk [tilespmem:v54+s7+$0x0], $0xffff;
	v43 =	vor.u32 $0x80, v13;
	[tilespmem:v60+s10+$0x0] =	vst.idx.msk $0xffff, v15  }
0x1d9: {  	v29 =	vor.u32 $0x280, v27;
	v8 =	vld.idx.msk [tilespmem:v27+s7+$0x0], $0xffff;
	v45 =	vor.u32 $0x100, v13;
	[tilespmem:v61+s10+$0x0] =	vst.idx.msk $0xffff, v16  }
0x1da: {  	v55 =	vadd.s32 $0x2000, v27;
	v11 =	vld.idx.msk [tilespmem:v59+s7+$0x0], $0xffff;
	v47 =	vor.u32 $0x180, v13;
	[tilespmem:v2+s10+$0x0] =	vst.idx.msk $0xffff, v18  }
0x1db: {  	v14 =	vld.idx.msk [tilespmem:v63+s7+$0x0], $0xffff;
	[tilespmem:v62+s10+$0x0] =	vst.idx.msk $0xffff, v1;
	v1 =	vor.u32 $0x200, v13  }
0x1dc: {  	v44 =	vor.u32 $0x100, v27;
	v49 =	vor.u32 $0x280, v13;
	v2 =	vld.idx.msk [tilespmem:v12+s7+$0x0], $0xffff;
	[tilespmem:v13+s10+$0x0] =	vst.idx.msk $0xffff, v51  }
0x1dd: {  	v42 =	vor.u32 $0x80, v27;
	v3 =	vor.u32 v9, v3;
	v10 =	vld.idx.msk [tilespmem:v46+s7+$0x0], $0xffff;
	v50 =	vor.u32 $0x300, v13;
	[tilespmem:v43+s10+$0x0] =	vst.idx.msk $0xffff, v21  }
0x1de: {  	v52 =	vor.u32 $0x380, v27;
	v29 =	vld.idx.msk [tilespmem:v29+s7+$0x0], $0xffff;
	v3 =	vor.u32 $0x380, v3;
	[tilespmem:v45+s10+$0x0] =	vst.idx.msk $0xffff, v22  }
0x1df: {  	v48 =	vor.u32 $0x200, v27;
	v38 =	vld.idx.msk [tilespmem:v55+s7+$0x0], $0xffff;
	[tilespmem:v47+s10+$0x0] =	vst.idx.msk $0xffff, v53;
	v53 =	vor.u32 $0x2000, v13  }
0x1e0: {  	v39 =	vadd.s32 $0x2280, v27;
	v58 =	vld [tilespmem:s18+$0x10];
	v54 =	vor.u32 $0x2080, v13;
	v51 =	vor.u32 $0x300, v27;
	[tilespmem:v1+s10+$0x0] =	vst.idx.msk $0xffff, v25  }
0x1e1: {  	v40 =	vadd.s32 $0x2300, v27;
	v57 =	vadd.s32 $0x2080, v27;
	v9 =	vld.idx.msk [tilespmem:v44+s7+$0x0], $0xffff;
	v1 =	vor.u32 $0x2100, v13;
	[tilespmem:v49+s10+$0x0] =	vst.idx.msk $0xffff, v28  }
0x1e2: {  	v37 =	vadd.s32 $0x2200, v27;
	s19 =	sadd.s32 $0x20, s16;
	v20 =	vld.idx.msk [tilespmem:v42+s7+$0x0], $0xffff;
	v56 =	vor.u32 $0x2180, v13;
	v61 =	vadd.s32 $0x2100, v27;
	[tilespmem:v50+s10+$0x0] =	vst.idx.msk $0xffff, v30  }
0x1e3: {  	v36 =	vor.u32 s19, v0;
	v59 =	vor.u32 $0x2200, v13;
	v63 =	vadd.s32 $0x2180, v27;
	v16 =	vld.idx.msk [tilespmem:v52+s7+$0x0], $0xffff;
	[tilespmem:v3+s10+$0x0] =	vst.idx.msk $0xffff, v17  }
0x1e4: {  	v60 =	vor.u32 $0x2280, v13;
	v18 =	vld.idx.msk [tilespmem:v48+s7+$0x0], $0xffff;
	v62 =	vor.u32 $0x2300, v13;
	v3 =	vmov s19;
	[tilespmem:v53+s10+$0x0] =	vst.idx.msk $0xffff, v26  }
0x1e5: {  	v27 =	vadd.s32 $0x2380, v27;
	v41 =	vshll.u32 v58, $0x3;
	v21 =	vld.idx.msk [tilespmem:v51+s7+$0x0], $0xffff;
	v3 =	vshll.u32 v3, $0x3;
	[tilespmem:v54+s10+$0x0] =	vst.idx.msk $0xffff, v4  }
0x1e6: {  	v13 =	vor.u32 $0x2380, v13;
	v17 =	vand.u32 $0x6F, v36;
	v4 =	vld.idx.msk [tilespmem:v57+s7+$0x0], $0xffff;
	v42 =	vand.u32 $0x1C00, v3;
	[tilespmem:v1+s10+$0x0] =	vst.idx.msk $0xffff, v11  }
0x1e7: {  	v43 =	vand.u32 $0x7F, v58;
	v22 =	vand.u32 $0xFFFFFC00, v41;
	v1 =	vld.idx.msk [tilespmem:v61+s7+$0x0], $0xffff;
	v11 =	vor.u32 v17, v42;
	[tilespmem:v56+s10+$0x0] =	vst.idx.msk $0xffff, v5  }
0x1e8: {  	v22 =	vor.u32 v43, v22;
	v5 =	vld.idx.msk [tilespmem:v63+s7+$0x0], $0xffff;
	v44 =	vor.u32 $0x80, v11;
	[tilespmem:v59+s10+$0x0] =	vst.idx.msk $0xffff, v14  }
0x1e9: {  	v48 =	vor.u32 $0x180, v22;
	v46 =	vor.u32 $0x100, v11;
	v14 =	vld.idx.msk [tilespmem:v37+s7+$0x0], $0xffff;
	[tilespmem:v60+s10+$0x0] =	vst.idx.msk $0xffff, v6  }
0x1ea: {  	v55 =	vor.u32 $0x380, v22;
	v47 =	vor.u32 $0x180, v11;
	v6 =	vld.idx.msk [tilespmem:v39+s7+$0x0], $0xffff;
	[tilespmem:v62+s10+$0x0] =	vst.idx.msk $0xffff, v7  }
0x1eb: {  	v45 =	vor.u32 $0x80, v22;
	v49 =	vor.u32 $0x200, v11;
	v7 =	vld.idx.msk [tilespmem:v40+s7+$0x0], $0xffff;
	[tilespmem:v13+s10+$0x0] =	vst.idx.msk $0xffff, v2  }
0x1ec: {  	v50 =	vor.u32 $0x200, v22;
	v51 =	vor.u32 $0x280, v11;
	v2 =	vld.idx.msk [tilespmem:v27+s7+$0x0], $0xffff;
	[tilespmem:v11+s10+$0x0] =	vst.idx.msk $0xffff, v8  }
0x1ed: {  	v52 =	vor.u32 $0x280, v22;
	v28 =	vld.idx.msk [tilespmem:v22+s7+$0x0], $0xffff;
	v3 =	vor.u32 v17, v3;
	v53 =	vor.u32 $0x300, v11;
	[tilespmem:v44+s10+$0x0] =	vst.idx.msk $0xffff, v20  }
0x1ee: {  	v15 =	vld.idx.msk [tilespmem:v48+s7+$0x0], $0xffff;
	v57 =	vadd.s32 $0x2000, v22;
	v3 =	vor.u32 $0x380, v3;
	[tilespmem:v46+s10+$0x0] =	vst.idx.msk $0xffff, v9  }
0x1ef: {  	v23 =	vld.idx.msk [tilespmem:v55+s7+$0x0], $0xffff;
	v54 =	vor.u32 $0x300, v22;
	v56 =	vor.u32 $0x2000, v11;
	[tilespmem:v47+s10+$0x0] =	vst.idx.msk $0xffff, v10  }
0x1f0: {  	v25 =	vor.u32 $0x100, v22;
	v17 =	vld.idx.msk [tilespmem:v45+s7+$0x0], $0xffff;
	v58 =	vor.u32 $0x2080, v11;
	[tilespmem:v49+s10+$0x0] =	vst.idx.msk $0xffff, v18  }
0x1f1: {  	s19 =	sadd.s32 $0x30, s16;
	v61 =	vor.u32 $0x2100, v11;
	v59 =	vld.idx.msk [tilespmem:v50+s7+$0x0], $0xffff;
	v60 =	vadd.s32 $0x2080, v22;
	[tilespmem:v51+s10+$0x0] =	vst.idx.msk $0xffff, v29  }
0x1f2: {  	v35 =	vadd.s32 $0x2180, v22;
	v42 =	vor.u32 s19, v0;
	v33 =	vor.u32 $0x2180, v11;
	v62 =	vld.idx.msk [tilespmem:v52+s7+$0x0], $0xffff;
	[tilespmem:v53+s10+$0x0] =	vst.idx.msk $0xffff, v21  }
0x1f3: {  	v63 =	vadd.s32 $0x2100, v22;
	v34 =	vor.u32 $0x2200, v11;
	v37 =	vadd.s32 $0x2200, v22;
	v40 =	vld.idx.msk [tilespmem:v57+s7+$0x0], $0xffff;
	[tilespmem:v3+s10+$0x0] =	vst.idx.msk $0xffff, v16  }
0x1f4: {  	v39 =	vmov s19;
	v20 =	vld.idx.msk [tilespmem:v54+s7+$0x0], $0xffff;
	v44 =	vadd.s32 $0x2300, v22;
	v3 =	vor.u32 $0x2280, v11;
	[tilespmem:v56+s10+$0x0] =	vst.idx.msk $0xffff, v38  }
0x1f5: {  	v36 =	vor.u32 $0x2300, v11;
	v9 =	vld.idx.msk [tilespmem:v25+s7+$0x0], $0xffff;
	v38 =	vor.u32 $0x2380, v11;
	v11 =	vshll.u32 v39, $0x3;
	[tilespmem:v58+s10+$0x0] =	vst.idx.msk $0xffff, v4  }
0x1f6: {  	v41 =	vadd.s32 $0x2280, v22;
	v43 =	vld.idx.msk [tilespmem:v60+s7+$0x0], $0xffff;
	v4 =	vand.u32 $0x7F, v42;
	v46 =	vand.u32 $0x1C00, v11;
	[tilespmem:v61+s10+$0x0] =	vst.idx.msk $0xffff, v1  }
0x1f7: {  	v45 =	vadd.s32 $0x2380, v22;
	v47 =	vld.idx.msk [tilespmem:v35+s7+$0x0], $0xffff;
	v48 =	vor.u32 v4, v46;
	[tilespmem:v33+s10+$0x0] =	vst.idx.msk $0xffff, v5  }
0x1f8: {  	v49 =	vld.idx.msk [tilespmem:v37+s7+$0x0], $0xffff;
	v50 =	vor.u32 $0x80, v48;
	[tilespmem:v34+s10+$0x0] =	vst.idx.msk $0xffff, v14  }
0x1f9: {  	v52 =	vld.idx.msk [tilespmem:v44+s7+$0x0], $0xffff;
	v51 =	vor.u32 $0x100, v48;
	[tilespmem:v3+s10+$0x0] =	vst.idx.msk $0xffff, v6  }
0x1fa: {  	v1 =	vld.idx.msk [tilespmem:v63+s7+$0x0], $0xffff;
	v53 =	vor.u32 $0x180, v48;
	[tilespmem:v36+s10+$0x0] =	vst.idx.msk $0xffff, v7  }
0x1fb: {  	v54 =	vor.u32 $0x200, v48;
	v3 =	vld.idx.msk [tilespmem:v41+s7+$0x0], $0xffff;
	[tilespmem:v38+s10+$0x0] =	vst.idx.msk $0xffff, v2  }
0x1fc: {  	v55 =	vor.u32 $0x280, v48;
	v2 =	vld.idx.msk [tilespmem:v45+s7+$0x0], $0xffff;
	[tilespmem:v48+s10+$0x0] =	vst.idx.msk $0xffff, v28  }
0x1fd: {  	v4 =	vor.u32 v4, v11;
	v56 =	vor.u32 $0x300, v48;
	[tilespmem:v50+s10+$0x0] =	vst.idx.msk $0xffff, v17  }
0x1fe: {  	v4 =	vor.u32 $0x380, v4;
	[tilespmem:v51+s10+$0x0] =	vst.idx.msk $0xffff, v9  }
0x1ff: {  	v57 =	vor.u32 $0x2000, v48;
	[tilespmem:v53+s10+$0x0] =	vst.idx.msk $0xffff, v15  }
0x200: {  	v58 =	vor.u32 $0x2080, v48;
	[tilespmem:v54+s10+$0x0] =	vst.idx.msk $0xffff, v59  }
0x201: {  	v59 =	vor.u32 $0x2100, v48;
	[tilespmem:v55+s10+$0x0] =	vst.idx.msk $0xffff, v62  }
0x202: {  	v60 =	vor.u32 $0x2180, v48;
	[tilespmem:v56+s10+$0x0] =	vst.idx.msk $0xffff, v20  }
0x203: {  	v61 =	vor.u32 $0x2200, v48;
	[tilespmem:v4+s10+$0x0] =	vst.idx.msk $0xffff, v23  }
0x204: {  	v62 =	vor.u32 $0x2280, v48;
	[tilespmem:v57+s10+$0x0] =	vst.idx.msk $0xffff, v40  }
0x205: {  	s17 =	sadd.s32 $0x4, s17;
	v63 =	vor.u32 $0x2300, v48;
	[tilespmem:v58+s10+$0x0] =	vst.idx.msk $0xffff, v43  }
0x206: {  	p0 =	slt.u32 s17, $0x3C;
	[tilespmem:v59+s10+$0x0] =	vst.idx.msk $0xffff, v1;
	v1 =	vor.u32 $0x2380, v48  }
.Ltmp4:
0x207: {  	[tilespmem:v60+s10+$0x0] =	vst.idx.msk $0xffff, v47;
	(pc) =	sbr.rel @p0 .LBB2_10-.Ltmp4, $4  }
0x208: {  	[tilespmem:v61+s10+$0x0] =	vst.idx.msk $0xffff, v49  }
0x209: {  	[tilespmem:v62+s10+$0x0] =	vst.idx.msk $0xffff, v3  }
0x20a: {  	[tilespmem:v63+s10+$0x0] =	vst.idx.msk $0xffff, v52  }
0x20b: {  	s18 =	sadd.s32 $0x40, s18;
	s16 =	sadd.s32 $0x40, s16;
	[tilespmem:v1+s10+$0x0] =	vst.idx.msk $0xffff, v2  }
0x20c: {  	s16 =	simm.s32 $0x0;
	s17 =	rddreg [dreg:$0xc]  }
0x20d: {  	[hbm4b:s17+s16] =	stream.linear.scatter [tilespmem:s10], [sflag:$0x3], $0x4000, $0x38;
	[tilespmem:$0x10400] =	vst v63  }
0x20e: {  	s19 =	rddreg [dreg:$0xd]  }
0x20f: {  	[tilespmem:s7], [sflag:$0x1] =	stream.linear.gather [hbm4b:s19+s16], $0x4000, $0x38;
	[tilespmem:$0x10400] =	vst v63  }
0x210: {  	_ =	swait.ge [sflag:s11], $0x4000  }
0x211: {  	[sflag:s11] =	ssyncset.done $0x0  }
0x212: {  	[sflag:s11] =	ssyncadd.s32 $0xFFFFC000  }
0x213: {  	_ =	swait.ge [sflag:s14], $0x4000  }
0x214: {  	[sflag:s14] =	ssyncset.done $0x0  }
0x215: {  	s18 =	simm.s32 $0x20;
	s17 =	simm.s32 $0xFFFFFFFC;
	[sflag:s14] =	ssyncadd.s32 $0xFFFFC000  }
.LBB2_12:
0x216: {  	v1 =	vld [tilespmem:s18+$0xFFFFFFE0]  }
0x217: {  	v12 =	vld [tilespmem:s18+$0xFFFFFFF0];
	_ =	sdelay $0x3  }
0x218: {  	v2 =	vshll.u32 v1, $0x3  }
0x219: {  	v1 =	vand.u32 $0x7F, v1;
	v19 =	vshll.u32 v12, $0x3;
	v2 =	vand.u32 $0xFFFFFC00, v2  }
0x21a: {  	v12 =	vand.u32 $0x7F, v12;
	v19 =	vand.u32 $0xFFFFFC00, v19;
	v1 =	vor.u32 v1, v2  }
0x21b: {  	v12 =	vor.u32 v12, v19  }
0x21c: {  	v2 =	vor.u32 $0x80, v1  }
0x21d: {  	v3 =	vor.u32 $0x100, v1  }
0x21e: {  	v32 =	vld [tilespmem:s18+$0x0];
	v4 =	vor.u32 $0x180, v1  }
0x21f: {  	v5 =	vor.u32 $0x200, v1;
	v6 =	vld.idx.msk [tilespmem:v1+s8+$0x0], $0xffff  }
0x220: {  	v7 =	vor.u32 $0x280, v1;
	v51 =	vld.idx.msk [tilespmem:v12+s8+$0x0], $0xffff  }
0x221: {  	v8 =	vor.u32 $0x300, v1;
	v2 =	vld.idx.msk [tilespmem:v2+s8+$0x0], $0xffff  }
0x222: {  	v9 =	vor.u32 $0x380, v1;
	v3 =	vld.idx.msk [tilespmem:v3+s8+$0x0], $0xffff  }
0x223: {  	v10 =	vadd.s32 $0x2000, v1;
	v4 =	vld.idx.msk [tilespmem:v4+s8+$0x0], $0xffff  }
0x224: {  	v11 =	vadd.s32 $0x2080, v1;
	v5 =	vld.idx.msk [tilespmem:v5+s8+$0x0], $0xffff  }
0x225: {  	v13 =	vadd.s32 $0x2100, v1;
	v7 =	vld.idx.msk [tilespmem:v7+s8+$0x0], $0xffff  }
0x226: {  	v14 =	vadd.s32 $0x2180, v1;
	v8 =	vld.idx.msk [tilespmem:v8+s8+$0x0], $0xffff  }
0x227: {  	v17 =	vmov s16;
	v15 =	vadd.s32 $0x2200, v1;
	v9 =	vld.idx.msk [tilespmem:v9+s8+$0x0], $0xffff  }
0x228: {  	v20 =	vor.u32 s16, v0;
	v17 =	vshll.u32 v17, $0x3;
	v16 =	vadd.s32 $0x2280, v1;
	v10 =	vld.idx.msk [tilespmem:v10+s8+$0x0], $0xffff  }
0x229: {  	v49 =	vand.u32 $0x4F, v20;
	v50 =	vand.u32 $0x1C00, v17;
	v18 =	vadd.s32 $0x2300, v1;
	v11 =	vld.idx.msk [tilespmem:v11+s8+$0x0], $0xffff  }
0x22a: {  	v20 =	vor.u32 v49, v50;
	v1 =	vadd.s32 $0x2380, v1;
	v13 =	vld.idx.msk [tilespmem:v13+s8+$0x0], $0xffff  }
0x22b: {  	v23 =	vor.u32 $0x80, v20;
	v21 =	vor.u32 $0x80, v12;
	v14 =	vld.idx.msk [tilespmem:v14+s8+$0x0], $0xffff  }
0x22c: {  	v25 =	vor.u32 $0x100, v20;
	v22 =	vor.u32 $0x100, v12;
	v15 =	vld.idx.msk [tilespmem:v15+s8+$0x0], $0xffff  }
0x22d: {  	v17 =	vor.u32 v17, v49;
	v27 =	vor.u32 $0x180, v20;
	v24 =	vor.u32 $0x180, v12;
	v16 =	vld.idx.msk [tilespmem:v16+s8+$0x0], $0xffff  }
0x22e: {  	v28 =	vor.u32 $0x200, v17;
	v30 =	vor.u32 $0x300, v12;
	v18 =	vld.idx.msk [tilespmem:v18+s8+$0x0], $0xffff  }
0x22f: {  	v52 =	vor.u32 $0x280, v17;
	v34 =	vadd.s32 $0x2280, v12;
	v1 =	vld.idx.msk [tilespmem:v1+s8+$0x0], $0xffff;
	[tilespmem:v20+s12+$0x0] =	vst.idx.msk $0xffff, v6  }
0x230: {  	v26 =	vor.u32 $0x200, v12;
	v21 =	vld.idx.msk [tilespmem:v21+s8+$0x0], $0xffff;
	[tilespmem:v23+s12+$0x0] =	vst.idx.msk $0xffff, v2;
	v2 =	vor.u32 $0x300, v17  }
0x231: {  	s19 =	sadd.s32 $0x10, s16;
	v55 =	vadd.s32 $0x2000, v12;
	v22 =	vld.idx.msk [tilespmem:v22+s8+$0x0], $0xffff;
	[tilespmem:v25+s12+$0x0] =	vst.idx.msk $0xffff, v3;
	v3 =	vor.u32 $0x380, v17  }
0x232: {  	v36 =	vor.u32 s19, v0;
	v56 =	vor.u32 $0x2000, v20;
	v31 =	vadd.s32 $0x2080, v12;
	v53 =	vld.idx.msk [tilespmem:v24+s8+$0x0], $0xffff;
	[tilespmem:v27+s12+$0x0] =	vst.idx.msk $0xffff, v4  }
0x233: {  	v60 =	vor.u32 $0x2200, v17;
	v57 =	vor.u32 $0x2080, v20;
	v29 =	vor.u32 $0x280, v12;
	v30 =	vld.idx.msk [tilespmem:v30+s8+$0x0], $0xffff;
	[tilespmem:v28+s12+$0x0] =	vst.idx.msk $0xffff, v5  }
0x234: {  	v61 =	vor.u32 $0x2280, v17;
	v58 =	vor.u32 $0x2100, v20;
	v33 =	vadd.s32 $0x2180, v12;
	v6 =	vld.idx.msk [tilespmem:v34+s8+$0x0], $0xffff;
	[tilespmem:v52+s12+$0x0] =	vst.idx.msk $0xffff, v7  }
0x235: {  	v38 =	vshll.u32 v32, $0x3;
	v37 =	vadd.s32 $0x2300, v12;
	v20 =	vor.u32 $0x2180, v20;
	v25 =	vld.idx.msk [tilespmem:v26+s8+$0x0], $0xffff;
	[tilespmem:v2+s12+$0x0] =	vst.idx.msk $0xffff, v8  }
0x236: {  	v39 =	vand.u32 $0x7F, v32;
	v40 =	vand.u32 $0xFFFFFC00, v38;
	v54 =	vor.u32 $0x380, v12;
	v26 =	vld.idx.msk [tilespmem:v55+s8+$0x0], $0xffff;
	[tilespmem:v3+s12+$0x0] =	vst.idx.msk $0xffff, v9  }
0x237: {  	v62 =	vor.u32 $0x2380, v17;
	v4 =	vld.idx.msk [tilespmem:v31+s8+$0x0], $0xffff;
	v27 =	vor.u32 v39, v40;
	v3 =	vmov s19;
	[tilespmem:v56+s12+$0x0] =	vst.idx.msk $0xffff, v10  }
0x238: {  	v59 =	vadd.s32 $0x2100, v12;
	v28 =	vld.idx.msk [tilespmem:v29+s8+$0x0], $0xffff;
	v2 =	vor.u32 $0x2300, v17;
	v3 =	vshll.u32 v3, $0x3;
	[tilespmem:v57+s12+$0x0] =	vst.idx.msk $0xffff, v11  }
0x239: {  	v63 =	vadd.s32 $0x2200, v12;
	v5 =	vld.idx.msk [tilespmem:v33+s8+$0x0], $0xffff;
	v9 =	vand.u32 $0x5F, v36;
	v41 =	vand.u32 $0x1C00, v3;
	[tilespmem:v58+s12+$0x0] =	vst.idx.msk $0xffff, v13  }
0x23a: {  	v12 =	vadd.s32 $0x2380, v12;
	v7 =	vld.idx.msk [tilespmem:v37+s8+$0x0], $0xffff;
	v13 =	vor.u32 v9, v41;
	[tilespmem:v20+s12+$0x0] =	vst.idx.msk $0xffff, v14  }
0x23b: {  	v46 =	vor.u32 $0x180, v27;
	v17 =	vld.idx.msk [tilespmem:v54+s8+$0x0], $0xffff;
	v43 =	vor.u32 $0x80, v13;
	[tilespmem:v60+s12+$0x0] =	vst.idx.msk $0xffff, v15  }
0x23c: {  	v29 =	vor.u32 $0x280, v27;
	v8 =	vld.idx.msk [tilespmem:v27+s8+$0x0], $0xffff;
	v45 =	vor.u32 $0x100, v13;
	[tilespmem:v61+s12+$0x0] =	vst.idx.msk $0xffff, v16  }
0x23d: {  	v55 =	vadd.s32 $0x2000, v27;
	v11 =	vld.idx.msk [tilespmem:v59+s8+$0x0], $0xffff;
	v47 =	vor.u32 $0x180, v13;
	[tilespmem:v2+s12+$0x0] =	vst.idx.msk $0xffff, v18  }
0x23e: {  	v14 =	vld.idx.msk [tilespmem:v63+s8+$0x0], $0xffff;
	[tilespmem:v62+s12+$0x0] =	vst.idx.msk $0xffff, v1;
	v1 =	vor.u32 $0x200, v13  }
0x23f: {  	v44 =	vor.u32 $0x100, v27;
	v49 =	vor.u32 $0x280, v13;
	v2 =	vld.idx.msk [tilespmem:v12+s8+$0x0], $0xffff;
	[tilespmem:v13+s12+$0x0] =	vst.idx.msk $0xffff, v51  }
0x240: {  	v42 =	vor.u32 $0x80, v27;
	v3 =	vor.u32 v9, v3;
	v10 =	vld.idx.msk [tilespmem:v46+s8+$0x0], $0xffff;
	v50 =	vor.u32 $0x300, v13;
	[tilespmem:v43+s12+$0x0] =	vst.idx.msk $0xffff, v21  }
0x241: {  	v52 =	vor.u32 $0x380, v27;
	v29 =	vld.idx.msk [tilespmem:v29+s8+$0x0], $0xffff;
	v3 =	vor.u32 $0x380, v3;
	[tilespmem:v45+s12+$0x0] =	vst.idx.msk $0xffff, v22  }
0x242: {  	v48 =	vor.u32 $0x200, v27;
	v38 =	vld.idx.msk [tilespmem:v55+s8+$0x0], $0xffff;
	[tilespmem:v47+s12+$0x0] =	vst.idx.msk $0xffff, v53;
	v53 =	vor.u32 $0x2000, v13  }
0x243: {  	v39 =	vadd.s32 $0x2280, v27;
	v58 =	vld [tilespmem:s18+$0x10];
	v54 =	vor.u32 $0x2080, v13;
	v51 =	vor.u32 $0x300, v27;
	[tilespmem:v1+s12+$0x0] =	vst.idx.msk $0xffff, v25  }
0x244: {  	v40 =	vadd.s32 $0x2300, v27;
	v57 =	vadd.s32 $0x2080, v27;
	v9 =	vld.idx.msk [tilespmem:v44+s8+$0x0], $0xffff;
	v1 =	vor.u32 $0x2100, v13;
	[tilespmem:v49+s12+$0x0] =	vst.idx.msk $0xffff, v28  }
0x245: {  	v37 =	vadd.s32 $0x2200, v27;
	s19 =	sadd.s32 $0x20, s16;
	v20 =	vld.idx.msk [tilespmem:v42+s8+$0x0], $0xffff;
	v56 =	vor.u32 $0x2180, v13;
	v61 =	vadd.s32 $0x2100, v27;
	[tilespmem:v50+s12+$0x0] =	vst.idx.msk $0xffff, v30  }
0x246: {  	v36 =	vor.u32 s19, v0;
	v59 =	vor.u32 $0x2200, v13;
	v63 =	vadd.s32 $0x2180, v27;
	v16 =	vld.idx.msk [tilespmem:v52+s8+$0x0], $0xffff;
	[tilespmem:v3+s12+$0x0] =	vst.idx.msk $0xffff, v17  }
0x247: {  	v60 =	vor.u32 $0x2280, v13;
	v18 =	vld.idx.msk [tilespmem:v48+s8+$0x0], $0xffff;
	v62 =	vor.u32 $0x2300, v13;
	v3 =	vmov s19;
	[tilespmem:v53+s12+$0x0] =	vst.idx.msk $0xffff, v26  }
0x248: {  	v27 =	vadd.s32 $0x2380, v27;
	v41 =	vshll.u32 v58, $0x3;
	v21 =	vld.idx.msk [tilespmem:v51+s8+$0x0], $0xffff;
	v3 =	vshll.u32 v3, $0x3;
	[tilespmem:v54+s12+$0x0] =	vst.idx.msk $0xffff, v4  }
0x249: {  	v13 =	vor.u32 $0x2380, v13;
	v17 =	vand.u32 $0x6F, v36;
	v4 =	vld.idx.msk [tilespmem:v57+s8+$0x0], $0xffff;
	v42 =	vand.u32 $0x1C00, v3;
	[tilespmem:v1+s12+$0x0] =	vst.idx.msk $0xffff, v11  }
0x24a: {  	v43 =	vand.u32 $0x7F, v58;
	v22 =	vand.u32 $0xFFFFFC00, v41;
	v1 =	vld.idx.msk [tilespmem:v61+s8+$0x0], $0xffff;
	v11 =	vor.u32 v17, v42;
	[tilespmem:v56+s12+$0x0] =	vst.idx.msk $0xffff, v5  }
0x24b: {  	v22 =	vor.u32 v43, v22;
	v5 =	vld.idx.msk [tilespmem:v63+s8+$0x0], $0xffff;
	v44 =	vor.u32 $0x80, v11;
	[tilespmem:v59+s12+$0x0] =	vst.idx.msk $0xffff, v14  }
0x24c: {  	v48 =	vor.u32 $0x180, v22;
	v46 =	vor.u32 $0x100, v11;
	v14 =	vld.idx.msk [tilespmem:v37+s8+$0x0], $0xffff;
	[tilespmem:v60+s12+$0x0] =	vst.idx.msk $0xffff, v6  }
0x24d: {  	v55 =	vor.u32 $0x380, v22;
	v47 =	vor.u32 $0x180, v11;
	v6 =	vld.idx.msk [tilespmem:v39+s8+$0x0], $0xffff;
	[tilespmem:v62+s12+$0x0] =	vst.idx.msk $0xffff, v7  }
0x24e: {  	v45 =	vor.u32 $0x80, v22;
	v49 =	vor.u32 $0x200, v11;
	v7 =	vld.idx.msk [tilespmem:v40+s8+$0x0], $0xffff;
	[tilespmem:v13+s12+$0x0] =	vst.idx.msk $0xffff, v2  }
0x24f: {  	v50 =	vor.u32 $0x200, v22;
	v51 =	vor.u32 $0x280, v11;
	v2 =	vld.idx.msk [tilespmem:v27+s8+$0x0], $0xffff;
	[tilespmem:v11+s12+$0x0] =	vst.idx.msk $0xffff, v8  }
0x250: {  	v52 =	vor.u32 $0x280, v22;
	v28 =	vld.idx.msk [tilespmem:v22+s8+$0x0], $0xffff;
	v3 =	vor.u32 v17, v3;
	v53 =	vor.u32 $0x300, v11;
	[tilespmem:v44+s12+$0x0] =	vst.idx.msk $0xffff, v20  }
0x251: {  	v15 =	vld.idx.msk [tilespmem:v48+s8+$0x0], $0xffff;
	v57 =	vadd.s32 $0x2000, v22;
	v3 =	vor.u32 $0x380, v3;
	[tilespmem:v46+s12+$0x0] =	vst.idx.msk $0xffff, v9  }
0x252: {  	v23 =	vld.idx.msk [tilespmem:v55+s8+$0x0], $0xffff;
	v54 =	vor.u32 $0x300, v22;
	v56 =	vor.u32 $0x2000, v11;
	[tilespmem:v47+s12+$0x0] =	vst.idx.msk $0xffff, v10  }
0x253: {  	v25 =	vor.u32 $0x100, v22;
	v17 =	vld.idx.msk [tilespmem:v45+s8+$0x0], $0xffff;
	v58 =	vor.u32 $0x2080, v11;
	[tilespmem:v49+s12+$0x0] =	vst.idx.msk $0xffff, v18  }
0x254: {  	s19 =	sadd.s32 $0x30, s16;
	v61 =	vor.u32 $0x2100, v11;
	v59 =	vld.idx.msk [tilespmem:v50+s8+$0x0], $0xffff;
	v60 =	vadd.s32 $0x2080, v22;
	[tilespmem:v51+s12+$0x0] =	vst.idx.msk $0xffff, v29  }
0x255: {  	v35 =	vadd.s32 $0x2180, v22;
	v42 =	vor.u32 s19, v0;
	v33 =	vor.u32 $0x2180, v11;
	v62 =	vld.idx.msk [tilespmem:v52+s8+$0x0], $0xffff;
	[tilespmem:v53+s12+$0x0] =	vst.idx.msk $0xffff, v21  }
0x256: {  	v63 =	vadd.s32 $0x2100, v22;
	v34 =	vor.u32 $0x2200, v11;
	v37 =	vadd.s32 $0x2200, v22;
	v40 =	vld.idx.msk [tilespmem:v57+s8+$0x0], $0xffff;
	[tilespmem:v3+s12+$0x0] =	vst.idx.msk $0xffff, v16  }
0x257: {  	v39 =	vmov s19;
	v20 =	vld.idx.msk [tilespmem:v54+s8+$0x0], $0xffff;
	v44 =	vadd.s32 $0x2300, v22;
	v3 =	vor.u32 $0x2280, v11;
	[tilespmem:v56+s12+$0x0] =	vst.idx.msk $0xffff, v38  }
0x258: {  	v36 =	vor.u32 $0x2300, v11;
	v9 =	vld.idx.msk [tilespmem:v25+s8+$0x0], $0xffff;
	v38 =	vor.u32 $0x2380, v11;
	v11 =	vshll.u32 v39, $0x3;
	[tilespmem:v58+s12+$0x0] =	vst.idx.msk $0xffff, v4  }
0x259: {  	v41 =	vadd.s32 $0x2280, v22;
	v43 =	vld.idx.msk [tilespmem:v60+s8+$0x0], $0xffff;
	v4 =	vand.u32 $0x7F, v42;
	v46 =	vand.u32 $0x1C00, v11;
	[tilespmem:v61+s12+$0x0] =	vst.idx.msk $0xffff, v1  }
0x25a: {  	v45 =	vadd.s32 $0x2380, v22;
	v47 =	vld.idx.msk [tilespmem:v35+s8+$0x0], $0xffff;
	v48 =	vor.u32 v4, v46;
	[tilespmem:v33+s12+$0x0] =	vst.idx.msk $0xffff, v5  }
0x25b: {  	v49 =	vld.idx.msk [tilespmem:v37+s8+$0x0], $0xffff;
	v50 =	vor.u32 $0x80, v48;
	[tilespmem:v34+s12+$0x0] =	vst.idx.msk $0xffff, v14  }
0x25c: {  	v52 =	vld.idx.msk [tilespmem:v44+s8+$0x0], $0xffff;
	v51 =	vor.u32 $0x100, v48;
	[tilespmem:v3+s12+$0x0] =	vst.idx.msk $0xffff, v6  }
0x25d: {  	v1 =	vld.idx.msk [tilespmem:v63+s8+$0x0], $0xffff;
	v53 =	vor.u32 $0x180, v48;
	[tilespmem:v36+s12+$0x0] =	vst.idx.msk $0xffff, v7  }
0x25e: {  	v54 =	vor.u32 $0x200, v48;
	v3 =	vld.idx.msk [tilespmem:v41+s8+$0x0], $0xffff;
	[tilespmem:v38+s12+$0x0] =	vst.idx.msk $0xffff, v2  }
0x25f: {  	v55 =	vor.u32 $0x280, v48;
	v2 =	vld.idx.msk [tilespmem:v45+s8+$0x0], $0xffff;
	[tilespmem:v48+s12+$0x0] =	vst.idx.msk $0xffff, v28  }
0x260: {  	v4 =	vor.u32 v4, v11;
	v56 =	vor.u32 $0x300, v48;
	[tilespmem:v50+s12+$0x0] =	vst.idx.msk $0xffff, v17  }
0x261: {  	v4 =	vor.u32 $0x380, v4;
	[tilespmem:v51+s12+$0x0] =	vst.idx.msk $0xffff, v9  }
0x262: {  	v57 =	vor.u32 $0x2000, v48;
	[tilespmem:v53+s12+$0x0] =	vst.idx.msk $0xffff, v15  }
0x263: {  	v58 =	vor.u32 $0x2080, v48;
	[tilespmem:v54+s12+$0x0] =	vst.idx.msk $0xffff, v59  }
0x264: {  	v59 =	vor.u32 $0x2100, v48;
	[tilespmem:v55+s12+$0x0] =	vst.idx.msk $0xffff, v62  }
0x265: {  	v60 =	vor.u32 $0x2180, v48;
	[tilespmem:v56+s12+$0x0] =	vst.idx.msk $0xffff, v20  }
0x266: {  	v61 =	vor.u32 $0x2200, v48;
	[tilespmem:v4+s12+$0x0] =	vst.idx.msk $0xffff, v23  }
0x267: {  	v62 =	vor.u32 $0x2280, v48;
	[tilespmem:v57+s12+$0x0] =	vst.idx.msk $0xffff, v40  }
0x268: {  	s17 =	sadd.s32 $0x4, s17;
	v63 =	vor.u32 $0x2300, v48;
	[tilespmem:v58+s12+$0x0] =	vst.idx.msk $0xffff, v43  }
0x269: {  	p0 =	slt.u32 s17, $0x3C;
	[tilespmem:v59+s12+$0x0] =	vst.idx.msk $0xffff, v1;
	v1 =	vor.u32 $0x2380, v48  }
.Ltmp5:
0x26a: {  	[tilespmem:v60+s12+$0x0] =	vst.idx.msk $0xffff, v47;
	(pc) =	sbr.rel @p0 .LBB2_12-.Ltmp5, $4  }
0x26b: {  	[tilespmem:v61+s12+$0x0] =	vst.idx.msk $0xffff, v49  }
0x26c: {  	[tilespmem:v62+s12+$0x0] =	vst.idx.msk $0xffff, v3  }
0x26d: {  	[tilespmem:v63+s12+$0x0] =	vst.idx.msk $0xffff, v52  }
0x26e: {  	s18 =	sadd.s32 $0x40, s18;
	s16 =	sadd.s32 $0x40, s16;
	[tilespmem:v1+s12+$0x0] =	vst.idx.msk $0xffff, v2  }
0x26f: {  	s16 =	simm.s32 $0x0;
	s17 =	rddreg [dreg:$0xe]  }
0x270: {  	[hbm4b:s17+s16] =	stream.linear.scatter [tilespmem:s12], [sflag:$0x4], $0x4000, $0x38;
	[tilespmem:$0x10400] =	vst v63  }
0x271: {  	s19 =	rddreg [dreg:$0xf]  }
0x272: {  	[tilespmem:s8], [sflag:$0x2] =	stream.linear.gather [hbm4b:s19+s16], $0x4000, $0x38;
	[tilespmem:$0x10400] =	vst v63  }
0x273: {  	_ =	swait.ge [sflag:s9], $0x4000  }
0x274: {  	[sflag:s9] =	ssyncset.done $0x0  }
0x275: {  	[sflag:s9] =	ssyncadd.s32 $0xFFFFC000  }
0x276: {  	_ =	swait.ge [sflag:s13], $0x4000  }
0x277: {  	[sflag:s13] =	ssyncset.done $0x0  }
0x278: {  	s18 =	simm.s32 $0x20;
	s17 =	simm.s32 $0xFFFFFFFC;
	[sflag:s13] =	ssyncadd.s32 $0xFFFFC000  }
.LBB2_14:
0x279: {  	v1 =	vld [tilespmem:s18+$0xFFFFFFE0]  }
0x27a: {  	v12 =	vld [tilespmem:s18+$0xFFFFFFF0];
	_ =	sdelay $0x3  }
0x27b: {  	v2 =	vshll.u32 v1, $0x3  }
0x27c: {  	v1 =	vand.u32 $0x7F, v1;
	v19 =	vshll.u32 v12, $0x3;
	v2 =	vand.u32 $0xFFFFFC00, v2  }
0x27d: {  	v12 =	vand.u32 $0x7F, v12;
	v19 =	vand.u32 $0xFFFFFC00, v19;
	v1 =	vor.u32 v1, v2  }
0x27e: {  	v12 =	vor.u32 v12, v19  }
0x27f: {  	v2 =	vor.u32 $0x80, v1  }
0x280: {  	v3 =	vor.u32 $0x100, v1  }
0x281: {  	v32 =	vld [tilespmem:s18+$0x0];
	v4 =	vor.u32 $0x180, v1  }
0x282: {  	v5 =	vor.u32 $0x200, v1;
	v6 =	vld.idx.msk [tilespmem:v1+s7+$0x0], $0xffff  }
0x283: {  	v7 =	vor.u32 $0x280, v1;
	v51 =	vld.idx.msk [tilespmem:v12+s7+$0x0], $0xffff  }
0x284: {  	v8 =	vor.u32 $0x300, v1;
	v2 =	vld.idx.msk [tilespmem:v2+s7+$0x0], $0xffff  }
0x285: {  	v9 =	vor.u32 $0x380, v1;
	v3 =	vld.idx.msk [tilespmem:v3+s7+$0x0], $0xffff  }
0x286: {  	v10 =	vadd.s32 $0x2000, v1;
	v4 =	vld.idx.msk [tilespmem:v4+s7+$0x0], $0xffff  }
0x287: {  	v11 =	vadd.s32 $0x2080, v1;
	v5 =	vld.idx.msk [tilespmem:v5+s7+$0x0], $0xffff  }
0x288: {  	v13 =	vadd.s32 $0x2100, v1;
	v7 =	vld.idx.msk [tilespmem:v7+s7+$0x0], $0xffff  }
0x289: {  	v14 =	vadd.s32 $0x2180, v1;
	v8 =	vld.idx.msk [tilespmem:v8+s7+$0x0], $0xffff  }
0x28a: {  	v17 =	vmov s16;
	v15 =	vadd.s32 $0x2200, v1;
	v9 =	vld.idx.msk [tilespmem:v9+s7+$0x0], $0xffff  }
0x28b: {  	v20 =	vor.u32 s16, v0;
	v17 =	vshll.u32 v17, $0x3;
	v16 =	vadd.s32 $0x2280, v1;
	v10 =	vld.idx.msk [tilespmem:v10+s7+$0x0], $0xffff  }
0x28c: {  	v49 =	vand.u32 $0x4F, v20;
	v50 =	vand.u32 $0x1C00, v17;
	v18 =	vadd.s32 $0x2300, v1;
	v11 =	vld.idx.msk [tilespmem:v11+s7+$0x0], $0xffff  }
0x28d: {  	v20 =	vor.u32 v49, v50;
	v1 =	vadd.s32 $0x2380, v1;
	v13 =	vld.idx.msk [tilespmem:v13+s7+$0x0], $0xffff  }
0x28e: {  	v23 =	vor.u32 $0x80, v20;
	v21 =	vor.u32 $0x80, v12;
	v14 =	vld.idx.msk [tilespmem:v14+s7+$0x0], $0xffff  }
0x28f: {  	v25 =	vor.u32 $0x100, v20;
	v22 =	vor.u32 $0x100, v12;
	v15 =	vld.idx.msk [tilespmem:v15+s7+$0x0], $0xffff  }
0x290: {  	v17 =	vor.u32 v17, v49;
	v27 =	vor.u32 $0x180, v20;
	v24 =	vor.u32 $0x180, v12;
	v16 =	vld.idx.msk [tilespmem:v16+s7+$0x0], $0xffff  }
0x291: {  	v28 =	vor.u32 $0x200, v17;
	v30 =	vor.u32 $0x300, v12;
	v18 =	vld.idx.msk [tilespmem:v18+s7+$0x0], $0xffff  }
0x292: {  	v52 =	vor.u32 $0x280, v17;
	v34 =	vadd.s32 $0x2280, v12;
	v1 =	vld.idx.msk [tilespmem:v1+s7+$0x0], $0xffff;
	[tilespmem:v20+s10+$0x0] =	vst.idx.msk $0xffff, v6  }
0x293: {  	v26 =	vor.u32 $0x200, v12;
	v21 =	vld.idx.msk [tilespmem:v21+s7+$0x0], $0xffff;
	[tilespmem:v23+s10+$0x0] =	vst.idx.msk $0xffff, v2;
	v2 =	vor.u32 $0x300, v17  }
0x294: {  	s19 =	sadd.s32 $0x10, s16;
	v55 =	vadd.s32 $0x2000, v12;
	v22 =	vld.idx.msk [tilespmem:v22+s7+$0x0], $0xffff;
	[tilespmem:v25+s10+$0x0] =	vst.idx.msk $0xffff, v3;
	v3 =	vor.u32 $0x380, v17  }
0x295: {  	v36 =	vor.u32 s19, v0;
	v56 =	vor.u32 $0x2000, v20;
	v31 =	vadd.s32 $0x2080, v12;
	v53 =	vld.idx.msk [tilespmem:v24+s7+$0x0], $0xffff;
	[tilespmem:v27+s10+$0x0] =	vst.idx.msk $0xffff, v4  }
0x296: {  	v60 =	vor.u32 $0x2200, v17;
	v57 =	vor.u32 $0x2080, v20;
	v29 =	vor.u32 $0x280, v12;
	v30 =	vld.idx.msk [tilespmem:v30+s7+$0x0], $0xffff;
	[tilespmem:v28+s10+$0x0] =	vst.idx.msk $0xffff, v5  }
0x297: {  	v61 =	vor.u32 $0x2280, v17;
	v58 =	vor.u32 $0x2100, v20;
	v33 =	vadd.s32 $0x2180, v12;
	v6 =	vld.idx.msk [tilespmem:v34+s7+$0x0], $0xffff;
	[tilespmem:v52+s10+$0x0] =	vst.idx.msk $0xffff, v7  }
0x298: {  	v38 =	vshll.u32 v32, $0x3;
	v37 =	vadd.s32 $0x2300, v12;
	v20 =	vor.u32 $0x2180, v20;
	v25 =	vld.idx.msk [tilespmem:v26+s7+$0x0], $0xffff;
	[tilespmem:v2+s10+$0x0] =	vst.idx.msk $0xffff, v8  }
0x299: {  	v39 =	vand.u32 $0x7F, v32;
	v40 =	vand.u32 $0xFFFFFC00, v38;
	v54 =	vor.u32 $0x380, v12;
	v26 =	vld.idx.msk [tilespmem:v55+s7+$0x0], $0xffff;
	[tilespmem:v3+s10+$0x0] =	vst.idx.msk $0xffff, v9  }
0x29a: {  	v62 =	vor.u32 $0x2380, v17;
	v4 =	vld.idx.msk [tilespmem:v31+s7+$0x0], $0xffff;
	v27 =	vor.u32 v39, v40;
	v3 =	vmov s19;
	[tilespmem:v56+s10+$0x0] =	vst.idx.msk $0xffff, v10  }
0x29b: {  	v59 =	vadd.s32 $0x2100, v12;
	v28 =	vld.idx.msk [tilespmem:v29+s7+$0x0], $0xffff;
	v2 =	vor.u32 $0x2300, v17;
	v3 =	vshll.u32 v3, $0x3;
	[tilespmem:v57+s10+$0x0] =	vst.idx.msk $0xffff, v11  }
0x29c: {  	v63 =	vadd.s32 $0x2200, v12;
	v5 =	vld.idx.msk [tilespmem:v33+s7+$0x0], $0xffff;
	v9 =	vand.u32 $0x5F, v36;
	v41 =	vand.u32 $0x1C00, v3;
	[tilespmem:v58+s10+$0x0] =	vst.idx.msk $0xffff, v13  }
0x29d: {  	v12 =	vadd.s32 $0x2380, v12;
	v7 =	vld.idx.msk [tilespmem:v37+s7+$0x0], $0xffff;
	v13 =	vor.u32 v9, v41;
	[tilespmem:v20+s10+$0x0] =	vst.idx.msk $0xffff, v14  }
0x29e: {  	v46 =	vor.u32 $0x180, v27;
	v17 =	vld.idx.msk [tilespmem:v54+s7+$0x0], $0xffff;
	v43 =	vor.u32 $0x80, v13;
	[tilespmem:v60+s10+$0x0] =	vst.idx.msk $0xffff, v15  }
0x29f: {  	v29 =	vor.u32 $0x280, v27;
	v8 =	vld.idx.msk [tilespmem:v27+s7+$0x0], $0xffff;
	v45 =	vor.u32 $0x100, v13;
	[tilespmem:v61+s10+$0x0] =	vst.idx.msk $0xffff, v16  }
0x2a0: {  	v55 =	vadd.s32 $0x2000, v27;
	v11 =	vld.idx.msk [tilespmem:v59+s7+$0x0], $0xffff;
	v47 =	vor.u32 $0x180, v13;
	[tilespmem:v2+s10+$0x0] =	vst.idx.msk $0xffff, v18  }
0x2a1: {  	v14 =	vld.idx.msk [tilespmem:v63+s7+$0x0], $0xffff;
	[tilespmem:v62+s10+$0x0] =	vst.idx.msk $0xffff, v1;
	v1 =	vor.u32 $0x200, v13  }
0x2a2: {  	v44 =	vor.u32 $0x100, v27;
	v49 =	vor.u32 $0x280, v13;
	v2 =	vld.idx.msk [tilespmem:v12+s7+$0x0], $0xffff;
	[tilespmem:v13+s10+$0x0] =	vst.idx.msk $0xffff, v51  }
0x2a3: {  	v42 =	vor.u32 $0x80, v27;
	v3 =	vor.u32 v9, v3;
	v10 =	vld.idx.msk [tilespmem:v46+s7+$0x0], $0xffff;
	v50 =	vor.u32 $0x300, v13;
	[tilespmem:v43+s10+$0x0] =	vst.idx.msk $0xffff, v21  }
0x2a4: {  	v52 =	vor.u32 $0x380, v27;
	v29 =	vld.idx.msk [tilespmem:v29+s7+$0x0], $0xffff;
	v3 =	vor.u32 $0x380, v3;
	[tilespmem:v45+s10+$0x0] =	vst.idx.msk $0xffff, v22  }
0x2a5: {  	v48 =	vor.u32 $0x200, v27;
	v38 =	vld.idx.msk [tilespmem:v55+s7+$0x0], $0xffff;
	[tilespmem:v47+s10+$0x0] =	vst.idx.msk $0xffff, v53;
	v53 =	vor.u32 $0x2000, v13  }
0x2a6: {  	v39 =	vadd.s32 $0x2280, v27;
	v58 =	vld [tilespmem:s18+$0x10];
	v54 =	vor.u32 $0x2080, v13;
	v51 =	vor.u32 $0x300, v27;
	[tilespmem:v1+s10+$0x0] =	vst.idx.msk $0xffff, v25  }
0x2a7: {  	v40 =	vadd.s32 $0x2300, v27;
	v57 =	vadd.s32 $0x2080, v27;
	v9 =	vld.idx.msk [tilespmem:v44+s7+$0x0], $0xffff;
	v1 =	vor.u32 $0x2100, v13;
	[tilespmem:v49+s10+$0x0] =	vst.idx.msk $0xffff, v28  }
0x2a8: {  	v37 =	vadd.s32 $0x2200, v27;
	s19 =	sadd.s32 $0x20, s16;
	v20 =	vld.idx.msk [tilespmem:v42+s7+$0x0], $0xffff;
	v56 =	vor.u32 $0x2180, v13;
	v61 =	vadd.s32 $0x2100, v27;
	[tilespmem:v50+s10+$0x0] =	vst.idx.msk $0xffff, v30  }
0x2a9: {  	v36 =	vor.u32 s19, v0;
	v59 =	vor.u32 $0x2200, v13;
	v63 =	vadd.s32 $0x2180, v27;
	v16 =	vld.idx.msk [tilespmem:v52+s7+$0x0], $0xffff;
	[tilespmem:v3+s10+$0x0] =	vst.idx.msk $0xffff, v17  }
0x2aa: {  	v60 =	vor.u32 $0x2280, v13;
	v18 =	vld.idx.msk [tilespmem:v48+s7+$0x0], $0xffff;
	v62 =	vor.u32 $0x2300, v13;
	v3 =	vmov s19;
	[tilespmem:v53+s10+$0x0] =	vst.idx.msk $0xffff, v26  }
0x2ab: {  	v27 =	vadd.s32 $0x2380, v27;
	v41 =	vshll.u32 v58, $0x3;
	v21 =	vld.idx.msk [tilespmem:v51+s7+$0x0], $0xffff;
	v3 =	vshll.u32 v3, $0x3;
	[tilespmem:v54+s10+$0x0] =	vst.idx.msk $0xffff, v4  }
0x2ac: {  	v13 =	vor.u32 $0x2380, v13;
	v17 =	vand.u32 $0x6F, v36;
	v4 =	vld.idx.msk [tilespmem:v57+s7+$0x0], $0xffff;
	v42 =	vand.u32 $0x1C00, v3;
	[tilespmem:v1+s10+$0x0] =	vst.idx.msk $0xffff, v11  }
0x2ad: {  	v43 =	vand.u32 $0x7F, v58;
	v22 =	vand.u32 $0xFFFFFC00, v41;
	v1 =	vld.idx.msk [tilespmem:v61+s7+$0x0], $0xffff;
	v11 =	vor.u32 v17, v42;
	[tilespmem:v56+s10+$0x0] =	vst.idx.msk $0xffff, v5  }
0x2ae: {  	v22 =	vor.u32 v43, v22;
	v5 =	vld.idx.msk [tilespmem:v63+s7+$0x0], $0xffff;
	v44 =	vor.u32 $0x80, v11;
	[tilespmem:v59+s10+$0x0] =	vst.idx.msk $0xffff, v14  }
0x2af: {  	v48 =	vor.u32 $0x180, v22;
	v46 =	vor.u32 $0x100, v11;
	v14 =	vld.idx.msk [tilespmem:v37+s7+$0x0], $0xffff;
	[tilespmem:v60+s10+$0x0] =	vst.idx.msk $0xffff, v6  }
0x2b0: {  	v55 =	vor.u32 $0x380, v22;
	v47 =	vor.u32 $0x180, v11;
	v6 =	vld.idx.msk [tilespmem:v39+s7+$0x0], $0xffff;
	[tilespmem:v62+s10+$0x0] =	vst.idx.msk $0xffff, v7  }
0x2b1: {  	v45 =	vor.u32 $0x80, v22;
	v49 =	vor.u32 $0x200, v11;
	v7 =	vld.idx.msk [tilespmem:v40+s7+$0x0], $0xffff;
	[tilespmem:v13+s10+$0x0] =	vst.idx.msk $0xffff, v2  }
0x2b2: {  	v50 =	vor.u32 $0x200, v22;
	v51 =	vor.u32 $0x280, v11;
	v2 =	vld.idx.msk [tilespmem:v27+s7+$0x0], $0xffff;
	[tilespmem:v11+s10+$0x0] =	vst.idx.msk $0xffff, v8  }
0x2b3: {  	v52 =	vor.u32 $0x280, v22;
	v28 =	vld.idx.msk [tilespmem:v22+s7+$0x0], $0xffff;
	v3 =	vor.u32 v17, v3;
	v53 =	vor.u32 $0x300, v11;
	[tilespmem:v44+s10+$0x0] =	vst.idx.msk $0xffff, v20  }
0x2b4: {  	v15 =	vld.idx.msk [tilespmem:v48+s7+$0x0], $0xffff;
	v57 =	vadd.s32 $0x2000, v22;
	v3 =	vor.u32 $0x380, v3;
	[tilespmem:v46+s10+$0x0] =	vst.idx.msk $0xffff, v9  }
0x2b5: {  	v23 =	vld.idx.msk [tilespmem:v55+s7+$0x0], $0xffff;
	v54 =	vor.u32 $0x300, v22;
	v56 =	vor.u32 $0x2000, v11;
	[tilespmem:v47+s10+$0x0] =	vst.idx.msk $0xffff, v10  }
0x2b6: {  	v25 =	vor.u32 $0x100, v22;
	v17 =	vld.idx.msk [tilespmem:v45+s7+$0x0], $0xffff;
	v58 =	vor.u32 $0x2080, v11;
	[tilespmem:v49+s10+$0x0] =	vst.idx.msk $0xffff, v18  }
0x2b7: {  	s19 =	sadd.s32 $0x30, s16;
	v61 =	vor.u32 $0x2100, v11;
	v59 =	vld.idx.msk [tilespmem:v50+s7+$0x0], $0xffff;
	v60 =	vadd.s32 $0x2080, v22;
	[tilespmem:v51+s10+$0x0] =	vst.idx.msk $0xffff, v29  }
0x2b8: {  	v35 =	vadd.s32 $0x2180, v22;
	v42 =	vor.u32 s19, v0;
	v33 =	vor.u32 $0x2180, v11;
	v62 =	vld.idx.msk [tilespmem:v52+s7+$0x0], $0xffff;
	[tilespmem:v53+s10+$0x0] =	vst.idx.msk $0xffff, v21  }
0x2b9: {  	v63 =	vadd.s32 $0x2100, v22;
	v34 =	vor.u32 $0x2200, v11;
	v37 =	vadd.s32 $0x2200, v22;
	v40 =	vld.idx.msk [tilespmem:v57+s7+$0x0], $0xffff;
	[tilespmem:v3+s10+$0x0] =	vst.idx.msk $0xffff, v16  }
0x2ba: {  	v39 =	vmov s19;
	v20 =	vld.idx.msk [tilespmem:v54+s7+$0x0], $0xffff;
	v44 =	vadd.s32 $0x2300, v22;
	v3 =	vor.u32 $0x2280, v11;
	[tilespmem:v56+s10+$0x0] =	vst.idx.msk $0xffff, v38  }
0x2bb: {  	v36 =	vor.u32 $0x2300, v11;
	v9 =	vld.idx.msk [tilespmem:v25+s7+$0x0], $0xffff;
	v38 =	vor.u32 $0x2380, v11;
	v11 =	vshll.u32 v39, $0x3;
	[tilespmem:v58+s10+$0x0] =	vst.idx.msk $0xffff, v4  }
0x2bc: {  	v41 =	vadd.s32 $0x2280, v22;
	v43 =	vld.idx.msk [tilespmem:v60+s7+$0x0], $0xffff;
	v4 =	vand.u32 $0x7F, v42;
	v46 =	vand.u32 $0x1C00, v11;
	[tilespmem:v61+s10+$0x0] =	vst.idx.msk $0xffff, v1  }
0x2bd: {  	v45 =	vadd.s32 $0x2380, v22;
	v47 =	vld.idx.msk [tilespmem:v35+s7+$0x0], $0xffff;
	v48 =	vor.u32 v4, v46;
	[tilespmem:v33+s10+$0x0] =	vst.idx.msk $0xffff, v5  }
0x2be: {  	v49 =	vld.idx.msk [tilespmem:v37+s7+$0x0], $0xffff;
	v50 =	vor.u32 $0x80, v48;
	[tilespmem:v34+s10+$0x0] =	vst.idx.msk $0xffff, v14  }
0x2bf: {  	v52 =	vld.idx.msk [tilespmem:v44+s7+$0x0], $0xffff;
	v51 =	vor.u32 $0x100, v48;
	[tilespmem:v3+s10+$0x0] =	vst.idx.msk $0xffff, v6  }
0x2c0: {  	v1 =	vld.idx.msk [tilespmem:v63+s7+$0x0], $0xffff;
	v53 =	vor.u32 $0x180, v48;
	[tilespmem:v36+s10+$0x0] =	vst.idx.msk $0xffff, v7  }
0x2c1: {  	v54 =	vor.u32 $0x200, v48;
	v3 =	vld.idx.msk [tilespmem:v41+s7+$0x0], $0xffff;
	[tilespmem:v38+s10+$0x0] =	vst.idx.msk $0xffff, v2  }
0x2c2: {  	v55 =	vor.u32 $0x280, v48;
	v2 =	vld.idx.msk [tilespmem:v45+s7+$0x0], $0xffff;
	[tilespmem:v48+s10+$0x0] =	vst.idx.msk $0xffff, v28  }
0x2c3: {  	v4 =	vor.u32 v4, v11;
	v56 =	vor.u32 $0x300, v48;
	[tilespmem:v50+s10+$0x0] =	vst.idx.msk $0xffff, v17  }
0x2c4: {  	v4 =	vor.u32 $0x380, v4;
	[tilespmem:v51+s10+$0x0] =	vst.idx.msk $0xffff, v9  }
0x2c5: {  	v57 =	vor.u32 $0x2000, v48;
	[tilespmem:v53+s10+$0x0] =	vst.idx.msk $0xffff, v15  }
0x2c6: {  	v58 =	vor.u32 $0x2080, v48;
	[tilespmem:v54+s10+$0x0] =	vst.idx.msk $0xffff, v59  }
0x2c7: {  	v59 =	vor.u32 $0x2100, v48;
	[tilespmem:v55+s10+$0x0] =	vst.idx.msk $0xffff, v62  }
0x2c8: {  	v60 =	vor.u32 $0x2180, v48;
	[tilespmem:v56+s10+$0x0] =	vst.idx.msk $0xffff, v20  }
0x2c9: {  	v61 =	vor.u32 $0x2200, v48;
	[tilespmem:v4+s10+$0x0] =	vst.idx.msk $0xffff, v23  }
0x2ca: {  	v62 =	vor.u32 $0x2280, v48;
	[tilespmem:v57+s10+$0x0] =	vst.idx.msk $0xffff, v40  }
0x2cb: {  	s17 =	sadd.s32 $0x4, s17;
	v63 =	vor.u32 $0x2300, v48;
	[tilespmem:v58+s10+$0x0] =	vst.idx.msk $0xffff, v43  }
0x2cc: {  	p0 =	slt.u32 s17, $0x3C;
	[tilespmem:v59+s10+$0x0] =	vst.idx.msk $0xffff, v1;
	v1 =	vor.u32 $0x2380, v48  }
.Ltmp6:
0x2cd: {  	[tilespmem:v60+s10+$0x0] =	vst.idx.msk $0xffff, v47;
	(pc) =	sbr.rel @p0 .LBB2_14-.Ltmp6, $4  }
0x2ce: {  	[tilespmem:v61+s10+$0x0] =	vst.idx.msk $0xffff, v49  }
0x2cf: {  	[tilespmem:v62+s10+$0x0] =	vst.idx.msk $0xffff, v3  }
0x2d0: {  	[tilespmem:v63+s10+$0x0] =	vst.idx.msk $0xffff, v52  }
0x2d1: {  	s18 =	sadd.s32 $0x40, s18;
	s16 =	sadd.s32 $0x40, s16;
	[tilespmem:v1+s10+$0x0] =	vst.idx.msk $0xffff, v2  }
0x2d2: {  	s16 =	simm.s32 $0x0;
	s17 =	rddreg [dreg:$0x10]  }
0x2d3: {  	[hbm4b:s17+s16] =	stream.linear.scatter [tilespmem:s10], [sflag:$0x3], $0x4000, $0x38;
	[tilespmem:$0x10400] =	vst v63  }
0x2d4: {  	s19 =	rddreg [dreg:$0x11]  }
0x2d5: {  	[tilespmem:s7], [sflag:$0x1] =	stream.linear.gather [hbm4b:s19+s16], $0x4000, $0x38;
	[tilespmem:$0x10400] =	vst v63  }
0x2d6: {  	_ =	swait.ge [sflag:s11], $0x4000  }
0x2d7: {  	[sflag:s11] =	ssyncset.done $0x0  }
0x2d8: {  	[sflag:s11] =	ssyncadd.s32 $0xFFFFC000  }
0x2d9: {  	_ =	swait.ge [sflag:s14], $0x4000  }
0x2da: {  	[sflag:s14] =	ssyncset.done $0x0  }
0x2db: {  	s18 =	simm.s32 $0x20;
	s17 =	simm.s32 $0xFFFFFFFC;
	[sflag:s14] =	ssyncadd.s32 $0xFFFFC000  }
.LBB2_16:
0x2dc: {  	v1 =	vld [tilespmem:s18+$0xFFFFFFE0]  }
0x2dd: {  	v12 =	vld [tilespmem:s18+$0xFFFFFFF0];
	_ =	sdelay $0x3  }
0x2de: {  	v2 =	vshll.u32 v1, $0x3  }
0x2df: {  	v1 =	vand.u32 $0x7F, v1;
	v19 =	vshll.u32 v12, $0x3;
	v2 =	vand.u32 $0xFFFFFC00, v2  }
0x2e0: {  	v12 =	vand.u32 $0x7F, v12;
	v19 =	vand.u32 $0xFFFFFC00, v19;
	v1 =	vor.u32 v1, v2  }
0x2e1: {  	v12 =	vor.u32 v12, v19  }
0x2e2: {  	v2 =	vor.u32 $0x80, v1  }
0x2e3: {  	v3 =	vor.u32 $0x100, v1  }
0x2e4: {  	v32 =	vld [tilespmem:s18+$0x0];
	v4 =	vor.u32 $0x180, v1  }
0x2e5: {  	v5 =	vor.u32 $0x200, v1;
	v6 =	vld.idx.msk [tilespmem:v1+s8+$0x0], $0xffff  }
0x2e6: {  	v7 =	vor.u32 $0x280, v1;
	v51 =	vld.idx.msk [tilespmem:v12+s8+$0x0], $0xffff  }
0x2e7: {  	v8 =	vor.u32 $0x300, v1;
	v2 =	vld.idx.msk [tilespmem:v2+s8+$0x0], $0xffff  }
0x2e8: {  	v9 =	vor.u32 $0x380, v1;
	v3 =	vld.idx.msk [tilespmem:v3+s8+$0x0], $0xffff  }
0x2e9: {  	v10 =	vadd.s32 $0x2000, v1;
	v4 =	vld.idx.msk [tilespmem:v4+s8+$0x0], $0xffff  }
0x2ea: {  	v11 =	vadd.s32 $0x2080, v1;
	v5 =	vld.idx.msk [tilespmem:v5+s8+$0x0], $0xffff  }
0x2eb: {  	v13 =	vadd.s32 $0x2100, v1;
	v7 =	vld.idx.msk [tilespmem:v7+s8+$0x0], $0xffff  }
0x2ec: {  	v14 =	vadd.s32 $0x2180, v1;
	v8 =	vld.idx.msk [tilespmem:v8+s8+$0x0], $0xffff  }
0x2ed: {  	v17 =	vmov s16;
	v15 =	vadd.s32 $0x2200, v1;
	v9 =	vld.idx.msk [tilespmem:v9+s8+$0x0], $0xffff  }
0x2ee: {  	v20 =	vor.u32 s16, v0;
	v17 =	vshll.u32 v17, $0x3;
	v16 =	vadd.s32 $0x2280, v1;
	v10 =	vld.idx.msk [tilespmem:v10+s8+$0x0], $0xffff  }
0x2ef: {  	v49 =	vand.u32 $0x4F, v20;
	v50 =	vand.u32 $0x1C00, v17;
	v18 =	vadd.s32 $0x2300, v1;
	v11 =	vld.idx.msk [tilespmem:v11+s8+$0x0], $0xffff  }
0x2f0: {  	v20 =	vor.u32 v49, v50;
	v1 =	vadd.s32 $0x2380, v1;
	v13 =	vld.idx.msk [tilespmem:v13+s8+$0x0], $0xffff  }
0x2f1: {  	v23 =	vor.u32 $0x80, v20;
	v21 =	vor.u32 $0x80, v12;
	v14 =	vld.idx.msk [tilespmem:v14+s8+$0x0], $0xffff  }
0x2f2: {  	v25 =	vor.u32 $0x100, v20;
	v22 =	vor.u32 $0x100, v12;
	v15 =	vld.idx.msk [tilespmem:v15+s8+$0x0], $0xffff  }
0x2f3: {  	v17 =	vor.u32 v17, v49;
	v27 =	vor.u32 $0x180, v20;
	v24 =	vor.u32 $0x180, v12;
	v16 =	vld.idx.msk [tilespmem:v16+s8+$0x0], $0xffff  }
0x2f4: {  	v28 =	vor.u32 $0x200, v17;
	v30 =	vor.u32 $0x300, v12;
	v18 =	vld.idx.msk [tilespmem:v18+s8+$0x0], $0xffff  }
0x2f5: {  	v52 =	vor.u32 $0x280, v17;
	v34 =	vadd.s32 $0x2280, v12;
	v1 =	vld.idx.msk [tilespmem:v1+s8+$0x0], $0xffff;
	[tilespmem:v20+s12+$0x0] =	vst.idx.msk $0xffff, v6  }
0x2f6: {  	v26 =	vor.u32 $0x200, v12;
	v21 =	vld.idx.msk [tilespmem:v21+s8+$0x0], $0xffff;
	[tilespmem:v23+s12+$0x0] =	vst.idx.msk $0xffff, v2;
	v2 =	vor.u32 $0x300, v17  }
0x2f7: {  	s19 =	sadd.s32 $0x10, s16;
	v55 =	vadd.s32 $0x2000, v12;
	v22 =	vld.idx.msk [tilespmem:v22+s8+$0x0], $0xffff;
	[tilespmem:v25+s12+$0x0] =	vst.idx.msk $0xffff, v3;
	v3 =	vor.u32 $0x380, v17  }
0x2f8: {  	v36 =	vor.u32 s19, v0;
	v56 =	vor.u32 $0x2000, v20;
	v31 =	vadd.s32 $0x2080, v12;
	v53 =	vld.idx.msk [tilespmem:v24+s8+$0x0], $0xffff;
	[tilespmem:v27+s12+$0x0] =	vst.idx.msk $0xffff, v4  }
0x2f9: {  	v60 =	vor.u32 $0x2200, v17;
	v57 =	vor.u32 $0x2080, v20;
	v29 =	vor.u32 $0x280, v12;
	v30 =	vld.idx.msk [tilespmem:v30+s8+$0x0], $0xffff;
	[tilespmem:v28+s12+$0x0] =	vst.idx.msk $0xffff, v5  }
0x2fa: {  	v61 =	vor.u32 $0x2280, v17;
	v58 =	vor.u32 $0x2100, v20;
	v33 =	vadd.s32 $0x2180, v12;
	v6 =	vld.idx.msk [tilespmem:v34+s8+$0x0], $0xffff;
	[tilespmem:v52+s12+$0x0] =	vst.idx.msk $0xffff, v7  }
0x2fb: {  	v38 =	vshll.u32 v32, $0x3;
	v37 =	vadd.s32 $0x2300, v12;
	v20 =	vor.u32 $0x2180, v20;
	v25 =	vld.idx.msk [tilespmem:v26+s8+$0x0], $0xffff;
	[tilespmem:v2+s12+$0x0] =	vst.idx.msk $0xffff, v8  }
0x2fc: {  	v39 =	vand.u32 $0x7F, v32;
	v40 =	vand.u32 $0xFFFFFC00, v38;
	v54 =	vor.u32 $0x380, v12;
	v26 =	vld.idx.msk [tilespmem:v55+s8+$0x0], $0xffff;
	[tilespmem:v3+s12+$0x0] =	vst.idx.msk $0xffff, v9  }
0x2fd: {  	v62 =	vor.u32 $0x2380, v17;
	v4 =	vld.idx.msk [tilespmem:v31+s8+$0x0], $0xffff;
	v27 =	vor.u32 v39, v40;
	v3 =	vmov s19;
	[tilespmem:v56+s12+$0x0] =	vst.idx.msk $0xffff, v10  }
0x2fe: {  	v59 =	vadd.s32 $0x2100, v12;
	v28 =	vld.idx.msk [tilespmem:v29+s8+$0x0], $0xffff;
	v2 =	vor.u32 $0x2300, v17;
	v3 =	vshll.u32 v3, $0x3;
	[tilespmem:v57+s12+$0x0] =	vst.idx.msk $0xffff, v11  }
0x2ff: {  	v63 =	vadd.s32 $0x2200, v12;
	v5 =	vld.idx.msk [tilespmem:v33+s8+$0x0], $0xffff;
	v9 =	vand.u32 $0x5F, v36;
	v41 =	vand.u32 $0x1C00, v3;
	[tilespmem:v58+s12+$0x0] =	vst.idx.msk $0xffff, v13  }
0x300: {  	v12 =	vadd.s32 $0x2380, v12;
	v7 =	vld.idx.msk [tilespmem:v37+s8+$0x0], $0xffff;
	v13 =	vor.u32 v9, v41;
	[tilespmem:v20+s12+$0x0] =	vst.idx.msk $0xffff, v14  }
0x301: {  	v46 =	vor.u32 $0x180, v27;
	v17 =	vld.idx.msk [tilespmem:v54+s8+$0x0], $0xffff;
	v43 =	vor.u32 $0x80, v13;
	[tilespmem:v60+s12+$0x0] =	vst.idx.msk $0xffff, v15  }
0x302: {  	v29 =	vor.u32 $0x280, v27;
	v8 =	vld.idx.msk [tilespmem:v27+s8+$0x0], $0xffff;
	v45 =	vor.u32 $0x100, v13;
	[tilespmem:v61+s12+$0x0] =	vst.idx.msk $0xffff, v16  }
0x303: {  	v55 =	vadd.s32 $0x2000, v27;
	v11 =	vld.idx.msk [tilespmem:v59+s8+$0x0], $0xffff;
	v47 =	vor.u32 $0x180, v13;
	[tilespmem:v2+s12+$0x0] =	vst.idx.msk $0xffff, v18  }
0x304: {  	v14 =	vld.idx.msk [tilespmem:v63+s8+$0x0], $0xffff;
	[tilespmem:v62+s12+$0x0] =	vst.idx.msk $0xffff, v1;
	v1 =	vor.u32 $0x200, v13  }
0x305: {  	v44 =	vor.u32 $0x100, v27;
	v49 =	vor.u32 $0x280, v13;
	v2 =	vld.idx.msk [tilespmem:v12+s8+$0x0], $0xffff;
	[tilespmem:v13+s12+$0x0] =	vst.idx.msk $0xffff, v51  }
0x306: {  	v42 =	vor.u32 $0x80, v27;
	v3 =	vor.u32 v9, v3;
	v10 =	vld.idx.msk [tilespmem:v46+s8+$0x0], $0xffff;
	v50 =	vor.u32 $0x300, v13;
	[tilespmem:v43+s12+$0x0] =	vst.idx.msk $0xffff, v21  }
0x307: {  	v52 =	vor.u32 $0x380, v27;
	v29 =	vld.idx.msk [tilespmem:v29+s8+$0x0], $0xffff;
	v3 =	vor.u32 $0x380, v3;
	[tilespmem:v45+s12+$0x0] =	vst.idx.msk $0xffff, v22  }
0x308: {  	v48 =	vor.u32 $0x200, v27;
	v38 =	vld.idx.msk [tilespmem:v55+s8+$0x0], $0xffff;
	[tilespmem:v47+s12+$0x0] =	vst.idx.msk $0xffff, v53;
	v53 =	vor.u32 $0x2000, v13  }
0x309: {  	v39 =	vadd.s32 $0x2280, v27;
	v58 =	vld [tilespmem:s18+$0x10];
	v54 =	vor.u32 $0x2080, v13;
	v51 =	vor.u32 $0x300, v27;
	[tilespmem:v1+s12+$0x0] =	vst.idx.msk $0xffff, v25  }
0x30a: {  	v40 =	vadd.s32 $0x2300, v27;
	v57 =	vadd.s32 $0x2080, v27;
	v9 =	vld.idx.msk [tilespmem:v44+s8+$0x0], $0xffff;
	v1 =	vor.u32 $0x2100, v13;
	[tilespmem:v49+s12+$0x0] =	vst.idx.msk $0xffff, v28  }
0x30b: {  	v37 =	vadd.s32 $0x2200, v27;
	s19 =	sadd.s32 $0x20, s16;
	v20 =	vld.idx.msk [tilespmem:v42+s8+$0x0], $0xffff;
	v56 =	vor.u32 $0x2180, v13;
	v61 =	vadd.s32 $0x2100, v27;
	[tilespmem:v50+s12+$0x0] =	vst.idx.msk $0xffff, v30  }
0x30c: {  	v36 =	vor.u32 s19, v0;
	v59 =	vor.u32 $0x2200, v13;
	v63 =	vadd.s32 $0x2180, v27;
	v16 =	vld.idx.msk [tilespmem:v52+s8+$0x0], $0xffff;
	[tilespmem:v3+s12+$0x0] =	vst.idx.msk $0xffff, v17  }
0x30d: {  	v60 =	vor.u32 $0x2280, v13;
	v18 =	vld.idx.msk [tilespmem:v48+s8+$0x0], $0xffff;
	v62 =	vor.u32 $0x2300, v13;
	v3 =	vmov s19;
	[tilespmem:v53+s12+$0x0] =	vst.idx.msk $0xffff, v26  }
0x30e: {  	v27 =	vadd.s32 $0x2380, v27;
	v41 =	vshll.u32 v58, $0x3;
	v21 =	vld.idx.msk [tilespmem:v51+s8+$0x0], $0xffff;
	v3 =	vshll.u32 v3, $0x3;
	[tilespmem:v54+s12+$0x0] =	vst.idx.msk $0xffff, v4  }
0x30f: {  	v13 =	vor.u32 $0x2380, v13;
	v17 =	vand.u32 $0x6F, v36;
	v4 =	vld.idx.msk [tilespmem:v57+s8+$0x0], $0xffff;
	v42 =	vand.u32 $0x1C00, v3;
	[tilespmem:v1+s12+$0x0] =	vst.idx.msk $0xffff, v11  }
0x310: {  	v43 =	vand.u32 $0x7F, v58;
	v22 =	vand.u32 $0xFFFFFC00, v41;
	v1 =	vld.idx.msk [tilespmem:v61+s8+$0x0], $0xffff;
	v11 =	vor.u32 v17, v42;
	[tilespmem:v56+s12+$0x0] =	vst.idx.msk $0xffff, v5  }
0x311: {  	v22 =	vor.u32 v43, v22;
	v5 =	vld.idx.msk [tilespmem:v63+s8+$0x0], $0xffff;
	v44 =	vor.u32 $0x80, v11;
	[tilespmem:v59+s12+$0x0] =	vst.idx.msk $0xffff, v14  }
0x312: {  	v48 =	vor.u32 $0x180, v22;
	v46 =	vor.u32 $0x100, v11;
	v14 =	vld.idx.msk [tilespmem:v37+s8+$0x0], $0xffff;
	[tilespmem:v60+s12+$0x0] =	vst.idx.msk $0xffff, v6  }
0x313: {  	v55 =	vor.u32 $0x380, v22;
	v47 =	vor.u32 $0x180, v11;
	v6 =	vld.idx.msk [tilespmem:v39+s8+$0x0], $0xffff;
	[tilespmem:v62+s12+$0x0] =	vst.idx.msk $0xffff, v7  }
0x314: {  	v45 =	vor.u32 $0x80, v22;
	v49 =	vor.u32 $0x200, v11;
	v7 =	vld.idx.msk [tilespmem:v40+s8+$0x0], $0xffff;
	[tilespmem:v13+s12+$0x0] =	vst.idx.msk $0xffff, v2  }
0x315: {  	v50 =	vor.u32 $0x200, v22;
	v51 =	vor.u32 $0x280, v11;
	v2 =	vld.idx.msk [tilespmem:v27+s8+$0x0], $0xffff;
	[tilespmem:v11+s12+$0x0] =	vst.idx.msk $0xffff, v8  }
0x316: {  	v52 =	vor.u32 $0x280, v22;
	v28 =	vld.idx.msk [tilespmem:v22+s8+$0x0], $0xffff;
	v3 =	vor.u32 v17, v3;
	v53 =	vor.u32 $0x300, v11;
	[tilespmem:v44+s12+$0x0] =	vst.idx.msk $0xffff, v20  }
0x317: {  	v15 =	vld.idx.msk [tilespmem:v48+s8+$0x0], $0xffff;
	v57 =	vadd.s32 $0x2000, v22;
	v3 =	vor.u32 $0x380, v3;
	[tilespmem:v46+s12+$0x0] =	vst.idx.msk $0xffff, v9  }
0x318: {  	v23 =	vld.idx.msk [tilespmem:v55+s8+$0x0], $0xffff;
	v54 =	vor.u32 $0x300, v22;
	v56 =	vor.u32 $0x2000, v11;
	[tilespmem:v47+s12+$0x0] =	vst.idx.msk $0xffff, v10  }
0x319: {  	v25 =	vor.u32 $0x100, v22;
	v17 =	vld.idx.msk [tilespmem:v45+s8+$0x0], $0xffff;
	v58 =	vor.u32 $0x2080, v11;
	[tilespmem:v49+s12+$0x0] =	vst.idx.msk $0xffff, v18  }
0x31a: {  	s19 =	sadd.s32 $0x30, s16;
	v61 =	vor.u32 $0x2100, v11;
	v59 =	vld.idx.msk [tilespmem:v50+s8+$0x0], $0xffff;
	v60 =	vadd.s32 $0x2080, v22;
	[tilespmem:v51+s12+$0x0] =	vst.idx.msk $0xffff, v29  }
0x31b: {  	v35 =	vadd.s32 $0x2180, v22;
	v42 =	vor.u32 s19, v0;
	v33 =	vor.u32 $0x2180, v11;
	v62 =	vld.idx.msk [tilespmem:v52+s8+$0x0], $0xffff;
	[tilespmem:v53+s12+$0x0] =	vst.idx.msk $0xffff, v21  }
0x31c: {  	v63 =	vadd.s32 $0x2100, v22;
	v34 =	vor.u32 $0x2200, v11;
	v37 =	vadd.s32 $0x2200, v22;
	v40 =	vld.idx.msk [tilespmem:v57+s8+$0x0], $0xffff;
	[tilespmem:v3+s12+$0x0] =	vst.idx.msk $0xffff, v16  }
0x31d: {  	v39 =	vmov s19;
	v20 =	vld.idx.msk [tilespmem:v54+s8+$0x0], $0xffff;
	v44 =	vadd.s32 $0x2300, v22;
	v3 =	vor.u32 $0x2280, v11;
	[tilespmem:v56+s12+$0x0] =	vst.idx.msk $0xffff, v38  }
0x31e: {  	v36 =	vor.u32 $0x2300, v11;
	v9 =	vld.idx.msk [tilespmem:v25+s8+$0x0], $0xffff;
	v38 =	vor.u32 $0x2380, v11;
	v11 =	vshll.u32 v39, $0x3;
	[tilespmem:v58+s12+$0x0] =	vst.idx.msk $0xffff, v4  }
0x31f: {  	v41 =	vadd.s32 $0x2280, v22;
	v43 =	vld.idx.msk [tilespmem:v60+s8+$0x0], $0xffff;
	v4 =	vand.u32 $0x7F, v42;
	v46 =	vand.u32 $0x1C00, v11;
	[tilespmem:v61+s12+$0x0] =	vst.idx.msk $0xffff, v1  }
0x320: {  	v45 =	vadd.s32 $0x2380, v22;
	v47 =	vld.idx.msk [tilespmem:v35+s8+$0x0], $0xffff;
	v48 =	vor.u32 v4, v46;
	[tilespmem:v33+s12+$0x0] =	vst.idx.msk $0xffff, v5  }
0x321: {  	v49 =	vld.idx.msk [tilespmem:v37+s8+$0x0], $0xffff;
	v50 =	vor.u32 $0x80, v48;
	[tilespmem:v34+s12+$0x0] =	vst.idx.msk $0xffff, v14  }
0x322: {  	v52 =	vld.idx.msk [tilespmem:v44+s8+$0x0], $0xffff;
	v51 =	vor.u32 $0x100, v48;
	[tilespmem:v3+s12+$0x0] =	vst.idx.msk $0xffff, v6  }
0x323: {  	v1 =	vld.idx.msk [tilespmem:v63+s8+$0x0], $0xffff;
	v53 =	vor.u32 $0x180, v48;
	[tilespmem:v36+s12+$0x0] =	vst.idx.msk $0xffff, v7  }
0x324: {  	v54 =	vor.u32 $0x200, v48;
	v3 =	vld.idx.msk [tilespmem:v41+s8+$0x0], $0xffff;
	[tilespmem:v38+s12+$0x0] =	vst.idx.msk $0xffff, v2  }
0x325: {  	v55 =	vor.u32 $0x280, v48;
	v2 =	vld.idx.msk [tilespmem:v45+s8+$0x0], $0xffff;
	[tilespmem:v48+s12+$0x0] =	vst.idx.msk $0xffff, v28  }
0x326: {  	v4 =	vor.u32 v4, v11;
	v56 =	vor.u32 $0x300, v48;
	[tilespmem:v50+s12+$0x0] =	vst.idx.msk $0xffff, v17  }
0x327: {  	v4 =	vor.u32 $0x380, v4;
	[tilespmem:v51+s12+$0x0] =	vst.idx.msk $0xffff, v9  }
0x328: {  	v57 =	vor.u32 $0x2000, v48;
	[tilespmem:v53+s12+$0x0] =	vst.idx.msk $0xffff, v15  }
0x329: {  	v58 =	vor.u32 $0x2080, v48;
	[tilespmem:v54+s12+$0x0] =	vst.idx.msk $0xffff, v59  }
0x32a: {  	v59 =	vor.u32 $0x2100, v48;
	[tilespmem:v55+s12+$0x0] =	vst.idx.msk $0xffff, v62  }
0x32b: {  	v60 =	vor.u32 $0x2180, v48;
	[tilespmem:v56+s12+$0x0] =	vst.idx.msk $0xffff, v20  }
0x32c: {  	v61 =	vor.u32 $0x2200, v48;
	[tilespmem:v4+s12+$0x0] =	vst.idx.msk $0xffff, v23  }
0x32d: {  	v62 =	vor.u32 $0x2280, v48;
	[tilespmem:v57+s12+$0x0] =	vst.idx.msk $0xffff, v40  }
0x32e: {  	s17 =	sadd.s32 $0x4, s17;
	v63 =	vor.u32 $0x2300, v48;
	[tilespmem:v58+s12+$0x0] =	vst.idx.msk $0xffff, v43  }
0x32f: {  	p0 =	slt.u32 s17, $0x3C;
	[tilespmem:v59+s12+$0x0] =	vst.idx.msk $0xffff, v1;
	v1 =	vor.u32 $0x2380, v48  }
.Ltmp7:
0x330: {  	[tilespmem:v60+s12+$0x0] =	vst.idx.msk $0xffff, v47;
	(pc) =	sbr.rel @p0 .LBB2_16-.Ltmp7, $4  }
0x331: {  	[tilespmem:v61+s12+$0x0] =	vst.idx.msk $0xffff, v49  }
0x332: {  	[tilespmem:v62+s12+$0x0] =	vst.idx.msk $0xffff, v3  }
0x333: {  	[tilespmem:v63+s12+$0x0] =	vst.idx.msk $0xffff, v52  }
0x334: {  	s18 =	sadd.s32 $0x40, s18;
	s16 =	sadd.s32 $0x40, s16;
	[tilespmem:v1+s12+$0x0] =	vst.idx.msk $0xffff, v2  }
0x335: {  	s16 =	simm.s32 $0x0;
	s17 =	rddreg [dreg:$0x12]  }
0x336: {  	[hbm4b:s17+s16] =	stream.linear.scatter [tilespmem:s12], [sflag:$0x4], $0x4000, $0x38;
	[tilespmem:$0x10400] =	vst v63  }
0x337: {  	s19 =	rddreg [dreg:$0x13]  }
0x338: {  	[tilespmem:s8], [sflag:$0x2] =	stream.linear.gather [hbm4b:s19+s16], $0x4000, $0x38;
	[tilespmem:$0x10400] =	vst v63  }
0x339: {  	_ =	swait.ge [sflag:s9], $0x4000  }
0x33a: {  	[sflag:s9] =	ssyncset.done $0x0  }
0x33b: {  	[sflag:s9] =	ssyncadd.s32 $0xFFFFC000  }
0x33c: {  	_ =	swait.ge [sflag:s13], $0x4000  }
0x33d: {  	[sflag:s13] =	ssyncset.done $0x0  }
0x33e: {  	s18 =	simm.s32 $0x20;
	s17 =	simm.s32 $0xFFFFFFFC;
	[sflag:s13] =	ssyncadd.s32 $0xFFFFC000  }
.LBB2_18:
0x33f: {  	v1 =	vld [tilespmem:s18+$0xFFFFFFE0]  }
0x340: {  	v12 =	vld [tilespmem:s18+$0xFFFFFFF0];
	_ =	sdelay $0x3  }
0x341: {  	v2 =	vshll.u32 v1, $0x3  }
0x342: {  	v1 =	vand.u32 $0x7F, v1;
	v19 =	vshll.u32 v12, $0x3;
	v2 =	vand.u32 $0xFFFFFC00, v2  }
0x343: {  	v12 =	vand.u32 $0x7F, v12;
	v19 =	vand.u32 $0xFFFFFC00, v19;
	v1 =	vor.u32 v1, v2  }
0x344: {  	v12 =	vor.u32 v12, v19  }
0x345: {  	v2 =	vor.u32 $0x80, v1  }
0x346: {  	v3 =	vor.u32 $0x100, v1  }
0x347: {  	v32 =	vld [tilespmem:s18+$0x0];
	v4 =	vor.u32 $0x180, v1  }
0x348: {  	v5 =	vor.u32 $0x200, v1;
	v6 =	vld.idx.msk [tilespmem:v1+s7+$0x0], $0xffff  }
0x349: {  	v7 =	vor.u32 $0x280, v1;
	v51 =	vld.idx.msk [tilespmem:v12+s7+$0x0], $0xffff  }
0x34a: {  	v8 =	vor.u32 $0x300, v1;
	v2 =	vld.idx.msk [tilespmem:v2+s7+$0x0], $0xffff  }
0x34b: {  	v9 =	vor.u32 $0x380, v1;
	v3 =	vld.idx.msk [tilespmem:v3+s7+$0x0], $0xffff  }
0x34c: {  	v10 =	vadd.s32 $0x2000, v1;
	v4 =	vld.idx.msk [tilespmem:v4+s7+$0x0], $0xffff  }
0x34d: {  	v11 =	vadd.s32 $0x2080, v1;
	v5 =	vld.idx.msk [tilespmem:v5+s7+$0x0], $0xffff  }
0x34e: {  	v13 =	vadd.s32 $0x2100, v1;
	v7 =	vld.idx.msk [tilespmem:v7+s7+$0x0], $0xffff  }
0x34f: {  	v14 =	vadd.s32 $0x2180, v1;
	v8 =	vld.idx.msk [tilespmem:v8+s7+$0x0], $0xffff  }
0x350: {  	v17 =	vmov s16;
	v15 =	vadd.s32 $0x2200, v1;
	v9 =	vld.idx.msk [tilespmem:v9+s7+$0x0], $0xffff  }
0x351: {  	v20 =	vor.u32 s16, v0;
	v17 =	vshll.u32 v17, $0x3;
	v16 =	vadd.s32 $0x2280, v1;
	v10 =	vld.idx.msk [tilespmem:v10+s7+$0x0], $0xffff  }
0x352: {  	v49 =	vand.u32 $0x4F, v20;
	v50 =	vand.u32 $0x1C00, v17;
	v18 =	vadd.s32 $0x2300, v1;
	v11 =	vld.idx.msk [tilespmem:v11+s7+$0x0], $0xffff  }
0x353: {  	v20 =	vor.u32 v49, v50;
	v1 =	vadd.s32 $0x2380, v1;
	v13 =	vld.idx.msk [tilespmem:v13+s7+$0x0], $0xffff  }
0x354: {  	v23 =	vor.u32 $0x80, v20;
	v21 =	vor.u32 $0x80, v12;
	v14 =	vld.idx.msk [tilespmem:v14+s7+$0x0], $0xffff  }
0x355: {  	v25 =	vor.u32 $0x100, v20;
	v22 =	vor.u32 $0x100, v12;
	v15 =	vld.idx.msk [tilespmem:v15+s7+$0x0], $0xffff  }
0x356: {  	v17 =	vor.u32 v17, v49;
	v27 =	vor.u32 $0x180, v20;
	v24 =	vor.u32 $0x180, v12;
	v16 =	vld.idx.msk [tilespmem:v16+s7+$0x0], $0xffff  }
0x357: {  	v28 =	vor.u32 $0x200, v17;
	v30 =	vor.u32 $0x300, v12;
	v18 =	vld.idx.msk [tilespmem:v18+s7+$0x0], $0xffff  }
0x358: {  	v52 =	vor.u32 $0x280, v17;
	v34 =	vadd.s32 $0x2280, v12;
	v1 =	vld.idx.msk [tilespmem:v1+s7+$0x0], $0xffff;
	[tilespmem:v20+s10+$0x0] =	vst.idx.msk $0xffff, v6  }
0x359: {  	v26 =	vor.u32 $0x200, v12;
	v21 =	vld.idx.msk [tilespmem:v21+s7+$0x0], $0xffff;
	[tilespmem:v23+s10+$0x0] =	vst.idx.msk $0xffff, v2;
	v2 =	vor.u32 $0x300, v17  }
0x35a: {  	s19 =	sadd.s32 $0x10, s16;
	v55 =	vadd.s32 $0x2000, v12;
	v22 =	vld.idx.msk [tilespmem:v22+s7+$0x0], $0xffff;
	[tilespmem:v25+s10+$0x0] =	vst.idx.msk $0xffff, v3;
	v3 =	vor.u32 $0x380, v17  }
0x35b: {  	v36 =	vor.u32 s19, v0;
	v56 =	vor.u32 $0x2000, v20;
	v31 =	vadd.s32 $0x2080, v12;
	v53 =	vld.idx.msk [tilespmem:v24+s7+$0x0], $0xffff;
	[tilespmem:v27+s10+$0x0] =	vst.idx.msk $0xffff, v4  }
0x35c: {  	v60 =	vor.u32 $0x2200, v17;
	v57 =	vor.u32 $0x2080, v20;
	v29 =	vor.u32 $0x280, v12;
	v30 =	vld.idx.msk [tilespmem:v30+s7+$0x0], $0xffff;
	[tilespmem:v28+s10+$0x0] =	vst.idx.msk $0xffff, v5  }
0x35d: {  	v61 =	vor.u32 $0x2280, v17;
	v58 =	vor.u32 $0x2100, v20;
	v33 =	vadd.s32 $0x2180, v12;
	v6 =	vld.idx.msk [tilespmem:v34+s7+$0x0], $0xffff;
	[tilespmem:v52+s10+$0x0] =	vst.idx.msk $0xffff, v7  }
0x35e: {  	v38 =	vshll.u32 v32, $0x3;
	v37 =	vadd.s32 $0x2300, v12;
	v20 =	vor.u32 $0x2180, v20;
	v25 =	vld.idx.msk [tilespmem:v26+s7+$0x0], $0xffff;
	[tilespmem:v2+s10+$0x0] =	vst.idx.msk $0xffff, v8  }
0x35f: {  	v39 =	vand.u32 $0x7F, v32;
	v40 =	vand.u32 $0xFFFFFC00, v38;
	v54 =	vor.u32 $0x380, v12;
	v26 =	vld.idx.msk [tilespmem:v55+s7+$0x0], $0xffff;
	[tilespmem:v3+s10+$0x0] =	vst.idx.msk $0xffff, v9  }
0x360: {  	v62 =	vor.u32 $0x2380, v17;
	v4 =	vld.idx.msk [tilespmem:v31+s7+$0x0], $0xffff;
	v27 =	vor.u32 v39, v40;
	v3 =	vmov s19;
	[tilespmem:v56+s10+$0x0] =	vst.idx.msk $0xffff, v10  }
0x361: {  	v59 =	vadd.s32 $0x2100, v12;
	v28 =	vld.idx.msk [tilespmem:v29+s7+$0x0], $0xffff;
	v2 =	vor.u32 $0x2300, v17;
	v3 =	vshll.u32 v3, $0x3;
	[tilespmem:v57+s10+$0x0] =	vst.idx.msk $0xffff, v11  }
0x362: {  	v63 =	vadd.s32 $0x2200, v12;
	v5 =	vld.idx.msk [tilespmem:v33+s7+$0x0], $0xffff;
	v9 =	vand.u32 $0x5F, v36;
	v41 =	vand.u32 $0x1C00, v3;
	[tilespmem:v58+s10+$0x0] =	vst.idx.msk $0xffff, v13  }
0x363: {  	v12 =	vadd.s32 $0x2380, v12;
	v7 =	vld.idx.msk [tilespmem:v37+s7+$0x0], $0xffff;
	v13 =	vor.u32 v9, v41;
	[tilespmem:v20+s10+$0x0] =	vst.idx.msk $0xffff, v14  }
0x364: {  	v46 =	vor.u32 $0x180, v27;
	v17 =	vld.idx.msk [tilespmem:v54+s7+$0x0], $0xffff;
	v43 =	vor.u32 $0x80, v13;
	[tilespmem:v60+s10+$0x0] =	vst.idx.msk $0xffff, v15  }
0x365: {  	v29 =	vor.u32 $0x280, v27;
	v8 =	vld.idx.msk [tilespmem:v27+s7+$0x0], $0xffff;
	v45 =	vor.u32 $0x100, v13;
	[tilespmem:v61+s10+$0x0] =	vst.idx.msk $0xffff, v16  }
0x366: {  	v55 =	vadd.s32 $0x2000, v27;
	v11 =	vld.idx.msk [tilespmem:v59+s7+$0x0], $0xffff;
	v47 =	vor.u32 $0x180, v13;
	[tilespmem:v2+s10+$0x0] =	vst.idx.msk $0xffff, v18  }
0x367: {  	v14 =	vld.idx.msk [tilespmem:v63+s7+$0x0], $0xffff;
	[tilespmem:v62+s10+$0x0] =	vst.idx.msk $0xffff, v1;
	v1 =	vor.u32 $0x200, v13  }
0x368: {  	v44 =	vor.u32 $0x100, v27;
	v49 =	vor.u32 $0x280, v13;
	v2 =	vld.idx.msk [tilespmem:v12+s7+$0x0], $0xffff;
	[tilespmem:v13+s10+$0x0] =	vst.idx.msk $0xffff, v51  }
0x369: {  	v42 =	vor.u32 $0x80, v27;
	v3 =	vor.u32 v9, v3;
	v10 =	vld.idx.msk [tilespmem:v46+s7+$0x0], $0xffff;
	v50 =	vor.u32 $0x300, v13;
	[tilespmem:v43+s10+$0x0] =	vst.idx.msk $0xffff, v21  }
0x36a: {  	v52 =	vor.u32 $0x380, v27;
	v29 =	vld.idx.msk [tilespmem:v29+s7+$0x0], $0xffff;
	v3 =	vor.u32 $0x380, v3;
	[tilespmem:v45+s10+$0x0] =	vst.idx.msk $0xffff, v22  }
0x36b: {  	v48 =	vor.u32 $0x200, v27;
	v38 =	vld.idx.msk [tilespmem:v55+s7+$0x0], $0xffff;
	[tilespmem:v47+s10+$0x0] =	vst.idx.msk $0xffff, v53;
	v53 =	vor.u32 $0x2000, v13  }
0x36c: {  	v39 =	vadd.s32 $0x2280, v27;
	v58 =	vld [tilespmem:s18+$0x10];
	v54 =	vor.u32 $0x2080, v13;
	v51 =	vor.u32 $0x300, v27;
	[tilespmem:v1+s10+$0x0] =	vst.idx.msk $0xffff, v25  }
0x36d: {  	v40 =	vadd.s32 $0x2300, v27;
	v57 =	vadd.s32 $0x2080, v27;
	v9 =	vld.idx.msk [tilespmem:v44+s7+$0x0], $0xffff;
	v1 =	vor.u32 $0x2100, v13;
	[tilespmem:v49+s10+$0x0] =	vst.idx.msk $0xffff, v28  }
0x36e: {  	v37 =	vadd.s32 $0x2200, v27;
	s19 =	sadd.s32 $0x20, s16;
	v20 =	vld.idx.msk [tilespmem:v42+s7+$0x0], $0xffff;
	v56 =	vor.u32 $0x2180, v13;
	v61 =	vadd.s32 $0x2100, v27;
	[tilespmem:v50+s10+$0x0] =	vst.idx.msk $0xffff, v30  }
0x36f: {  	v36 =	vor.u32 s19, v0;
	v59 =	vor.u32 $0x2200, v13;
	v63 =	vadd.s32 $0x2180, v27;
	v16 =	vld.idx.msk [tilespmem:v52+s7+$0x0], $0xffff;
	[tilespmem:v3+s10+$0x0] =	vst.idx.msk $0xffff, v17  }
0x370: {  	v60 =	vor.u32 $0x2280, v13;
	v18 =	vld.idx.msk [tilespmem:v48+s7+$0x0], $0xffff;
	v62 =	vor.u32 $0x2300, v13;
	v3 =	vmov s19;
	[tilespmem:v53+s10+$0x0] =	vst.idx.msk $0xffff, v26  }
0x371: {  	v27 =	vadd.s32 $0x2380, v27;
	v41 =	vshll.u32 v58, $0x3;
	v21 =	vld.idx.msk [tilespmem:v51+s7+$0x0], $0xffff;
	v3 =	vshll.u32 v3, $0x3;
	[tilespmem:v54+s10+$0x0] =	vst.idx.msk $0xffff, v4  }
0x372: {  	v13 =	vor.u32 $0x2380, v13;
	v17 =	vand.u32 $0x6F, v36;
	v4 =	vld.idx.msk [tilespmem:v57+s7+$0x0], $0xffff;
	v42 =	vand.u32 $0x1C00, v3;
	[tilespmem:v1+s10+$0x0] =	vst.idx.msk $0xffff, v11  }
0x373: {  	v43 =	vand.u32 $0x7F, v58;
	v22 =	vand.u32 $0xFFFFFC00, v41;
	v1 =	vld.idx.msk [tilespmem:v61+s7+$0x0], $0xffff;
	v11 =	vor.u32 v17, v42;
	[tilespmem:v56+s10+$0x0] =	vst.idx.msk $0xffff, v5  }
0x374: {  	v22 =	vor.u32 v43, v22;
	v5 =	vld.idx.msk [tilespmem:v63+s7+$0x0], $0xffff;
	v44 =	vor.u32 $0x80, v11;
	[tilespmem:v59+s10+$0x0] =	vst.idx.msk $0xffff, v14  }
0x375: {  	v48 =	vor.u32 $0x180, v22;
	v46 =	vor.u32 $0x100, v11;
	v14 =	vld.idx.msk [tilespmem:v37+s7+$0x0], $0xffff;
	[tilespmem:v60+s10+$0x0] =	vst.idx.msk $0xffff, v6  }
0x376: {  	v55 =	vor.u32 $0x380, v22;
	v47 =	vor.u32 $0x180, v11;
	v6 =	vld.idx.msk [tilespmem:v39+s7+$0x0], $0xffff;
	[tilespmem:v62+s10+$0x0] =	vst.idx.msk $0xffff, v7  }
0x377: {  	v45 =	vor.u32 $0x80, v22;
	v49 =	vor.u32 $0x200, v11;
	v7 =	vld.idx.msk [tilespmem:v40+s7+$0x0], $0xffff;
	[tilespmem:v13+s10+$0x0] =	vst.idx.msk $0xffff, v2  }
0x378: {  	v50 =	vor.u32 $0x200, v22;
	v51 =	vor.u32 $0x280, v11;
	v2 =	vld.idx.msk [tilespmem:v27+s7+$0x0], $0xffff;
	[tilespmem:v11+s10+$0x0] =	vst.idx.msk $0xffff, v8  }
0x379: {  	v52 =	vor.u32 $0x280, v22;
	v28 =	vld.idx.msk [tilespmem:v22+s7+$0x0], $0xffff;
	v3 =	vor.u32 v17, v3;
	v53 =	vor.u32 $0x300, v11;
	[tilespmem:v44+s10+$0x0] =	vst.idx.msk $0xffff, v20  }
0x37a: {  	v15 =	vld.idx.msk [tilespmem:v48+s7+$0x0], $0xffff;
	v57 =	vadd.s32 $0x2000, v22;
	v3 =	vor.u32 $0x380, v3;
	[tilespmem:v46+s10+$0x0] =	vst.idx.msk $0xffff, v9  }
0x37b: {  	v23 =	vld.idx.msk [tilespmem:v55+s7+$0x0], $0xffff;
	v54 =	vor.u32 $0x300, v22;
	v56 =	vor.u32 $0x2000, v11;
	[tilespmem:v47+s10+$0x0] =	vst.idx.msk $0xffff, v10  }
0x37c: {  	v25 =	vor.u32 $0x100, v22;
	v17 =	vld.idx.msk [tilespmem:v45+s7+$0x0], $0xffff;
	v58 =	vor.u32 $0x2080, v11;
	[tilespmem:v49+s10+$0x0] =	vst.idx.msk $0xffff, v18  }
0x37d: {  	s19 =	sadd.s32 $0x30, s16;
	v61 =	vor.u32 $0x2100, v11;
	v59 =	vld.idx.msk [tilespmem:v50+s7+$0x0], $0xffff;
	v60 =	vadd.s32 $0x2080, v22;
	[tilespmem:v51+s10+$0x0] =	vst.idx.msk $0xffff, v29  }
0x37e: {  	v35 =	vadd.s32 $0x2180, v22;
	v42 =	vor.u32 s19, v0;
	v33 =	vor.u32 $0x2180, v11;
	v62 =	vld.idx.msk [tilespmem:v52+s7+$0x0], $0xffff;
	[tilespmem:v53+s10+$0x0] =	vst.idx.msk $0xffff, v21  }
0x37f: {  	v63 =	vadd.s32 $0x2100, v22;
	v34 =	vor.u32 $0x2200, v11;
	v37 =	vadd.s32 $0x2200, v22;
	v40 =	vld.idx.msk [tilespmem:v57+s7+$0x0], $0xffff;
	[tilespmem:v3+s10+$0x0] =	vst.idx.msk $0xffff, v16  }
0x380: {  	v39 =	vmov s19;
	v20 =	vld.idx.msk [tilespmem:v54+s7+$0x0], $0xffff;
	v44 =	vadd.s32 $0x2300, v22;
	v3 =	vor.u32 $0x2280, v11;
	[tilespmem:v56+s10+$0x0] =	vst.idx.msk $0xffff, v38  }
0x381: {  	v36 =	vor.u32 $0x2300, v11;
	v9 =	vld.idx.msk [tilespmem:v25+s7+$0x0], $0xffff;
	v38 =	vor.u32 $0x2380, v11;
	v11 =	vshll.u32 v39, $0x3;
	[tilespmem:v58+s10+$0x0] =	vst.idx.msk $0xffff, v4  }
0x382: {  	v41 =	vadd.s32 $0x2280, v22;
	v43 =	vld.idx.msk [tilespmem:v60+s7+$0x0], $0xffff;
	v4 =	vand.u32 $0x7F, v42;
	v46 =	vand.u32 $0x1C00, v11;
	[tilespmem:v61+s10+$0x0] =	vst.idx.msk $0xffff, v1  }
0x383: {  	v45 =	vadd.s32 $0x2380, v22;
	v47 =	vld.idx.msk [tilespmem:v35+s7+$0x0], $0xffff;
	v48 =	vor.u32 v4, v46;
	[tilespmem:v33+s10+$0x0] =	vst.idx.msk $0xffff, v5  }
0x384: {  	v49 =	vld.idx.msk [tilespmem:v37+s7+$0x0], $0xffff;
	v50 =	vor.u32 $0x80, v48;
	[tilespmem:v34+s10+$0x0] =	vst.idx.msk $0xffff, v14  }
0x385: {  	v52 =	vld.idx.msk [tilespmem:v44+s7+$0x0], $0xffff;
	v51 =	vor.u32 $0x100, v48;
	[tilespmem:v3+s10+$0x0] =	vst.idx.msk $0xffff, v6  }
0x386: {  	v1 =	vld.idx.msk [tilespmem:v63+s7+$0x0], $0xffff;
	v53 =	vor.u32 $0x180, v48;
	[tilespmem:v36+s10+$0x0] =	vst.idx.msk $0xffff, v7  }
0x387: {  	v54 =	vor.u32 $0x200, v48;
	v3 =	vld.idx.msk [tilespmem:v41+s7+$0x0], $0xffff;
	[tilespmem:v38+s10+$0x0] =	vst.idx.msk $0xffff, v2  }
0x388: {  	v55 =	vor.u32 $0x280, v48;
	v2 =	vld.idx.msk [tilespmem:v45+s7+$0x0], $0xffff;
	[tilespmem:v48+s10+$0x0] =	vst.idx.msk $0xffff, v28  }
0x389: {  	v4 =	vor.u32 v4, v11;
	v56 =	vor.u32 $0x300, v48;
	[tilespmem:v50+s10+$0x0] =	vst.idx.msk $0xffff, v17  }
0x38a: {  	v4 =	vor.u32 $0x380, v4;
	[tilespmem:v51+s10+$0x0] =	vst.idx.msk $0xffff, v9  }
0x38b: {  	v57 =	vor.u32 $0x2000, v48;
	[tilespmem:v53+s10+$0x0] =	vst.idx.msk $0xffff, v15  }
0x38c: {  	v58 =	vor.u32 $0x2080, v48;
	[tilespmem:v54+s10+$0x0] =	vst.idx.msk $0xffff, v59  }
0x38d: {  	v59 =	vor.u32 $0x2100, v48;
	[tilespmem:v55+s10+$0x0] =	vst.idx.msk $0xffff, v62  }
0x38e: {  	v60 =	vor.u32 $0x2180, v48;
	[tilespmem:v56+s10+$0x0] =	vst.idx.msk $0xffff, v20  }
0x38f: {  	v61 =	vor.u32 $0x2200, v48;
	[tilespmem:v4+s10+$0x0] =	vst.idx.msk $0xffff, v23  }
0x390: {  	v62 =	vor.u32 $0x2280, v48;
	[tilespmem:v57+s10+$0x0] =	vst.idx.msk $0xffff, v40  }
0x391: {  	s17 =	sadd.s32 $0x4, s17;
	v63 =	vor.u32 $0x2300, v48;
	[tilespmem:v58+s10+$0x0] =	vst.idx.msk $0xffff, v43  }
0x392: {  	p0 =	slt.u32 s17, $0x3C;
	[tilespmem:v59+s10+$0x0] =	vst.idx.msk $0xffff, v1;
	v1 =	vor.u32 $0x2380, v48  }
.Ltmp8:
0x393: {  	[tilespmem:v60+s10+$0x0] =	vst.idx.msk $0xffff, v47;
	(pc) =	sbr.rel @p0 .LBB2_18-.Ltmp8, $4  }
0x394: {  	[tilespmem:v61+s10+$0x0] =	vst.idx.msk $0xffff, v49  }
0x395: {  	[tilespmem:v62+s10+$0x0] =	vst.idx.msk $0xffff, v3  }
0x396: {  	[tilespmem:v63+s10+$0x0] =	vst.idx.msk $0xffff, v52  }
0x397: {  	s18 =	sadd.s32 $0x40, s18;
	s16 =	sadd.s32 $0x40, s16;
	[tilespmem:v1+s10+$0x0] =	vst.idx.msk $0xffff, v2  }
0x398: {  	s16 =	simm.s32 $0x0;
	s17 =	rddreg [dreg:$0x14]  }
0x399: {  	[hbm4b:s17+s16] =	stream.linear.scatter [tilespmem:s10], [sflag:$0x3], $0x4000, $0x38;
	[tilespmem:$0x10400] =	vst v63  }
0x39a: {  	_ = 	snop  }
0x39b: {  	[tilespmem:s7], [sflag:$0x1] =	stream.linear.gather [hbm4b:s20+s16], $0x4000, $0x38;
	[tilespmem:$0x10400] =	vst v63  }
0x39c: {  	_ =	swait.ge [sflag:s11], $0x4000  }
0x39d: {  	[sflag:s11] =	ssyncset.done $0x0  }
0x39e: {  	[sflag:s11] =	ssyncadd.s32 $0xFFFFC000  }
0x39f: {  	_ =	swait.ge [sflag:s14], $0x4000  }
0x3a0: {  	[sflag:s14] =	ssyncset.done $0x0  }
0x3a1: {  	s18 =	simm.s32 $0x20;
	s17 =	simm.s32 $0xFFFFFFFC;
	[sflag:s14] =	ssyncadd.s32 $0xFFFFC000  }
.LBB2_20:
0x3a2: {  	v1 =	vld [tilespmem:s18+$0xFFFFFFE0]  }
0x3a3: {  	v12 =	vld [tilespmem:s18+$0xFFFFFFF0];
	_ =	sdelay $0x3  }
0x3a4: {  	v2 =	vshll.u32 v1, $0x3  }
0x3a5: {  	v1 =	vand.u32 $0x7F, v1;
	v19 =	vshll.u32 v12, $0x3;
	v2 =	vand.u32 $0xFFFFFC00, v2  }
0x3a6: {  	v12 =	vand.u32 $0x7F, v12;
	v19 =	vand.u32 $0xFFFFFC00, v19;
	v1 =	vor.u32 v1, v2  }
0x3a7: {  	v12 =	vor.u32 v12, v19  }
0x3a8: {  	v2 =	vor.u32 $0x80, v1  }
0x3a9: {  	v3 =	vor.u32 $0x100, v1  }
0x3aa: {  	v32 =	vld [tilespmem:s18+$0x0];
	v4 =	vor.u32 $0x180, v1  }
0x3ab: {  	v5 =	vor.u32 $0x200, v1;
	v6 =	vld.idx.msk [tilespmem:v1+s8+$0x0], $0xffff  }
0x3ac: {  	v7 =	vor.u32 $0x280, v1;
	v51 =	vld.idx.msk [tilespmem:v12+s8+$0x0], $0xffff  }
0x3ad: {  	v8 =	vor.u32 $0x300, v1;
	v2 =	vld.idx.msk [tilespmem:v2+s8+$0x0], $0xffff  }
0x3ae: {  	v9 =	vor.u32 $0x380, v1;
	v3 =	vld.idx.msk [tilespmem:v3+s8+$0x0], $0xffff  }
0x3af: {  	v10 =	vadd.s32 $0x2000, v1;
	v4 =	vld.idx.msk [tilespmem:v4+s8+$0x0], $0xffff  }
0x3b0: {  	v11 =	vadd.s32 $0x2080, v1;
	v5 =	vld.idx.msk [tilespmem:v5+s8+$0x0], $0xffff  }
0x3b1: {  	v13 =	vadd.s32 $0x2100, v1;
	v7 =	vld.idx.msk [tilespmem:v7+s8+$0x0], $0xffff  }
0x3b2: {  	v14 =	vadd.s32 $0x2180, v1;
	v8 =	vld.idx.msk [tilespmem:v8+s8+$0x0], $0xffff  }
0x3b3: {  	v17 =	vmov s16;
	v15 =	vadd.s32 $0x2200, v1;
	v9 =	vld.idx.msk [tilespmem:v9+s8+$0x0], $0xffff  }
0x3b4: {  	v20 =	vor.u32 s16, v0;
	v17 =	vshll.u32 v17, $0x3;
	v16 =	vadd.s32 $0x2280, v1;
	v10 =	vld.idx.msk [tilespmem:v10+s8+$0x0], $0xffff  }
0x3b5: {  	v49 =	vand.u32 $0x4F, v20;
	v50 =	vand.u32 $0x1C00, v17;
	v18 =	vadd.s32 $0x2300, v1;
	v11 =	vld.idx.msk [tilespmem:v11+s8+$0x0], $0xffff  }
0x3b6: {  	v20 =	vor.u32 v49, v50;
	v1 =	vadd.s32 $0x2380, v1;
	v13 =	vld.idx.msk [tilespmem:v13+s8+$0x0], $0xffff  }
0x3b7: {  	v23 =	vor.u32 $0x80, v20;
	v21 =	vor.u32 $0x80, v12;
	v14 =	vld.idx.msk [tilespmem:v14+s8+$0x0], $0xffff  }
0x3b8: {  	v25 =	vor.u32 $0x100, v20;
	v22 =	vor.u32 $0x100, v12;
	v15 =	vld.idx.msk [tilespmem:v15+s8+$0x0], $0xffff  }
0x3b9: {  	v17 =	vor.u32 v17, v49;
	v27 =	vor.u32 $0x180, v20;
	v24 =	vor.u32 $0x180, v12;
	v16 =	vld.idx.msk [tilespmem:v16+s8+$0x0], $0xffff  }
0x3ba: {  	v28 =	vor.u32 $0x200, v17;
	v30 =	vor.u32 $0x300, v12;
	v18 =	vld.idx.msk [tilespmem:v18+s8+$0x0], $0xffff  }
0x3bb: {  	v52 =	vor.u32 $0x280, v17;
	v34 =	vadd.s32 $0x2280, v12;
	v1 =	vld.idx.msk [tilespmem:v1+s8+$0x0], $0xffff;
	[tilespmem:v20+s12+$0x0] =	vst.idx.msk $0xffff, v6  }
0x3bc: {  	v26 =	vor.u32 $0x200, v12;
	v21 =	vld.idx.msk [tilespmem:v21+s8+$0x0], $0xffff;
	[tilespmem:v23+s12+$0x0] =	vst.idx.msk $0xffff, v2;
	v2 =	vor.u32 $0x300, v17  }
0x3bd: {  	s19 =	sadd.s32 $0x10, s16;
	v55 =	vadd.s32 $0x2000, v12;
	v22 =	vld.idx.msk [tilespmem:v22+s8+$0x0], $0xffff;
	[tilespmem:v25+s12+$0x0] =	vst.idx.msk $0xffff, v3;
	v3 =	vor.u32 $0x380, v17  }
0x3be: {  	v36 =	vor.u32 s19, v0;
	v56 =	vor.u32 $0x2000, v20;
	v31 =	vadd.s32 $0x2080, v12;
	v53 =	vld.idx.msk [tilespmem:v24+s8+$0x0], $0xffff;
	[tilespmem:v27+s12+$0x0] =	vst.idx.msk $0xffff, v4  }
0x3bf: {  	v60 =	vor.u32 $0x2200, v17;
	v57 =	vor.u32 $0x2080, v20;
	v29 =	vor.u32 $0x280, v12;
	v30 =	vld.idx.msk [tilespmem:v30+s8+$0x0], $0xffff;
	[tilespmem:v28+s12+$0x0] =	vst.idx.msk $0xffff, v5  }
0x3c0: {  	v61 =	vor.u32 $0x2280, v17;
	v58 =	vor.u32 $0x2100, v20;
	v33 =	vadd.s32 $0x2180, v12;
	v6 =	vld.idx.msk [tilespmem:v34+s8+$0x0], $0xffff;
	[tilespmem:v52+s12+$0x0] =	vst.idx.msk $0xffff, v7  }
0x3c1: {  	v38 =	vshll.u32 v32, $0x3;
	v37 =	vadd.s32 $0x2300, v12;
	v20 =	vor.u32 $0x2180, v20;
	v25 =	vld.idx.msk [tilespmem:v26+s8+$0x0], $0xffff;
	[tilespmem:v2+s12+$0x0] =	vst.idx.msk $0xffff, v8  }
0x3c2: {  	v39 =	vand.u32 $0x7F, v32;
	v40 =	vand.u32 $0xFFFFFC00, v38;
	v54 =	vor.u32 $0x380, v12;
	v26 =	vld.idx.msk [tilespmem:v55+s8+$0x0], $0xffff;
	[tilespmem:v3+s12+$0x0] =	vst.idx.msk $0xffff, v9  }
0x3c3: {  	v62 =	vor.u32 $0x2380, v17;
	v4 =	vld.idx.msk [tilespmem:v31+s8+$0x0], $0xffff;
	v27 =	vor.u32 v39, v40;
	v3 =	vmov s19;
	[tilespmem:v56+s12+$0x0] =	vst.idx.msk $0xffff, v10  }
0x3c4: {  	v59 =	vadd.s32 $0x2100, v12;
	v28 =	vld.idx.msk [tilespmem:v29+s8+$0x0], $0xffff;
	v2 =	vor.u32 $0x2300, v17;
	v3 =	vshll.u32 v3, $0x3;
	[tilespmem:v57+s12+$0x0] =	vst.idx.msk $0xffff, v11  }
0x3c5: {  	v63 =	vadd.s32 $0x2200, v12;
	v5 =	vld.idx.msk [tilespmem:v33+s8+$0x0], $0xffff;
	v9 =	vand.u32 $0x5F, v36;
	v41 =	vand.u32 $0x1C00, v3;
	[tilespmem:v58+s12+$0x0] =	vst.idx.msk $0xffff, v13  }
0x3c6: {  	v12 =	vadd.s32 $0x2380, v12;
	v7 =	vld.idx.msk [tilespmem:v37+s8+$0x0], $0xffff;
	v13 =	vor.u32 v9, v41;
	[tilespmem:v20+s12+$0x0] =	vst.idx.msk $0xffff, v14  }
0x3c7: {  	v46 =	vor.u32 $0x180, v27;
	v17 =	vld.idx.msk [tilespmem:v54+s8+$0x0], $0xffff;
	v43 =	vor.u32 $0x80, v13;
	[tilespmem:v60+s12+$0x0] =	vst.idx.msk $0xffff, v15  }
0x3c8: {  	v29 =	vor.u32 $0x280, v27;
	v8 =	vld.idx.msk [tilespmem:v27+s8+$0x0], $0xffff;
	v45 =	vor.u32 $0x100, v13;
	[tilespmem:v61+s12+$0x0] =	vst.idx.msk $0xffff, v16  }
0x3c9: {  	v55 =	vadd.s32 $0x2000, v27;
	v11 =	vld.idx.msk [tilespmem:v59+s8+$0x0], $0xffff;
	v47 =	vor.u32 $0x180, v13;
	[tilespmem:v2+s12+$0x0] =	vst.idx.msk $0xffff, v18  }
0x3ca: {  	v14 =	vld.idx.msk [tilespmem:v63+s8+$0x0], $0xffff;
	[tilespmem:v62+s12+$0x0] =	vst.idx.msk $0xffff, v1;
	v1 =	vor.u32 $0x200, v13  }
0x3cb: {  	v44 =	vor.u32 $0x100, v27;
	v49 =	vor.u32 $0x280, v13;
	v2 =	vld.idx.msk [tilespmem:v12+s8+$0x0], $0xffff;
	[tilespmem:v13+s12+$0x0] =	vst.idx.msk $0xffff, v51  }
0x3cc: {  	v42 =	vor.u32 $0x80, v27;
	v3 =	vor.u32 v9, v3;
	v10 =	vld.idx.msk [tilespmem:v46+s8+$0x0], $0xffff;
	v50 =	vor.u32 $0x300, v13;
	[tilespmem:v43+s12+$0x0] =	vst.idx.msk $0xffff, v21  }
0x3cd: {  	v52 =	vor.u32 $0x380, v27;
	v29 =	vld.idx.msk [tilespmem:v29+s8+$0x0], $0xffff;
	v3 =	vor.u32 $0x380, v3;
	[tilespmem:v45+s12+$0x0] =	vst.idx.msk $0xffff, v22  }
0x3ce: {  	v48 =	vor.u32 $0x200, v27;
	v38 =	vld.idx.msk [tilespmem:v55+s8+$0x0], $0xffff;
	[tilespmem:v47+s12+$0x0] =	vst.idx.msk $0xffff, v53;
	v53 =	vor.u32 $0x2000, v13  }
0x3cf: {  	v39 =	vadd.s32 $0x2280, v27;
	v58 =	vld [tilespmem:s18+$0x10];
	v54 =	vor.u32 $0x2080, v13;
	v51 =	vor.u32 $0x300, v27;
	[tilespmem:v1+s12+$0x0] =	vst.idx.msk $0xffff, v25  }
0x3d0: {  	v40 =	vadd.s32 $0x2300, v27;
	v57 =	vadd.s32 $0x2080, v27;
	v9 =	vld.idx.msk [tilespmem:v44+s8+$0x0], $0xffff;
	v1 =	vor.u32 $0x2100, v13;
	[tilespmem:v49+s12+$0x0] =	vst.idx.msk $0xffff, v28  }
0x3d1: {  	v37 =	vadd.s32 $0x2200, v27;
	s19 =	sadd.s32 $0x20, s16;
	v20 =	vld.idx.msk [tilespmem:v42+s8+$0x0], $0xffff;
	v56 =	vor.u32 $0x2180, v13;
	v61 =	vadd.s32 $0x2100, v27;
	[tilespmem:v50+s12+$0x0] =	vst.idx.msk $0xffff, v30  }
0x3d2: {  	v36 =	vor.u32 s19, v0;
	v59 =	vor.u32 $0x2200, v13;
	v63 =	vadd.s32 $0x2180, v27;
	v16 =	vld.idx.msk [tilespmem:v52+s8+$0x0], $0xffff;
	[tilespmem:v3+s12+$0x0] =	vst.idx.msk $0xffff, v17  }
0x3d3: {  	v60 =	vor.u32 $0x2280, v13;
	v18 =	vld.idx.msk [tilespmem:v48+s8+$0x0], $0xffff;
	v62 =	vor.u32 $0x2300, v13;
	v3 =	vmov s19;
	[tilespmem:v53+s12+$0x0] =	vst.idx.msk $0xffff, v26  }
0x3d4: {  	v27 =	vadd.s32 $0x2380, v27;
	v41 =	vshll.u32 v58, $0x3;
	v21 =	vld.idx.msk [tilespmem:v51+s8+$0x0], $0xffff;
	v3 =	vshll.u32 v3, $0x3;
	[tilespmem:v54+s12+$0x0] =	vst.idx.msk $0xffff, v4  }
0x3d5: {  	v13 =	vor.u32 $0x2380, v13;
	v17 =	vand.u32 $0x6F, v36;
	v4 =	vld.idx.msk [tilespmem:v57+s8+$0x0], $0xffff;
	v42 =	vand.u32 $0x1C00, v3;
	[tilespmem:v1+s12+$0x0] =	vst.idx.msk $0xffff, v11  }
0x3d6: {  	v43 =	vand.u32 $0x7F, v58;
	v22 =	vand.u32 $0xFFFFFC00, v41;
	v1 =	vld.idx.msk [tilespmem:v61+s8+$0x0], $0xffff;
	v11 =	vor.u32 v17, v42;
	[tilespmem:v56+s12+$0x0] =	vst.idx.msk $0xffff, v5  }
0x3d7: {  	v22 =	vor.u32 v43, v22;
	v5 =	vld.idx.msk [tilespmem:v63+s8+$0x0], $0xffff;
	v44 =	vor.u32 $0x80, v11;
	[tilespmem:v59+s12+$0x0] =	vst.idx.msk $0xffff, v14  }
0x3d8: {  	v48 =	vor.u32 $0x180, v22;
	v46 =	vor.u32 $0x100, v11;
	v14 =	vld.idx.msk [tilespmem:v37+s8+$0x0], $0xffff;
	[tilespmem:v60+s12+$0x0] =	vst.idx.msk $0xffff, v6  }
0x3d9: {  	v55 =	vor.u32 $0x380, v22;
	v47 =	vor.u32 $0x180, v11;
	v6 =	vld.idx.msk [tilespmem:v39+s8+$0x0], $0xffff;
	[tilespmem:v62+s12+$0x0] =	vst.idx.msk $0xffff, v7  }
0x3da: {  	v45 =	vor.u32 $0x80, v22;
	v49 =	vor.u32 $0x200, v11;
	v7 =	vld.idx.msk [tilespmem:v40+s8+$0x0], $0xffff;
	[tilespmem:v13+s12+$0x0] =	vst.idx.msk $0xffff, v2  }
0x3db: {  	v50 =	vor.u32 $0x200, v22;
	v51 =	vor.u32 $0x280, v11;
	v2 =	vld.idx.msk [tilespmem:v27+s8+$0x0], $0xffff;
	[tilespmem:v11+s12+$0x0] =	vst.idx.msk $0xffff, v8  }
0x3dc: {  	v52 =	vor.u32 $0x280, v22;
	v28 =	vld.idx.msk [tilespmem:v22+s8+$0x0], $0xffff;
	v3 =	vor.u32 v17, v3;
	v53 =	vor.u32 $0x300, v11;
	[tilespmem:v44+s12+$0x0] =	vst.idx.msk $0xffff, v20  }
0x3dd: {  	v15 =	vld.idx.msk [tilespmem:v48+s8+$0x0], $0xffff;
	v57 =	vadd.s32 $0x2000, v22;
	v3 =	vor.u32 $0x380, v3;
	[tilespmem:v46+s12+$0x0] =	vst.idx.msk $0xffff, v9  }
0x3de: {  	v23 =	vld.idx.msk [tilespmem:v55+s8+$0x0], $0xffff;
	v54 =	vor.u32 $0x300, v22;
	v56 =	vor.u32 $0x2000, v11;
	[tilespmem:v47+s12+$0x0] =	vst.idx.msk $0xffff, v10  }
0x3df: {  	v25 =	vor.u32 $0x100, v22;
	v17 =	vld.idx.msk [tilespmem:v45+s8+$0x0], $0xffff;
	v58 =	vor.u32 $0x2080, v11;
	[tilespmem:v49+s12+$0x0] =	vst.idx.msk $0xffff, v18  }
0x3e0: {  	s19 =	sadd.s32 $0x30, s16;
	v61 =	vor.u32 $0x2100, v11;
	v59 =	vld.idx.msk [tilespmem:v50+s8+$0x0], $0xffff;
	v60 =	vadd.s32 $0x2080, v22;
	[tilespmem:v51+s12+$0x0] =	vst.idx.msk $0xffff, v29  }
0x3e1: {  	v35 =	vadd.s32 $0x2180, v22;
	v42 =	vor.u32 s19, v0;
	v33 =	vor.u32 $0x2180, v11;
	v62 =	vld.idx.msk [tilespmem:v52+s8+$0x0], $0xffff;
	[tilespmem:v53+s12+$0x0] =	vst.idx.msk $0xffff, v21  }
0x3e2: {  	v63 =	vadd.s32 $0x2100, v22;
	v34 =	vor.u32 $0x2200, v11;
	v37 =	vadd.s32 $0x2200, v22;
	v40 =	vld.idx.msk [tilespmem:v57+s8+$0x0], $0xffff;
	[tilespmem:v3+s12+$0x0] =	vst.idx.msk $0xffff, v16  }
0x3e3: {  	v39 =	vmov s19;
	v20 =	vld.idx.msk [tilespmem:v54+s8+$0x0], $0xffff;
	v44 =	vadd.s32 $0x2300, v22;
	v3 =	vor.u32 $0x2280, v11;
	[tilespmem:v56+s12+$0x0] =	vst.idx.msk $0xffff, v38  }
0x3e4: {  	v36 =	vor.u32 $0x2300, v11;
	v9 =	vld.idx.msk [tilespmem:v25+s8+$0x0], $0xffff;
	v38 =	vor.u32 $0x2380, v11;
	v11 =	vshll.u32 v39, $0x3;
	[tilespmem:v58+s12+$0x0] =	vst.idx.msk $0xffff, v4  }
0x3e5: {  	v41 =	vadd.s32 $0x2280, v22;
	v43 =	vld.idx.msk [tilespmem:v60+s8+$0x0], $0xffff;
	v4 =	vand.u32 $0x7F, v42;
	v46 =	vand.u32 $0x1C00, v11;
	[tilespmem:v61+s12+$0x0] =	vst.idx.msk $0xffff, v1  }
0x3e6: {  	v45 =	vadd.s32 $0x2380, v22;
	v47 =	vld.idx.msk [tilespmem:v35+s8+$0x0], $0xffff;
	v48 =	vor.u32 v4, v46;
	[tilespmem:v33+s12+$0x0] =	vst.idx.msk $0xffff, v5  }
0x3e7: {  	v49 =	vld.idx.msk [tilespmem:v37+s8+$0x0], $0xffff;
	v50 =	vor.u32 $0x80, v48;
	[tilespmem:v34+s12+$0x0] =	vst.idx.msk $0xffff, v14  }
0x3e8: {  	v52 =	vld.idx.msk [tilespmem:v44+s8+$0x0], $0xffff;
	v51 =	vor.u32 $0x100, v48;
	[tilespmem:v3+s12+$0x0] =	vst.idx.msk $0xffff, v6  }
0x3e9: {  	v1 =	vld.idx.msk [tilespmem:v63+s8+$0x0], $0xffff;
	v53 =	vor.u32 $0x180, v48;
	[tilespmem:v36+s12+$0x0] =	vst.idx.msk $0xffff, v7  }
0x3ea: {  	v54 =	vor.u32 $0x200, v48;
	v3 =	vld.idx.msk [tilespmem:v41+s8+$0x0], $0xffff;
	[tilespmem:v38+s12+$0x0] =	vst.idx.msk $0xffff, v2  }
0x3eb: {  	v55 =	vor.u32 $0x280, v48;
	v2 =	vld.idx.msk [tilespmem:v45+s8+$0x0], $0xffff;
	[tilespmem:v48+s12+$0x0] =	vst.idx.msk $0xffff, v28  }
0x3ec: {  	v4 =	vor.u32 v4, v11;
	v56 =	vor.u32 $0x300, v48;
	[tilespmem:v50+s12+$0x0] =	vst.idx.msk $0xffff, v17  }
0x3ed: {  	v4 =	vor.u32 $0x380, v4;
	[tilespmem:v51+s12+$0x0] =	vst.idx.msk $0xffff, v9  }
0x3ee: {  	v57 =	vor.u32 $0x2000, v48;
	[tilespmem:v53+s12+$0x0] =	vst.idx.msk $0xffff, v15  }
0x3ef: {  	v58 =	vor.u32 $0x2080, v48;
	[tilespmem:v54+s12+$0x0] =	vst.idx.msk $0xffff, v59  }
0x3f0: {  	v59 =	vor.u32 $0x2100, v48;
	[tilespmem:v55+s12+$0x0] =	vst.idx.msk $0xffff, v62  }
0x3f1: {  	v60 =	vor.u32 $0x2180, v48;
	[tilespmem:v56+s12+$0x0] =	vst.idx.msk $0xffff, v20  }
0x3f2: {  	v61 =	vor.u32 $0x2200, v48;
	[tilespmem:v4+s12+$0x0] =	vst.idx.msk $0xffff, v23  }
0x3f3: {  	v62 =	vor.u32 $0x2280, v48;
	[tilespmem:v57+s12+$0x0] =	vst.idx.msk $0xffff, v40  }
0x3f4: {  	s17 =	sadd.s32 $0x4, s17;
	v63 =	vor.u32 $0x2300, v48;
	[tilespmem:v58+s12+$0x0] =	vst.idx.msk $0xffff, v43  }
0x3f5: {  	p0 =	slt.u32 s17, $0x3C;
	[tilespmem:v59+s12+$0x0] =	vst.idx.msk $0xffff, v1;
	v1 =	vor.u32 $0x2380, v48  }
.Ltmp9:
0x3f6: {  	[tilespmem:v60+s12+$0x0] =	vst.idx.msk $0xffff, v47;
	(pc) =	sbr.rel @p0 .LBB2_20-.Ltmp9, $4  }
0x3f7: {  	[tilespmem:v61+s12+$0x0] =	vst.idx.msk $0xffff, v49  }
0x3f8: {  	[tilespmem:v62+s12+$0x0] =	vst.idx.msk $0xffff, v3  }
0x3f9: {  	[tilespmem:v63+s12+$0x0] =	vst.idx.msk $0xffff, v52  }
0x3fa: {  	s18 =	sadd.s32 $0x40, s18;
	s16 =	sadd.s32 $0x40, s16;
	[tilespmem:v1+s12+$0x0] =	vst.idx.msk $0xffff, v2  }
0x3fb: {  	s16 =	simm.s32 $0x0;
	s17 =	rddreg [dreg:$0x15]  }
0x3fc: {  	[hbm4b:s17+s16] =	stream.linear.scatter [tilespmem:s12], [sflag:$0x4], $0x4000, $0x38;
	[tilespmem:$0x10400] =	vst v63  }
0x3fd: {  	_ = 	snop  }
0x3fe: {  	[tilespmem:s8], [sflag:$0x2] =	stream.linear.gather [hbm4b:s22+s16], $0x4000, $0x38;
	[tilespmem:$0x10400] =	vst v63  }
0x3ff: {  	_ =	swait.ge [sflag:s9], $0x4000  }
0x400: {  	[sflag:s9] =	ssyncset.done $0x0  }
0x401: {  	[sflag:s9] =	ssyncadd.s32 $0xFFFFC000  }
0x402: {  	_ =	swait.ge [sflag:s13], $0x4000  }
0x403: {  	[sflag:s13] =	ssyncset.done $0x0  }
0x404: {  	s18 =	simm.s32 $0x20;
	s17 =	simm.s32 $0xFFFFFFFC;
	[sflag:s13] =	ssyncadd.s32 $0xFFFFC000  }
.LBB2_22:
0x405: {  	v1 =	vld [tilespmem:s18+$0xFFFFFFE0]  }
0x406: {  	v12 =	vld [tilespmem:s18+$0xFFFFFFF0];
	_ =	sdelay $0x3  }
0x407: {  	v2 =	vshll.u32 v1, $0x3  }
0x408: {  	v1 =	vand.u32 $0x7F, v1;
	v19 =	vshll.u32 v12, $0x3;
	v2 =	vand.u32 $0xFFFFFC00, v2  }
0x409: {  	v12 =	vand.u32 $0x7F, v12;
	v19 =	vand.u32 $0xFFFFFC00, v19;
	v1 =	vor.u32 v1, v2  }
0x40a: {  	v12 =	vor.u32 v12, v19  }
0x40b: {  	v2 =	vor.u32 $0x80, v1  }
0x40c: {  	v3 =	vor.u32 $0x100, v1  }
0x40d: {  	v32 =	vld [tilespmem:s18+$0x0];
	v4 =	vor.u32 $0x180, v1  }
0x40e: {  	v5 =	vor.u32 $0x200, v1;
	v6 =	vld.idx.msk [tilespmem:v1+s7+$0x0], $0xffff  }
0x40f: {  	v7 =	vor.u32 $0x280, v1;
	v51 =	vld.idx.msk [tilespmem:v12+s7+$0x0], $0xffff  }
0x410: {  	v8 =	vor.u32 $0x300, v1;
	v2 =	vld.idx.msk [tilespmem:v2+s7+$0x0], $0xffff  }
0x411: {  	v9 =	vor.u32 $0x380, v1;
	v3 =	vld.idx.msk [tilespmem:v3+s7+$0x0], $0xffff  }
0x412: {  	v10 =	vadd.s32 $0x2000, v1;
	v4 =	vld.idx.msk [tilespmem:v4+s7+$0x0], $0xffff  }
0x413: {  	v11 =	vadd.s32 $0x2080, v1;
	v5 =	vld.idx.msk [tilespmem:v5+s7+$0x0], $0xffff  }
0x414: {  	v13 =	vadd.s32 $0x2100, v1;
	v7 =	vld.idx.msk [tilespmem:v7+s7+$0x0], $0xffff  }
0x415: {  	v14 =	vadd.s32 $0x2180, v1;
	v8 =	vld.idx.msk [tilespmem:v8+s7+$0x0], $0xffff  }
0x416: {  	v17 =	vmov s16;
	v15 =	vadd.s32 $0x2200, v1;
	v9 =	vld.idx.msk [tilespmem:v9+s7+$0x0], $0xffff  }
0x417: {  	v20 =	vor.u32 s16, v0;
	v17 =	vshll.u32 v17, $0x3;
	v16 =	vadd.s32 $0x2280, v1;
	v10 =	vld.idx.msk [tilespmem:v10+s7+$0x0], $0xffff  }
0x418: {  	v49 =	vand.u32 $0x4F, v20;
	v50 =	vand.u32 $0x1C00, v17;
	v18 =	vadd.s32 $0x2300, v1;
	v11 =	vld.idx.msk [tilespmem:v11+s7+$0x0], $0xffff  }
0x419: {  	v20 =	vor.u32 v49, v50;
	v1 =	vadd.s32 $0x2380, v1;
	v13 =	vld.idx.msk [tilespmem:v13+s7+$0x0], $0xffff  }
0x41a: {  	v23 =	vor.u32 $0x80, v20;
	v21 =	vor.u32 $0x80, v12;
	v14 =	vld.idx.msk [tilespmem:v14+s7+$0x0], $0xffff  }
0x41b: {  	v25 =	vor.u32 $0x100, v20;
	v22 =	vor.u32 $0x100, v12;
	v15 =	vld.idx.msk [tilespmem:v15+s7+$0x0], $0xffff  }
0x41c: {  	v17 =	vor.u32 v17, v49;
	v27 =	vor.u32 $0x180, v20;
	v24 =	vor.u32 $0x180, v12;
	v16 =	vld.idx.msk [tilespmem:v16+s7+$0x0], $0xffff  }
0x41d: {  	v28 =	vor.u32 $0x200, v17;
	v30 =	vor.u32 $0x300, v12;
	v18 =	vld.idx.msk [tilespmem:v18+s7+$0x0], $0xffff  }
0x41e: {  	v52 =	vor.u32 $0x280, v17;
	v34 =	vadd.s32 $0x2280, v12;
	v1 =	vld.idx.msk [tilespmem:v1+s7+$0x0], $0xffff;
	[tilespmem:v20+s10+$0x0] =	vst.idx.msk $0xffff, v6  }
0x41f: {  	v26 =	vor.u32 $0x200, v12;
	v21 =	vld.idx.msk [tilespmem:v21+s7+$0x0], $0xffff;
	[tilespmem:v23+s10+$0x0] =	vst.idx.msk $0xffff, v2;
	v2 =	vor.u32 $0x300, v17  }
0x420: {  	s19 =	sadd.s32 $0x10, s16;
	v55 =	vadd.s32 $0x2000, v12;
	v22 =	vld.idx.msk [tilespmem:v22+s7+$0x0], $0xffff;
	[tilespmem:v25+s10+$0x0] =	vst.idx.msk $0xffff, v3;
	v3 =	vor.u32 $0x380, v17  }
0x421: {  	v36 =	vor.u32 s19, v0;
	v56 =	vor.u32 $0x2000, v20;
	v31 =	vadd.s32 $0x2080, v12;
	v53 =	vld.idx.msk [tilespmem:v24+s7+$0x0], $0xffff;
	[tilespmem:v27+s10+$0x0] =	vst.idx.msk $0xffff, v4  }
0x422: {  	v60 =	vor.u32 $0x2200, v17;
	v57 =	vor.u32 $0x2080, v20;
	v29 =	vor.u32 $0x280, v12;
	v30 =	vld.idx.msk [tilespmem:v30+s7+$0x0], $0xffff;
	[tilespmem:v28+s10+$0x0] =	vst.idx.msk $0xffff, v5  }
0x423: {  	v61 =	vor.u32 $0x2280, v17;
	v58 =	vor.u32 $0x2100, v20;
	v33 =	vadd.s32 $0x2180, v12;
	v6 =	vld.idx.msk [tilespmem:v34+s7+$0x0], $0xffff;
	[tilespmem:v52+s10+$0x0] =	vst.idx.msk $0xffff, v7  }
0x424: {  	v38 =	vshll.u32 v32, $0x3;
	v37 =	vadd.s32 $0x2300, v12;
	v20 =	vor.u32 $0x2180, v20;
	v25 =	vld.idx.msk [tilespmem:v26+s7+$0x0], $0xffff;
	[tilespmem:v2+s10+$0x0] =	vst.idx.msk $0xffff, v8  }
0x425: {  	v39 =	vand.u32 $0x7F, v32;
	v40 =	vand.u32 $0xFFFFFC00, v38;
	v54 =	vor.u32 $0x380, v12;
	v26 =	vld.idx.msk [tilespmem:v55+s7+$0x0], $0xffff;
	[tilespmem:v3+s10+$0x0] =	vst.idx.msk $0xffff, v9  }
0x426: {  	v62 =	vor.u32 $0x2380, v17;
	v4 =	vld.idx.msk [tilespmem:v31+s7+$0x0], $0xffff;
	v27 =	vor.u32 v39, v40;
	v3 =	vmov s19;
	[tilespmem:v56+s10+$0x0] =	vst.idx.msk $0xffff, v10  }
0x427: {  	v59 =	vadd.s32 $0x2100, v12;
	v28 =	vld.idx.msk [tilespmem:v29+s7+$0x0], $0xffff;
	v2 =	vor.u32 $0x2300, v17;
	v3 =	vshll.u32 v3, $0x3;
	[tilespmem:v57+s10+$0x0] =	vst.idx.msk $0xffff, v11  }
0x428: {  	v63 =	vadd.s32 $0x2200, v12;
	v5 =	vld.idx.msk [tilespmem:v33+s7+$0x0], $0xffff;
	v9 =	vand.u32 $0x5F, v36;
	v41 =	vand.u32 $0x1C00, v3;
	[tilespmem:v58+s10+$0x0] =	vst.idx.msk $0xffff, v13  }
0x429: {  	v12 =	vadd.s32 $0x2380, v12;
	v7 =	vld.idx.msk [tilespmem:v37+s7+$0x0], $0xffff;
	v13 =	vor.u32 v9, v41;
	[tilespmem:v20+s10+$0x0] =	vst.idx.msk $0xffff, v14  }
0x42a: {  	v46 =	vor.u32 $0x180, v27;
	v17 =	vld.idx.msk [tilespmem:v54+s7+$0x0], $0xffff;
	v43 =	vor.u32 $0x80, v13;
	[tilespmem:v60+s10+$0x0] =	vst.idx.msk $0xffff, v15  }
0x42b: {  	v29 =	vor.u32 $0x280, v27;
	v8 =	vld.idx.msk [tilespmem:v27+s7+$0x0], $0xffff;
	v45 =	vor.u32 $0x100, v13;
	[tilespmem:v61+s10+$0x0] =	vst.idx.msk $0xffff, v16  }
0x42c: {  	v55 =	vadd.s32 $0x2000, v27;
	v11 =	vld.idx.msk [tilespmem:v59+s7+$0x0], $0xffff;
	v47 =	vor.u32 $0x180, v13;
	[tilespmem:v2+s10+$0x0] =	vst.idx.msk $0xffff, v18  }
0x42d: {  	v14 =	vld.idx.msk [tilespmem:v63+s7+$0x0], $0xffff;
	[tilespmem:v62+s10+$0x0] =	vst.idx.msk $0xffff, v1;
	v1 =	vor.u32 $0x200, v13  }
0x42e: {  	v44 =	vor.u32 $0x100, v27;
	v49 =	vor.u32 $0x280, v13;
	v2 =	vld.idx.msk [tilespmem:v12+s7+$0x0], $0xffff;
	[tilespmem:v13+s10+$0x0] =	vst.idx.msk $0xffff, v51  }
0x42f: {  	v42 =	vor.u32 $0x80, v27;
	v3 =	vor.u32 v9, v3;
	v10 =	vld.idx.msk [tilespmem:v46+s7+$0x0], $0xffff;
	v50 =	vor.u32 $0x300, v13;
	[tilespmem:v43+s10+$0x0] =	vst.idx.msk $0xffff, v21  }
0x430: {  	v52 =	vor.u32 $0x380, v27;
	v29 =	vld.idx.msk [tilespmem:v29+s7+$0x0], $0xffff;
	v3 =	vor.u32 $0x380, v3;
	[tilespmem:v45+s10+$0x0] =	vst.idx.msk $0xffff, v22  }
0x431: {  	v48 =	vor.u32 $0x200, v27;
	v38 =	vld.idx.msk [tilespmem:v55+s7+$0x0], $0xffff;
	[tilespmem:v47+s10+$0x0] =	vst.idx.msk $0xffff, v53;
	v53 =	vor.u32 $0x2000, v13  }
0x432: {  	v39 =	vadd.s32 $0x2280, v27;
	v58 =	vld [tilespmem:s18+$0x10];
	v54 =	vor.u32 $0x2080, v13;
	v51 =	vor.u32 $0x300, v27;
	[tilespmem:v1+s10+$0x0] =	vst.idx.msk $0xffff, v25  }
0x433: {  	v40 =	vadd.s32 $0x2300, v27;
	v57 =	vadd.s32 $0x2080, v27;
	v9 =	vld.idx.msk [tilespmem:v44+s7+$0x0], $0xffff;
	v1 =	vor.u32 $0x2100, v13;
	[tilespmem:v49+s10+$0x0] =	vst.idx.msk $0xffff, v28  }
0x434: {  	v37 =	vadd.s32 $0x2200, v27;
	s19 =	sadd.s32 $0x20, s16;
	v20 =	vld.idx.msk [tilespmem:v42+s7+$0x0], $0xffff;
	v56 =	vor.u32 $0x2180, v13;
	v61 =	vadd.s32 $0x2100, v27;
	[tilespmem:v50+s10+$0x0] =	vst.idx.msk $0xffff, v30  }
0x435: {  	v36 =	vor.u32 s19, v0;
	v59 =	vor.u32 $0x2200, v13;
	v63 =	vadd.s32 $0x2180, v27;
	v16 =	vld.idx.msk [tilespmem:v52+s7+$0x0], $0xffff;
	[tilespmem:v3+s10+$0x0] =	vst.idx.msk $0xffff, v17  }
0x436: {  	v60 =	vor.u32 $0x2280, v13;
	v18 =	vld.idx.msk [tilespmem:v48+s7+$0x0], $0xffff;
	v62 =	vor.u32 $0x2300, v13;
	v3 =	vmov s19;
	[tilespmem:v53+s10+$0x0] =	vst.idx.msk $0xffff, v26  }
0x437: {  	v27 =	vadd.s32 $0x2380, v27;
	v41 =	vshll.u32 v58, $0x3;
	v21 =	vld.idx.msk [tilespmem:v51+s7+$0x0], $0xffff;
	v3 =	vshll.u32 v3, $0x3;
	[tilespmem:v54+s10+$0x0] =	vst.idx.msk $0xffff, v4  }
0x438: {  	v13 =	vor.u32 $0x2380, v13;
	v17 =	vand.u32 $0x6F, v36;
	v4 =	vld.idx.msk [tilespmem:v57+s7+$0x0], $0xffff;
	v42 =	vand.u32 $0x1C00, v3;
	[tilespmem:v1+s10+$0x0] =	vst.idx.msk $0xffff, v11  }
0x439: {  	v43 =	vand.u32 $0x7F, v58;
	v22 =	vand.u32 $0xFFFFFC00, v41;
	v1 =	vld.idx.msk [tilespmem:v61+s7+$0x0], $0xffff;
	v11 =	vor.u32 v17, v42;
	[tilespmem:v56+s10+$0x0] =	vst.idx.msk $0xffff, v5  }
0x43a: {  	v22 =	vor.u32 v43, v22;
	v5 =	vld.idx.msk [tilespmem:v63+s7+$0x0], $0xffff;
	v44 =	vor.u32 $0x80, v11;
	[tilespmem:v59+s10+$0x0] =	vst.idx.msk $0xffff, v14  }
0x43b: {  	v48 =	vor.u32 $0x180, v22;
	v46 =	vor.u32 $0x100, v11;
	v14 =	vld.idx.msk [tilespmem:v37+s7+$0x0], $0xffff;
	[tilespmem:v60+s10+$0x0] =	vst.idx.msk $0xffff, v6  }
0x43c: {  	v55 =	vor.u32 $0x380, v22;
	v47 =	vor.u32 $0x180, v11;
	v6 =	vld.idx.msk [tilespmem:v39+s7+$0x0], $0xffff;
	[tilespmem:v62+s10+$0x0] =	vst.idx.msk $0xffff, v7  }
0x43d: {  	v45 =	vor.u32 $0x80, v22;
	v49 =	vor.u32 $0x200, v11;
	v7 =	vld.idx.msk [tilespmem:v40+s7+$0x0], $0xffff;
	[tilespmem:v13+s10+$0x0] =	vst.idx.msk $0xffff, v2  }
0x43e: {  	v50 =	vor.u32 $0x200, v22;
	v51 =	vor.u32 $0x280, v11;
	v2 =	vld.idx.msk [tilespmem:v27+s7+$0x0], $0xffff;
	[tilespmem:v11+s10+$0x0] =	vst.idx.msk $0xffff, v8  }
0x43f: {  	v52 =	vor.u32 $0x280, v22;
	v28 =	vld.idx.msk [tilespmem:v22+s7+$0x0], $0xffff;
	v3 =	vor.u32 v17, v3;
	v53 =	vor.u32 $0x300, v11;
	[tilespmem:v44+s10+$0x0] =	vst.idx.msk $0xffff, v20  }
0x440: {  	v15 =	vld.idx.msk [tilespmem:v48+s7+$0x0], $0xffff;
	v57 =	vadd.s32 $0x2000, v22;
	v3 =	vor.u32 $0x380, v3;
	[tilespmem:v46+s10+$0x0] =	vst.idx.msk $0xffff, v9  }
0x441: {  	v23 =	vld.idx.msk [tilespmem:v55+s7+$0x0], $0xffff;
	v54 =	vor.u32 $0x300, v22;
	v56 =	vor.u32 $0x2000, v11;
	[tilespmem:v47+s10+$0x0] =	vst.idx.msk $0xffff, v10  }
0x442: {  	v25 =	vor.u32 $0x100, v22;
	v17 =	vld.idx.msk [tilespmem:v45+s7+$0x0], $0xffff;
	v58 =	vor.u32 $0x2080, v11;
	[tilespmem:v49+s10+$0x0] =	vst.idx.msk $0xffff, v18  }
0x443: {  	s19 =	sadd.s32 $0x30, s16;
	v61 =	vor.u32 $0x2100, v11;
	v59 =	vld.idx.msk [tilespmem:v50+s7+$0x0], $0xffff;
	v60 =	vadd.s32 $0x2080, v22;
	[tilespmem:v51+s10+$0x0] =	vst.idx.msk $0xffff, v29  }
0x444: {  	v35 =	vadd.s32 $0x2180, v22;
	v42 =	vor.u32 s19, v0;
	v33 =	vor.u32 $0x2180, v11;
	v62 =	vld.idx.msk [tilespmem:v52+s7+$0x0], $0xffff;
	[tilespmem:v53+s10+$0x0] =	vst.idx.msk $0xffff, v21  }
0x445: {  	v63 =	vadd.s32 $0x2100, v22;
	v34 =	vor.u32 $0x2200, v11;
	v37 =	vadd.s32 $0x2200, v22;
	v40 =	vld.idx.msk [tilespmem:v57+s7+$0x0], $0xffff;
	[tilespmem:v3+s10+$0x0] =	vst.idx.msk $0xffff, v16  }
0x446: {  	v39 =	vmov s19;
	v20 =	vld.idx.msk [tilespmem:v54+s7+$0x0], $0xffff;
	v44 =	vadd.s32 $0x2300, v22;
	v3 =	vor.u32 $0x2280, v11;
	[tilespmem:v56+s10+$0x0] =	vst.idx.msk $0xffff, v38  }
0x447: {  	v36 =	vor.u32 $0x2300, v11;
	v9 =	vld.idx.msk [tilespmem:v25+s7+$0x0], $0xffff;
	v38 =	vor.u32 $0x2380, v11;
	v11 =	vshll.u32 v39, $0x3;
	[tilespmem:v58+s10+$0x0] =	vst.idx.msk $0xffff, v4  }
0x448: {  	v41 =	vadd.s32 $0x2280, v22;
	v43 =	vld.idx.msk [tilespmem:v60+s7+$0x0], $0xffff;
	v4 =	vand.u32 $0x7F, v42;
	v46 =	vand.u32 $0x1C00, v11;
	[tilespmem:v61+s10+$0x0] =	vst.idx.msk $0xffff, v1  }
0x449: {  	v45 =	vadd.s32 $0x2380, v22;
	v47 =	vld.idx.msk [tilespmem:v35+s7+$0x0], $0xffff;
	v48 =	vor.u32 v4, v46;
	[tilespmem:v33+s10+$0x0] =	vst.idx.msk $0xffff, v5  }
0x44a: {  	v49 =	vld.idx.msk [tilespmem:v37+s7+$0x0], $0xffff;
	v50 =	vor.u32 $0x80, v48;
	[tilespmem:v34+s10+$0x0] =	vst.idx.msk $0xffff, v14  }
0x44b: {  	v52 =	vld.idx.msk [tilespmem:v44+s7+$0x0], $0xffff;
	v51 =	vor.u32 $0x100, v48;
	[tilespmem:v3+s10+$0x0] =	vst.idx.msk $0xffff, v6  }
0x44c: {  	v1 =	vld.idx.msk [tilespmem:v63+s7+$0x0], $0xffff;
	v53 =	vor.u32 $0x180, v48;
	[tilespmem:v36+s10+$0x0] =	vst.idx.msk $0xffff, v7  }
0x44d: {  	v54 =	vor.u32 $0x200, v48;
	v3 =	vld.idx.msk [tilespmem:v41+s7+$0x0], $0xffff;
	[tilespmem:v38+s10+$0x0] =	vst.idx.msk $0xffff, v2  }
0x44e: {  	v55 =	vor.u32 $0x280, v48;
	v2 =	vld.idx.msk [tilespmem:v45+s7+$0x0], $0xffff;
	[tilespmem:v48+s10+$0x0] =	vst.idx.msk $0xffff, v28  }
0x44f: {  	v4 =	vor.u32 v4, v11;
	v56 =	vor.u32 $0x300, v48;
	[tilespmem:v50+s10+$0x0] =	vst.idx.msk $0xffff, v17  }
0x450: {  	v4 =	vor.u32 $0x380, v4;
	[tilespmem:v51+s10+$0x0] =	vst.idx.msk $0xffff, v9  }
0x451: {  	v57 =	vor.u32 $0x2000, v48;
	[tilespmem:v53+s10+$0x0] =	vst.idx.msk $0xffff, v15  }
0x452: {  	v58 =	vor.u32 $0x2080, v48;
	[tilespmem:v54+s10+$0x0] =	vst.idx.msk $0xffff, v59  }
0x453: {  	v59 =	vor.u32 $0x2100, v48;
	[tilespmem:v55+s10+$0x0] =	vst.idx.msk $0xffff, v62  }
0x454: {  	v60 =	vor.u32 $0x2180, v48;
	[tilespmem:v56+s10+$0x0] =	vst.idx.msk $0xffff, v20  }
0x455: {  	v61 =	vor.u32 $0x2200, v48;
	[tilespmem:v4+s10+$0x0] =	vst.idx.msk $0xffff, v23  }
0x456: {  	v62 =	vor.u32 $0x2280, v48;
	[tilespmem:v57+s10+$0x0] =	vst.idx.msk $0xffff, v40  }
0x457: {  	s17 =	sadd.s32 $0x4, s17;
	v63 =	vor.u32 $0x2300, v48;
	[tilespmem:v58+s10+$0x0] =	vst.idx.msk $0xffff, v43  }
0x458: {  	p0 =	slt.u32 s17, $0x3C;
	[tilespmem:v59+s10+$0x0] =	vst.idx.msk $0xffff, v1;
	v1 =	vor.u32 $0x2380, v48  }
.Ltmp10:
0x459: {  	[tilespmem:v60+s10+$0x0] =	vst.idx.msk $0xffff, v47;
	(pc) =	sbr.rel @p0 .LBB2_22-.Ltmp10, $4  }
0x45a: {  	[tilespmem:v61+s10+$0x0] =	vst.idx.msk $0xffff, v49  }
0x45b: {  	[tilespmem:v62+s10+$0x0] =	vst.idx.msk $0xffff, v3  }
0x45c: {  	[tilespmem:v63+s10+$0x0] =	vst.idx.msk $0xffff, v52  }
0x45d: {  	s18 =	sadd.s32 $0x40, s18;
	s16 =	sadd.s32 $0x40, s16;
	[tilespmem:v1+s10+$0x0] =	vst.idx.msk $0xffff, v2  }
0x45e: {  	s16 =	simm.s32 $0x0  }
0x45f: {  	[hbm4b:s21+s16] =	stream.linear.scatter [tilespmem:s10], [sflag:$0x3], $0x4000, $0x38;
	[tilespmem:$0x10400] =	vst v63  }
0x460: {  	_ = 	snop  }
0x461: {  	[tilespmem:s7], [sflag:$0x1] =	stream.linear.gather [hbm4b:s24+s16], $0x4000, $0x38;
	[tilespmem:$0x10400] =	vst v63  }
0x462: {  	_ =	swait.ge [sflag:s11], $0x4000  }
0x463: {  	[sflag:s11] =	ssyncset.done $0x0  }
0x464: {  	[sflag:s11] =	ssyncadd.s32 $0xFFFFC000  }
0x465: {  	_ =	swait.ge [sflag:s14], $0x4000  }
0x466: {  	[sflag:s14] =	ssyncset.done $0x0  }
0x467: {  	s17 =	simm.s32 $0xFFFFFFFC;
	s18 =	simm.s32 $0x20;
	[sflag:s14] =	ssyncadd.s32 $0xFFFFC000  }
.LBB2_24:
0x468: {  	v1 =	vld [tilespmem:s18+$0xFFFFFFE0]  }
0x469: {  	v12 =	vld [tilespmem:s18+$0xFFFFFFF0];
	_ =	sdelay $0x3  }
0x46a: {  	v2 =	vshll.u32 v1, $0x3  }
0x46b: {  	v1 =	vand.u32 $0x7F, v1;
	v19 =	vshll.u32 v12, $0x3;
	v2 =	vand.u32 $0xFFFFFC00, v2  }
0x46c: {  	v12 =	vand.u32 $0x7F, v12;
	v19 =	vand.u32 $0xFFFFFC00, v19;
	v1 =	vor.u32 v1, v2  }
0x46d: {  	v12 =	vor.u32 v12, v19  }
0x46e: {  	v2 =	vor.u32 $0x80, v1  }
0x46f: {  	v3 =	vor.u32 $0x100, v1  }
0x470: {  	v32 =	vld [tilespmem:s18+$0x0];
	v4 =	vor.u32 $0x180, v1  }
0x471: {  	v5 =	vor.u32 $0x200, v1;
	v6 =	vld.idx.msk [tilespmem:v1+s8+$0x0], $0xffff  }
0x472: {  	v7 =	vor.u32 $0x280, v1;
	v51 =	vld.idx.msk [tilespmem:v12+s8+$0x0], $0xffff  }
0x473: {  	v8 =	vor.u32 $0x300, v1;
	v2 =	vld.idx.msk [tilespmem:v2+s8+$0x0], $0xffff  }
0x474: {  	v9 =	vor.u32 $0x380, v1;
	v3 =	vld.idx.msk [tilespmem:v3+s8+$0x0], $0xffff  }
0x475: {  	v10 =	vadd.s32 $0x2000, v1;
	v4 =	vld.idx.msk [tilespmem:v4+s8+$0x0], $0xffff  }
0x476: {  	v11 =	vadd.s32 $0x2080, v1;
	v5 =	vld.idx.msk [tilespmem:v5+s8+$0x0], $0xffff  }
0x477: {  	v13 =	vadd.s32 $0x2100, v1;
	v7 =	vld.idx.msk [tilespmem:v7+s8+$0x0], $0xffff  }
0x478: {  	v14 =	vadd.s32 $0x2180, v1;
	v8 =	vld.idx.msk [tilespmem:v8+s8+$0x0], $0xffff  }
0x479: {  	v17 =	vmov s16;
	v15 =	vadd.s32 $0x2200, v1;
	v9 =	vld.idx.msk [tilespmem:v9+s8+$0x0], $0xffff  }
0x47a: {  	v20 =	vor.u32 s16, v0;
	v17 =	vshll.u32 v17, $0x3;
	v16 =	vadd.s32 $0x2280, v1;
	v10 =	vld.idx.msk [tilespmem:v10+s8+$0x0], $0xffff  }
0x47b: {  	v49 =	vand.u32 $0x4F, v20;
	v50 =	vand.u32 $0x1C00, v17;
	v18 =	vadd.s32 $0x2300, v1;
	v11 =	vld.idx.msk [tilespmem:v11+s8+$0x0], $0xffff  }
0x47c: {  	v20 =	vor.u32 v49, v50;
	v1 =	vadd.s32 $0x2380, v1;
	v13 =	vld.idx.msk [tilespmem:v13+s8+$0x0], $0xffff  }
0x47d: {  	v23 =	vor.u32 $0x80, v20;
	v21 =	vor.u32 $0x80, v12;
	v14 =	vld.idx.msk [tilespmem:v14+s8+$0x0], $0xffff  }
0x47e: {  	v25 =	vor.u32 $0x100, v20;
	v22 =	vor.u32 $0x100, v12;
	v15 =	vld.idx.msk [tilespmem:v15+s8+$0x0], $0xffff  }
0x47f: {  	v17 =	vor.u32 v17, v49;
	v27 =	vor.u32 $0x180, v20;
	v24 =	vor.u32 $0x180, v12;
	v16 =	vld.idx.msk [tilespmem:v16+s8+$0x0], $0xffff  }
0x480: {  	v28 =	vor.u32 $0x200, v17;
	v30 =	vor.u32 $0x300, v12;
	v18 =	vld.idx.msk [tilespmem:v18+s8+$0x0], $0xffff  }
0x481: {  	v52 =	vor.u32 $0x280, v17;
	v34 =	vadd.s32 $0x2280, v12;
	v1 =	vld.idx.msk [tilespmem:v1+s8+$0x0], $0xffff;
	[tilespmem:v20+s12+$0x0] =	vst.idx.msk $0xffff, v6  }
0x482: {  	v26 =	vor.u32 $0x200, v12;
	v21 =	vld.idx.msk [tilespmem:v21+s8+$0x0], $0xffff;
	[tilespmem:v23+s12+$0x0] =	vst.idx.msk $0xffff, v2;
	v2 =	vor.u32 $0x300, v17  }
0x483: {  	s19 =	sadd.s32 $0x10, s16;
	v55 =	vadd.s32 $0x2000, v12;
	v22 =	vld.idx.msk [tilespmem:v22+s8+$0x0], $0xffff;
	[tilespmem:v25+s12+$0x0] =	vst.idx.msk $0xffff, v3;
	v3 =	vor.u32 $0x380, v17  }
0x484: {  	v36 =	vor.u32 s19, v0;
	v56 =	vor.u32 $0x2000, v20;
	v31 =	vadd.s32 $0x2080, v12;
	v53 =	vld.idx.msk [tilespmem:v24+s8+$0x0], $0xffff;
	[tilespmem:v27+s12+$0x0] =	vst.idx.msk $0xffff, v4  }
0x485: {  	v60 =	vor.u32 $0x2200, v17;
	v57 =	vor.u32 $0x2080, v20;
	v29 =	vor.u32 $0x280, v12;
	v30 =	vld.idx.msk [tilespmem:v30+s8+$0x0], $0xffff;
	[tilespmem:v28+s12+$0x0] =	vst.idx.msk $0xffff, v5  }
0x486: {  	v61 =	vor.u32 $0x2280, v17;
	v58 =	vor.u32 $0x2100, v20;
	v33 =	vadd.s32 $0x2180, v12;
	v6 =	vld.idx.msk [tilespmem:v34+s8+$0x0], $0xffff;
	[tilespmem:v52+s12+$0x0] =	vst.idx.msk $0xffff, v7  }
0x487: {  	v38 =	vshll.u32 v32, $0x3;
	v37 =	vadd.s32 $0x2300, v12;
	v20 =	vor.u32 $0x2180, v20;
	v25 =	vld.idx.msk [tilespmem:v26+s8+$0x0], $0xffff;
	[tilespmem:v2+s12+$0x0] =	vst.idx.msk $0xffff, v8  }
0x488: {  	v39 =	vand.u32 $0x7F, v32;
	v40 =	vand.u32 $0xFFFFFC00, v38;
	v54 =	vor.u32 $0x380, v12;
	v26 =	vld.idx.msk [tilespmem:v55+s8+$0x0], $0xffff;
	[tilespmem:v3+s12+$0x0] =	vst.idx.msk $0xffff, v9  }
0x489: {  	v62 =	vor.u32 $0x2380, v17;
	v4 =	vld.idx.msk [tilespmem:v31+s8+$0x0], $0xffff;
	v27 =	vor.u32 v39, v40;
	v3 =	vmov s19;
	[tilespmem:v56+s12+$0x0] =	vst.idx.msk $0xffff, v10  }
0x48a: {  	v59 =	vadd.s32 $0x2100, v12;
	v28 =	vld.idx.msk [tilespmem:v29+s8+$0x0], $0xffff;
	v2 =	vor.u32 $0x2300, v17;
	v3 =	vshll.u32 v3, $0x3;
	[tilespmem:v57+s12+$0x0] =	vst.idx.msk $0xffff, v11  }
0x48b: {  	v63 =	vadd.s32 $0x2200, v12;
	v5 =	vld.idx.msk [tilespmem:v33+s8+$0x0], $0xffff;
	v9 =	vand.u32 $0x5F, v36;
	v41 =	vand.u32 $0x1C00, v3;
	[tilespmem:v58+s12+$0x0] =	vst.idx.msk $0xffff, v13  }
0x48c: {  	v12 =	vadd.s32 $0x2380, v12;
	v7 =	vld.idx.msk [tilespmem:v37+s8+$0x0], $0xffff;
	v13 =	vor.u32 v9, v41;
	[tilespmem:v20+s12+$0x0] =	vst.idx.msk $0xffff, v14  }
0x48d: {  	v46 =	vor.u32 $0x180, v27;
	v17 =	vld.idx.msk [tilespmem:v54+s8+$0x0], $0xffff;
	v43 =	vor.u32 $0x80, v13;
	[tilespmem:v60+s12+$0x0] =	vst.idx.msk $0xffff, v15  }
0x48e: {  	v29 =	vor.u32 $0x280, v27;
	v8 =	vld.idx.msk [tilespmem:v27+s8+$0x0], $0xffff;
	v45 =	vor.u32 $0x100, v13;
	[tilespmem:v61+s12+$0x0] =	vst.idx.msk $0xffff, v16  }
0x48f: {  	v55 =	vadd.s32 $0x2000, v27;
	v11 =	vld.idx.msk [tilespmem:v59+s8+$0x0], $0xffff;
	v47 =	vor.u32 $0x180, v13;
	[tilespmem:v2+s12+$0x0] =	vst.idx.msk $0xffff, v18  }
0x490: {  	v14 =	vld.idx.msk [tilespmem:v63+s8+$0x0], $0xffff;
	[tilespmem:v62+s12+$0x0] =	vst.idx.msk $0xffff, v1;
	v1 =	vor.u32 $0x200, v13  }
0x491: {  	v44 =	vor.u32 $0x100, v27;
	v49 =	vor.u32 $0x280, v13;
	v2 =	vld.idx.msk [tilespmem:v12+s8+$0x0], $0xffff;
	[tilespmem:v13+s12+$0x0] =	vst.idx.msk $0xffff, v51  }
0x492: {  	v42 =	vor.u32 $0x80, v27;
	v3 =	vor.u32 v9, v3;
	v10 =	vld.idx.msk [tilespmem:v46+s8+$0x0], $0xffff;
	v50 =	vor.u32 $0x300, v13;
	[tilespmem:v43+s12+$0x0] =	vst.idx.msk $0xffff, v21  }
0x493: {  	v52 =	vor.u32 $0x380, v27;
	v29 =	vld.idx.msk [tilespmem:v29+s8+$0x0], $0xffff;
	v3 =	vor.u32 $0x380, v3;
	[tilespmem:v45+s12+$0x0] =	vst.idx.msk $0xffff, v22  }
0x494: {  	v48 =	vor.u32 $0x200, v27;
	v38 =	vld.idx.msk [tilespmem:v55+s8+$0x0], $0xffff;
	[tilespmem:v47+s12+$0x0] =	vst.idx.msk $0xffff, v53;
	v53 =	vor.u32 $0x2000, v13  }
0x495: {  	v39 =	vadd.s32 $0x2280, v27;
	v58 =	vld [tilespmem:s18+$0x10];
	v54 =	vor.u32 $0x2080, v13;
	v51 =	vor.u32 $0x300, v27;
	[tilespmem:v1+s12+$0x0] =	vst.idx.msk $0xffff, v25  }
0x496: {  	v40 =	vadd.s32 $0x2300, v27;
	v57 =	vadd.s32 $0x2080, v27;
	v9 =	vld.idx.msk [tilespmem:v44+s8+$0x0], $0xffff;
	v1 =	vor.u32 $0x2100, v13;
	[tilespmem:v49+s12+$0x0] =	vst.idx.msk $0xffff, v28  }
0x497: {  	v37 =	vadd.s32 $0x2200, v27;
	s19 =	sadd.s32 $0x20, s16;
	v20 =	vld.idx.msk [tilespmem:v42+s8+$0x0], $0xffff;
	v56 =	vor.u32 $0x2180, v13;
	v61 =	vadd.s32 $0x2100, v27;
	[tilespmem:v50+s12+$0x0] =	vst.idx.msk $0xffff, v30  }
0x498: {  	v36 =	vor.u32 s19, v0;
	v59 =	vor.u32 $0x2200, v13;
	v63 =	vadd.s32 $0x2180, v27;
	v16 =	vld.idx.msk [tilespmem:v52+s8+$0x0], $0xffff;
	[tilespmem:v3+s12+$0x0] =	vst.idx.msk $0xffff, v17  }
0x499: {  	v60 =	vor.u32 $0x2280, v13;
	v18 =	vld.idx.msk [tilespmem:v48+s8+$0x0], $0xffff;
	v62 =	vor.u32 $0x2300, v13;
	v3 =	vmov s19;
	[tilespmem:v53+s12+$0x0] =	vst.idx.msk $0xffff, v26  }
0x49a: {  	v27 =	vadd.s32 $0x2380, v27;
	v41 =	vshll.u32 v58, $0x3;
	v21 =	vld.idx.msk [tilespmem:v51+s8+$0x0], $0xffff;
	v3 =	vshll.u32 v3, $0x3;
	[tilespmem:v54+s12+$0x0] =	vst.idx.msk $0xffff, v4  }
0x49b: {  	v13 =	vor.u32 $0x2380, v13;
	v17 =	vand.u32 $0x6F, v36;
	v4 =	vld.idx.msk [tilespmem:v57+s8+$0x0], $0xffff;
	v42 =	vand.u32 $0x1C00, v3;
	[tilespmem:v1+s12+$0x0] =	vst.idx.msk $0xffff, v11  }
0x49c: {  	v43 =	vand.u32 $0x7F, v58;
	v22 =	vand.u32 $0xFFFFFC00, v41;
	v1 =	vld.idx.msk [tilespmem:v61+s8+$0x0], $0xffff;
	v11 =	vor.u32 v17, v42;
	[tilespmem:v56+s12+$0x0] =	vst.idx.msk $0xffff, v5  }
0x49d: {  	v22 =	vor.u32 v43, v22;
	v5 =	vld.idx.msk [tilespmem:v63+s8+$0x0], $0xffff;
	v44 =	vor.u32 $0x80, v11;
	[tilespmem:v59+s12+$0x0] =	vst.idx.msk $0xffff, v14  }
0x49e: {  	v48 =	vor.u32 $0x180, v22;
	v46 =	vor.u32 $0x100, v11;
	v14 =	vld.idx.msk [tilespmem:v37+s8+$0x0], $0xffff;
	[tilespmem:v60+s12+$0x0] =	vst.idx.msk $0xffff, v6  }
0x49f: {  	v55 =	vor.u32 $0x380, v22;
	v47 =	vor.u32 $0x180, v11;
	v6 =	vld.idx.msk [tilespmem:v39+s8+$0x0], $0xffff;
	[tilespmem:v62+s12+$0x0] =	vst.idx.msk $0xffff, v7  }
0x4a0: {  	v45 =	vor.u32 $0x80, v22;
	v49 =	vor.u32 $0x200, v11;
	v7 =	vld.idx.msk [tilespmem:v40+s8+$0x0], $0xffff;
	[tilespmem:v13+s12+$0x0] =	vst.idx.msk $0xffff, v2  }
0x4a1: {  	v50 =	vor.u32 $0x200, v22;
	v51 =	vor.u32 $0x280, v11;
	v2 =	vld.idx.msk [tilespmem:v27+s8+$0x0], $0xffff;
	[tilespmem:v11+s12+$0x0] =	vst.idx.msk $0xffff, v8  }
0x4a2: {  	v52 =	vor.u32 $0x280, v22;
	v28 =	vld.idx.msk [tilespmem:v22+s8+$0x0], $0xffff;
	v3 =	vor.u32 v17, v3;
	v53 =	vor.u32 $0x300, v11;
	[tilespmem:v44+s12+$0x0] =	vst.idx.msk $0xffff, v20  }
0x4a3: {  	v15 =	vld.idx.msk [tilespmem:v48+s8+$0x0], $0xffff;
	v57 =	vadd.s32 $0x2000, v22;
	v3 =	vor.u32 $0x380, v3;
	[tilespmem:v46+s12+$0x0] =	vst.idx.msk $0xffff, v9  }
0x4a4: {  	v23 =	vld.idx.msk [tilespmem:v55+s8+$0x0], $0xffff;
	v54 =	vor.u32 $0x300, v22;
	v56 =	vor.u32 $0x2000, v11;
	[tilespmem:v47+s12+$0x0] =	vst.idx.msk $0xffff, v10  }
0x4a5: {  	v25 =	vor.u32 $0x100, v22;
	v17 =	vld.idx.msk [tilespmem:v45+s8+$0x0], $0xffff;
	v58 =	vor.u32 $0x2080, v11;
	[tilespmem:v49+s12+$0x0] =	vst.idx.msk $0xffff, v18  }
0x4a6: {  	s19 =	sadd.s32 $0x30, s16;
	v61 =	vor.u32 $0x2100, v11;
	v59 =	vld.idx.msk [tilespmem:v50+s8+$0x0], $0xffff;
	v60 =	vadd.s32 $0x2080, v22;
	[tilespmem:v51+s12+$0x0] =	vst.idx.msk $0xffff, v29  }
0x4a7: {  	v35 =	vadd.s32 $0x2180, v22;
	v42 =	vor.u32 s19, v0;
	v33 =	vor.u32 $0x2180, v11;
	v62 =	vld.idx.msk [tilespmem:v52+s8+$0x0], $0xffff;
	[tilespmem:v53+s12+$0x0] =	vst.idx.msk $0xffff, v21  }
0x4a8: {  	v63 =	vadd.s32 $0x2100, v22;
	v34 =	vor.u32 $0x2200, v11;
	v37 =	vadd.s32 $0x2200, v22;
	v40 =	vld.idx.msk [tilespmem:v57+s8+$0x0], $0xffff;
	[tilespmem:v3+s12+$0x0] =	vst.idx.msk $0xffff, v16  }
0x4a9: {  	v39 =	vmov s19;
	v20 =	vld.idx.msk [tilespmem:v54+s8+$0x0], $0xffff;
	v44 =	vadd.s32 $0x2300, v22;
	v3 =	vor.u32 $0x2280, v11;
	[tilespmem:v56+s12+$0x0] =	vst.idx.msk $0xffff, v38  }
0x4aa: {  	v36 =	vor.u32 $0x2300, v11;
	v9 =	vld.idx.msk [tilespmem:v25+s8+$0x0], $0xffff;
	v38 =	vor.u32 $0x2380, v11;
	v11 =	vshll.u32 v39, $0x3;
	[tilespmem:v58+s12+$0x0] =	vst.idx.msk $0xffff, v4  }
0x4ab: {  	v41 =	vadd.s32 $0x2280, v22;
	v43 =	vld.idx.msk [tilespmem:v60+s8+$0x0], $0xffff;
	v4 =	vand.u32 $0x7F, v42;
	v46 =	vand.u32 $0x1C00, v11;
	[tilespmem:v61+s12+$0x0] =	vst.idx.msk $0xffff, v1  }
0x4ac: {  	v45 =	vadd.s32 $0x2380, v22;
	v47 =	vld.idx.msk [tilespmem:v35+s8+$0x0], $0xffff;
	v48 =	vor.u32 v4, v46;
	[tilespmem:v33+s12+$0x0] =	vst.idx.msk $0xffff, v5  }
0x4ad: {  	v49 =	vld.idx.msk [tilespmem:v37+s8+$0x0], $0xffff;
	v50 =	vor.u32 $0x80, v48;
	[tilespmem:v34+s12+$0x0] =	vst.idx.msk $0xffff, v14  }
0x4ae: {  	v52 =	vld.idx.msk [tilespmem:v44+s8+$0x0], $0xffff;
	v51 =	vor.u32 $0x100, v48;
	[tilespmem:v3+s12+$0x0] =	vst.idx.msk $0xffff, v6  }
0x4af: {  	v1 =	vld.idx.msk [tilespmem:v63+s8+$0x0], $0xffff;
	v53 =	vor.u32 $0x180, v48;
	[tilespmem:v36+s12+$0x0] =	vst.idx.msk $0xffff, v7  }
0x4b0: {  	v54 =	vor.u32 $0x200, v48;
	v3 =	vld.idx.msk [tilespmem:v41+s8+$0x0], $0xffff;
	[tilespmem:v38+s12+$0x0] =	vst.idx.msk $0xffff, v2  }
0x4b1: {  	v55 =	vor.u32 $0x280, v48;
	v2 =	vld.idx.msk [tilespmem:v45+s8+$0x0], $0xffff;
	[tilespmem:v48+s12+$0x0] =	vst.idx.msk $0xffff, v28  }
0x4b2: {  	v4 =	vor.u32 v4, v11;
	v56 =	vor.u32 $0x300, v48;
	[tilespmem:v50+s12+$0x0] =	vst.idx.msk $0xffff, v17  }
0x4b3: {  	v4 =	vor.u32 $0x380, v4;
	[tilespmem:v51+s12+$0x0] =	vst.idx.msk $0xffff, v9  }
0x4b4: {  	v57 =	vor.u32 $0x2000, v48;
	[tilespmem:v53+s12+$0x0] =	vst.idx.msk $0xffff, v15  }
0x4b5: {  	v58 =	vor.u32 $0x2080, v48;
	[tilespmem:v54+s12+$0x0] =	vst.idx.msk $0xffff, v59  }
0x4b6: {  	v59 =	vor.u32 $0x2100, v48;
	[tilespmem:v55+s12+$0x0] =	vst.idx.msk $0xffff, v62  }
0x4b7: {  	v60 =	vor.u32 $0x2180, v48;
	[tilespmem:v56+s12+$0x0] =	vst.idx.msk $0xffff, v20  }
0x4b8: {  	v61 =	vor.u32 $0x2200, v48;
	[tilespmem:v4+s12+$0x0] =	vst.idx.msk $0xffff, v23  }
0x4b9: {  	v62 =	vor.u32 $0x2280, v48;
	[tilespmem:v57+s12+$0x0] =	vst.idx.msk $0xffff, v40  }
0x4ba: {  	s17 =	sadd.s32 $0x4, s17;
	v63 =	vor.u32 $0x2300, v48;
	[tilespmem:v58+s12+$0x0] =	vst.idx.msk $0xffff, v43  }
0x4bb: {  	p0 =	slt.u32 s17, $0x3C;
	[tilespmem:v59+s12+$0x0] =	vst.idx.msk $0xffff, v1;
	v1 =	vor.u32 $0x2380, v48  }
.Ltmp11:
0x4bc: {  	[tilespmem:v60+s12+$0x0] =	vst.idx.msk $0xffff, v47;
	(pc) =	sbr.rel @p0 .LBB2_24-.Ltmp11, $4  }
0x4bd: {  	[tilespmem:v61+s12+$0x0] =	vst.idx.msk $0xffff, v49  }
0x4be: {  	[tilespmem:v62+s12+$0x0] =	vst.idx.msk $0xffff, v3  }
0x4bf: {  	[tilespmem:v63+s12+$0x0] =	vst.idx.msk $0xffff, v52  }
0x4c0: {  	s18 =	sadd.s32 $0x40, s18;
	s16 =	sadd.s32 $0x40, s16;
	[tilespmem:v1+s12+$0x0] =	vst.idx.msk $0xffff, v2  }
0x4c1: {  	s16 =	simm.s32 $0x0  }
0x4c2: {  	[hbm4b:s23+s16] =	stream.linear.scatter [tilespmem:s12], [sflag:$0x4], $0x4000, $0x38;
	[tilespmem:$0x10400] =	vst v63  }
0x4c3: {  	_ = 	snop  }
0x4c4: {  	[tilespmem:s8], [sflag:$0x2] =	stream.linear.gather [hbm4b:s26+s16], $0x4000, $0x38;
	[tilespmem:$0x10400] =	vst v63  }
0x4c5: {  	_ =	swait.ge [sflag:s9], $0x4000  }
0x4c6: {  	[sflag:s9] =	ssyncset.done $0x0  }
0x4c7: {  	[sflag:s9] =	ssyncadd.s32 $0xFFFFC000  }
0x4c8: {  	_ =	swait.ge [sflag:s13], $0x4000  }
0x4c9: {  	[sflag:s13] =	ssyncset.done $0x0  }
0x4ca: {  	s17 =	simm.s32 $0xFFFFFFFC;
	s18 =	simm.s32 $0x20;
	[sflag:s13] =	ssyncadd.s32 $0xFFFFC000  }
.LBB2_26:
0x4cb: {  	v1 =	vld [tilespmem:s18+$0xFFFFFFE0]  }
0x4cc: {  	v12 =	vld [tilespmem:s18+$0xFFFFFFF0];
	_ =	sdelay $0x3  }
0x4cd: {  	v2 =	vshll.u32 v1, $0x3  }
0x4ce: {  	v1 =	vand.u32 $0x7F, v1;
	v19 =	vshll.u32 v12, $0x3;
	v2 =	vand.u32 $0xFFFFFC00, v2  }
0x4cf: {  	v12 =	vand.u32 $0x7F, v12;
	v19 =	vand.u32 $0xFFFFFC00, v19;
	v1 =	vor.u32 v1, v2  }
0x4d0: {  	v12 =	vor.u32 v12, v19  }
0x4d1: {  	v2 =	vor.u32 $0x80, v1  }
0x4d2: {  	v3 =	vor.u32 $0x100, v1  }
0x4d3: {  	v32 =	vld [tilespmem:s18+$0x0];
	v4 =	vor.u32 $0x180, v1  }
0x4d4: {  	v5 =	vor.u32 $0x200, v1;
	v6 =	vld.idx.msk [tilespmem:v1+s7+$0x0], $0xffff  }
0x4d5: {  	v7 =	vor.u32 $0x280, v1;
	v51 =	vld.idx.msk [tilespmem:v12+s7+$0x0], $0xffff  }
0x4d6: {  	v8 =	vor.u32 $0x300, v1;
	v2 =	vld.idx.msk [tilespmem:v2+s7+$0x0], $0xffff  }
0x4d7: {  	v9 =	vor.u32 $0x380, v1;
	v3 =	vld.idx.msk [tilespmem:v3+s7+$0x0], $0xffff  }
0x4d8: {  	v10 =	vadd.s32 $0x2000, v1;
	v4 =	vld.idx.msk [tilespmem:v4+s7+$0x0], $0xffff  }
0x4d9: {  	v11 =	vadd.s32 $0x2080, v1;
	v5 =	vld.idx.msk [tilespmem:v5+s7+$0x0], $0xffff  }
0x4da: {  	v13 =	vadd.s32 $0x2100, v1;
	v7 =	vld.idx.msk [tilespmem:v7+s7+$0x0], $0xffff  }
0x4db: {  	v14 =	vadd.s32 $0x2180, v1;
	v8 =	vld.idx.msk [tilespmem:v8+s7+$0x0], $0xffff  }
0x4dc: {  	v17 =	vmov s16;
	v15 =	vadd.s32 $0x2200, v1;
	v9 =	vld.idx.msk [tilespmem:v9+s7+$0x0], $0xffff  }
0x4dd: {  	v20 =	vor.u32 s16, v0;
	v17 =	vshll.u32 v17, $0x3;
	v16 =	vadd.s32 $0x2280, v1;
	v10 =	vld.idx.msk [tilespmem:v10+s7+$0x0], $0xffff  }
0x4de: {  	v49 =	vand.u32 $0x4F, v20;
	v50 =	vand.u32 $0x1C00, v17;
	v18 =	vadd.s32 $0x2300, v1;
	v11 =	vld.idx.msk [tilespmem:v11+s7+$0x0], $0xffff  }
0x4df: {  	v20 =	vor.u32 v49, v50;
	v1 =	vadd.s32 $0x2380, v1;
	v13 =	vld.idx.msk [tilespmem:v13+s7+$0x0], $0xffff  }
0x4e0: {  	v23 =	vor.u32 $0x80, v20;
	v21 =	vor.u32 $0x80, v12;
	v14 =	vld.idx.msk [tilespmem:v14+s7+$0x0], $0xffff  }
0x4e1: {  	v25 =	vor.u32 $0x100, v20;
	v22 =	vor.u32 $0x100, v12;
	v15 =	vld.idx.msk [tilespmem:v15+s7+$0x0], $0xffff  }
0x4e2: {  	v17 =	vor.u32 v17, v49;
	v27 =	vor.u32 $0x180, v20;
	v24 =	vor.u32 $0x180, v12;
	v16 =	vld.idx.msk [tilespmem:v16+s7+$0x0], $0xffff  }
0x4e3: {  	v28 =	vor.u32 $0x200, v17;
	v30 =	vor.u32 $0x300, v12;
	v18 =	vld.idx.msk [tilespmem:v18+s7+$0x0], $0xffff  }
0x4e4: {  	v52 =	vor.u32 $0x280, v17;
	v34 =	vadd.s32 $0x2280, v12;
	v1 =	vld.idx.msk [tilespmem:v1+s7+$0x0], $0xffff;
	[tilespmem:v20+s10+$0x0] =	vst.idx.msk $0xffff, v6  }
0x4e5: {  	v26 =	vor.u32 $0x200, v12;
	v21 =	vld.idx.msk [tilespmem:v21+s7+$0x0], $0xffff;
	[tilespmem:v23+s10+$0x0] =	vst.idx.msk $0xffff, v2;
	v2 =	vor.u32 $0x300, v17  }
0x4e6: {  	s19 =	sadd.s32 $0x10, s16;
	v55 =	vadd.s32 $0x2000, v12;
	v22 =	vld.idx.msk [tilespmem:v22+s7+$0x0], $0xffff;
	[tilespmem:v25+s10+$0x0] =	vst.idx.msk $0xffff, v3;
	v3 =	vor.u32 $0x380, v17  }
0x4e7: {  	v36 =	vor.u32 s19, v0;
	v56 =	vor.u32 $0x2000, v20;
	v31 =	vadd.s32 $0x2080, v12;
	v53 =	vld.idx.msk [tilespmem:v24+s7+$0x0], $0xffff;
	[tilespmem:v27+s10+$0x0] =	vst.idx.msk $0xffff, v4  }
0x4e8: {  	v60 =	vor.u32 $0x2200, v17;
	v57 =	vor.u32 $0x2080, v20;
	v29 =	vor.u32 $0x280, v12;
	v30 =	vld.idx.msk [tilespmem:v30+s7+$0x0], $0xffff;
	[tilespmem:v28+s10+$0x0] =	vst.idx.msk $0xffff, v5  }
0x4e9: {  	v61 =	vor.u32 $0x2280, v17;
	v58 =	vor.u32 $0x2100, v20;
	v33 =	vadd.s32 $0x2180, v12;
	v6 =	vld.idx.msk [tilespmem:v34+s7+$0x0], $0xffff;
	[tilespmem:v52+s10+$0x0] =	vst.idx.msk $0xffff, v7  }
0x4ea: {  	v38 =	vshll.u32 v32, $0x3;
	v37 =	vadd.s32 $0x2300, v12;
	v20 =	vor.u32 $0x2180, v20;
	v25 =	vld.idx.msk [tilespmem:v26+s7+$0x0], $0xffff;
	[tilespmem:v2+s10+$0x0] =	vst.idx.msk $0xffff, v8  }
0x4eb: {  	v39 =	vand.u32 $0x7F, v32;
	v40 =	vand.u32 $0xFFFFFC00, v38;
	v54 =	vor.u32 $0x380, v12;
	v26 =	vld.idx.msk [tilespmem:v55+s7+$0x0], $0xffff;
	[tilespmem:v3+s10+$0x0] =	vst.idx.msk $0xffff, v9  }
0x4ec: {  	v62 =	vor.u32 $0x2380, v17;
	v4 =	vld.idx.msk [tilespmem:v31+s7+$0x0], $0xffff;
	v27 =	vor.u32 v39, v40;
	v3 =	vmov s19;
	[tilespmem:v56+s10+$0x0] =	vst.idx.msk $0xffff, v10  }
0x4ed: {  	v59 =	vadd.s32 $0x2100, v12;
	v28 =	vld.idx.msk [tilespmem:v29+s7+$0x0], $0xffff;
	v2 =	vor.u32 $0x2300, v17;
	v3 =	vshll.u32 v3, $0x3;
	[tilespmem:v57+s10+$0x0] =	vst.idx.msk $0xffff, v11  }
0x4ee: {  	v63 =	vadd.s32 $0x2200, v12;
	v5 =	vld.idx.msk [tilespmem:v33+s7+$0x0], $0xffff;
	v9 =	vand.u32 $0x5F, v36;
	v41 =	vand.u32 $0x1C00, v3;
	[tilespmem:v58+s10+$0x0] =	vst.idx.msk $0xffff, v13  }
0x4ef: {  	v12 =	vadd.s32 $0x2380, v12;
	v7 =	vld.idx.msk [tilespmem:v37+s7+$0x0], $0xffff;
	v13 =	vor.u32 v9, v41;
	[tilespmem:v20+s10+$0x0] =	vst.idx.msk $0xffff, v14  }
0x4f0: {  	v46 =	vor.u32 $0x180, v27;
	v17 =	vld.idx.msk [tilespmem:v54+s7+$0x0], $0xffff;
	v43 =	vor.u32 $0x80, v13;
	[tilespmem:v60+s10+$0x0] =	vst.idx.msk $0xffff, v15  }
0x4f1: {  	v29 =	vor.u32 $0x280, v27;
	v8 =	vld.idx.msk [tilespmem:v27+s7+$0x0], $0xffff;
	v45 =	vor.u32 $0x100, v13;
	[tilespmem:v61+s10+$0x0] =	vst.idx.msk $0xffff, v16  }
0x4f2: {  	v55 =	vadd.s32 $0x2000, v27;
	v11 =	vld.idx.msk [tilespmem:v59+s7+$0x0], $0xffff;
	v47 =	vor.u32 $0x180, v13;
	[tilespmem:v2+s10+$0x0] =	vst.idx.msk $0xffff, v18  }
0x4f3: {  	v14 =	vld.idx.msk [tilespmem:v63+s7+$0x0], $0xffff;
	[tilespmem:v62+s10+$0x0] =	vst.idx.msk $0xffff, v1;
	v1 =	vor.u32 $0x200, v13  }
0x4f4: {  	v44 =	vor.u32 $0x100, v27;
	v49 =	vor.u32 $0x280, v13;
	v2 =	vld.idx.msk [tilespmem:v12+s7+$0x0], $0xffff;
	[tilespmem:v13+s10+$0x0] =	vst.idx.msk $0xffff, v51  }
0x4f5: {  	v42 =	vor.u32 $0x80, v27;
	v3 =	vor.u32 v9, v3;
	v10 =	vld.idx.msk [tilespmem:v46+s7+$0x0], $0xffff;
	v50 =	vor.u32 $0x300, v13;
	[tilespmem:v43+s10+$0x0] =	vst.idx.msk $0xffff, v21  }
0x4f6: {  	v52 =	vor.u32 $0x380, v27;
	v29 =	vld.idx.msk [tilespmem:v29+s7+$0x0], $0xffff;
	v3 =	vor.u32 $0x380, v3;
	[tilespmem:v45+s10+$0x0] =	vst.idx.msk $0xffff, v22  }
0x4f7: {  	v48 =	vor.u32 $0x200, v27;
	v38 =	vld.idx.msk [tilespmem:v55+s7+$0x0], $0xffff;
	[tilespmem:v47+s10+$0x0] =	vst.idx.msk $0xffff, v53;
	v53 =	vor.u32 $0x2000, v13  }
0x4f8: {  	v39 =	vadd.s32 $0x2280, v27;
	v58 =	vld [tilespmem:s18+$0x10];
	v54 =	vor.u32 $0x2080, v13;
	v51 =	vor.u32 $0x300, v27;
	[tilespmem:v1+s10+$0x0] =	vst.idx.msk $0xffff, v25  }
0x4f9: {  	v40 =	vadd.s32 $0x2300, v27;
	v57 =	vadd.s32 $0x2080, v27;
	v9 =	vld.idx.msk [tilespmem:v44+s7+$0x0], $0xffff;
	v1 =	vor.u32 $0x2100, v13;
	[tilespmem:v49+s10+$0x0] =	vst.idx.msk $0xffff, v28  }
0x4fa: {  	v37 =	vadd.s32 $0x2200, v27;
	s19 =	sadd.s32 $0x20, s16;
	v20 =	vld.idx.msk [tilespmem:v42+s7+$0x0], $0xffff;
	v56 =	vor.u32 $0x2180, v13;
	v61 =	vadd.s32 $0x2100, v27;
	[tilespmem:v50+s10+$0x0] =	vst.idx.msk $0xffff, v30  }
0x4fb: {  	v36 =	vor.u32 s19, v0;
	v59 =	vor.u32 $0x2200, v13;
	v63 =	vadd.s32 $0x2180, v27;
	v16 =	vld.idx.msk [tilespmem:v52+s7+$0x0], $0xffff;
	[tilespmem:v3+s10+$0x0] =	vst.idx.msk $0xffff, v17  }
0x4fc: {  	v60 =	vor.u32 $0x2280, v13;
	v18 =	vld.idx.msk [tilespmem:v48+s7+$0x0], $0xffff;
	v62 =	vor.u32 $0x2300, v13;
	v3 =	vmov s19;
	[tilespmem:v53+s10+$0x0] =	vst.idx.msk $0xffff, v26  }
0x4fd: {  	v27 =	vadd.s32 $0x2380, v27;
	v41 =	vshll.u32 v58, $0x3;
	v21 =	vld.idx.msk [tilespmem:v51+s7+$0x0], $0xffff;
	v3 =	vshll.u32 v3, $0x3;
	[tilespmem:v54+s10+$0x0] =	vst.idx.msk $0xffff, v4  }
0x4fe: {  	v13 =	vor.u32 $0x2380, v13;
	v17 =	vand.u32 $0x6F, v36;
	v4 =	vld.idx.msk [tilespmem:v57+s7+$0x0], $0xffff;
	v42 =	vand.u32 $0x1C00, v3;
	[tilespmem:v1+s10+$0x0] =	vst.idx.msk $0xffff, v11  }
0x4ff: {  	v43 =	vand.u32 $0x7F, v58;
	v22 =	vand.u32 $0xFFFFFC00, v41;
	v1 =	vld.idx.msk [tilespmem:v61+s7+$0x0], $0xffff;
	v11 =	vor.u32 v17, v42;
	[tilespmem:v56+s10+$0x0] =	vst.idx.msk $0xffff, v5  }
0x500: {  	v22 =	vor.u32 v43, v22;
	v5 =	vld.idx.msk [tilespmem:v63+s7+$0x0], $0xffff;
	v44 =	vor.u32 $0x80, v11;
	[tilespmem:v59+s10+$0x0] =	vst.idx.msk $0xffff, v14  }
0x501: {  	v48 =	vor.u32 $0x180, v22;
	v46 =	vor.u32 $0x100, v11;
	v14 =	vld.idx.msk [tilespmem:v37+s7+$0x0], $0xffff;
	[tilespmem:v60+s10+$0x0] =	vst.idx.msk $0xffff, v6  }
0x502: {  	v55 =	vor.u32 $0x380, v22;
	v47 =	vor.u32 $0x180, v11;
	v6 =	vld.idx.msk [tilespmem:v39+s7+$0x0], $0xffff;
	[tilespmem:v62+s10+$0x0] =	vst.idx.msk $0xffff, v7  }
0x503: {  	v45 =	vor.u32 $0x80, v22;
	v49 =	vor.u32 $0x200, v11;
	v7 =	vld.idx.msk [tilespmem:v40+s7+$0x0], $0xffff;
	[tilespmem:v13+s10+$0x0] =	vst.idx.msk $0xffff, v2  }
0x504: {  	v50 =	vor.u32 $0x200, v22;
	v51 =	vor.u32 $0x280, v11;
	v2 =	vld.idx.msk [tilespmem:v27+s7+$0x0], $0xffff;
	[tilespmem:v11+s10+$0x0] =	vst.idx.msk $0xffff, v8  }
0x505: {  	v52 =	vor.u32 $0x280, v22;
	v28 =	vld.idx.msk [tilespmem:v22+s7+$0x0], $0xffff;
	v3 =	vor.u32 v17, v3;
	v53 =	vor.u32 $0x300, v11;
	[tilespmem:v44+s10+$0x0] =	vst.idx.msk $0xffff, v20  }
0x506: {  	v15 =	vld.idx.msk [tilespmem:v48+s7+$0x0], $0xffff;
	v57 =	vadd.s32 $0x2000, v22;
	v3 =	vor.u32 $0x380, v3;
	[tilespmem:v46+s10+$0x0] =	vst.idx.msk $0xffff, v9  }
0x507: {  	v23 =	vld.idx.msk [tilespmem:v55+s7+$0x0], $0xffff;
	v54 =	vor.u32 $0x300, v22;
	v56 =	vor.u32 $0x2000, v11;
	[tilespmem:v47+s10+$0x0] =	vst.idx.msk $0xffff, v10  }
0x508: {  	v25 =	vor.u32 $0x100, v22;
	v17 =	vld.idx.msk [tilespmem:v45+s7+$0x0], $0xffff;
	v58 =	vor.u32 $0x2080, v11;
	[tilespmem:v49+s10+$0x0] =	vst.idx.msk $0xffff, v18  }
0x509: {  	s19 =	sadd.s32 $0x30, s16;
	v61 =	vor.u32 $0x2100, v11;
	v59 =	vld.idx.msk [tilespmem:v50+s7+$0x0], $0xffff;
	v60 =	vadd.s32 $0x2080, v22;
	[tilespmem:v51+s10+$0x0] =	vst.idx.msk $0xffff, v29  }
0x50a: {  	v35 =	vadd.s32 $0x2180, v22;
	v42 =	vor.u32 s19, v0;
	v33 =	vor.u32 $0x2180, v11;
	v62 =	vld.idx.msk [tilespmem:v52+s7+$0x0], $0xffff;
	[tilespmem:v53+s10+$0x0] =	vst.idx.msk $0xffff, v21  }
0x50b: {  	v63 =	vadd.s32 $0x2100, v22;
	v34 =	vor.u32 $0x2200, v11;
	v37 =	vadd.s32 $0x2200, v22;
	v40 =	vld.idx.msk [tilespmem:v57+s7+$0x0], $0xffff;
	[tilespmem:v3+s10+$0x0] =	vst.idx.msk $0xffff, v16  }
0x50c: {  	v39 =	vmov s19;
	v20 =	vld.idx.msk [tilespmem:v54+s7+$0x0], $0xffff;
	v44 =	vadd.s32 $0x2300, v22;
	v3 =	vor.u32 $0x2280, v11;
	[tilespmem:v56+s10+$0x0] =	vst.idx.msk $0xffff, v38  }
0x50d: {  	v36 =	vor.u32 $0x2300, v11;
	v9 =	vld.idx.msk [tilespmem:v25+s7+$0x0], $0xffff;
	v38 =	vor.u32 $0x2380, v11;
	v11 =	vshll.u32 v39, $0x3;
	[tilespmem:v58+s10+$0x0] =	vst.idx.msk $0xffff, v4  }
0x50e: {  	v41 =	vadd.s32 $0x2280, v22;
	v43 =	vld.idx.msk [tilespmem:v60+s7+$0x0], $0xffff;
	v4 =	vand.u32 $0x7F, v42;
	v46 =	vand.u32 $0x1C00, v11;
	[tilespmem:v61+s10+$0x0] =	vst.idx.msk $0xffff, v1  }
0x50f: {  	v45 =	vadd.s32 $0x2380, v22;
	v47 =	vld.idx.msk [tilespmem:v35+s7+$0x0], $0xffff;
	v48 =	vor.u32 v4, v46;
	[tilespmem:v33+s10+$0x0] =	vst.idx.msk $0xffff, v5  }
0x510: {  	v49 =	vld.idx.msk [tilespmem:v37+s7+$0x0], $0xffff;
	v50 =	vor.u32 $0x80, v48;
	[tilespmem:v34+s10+$0x0] =	vst.idx.msk $0xffff, v14  }
0x511: {  	v52 =	vld.idx.msk [tilespmem:v44+s7+$0x0], $0xffff;
	v51 =	vor.u32 $0x100, v48;
	[tilespmem:v3+s10+$0x0] =	vst.idx.msk $0xffff, v6  }
0x512: {  	v1 =	vld.idx.msk [tilespmem:v63+s7+$0x0], $0xffff;
	v53 =	vor.u32 $0x180, v48;
	[tilespmem:v36+s10+$0x0] =	vst.idx.msk $0xffff, v7  }
0x513: {  	v54 =	vor.u32 $0x200, v48;
	v3 =	vld.idx.msk [tilespmem:v41+s7+$0x0], $0xffff;
	[tilespmem:v38+s10+$0x0] =	vst.idx.msk $0xffff, v2  }
0x514: {  	v55 =	vor.u32 $0x280, v48;
	v2 =	vld.idx.msk [tilespmem:v45+s7+$0x0], $0xffff;
	[tilespmem:v48+s10+$0x0] =	vst.idx.msk $0xffff, v28  }
0x515: {  	v4 =	vor.u32 v4, v11;
	v56 =	vor.u32 $0x300, v48;
	[tilespmem:v50+s10+$0x0] =	vst.idx.msk $0xffff, v17  }
0x516: {  	v4 =	vor.u32 $0x380, v4;
	[tilespmem:v51+s10+$0x0] =	vst.idx.msk $0xffff, v9  }
0x517: {  	v57 =	vor.u32 $0x2000, v48;
	[tilespmem:v53+s10+$0x0] =	vst.idx.msk $0xffff, v15  }
0x518: {  	v58 =	vor.u32 $0x2080, v48;
	[tilespmem:v54+s10+$0x0] =	vst.idx.msk $0xffff, v59  }
0x519: {  	v59 =	vor.u32 $0x2100, v48;
	[tilespmem:v55+s10+$0x0] =	vst.idx.msk $0xffff, v62  }
0x51a: {  	v60 =	vor.u32 $0x2180, v48;
	[tilespmem:v56+s10+$0x0] =	vst.idx.msk $0xffff, v20  }
0x51b: {  	v61 =	vor.u32 $0x2200, v48;
	[tilespmem:v4+s10+$0x0] =	vst.idx.msk $0xffff, v23  }
0x51c: {  	v62 =	vor.u32 $0x2280, v48;
	[tilespmem:v57+s10+$0x0] =	vst.idx.msk $0xffff, v40  }
0x51d: {  	s17 =	sadd.s32 $0x4, s17;
	v63 =	vor.u32 $0x2300, v48;
	[tilespmem:v58+s10+$0x0] =	vst.idx.msk $0xffff, v43  }
0x51e: {  	p0 =	slt.u32 s17, $0x3C;
	[tilespmem:v59+s10+$0x0] =	vst.idx.msk $0xffff, v1;
	v1 =	vor.u32 $0x2380, v48  }
.Ltmp12:
0x51f: {  	[tilespmem:v60+s10+$0x0] =	vst.idx.msk $0xffff, v47;
	(pc) =	sbr.rel @p0 .LBB2_26-.Ltmp12, $4  }
0x520: {  	[tilespmem:v61+s10+$0x0] =	vst.idx.msk $0xffff, v49  }
0x521: {  	[tilespmem:v62+s10+$0x0] =	vst.idx.msk $0xffff, v3  }
0x522: {  	[tilespmem:v63+s10+$0x0] =	vst.idx.msk $0xffff, v52  }
0x523: {  	s18 =	sadd.s32 $0x40, s18;
	s16 =	sadd.s32 $0x40, s16;
	[tilespmem:v1+s10+$0x0] =	vst.idx.msk $0xffff, v2  }
0x524: {  	s16 =	simm.s32 $0x0  }
0x525: {  	[hbm4b:s25+s16] =	stream.linear.scatter [tilespmem:s10], [sflag:$0x3], $0x4000, $0x38;
	[tilespmem:$0x10400] =	vst v63  }
0x526: {  	_ = 	snop  }
0x527: {  	[tilespmem:s7], [sflag:$0x1] =	stream.linear.gather [hbm4b:s30+s16], $0x4000, $0x38;
	[tilespmem:$0x10400] =	vst v63  }
0x528: {  	_ =	swait.ge [sflag:s11], $0x4000  }
0x529: {  	[sflag:s11] =	ssyncset.done $0x0  }
0x52a: {  	[sflag:s11] =	ssyncadd.s32 $0xFFFFC000  }
0x52b: {  	_ =	swait.ge [sflag:s14], $0x4000  }
0x52c: {  	[sflag:s14] =	ssyncset.done $0x0  }
0x52d: {  	s17 =	simm.s32 $0xFFFFFFFC;
	s18 =	simm.s32 $0x20;
	[sflag:s14] =	ssyncadd.s32 $0xFFFFC000  }
.LBB2_28:
0x52e: {  	v1 =	vld [tilespmem:s18+$0xFFFFFFE0]  }
0x52f: {  	v12 =	vld [tilespmem:s18+$0xFFFFFFF0];
	_ =	sdelay $0x3  }
0x530: {  	v2 =	vshll.u32 v1, $0x3  }
0x531: {  	v1 =	vand.u32 $0x7F, v1;
	v19 =	vshll.u32 v12, $0x3;
	v2 =	vand.u32 $0xFFFFFC00, v2  }
0x532: {  	v12 =	vand.u32 $0x7F, v12;
	v19 =	vand.u32 $0xFFFFFC00, v19;
	v1 =	vor.u32 v1, v2  }
0x533: {  	v12 =	vor.u32 v12, v19  }
0x534: {  	v2 =	vor.u32 $0x80, v1  }
0x535: {  	v3 =	vor.u32 $0x100, v1  }
0x536: {  	v32 =	vld [tilespmem:s18+$0x0];
	v4 =	vor.u32 $0x180, v1  }
0x537: {  	v5 =	vor.u32 $0x200, v1;
	v6 =	vld.idx.msk [tilespmem:v1+s8+$0x0], $0xffff  }
0x538: {  	v7 =	vor.u32 $0x280, v1;
	v51 =	vld.idx.msk [tilespmem:v12+s8+$0x0], $0xffff  }
0x539: {  	v8 =	vor.u32 $0x300, v1;
	v2 =	vld.idx.msk [tilespmem:v2+s8+$0x0], $0xffff  }
0x53a: {  	v9 =	vor.u32 $0x380, v1;
	v3 =	vld.idx.msk [tilespmem:v3+s8+$0x0], $0xffff  }
0x53b: {  	v10 =	vadd.s32 $0x2000, v1;
	v4 =	vld.idx.msk [tilespmem:v4+s8+$0x0], $0xffff  }
0x53c: {  	v11 =	vadd.s32 $0x2080, v1;
	v5 =	vld.idx.msk [tilespmem:v5+s8+$0x0], $0xffff  }
0x53d: {  	v13 =	vadd.s32 $0x2100, v1;
	v7 =	vld.idx.msk [tilespmem:v7+s8+$0x0], $0xffff  }
0x53e: {  	v14 =	vadd.s32 $0x2180, v1;
	v8 =	vld.idx.msk [tilespmem:v8+s8+$0x0], $0xffff  }
0x53f: {  	v17 =	vmov s16;
	v15 =	vadd.s32 $0x2200, v1;
	v9 =	vld.idx.msk [tilespmem:v9+s8+$0x0], $0xffff  }
0x540: {  	v20 =	vor.u32 s16, v0;
	v17 =	vshll.u32 v17, $0x3;
	v16 =	vadd.s32 $0x2280, v1;
	v10 =	vld.idx.msk [tilespmem:v10+s8+$0x0], $0xffff  }
0x541: {  	v49 =	vand.u32 $0x4F, v20;
	v50 =	vand.u32 $0x1C00, v17;
	v18 =	vadd.s32 $0x2300, v1;
	v11 =	vld.idx.msk [tilespmem:v11+s8+$0x0], $0xffff  }
0x542: {  	v20 =	vor.u32 v49, v50;
	v1 =	vadd.s32 $0x2380, v1;
	v13 =	vld.idx.msk [tilespmem:v13+s8+$0x0], $0xffff  }
0x543: {  	v23 =	vor.u32 $0x80, v20;
	v21 =	vor.u32 $0x80, v12;
	v14 =	vld.idx.msk [tilespmem:v14+s8+$0x0], $0xffff  }
0x544: {  	v25 =	vor.u32 $0x100, v20;
	v22 =	vor.u32 $0x100, v12;
	v15 =	vld.idx.msk [tilespmem:v15+s8+$0x0], $0xffff  }
0x545: {  	v17 =	vor.u32 v17, v49;
	v27 =	vor.u32 $0x180, v20;
	v24 =	vor.u32 $0x180, v12;
	v16 =	vld.idx.msk [tilespmem:v16+s8+$0x0], $0xffff  }
0x546: {  	v28 =	vor.u32 $0x200, v17;
	v30 =	vor.u32 $0x300, v12;
	v18 =	vld.idx.msk [tilespmem:v18+s8+$0x0], $0xffff  }
0x547: {  	v52 =	vor.u32 $0x280, v17;
	v34 =	vadd.s32 $0x2280, v12;
	v1 =	vld.idx.msk [tilespmem:v1+s8+$0x0], $0xffff;
	[tilespmem:v20+s12+$0x0] =	vst.idx.msk $0xffff, v6  }
0x548: {  	v26 =	vor.u32 $0x200, v12;
	v21 =	vld.idx.msk [tilespmem:v21+s8+$0x0], $0xffff;
	[tilespmem:v23+s12+$0x0] =	vst.idx.msk $0xffff, v2;
	v2 =	vor.u32 $0x300, v17  }
0x549: {  	s19 =	sadd.s32 $0x10, s16;
	v55 =	vadd.s32 $0x2000, v12;
	v22 =	vld.idx.msk [tilespmem:v22+s8+$0x0], $0xffff;
	[tilespmem:v25+s12+$0x0] =	vst.idx.msk $0xffff, v3;
	v3 =	vor.u32 $0x380, v17  }
0x54a: {  	v36 =	vor.u32 s19, v0;
	v56 =	vor.u32 $0x2000, v20;
	v31 =	vadd.s32 $0x2080, v12;
	v53 =	vld.idx.msk [tilespmem:v24+s8+$0x0], $0xffff;
	[tilespmem:v27+s12+$0x0] =	vst.idx.msk $0xffff, v4  }
0x54b: {  	v60 =	vor.u32 $0x2200, v17;
	v57 =	vor.u32 $0x2080, v20;
	v29 =	vor.u32 $0x280, v12;
	v30 =	vld.idx.msk [tilespmem:v30+s8+$0x0], $0xffff;
	[tilespmem:v28+s12+$0x0] =	vst.idx.msk $0xffff, v5  }
0x54c: {  	v61 =	vor.u32 $0x2280, v17;
	v58 =	vor.u32 $0x2100, v20;
	v33 =	vadd.s32 $0x2180, v12;
	v6 =	vld.idx.msk [tilespmem:v34+s8+$0x0], $0xffff;
	[tilespmem:v52+s12+$0x0] =	vst.idx.msk $0xffff, v7  }
0x54d: {  	v38 =	vshll.u32 v32, $0x3;
	v37 =	vadd.s32 $0x2300, v12;
	v20 =	vor.u32 $0x2180, v20;
	v25 =	vld.idx.msk [tilespmem:v26+s8+$0x0], $0xffff;
	[tilespmem:v2+s12+$0x0] =	vst.idx.msk $0xffff, v8  }
0x54e: {  	v39 =	vand.u32 $0x7F, v32;
	v40 =	vand.u32 $0xFFFFFC00, v38;
	v54 =	vor.u32 $0x380, v12;
	v26 =	vld.idx.msk [tilespmem:v55+s8+$0x0], $0xffff;
	[tilespmem:v3+s12+$0x0] =	vst.idx.msk $0xffff, v9  }
0x54f: {  	v62 =	vor.u32 $0x2380, v17;
	v4 =	vld.idx.msk [tilespmem:v31+s8+$0x0], $0xffff;
	v27 =	vor.u32 v39, v40;
	v3 =	vmov s19;
	[tilespmem:v56+s12+$0x0] =	vst.idx.msk $0xffff, v10  }
0x550: {  	v59 =	vadd.s32 $0x2100, v12;
	v28 =	vld.idx.msk [tilespmem:v29+s8+$0x0], $0xffff;
	v2 =	vor.u32 $0x2300, v17;
	v3 =	vshll.u32 v3, $0x3;
	[tilespmem:v57+s12+$0x0] =	vst.idx.msk $0xffff, v11  }
0x551: {  	v63 =	vadd.s32 $0x2200, v12;
	v5 =	vld.idx.msk [tilespmem:v33+s8+$0x0], $0xffff;
	v9 =	vand.u32 $0x5F, v36;
	v41 =	vand.u32 $0x1C00, v3;
	[tilespmem:v58+s12+$0x0] =	vst.idx.msk $0xffff, v13  }
0x552: {  	v12 =	vadd.s32 $0x2380, v12;
	v7 =	vld.idx.msk [tilespmem:v37+s8+$0x0], $0xffff;
	v13 =	vor.u32 v9, v41;
	[tilespmem:v20+s12+$0x0] =	vst.idx.msk $0xffff, v14  }
0x553: {  	v46 =	vor.u32 $0x180, v27;
	v17 =	vld.idx.msk [tilespmem:v54+s8+$0x0], $0xffff;
	v43 =	vor.u32 $0x80, v13;
	[tilespmem:v60+s12+$0x0] =	vst.idx.msk $0xffff, v15  }
0x554: {  	v29 =	vor.u32 $0x280, v27;
	v8 =	vld.idx.msk [tilespmem:v27+s8+$0x0], $0xffff;
	v45 =	vor.u32 $0x100, v13;
	[tilespmem:v61+s12+$0x0] =	vst.idx.msk $0xffff, v16  }
0x555: {  	v55 =	vadd.s32 $0x2000, v27;
	v11 =	vld.idx.msk [tilespmem:v59+s8+$0x0], $0xffff;
	v47 =	vor.u32 $0x180, v13;
	[tilespmem:v2+s12+$0x0] =	vst.idx.msk $0xffff, v18  }
0x556: {  	v14 =	vld.idx.msk [tilespmem:v63+s8+$0x0], $0xffff;
	[tilespmem:v62+s12+$0x0] =	vst.idx.msk $0xffff, v1;
	v1 =	vor.u32 $0x200, v13  }
0x557: {  	v44 =	vor.u32 $0x100, v27;
	v49 =	vor.u32 $0x280, v13;
	v2 =	vld.idx.msk [tilespmem:v12+s8+$0x0], $0xffff;
	[tilespmem:v13+s12+$0x0] =	vst.idx.msk $0xffff, v51  }
0x558: {  	v42 =	vor.u32 $0x80, v27;
	v3 =	vor.u32 v9, v3;
	v10 =	vld.idx.msk [tilespmem:v46+s8+$0x0], $0xffff;
	v50 =	vor.u32 $0x300, v13;
	[tilespmem:v43+s12+$0x0] =	vst.idx.msk $0xffff, v21  }
0x559: {  	v52 =	vor.u32 $0x380, v27;
	v29 =	vld.idx.msk [tilespmem:v29+s8+$0x0], $0xffff;
	v3 =	vor.u32 $0x380, v3;
	[tilespmem:v45+s12+$0x0] =	vst.idx.msk $0xffff, v22  }
0x55a: {  	v48 =	vor.u32 $0x200, v27;
	v38 =	vld.idx.msk [tilespmem:v55+s8+$0x0], $0xffff;
	[tilespmem:v47+s12+$0x0] =	vst.idx.msk $0xffff, v53;
	v53 =	vor.u32 $0x2000, v13  }
0x55b: {  	v39 =	vadd.s32 $0x2280, v27;
	v58 =	vld [tilespmem:s18+$0x10];
	v54 =	vor.u32 $0x2080, v13;
	v51 =	vor.u32 $0x300, v27;
	[tilespmem:v1+s12+$0x0] =	vst.idx.msk $0xffff, v25  }
0x55c: {  	v40 =	vadd.s32 $0x2300, v27;
	v57 =	vadd.s32 $0x2080, v27;
	v9 =	vld.idx.msk [tilespmem:v44+s8+$0x0], $0xffff;
	v1 =	vor.u32 $0x2100, v13;
	[tilespmem:v49+s12+$0x0] =	vst.idx.msk $0xffff, v28  }
0x55d: {  	v37 =	vadd.s32 $0x2200, v27;
	s19 =	sadd.s32 $0x20, s16;
	v20 =	vld.idx.msk [tilespmem:v42+s8+$0x0], $0xffff;
	v56 =	vor.u32 $0x2180, v13;
	v61 =	vadd.s32 $0x2100, v27;
	[tilespmem:v50+s12+$0x0] =	vst.idx.msk $0xffff, v30  }
0x55e: {  	v36 =	vor.u32 s19, v0;
	v59 =	vor.u32 $0x2200, v13;
	v63 =	vadd.s32 $0x2180, v27;
	v16 =	vld.idx.msk [tilespmem:v52+s8+$0x0], $0xffff;
	[tilespmem:v3+s12+$0x0] =	vst.idx.msk $0xffff, v17  }
0x55f: {  	v60 =	vor.u32 $0x2280, v13;
	v18 =	vld.idx.msk [tilespmem:v48+s8+$0x0], $0xffff;
	v62 =	vor.u32 $0x2300, v13;
	v3 =	vmov s19;
	[tilespmem:v53+s12+$0x0] =	vst.idx.msk $0xffff, v26  }
0x560: {  	v27 =	vadd.s32 $0x2380, v27;
	v41 =	vshll.u32 v58, $0x3;
	v21 =	vld.idx.msk [tilespmem:v51+s8+$0x0], $0xffff;
	v3 =	vshll.u32 v3, $0x3;
	[tilespmem:v54+s12+$0x0] =	vst.idx.msk $0xffff, v4  }
0x561: {  	v13 =	vor.u32 $0x2380, v13;
	v17 =	vand.u32 $0x6F, v36;
	v4 =	vld.idx.msk [tilespmem:v57+s8+$0x0], $0xffff;
	v42 =	vand.u32 $0x1C00, v3;
	[tilespmem:v1+s12+$0x0] =	vst.idx.msk $0xffff, v11  }
0x562: {  	v43 =	vand.u32 $0x7F, v58;
	v22 =	vand.u32 $0xFFFFFC00, v41;
	v1 =	vld.idx.msk [tilespmem:v61+s8+$0x0], $0xffff;
	v11 =	vor.u32 v17, v42;
	[tilespmem:v56+s12+$0x0] =	vst.idx.msk $0xffff, v5  }
0x563: {  	v22 =	vor.u32 v43, v22;
	v5 =	vld.idx.msk [tilespmem:v63+s8+$0x0], $0xffff;
	v44 =	vor.u32 $0x80, v11;
	[tilespmem:v59+s12+$0x0] =	vst.idx.msk $0xffff, v14  }
0x564: {  	v48 =	vor.u32 $0x180, v22;
	v46 =	vor.u32 $0x100, v11;
	v14 =	vld.idx.msk [tilespmem:v37+s8+$0x0], $0xffff;
	[tilespmem:v60+s12+$0x0] =	vst.idx.msk $0xffff, v6  }
0x565: {  	v55 =	vor.u32 $0x380, v22;
	v47 =	vor.u32 $0x180, v11;
	v6 =	vld.idx.msk [tilespmem:v39+s8+$0x0], $0xffff;
	[tilespmem:v62+s12+$0x0] =	vst.idx.msk $0xffff, v7  }
0x566: {  	v45 =	vor.u32 $0x80, v22;
	v49 =	vor.u32 $0x200, v11;
	v7 =	vld.idx.msk [tilespmem:v40+s8+$0x0], $0xffff;
	[tilespmem:v13+s12+$0x0] =	vst.idx.msk $0xffff, v2  }
0x567: {  	v50 =	vor.u32 $0x200, v22;
	v51 =	vor.u32 $0x280, v11;
	v2 =	vld.idx.msk [tilespmem:v27+s8+$0x0], $0xffff;
	[tilespmem:v11+s12+$0x0] =	vst.idx.msk $0xffff, v8  }
0x568: {  	v52 =	vor.u32 $0x280, v22;
	v28 =	vld.idx.msk [tilespmem:v22+s8+$0x0], $0xffff;
	v3 =	vor.u32 v17, v3;
	v53 =	vor.u32 $0x300, v11;
	[tilespmem:v44+s12+$0x0] =	vst.idx.msk $0xffff, v20  }
0x569: {  	v15 =	vld.idx.msk [tilespmem:v48+s8+$0x0], $0xffff;
	v57 =	vadd.s32 $0x2000, v22;
	v3 =	vor.u32 $0x380, v3;
	[tilespmem:v46+s12+$0x0] =	vst.idx.msk $0xffff, v9  }
0x56a: {  	v23 =	vld.idx.msk [tilespmem:v55+s8+$0x0], $0xffff;
	v54 =	vor.u32 $0x300, v22;
	v56 =	vor.u32 $0x2000, v11;
	[tilespmem:v47+s12+$0x0] =	vst.idx.msk $0xffff, v10  }
0x56b: {  	v25 =	vor.u32 $0x100, v22;
	v17 =	vld.idx.msk [tilespmem:v45+s8+$0x0], $0xffff;
	v58 =	vor.u32 $0x2080, v11;
	[tilespmem:v49+s12+$0x0] =	vst.idx.msk $0xffff, v18  }
0x56c: {  	s19 =	sadd.s32 $0x30, s16;
	v61 =	vor.u32 $0x2100, v11;
	v59 =	vld.idx.msk [tilespmem:v50+s8+$0x0], $0xffff;
	v60 =	vadd.s32 $0x2080, v22;
	[tilespmem:v51+s12+$0x0] =	vst.idx.msk $0xffff, v29  }
0x56d: {  	v35 =	vadd.s32 $0x2180, v22;
	v42 =	vor.u32 s19, v0;
	v33 =	vor.u32 $0x2180, v11;
	v62 =	vld.idx.msk [tilespmem:v52+s8+$0x0], $0xffff;
	[tilespmem:v53+s12+$0x0] =	vst.idx.msk $0xffff, v21  }
0x56e: {  	v63 =	vadd.s32 $0x2100, v22;
	v34 =	vor.u32 $0x2200, v11;
	v37 =	vadd.s32 $0x2200, v22;
	v40 =	vld.idx.msk [tilespmem:v57+s8+$0x0], $0xffff;
	[tilespmem:v3+s12+$0x0] =	vst.idx.msk $0xffff, v16  }
0x56f: {  	v39 =	vmov s19;
	v20 =	vld.idx.msk [tilespmem:v54+s8+$0x0], $0xffff;
	v44 =	vadd.s32 $0x2300, v22;
	v3 =	vor.u32 $0x2280, v11;
	[tilespmem:v56+s12+$0x0] =	vst.idx.msk $0xffff, v38  }
0x570: {  	v36 =	vor.u32 $0x2300, v11;
	v9 =	vld.idx.msk [tilespmem:v25+s8+$0x0], $0xffff;
	v38 =	vor.u32 $0x2380, v11;
	v11 =	vshll.u32 v39, $0x3;
	[tilespmem:v58+s12+$0x0] =	vst.idx.msk $0xffff, v4  }
0x571: {  	v41 =	vadd.s32 $0x2280, v22;
	v43 =	vld.idx.msk [tilespmem:v60+s8+$0x0], $0xffff;
	v4 =	vand.u32 $0x7F, v42;
	v46 =	vand.u32 $0x1C00, v11;
	[tilespmem:v61+s12+$0x0] =	vst.idx.msk $0xffff, v1  }
0x572: {  	v45 =	vadd.s32 $0x2380, v22;
	v47 =	vld.idx.msk [tilespmem:v35+s8+$0x0], $0xffff;
	v48 =	vor.u32 v4, v46;
	[tilespmem:v33+s12+$0x0] =	vst.idx.msk $0xffff, v5  }
0x573: {  	v49 =	vld.idx.msk [tilespmem:v37+s8+$0x0], $0xffff;
	v50 =	vor.u32 $0x80, v48;
	[tilespmem:v34+s12+$0x0] =	vst.idx.msk $0xffff, v14  }
0x574: {  	v52 =	vld.idx.msk [tilespmem:v44+s8+$0x0], $0xffff;
	v51 =	vor.u32 $0x100, v48;
	[tilespmem:v3+s12+$0x0] =	vst.idx.msk $0xffff, v6  }
0x575: {  	v1 =	vld.idx.msk [tilespmem:v63+s8+$0x0], $0xffff;
	v53 =	vor.u32 $0x180, v48;
	[tilespmem:v36+s12+$0x0] =	vst.idx.msk $0xffff, v7  }
0x576: {  	v54 =	vor.u32 $0x200, v48;
	v3 =	vld.idx.msk [tilespmem:v41+s8+$0x0], $0xffff;
	[tilespmem:v38+s12+$0x0] =	vst.idx.msk $0xffff, v2  }
0x577: {  	v55 =	vor.u32 $0x280, v48;
	v2 =	vld.idx.msk [tilespmem:v45+s8+$0x0], $0xffff;
	[tilespmem:v48+s12+$0x0] =	vst.idx.msk $0xffff, v28  }
0x578: {  	v4 =	vor.u32 v4, v11;
	v56 =	vor.u32 $0x300, v48;
	[tilespmem:v50+s12+$0x0] =	vst.idx.msk $0xffff, v17  }
0x579: {  	v4 =	vor.u32 $0x380, v4;
	[tilespmem:v51+s12+$0x0] =	vst.idx.msk $0xffff, v9  }
0x57a: {  	v57 =	vor.u32 $0x2000, v48;
	[tilespmem:v53+s12+$0x0] =	vst.idx.msk $0xffff, v15  }
0x57b: {  	v58 =	vor.u32 $0x2080, v48;
	[tilespmem:v54+s12+$0x0] =	vst.idx.msk $0xffff, v59  }
0x57c: {  	v59 =	vor.u32 $0x2100, v48;
	[tilespmem:v55+s12+$0x0] =	vst.idx.msk $0xffff, v62  }
0x57d: {  	v60 =	vor.u32 $0x2180, v48;
	[tilespmem:v56+s12+$0x0] =	vst.idx.msk $0xffff, v20  }
0x57e: {  	v61 =	vor.u32 $0x2200, v48;
	[tilespmem:v4+s12+$0x0] =	vst.idx.msk $0xffff, v23  }
0x57f: {  	v62 =	vor.u32 $0x2280, v48;
	[tilespmem:v57+s12+$0x0] =	vst.idx.msk $0xffff, v40  }
0x580: {  	s17 =	sadd.s32 $0x4, s17;
	v63 =	vor.u32 $0x2300, v48;
	[tilespmem:v58+s12+$0x0] =	vst.idx.msk $0xffff, v43  }
0x581: {  	p0 =	slt.u32 s17, $0x3C;
	[tilespmem:v59+s12+$0x0] =	vst.idx.msk $0xffff, v1;
	v1 =	vor.u32 $0x2380, v48  }
.Ltmp13:
0x582: {  	[tilespmem:v60+s12+$0x0] =	vst.idx.msk $0xffff, v47;
	(pc) =	sbr.rel @p0 .LBB2_28-.Ltmp13, $4  }
0x583: {  	[tilespmem:v61+s12+$0x0] =	vst.idx.msk $0xffff, v49  }
0x584: {  	[tilespmem:v62+s12+$0x0] =	vst.idx.msk $0xffff, v3  }
0x585: {  	[tilespmem:v63+s12+$0x0] =	vst.idx.msk $0xffff, v52  }
0x586: {  	s18 =	sadd.s32 $0x40, s18;
	s16 =	sadd.s32 $0x40, s16;
	[tilespmem:v1+s12+$0x0] =	vst.idx.msk $0xffff, v2  }
0x587: {  	s16 =	simm.s32 $0x0  }
0x588: {  	[hbm4b:s28+s16] =	stream.linear.scatter [tilespmem:s12], [sflag:$0x4], $0x4000, $0x38;
	[tilespmem:$0x10400] =	vst v63  }
0x589: {  	_ = 	snop  }
0x58a: {  	[tilespmem:s8], [sflag:$0x2] =	stream.linear.gather [hbm4b:s0+s16], $0x4000, $0x38;
	[tilespmem:$0x10400] =	vst v63  }
0x58b: {  	_ =	swait.ge [sflag:s9], $0x4000  }
0x58c: {  	[sflag:s9] =	ssyncset.done $0x0  }
0x58d: {  	[sflag:s9] =	ssyncadd.s32 $0xFFFFC000  }
0x58e: {  	_ =	swait.ge [sflag:s13], $0x4000  }
0x58f: {  	[sflag:s13] =	ssyncset.done $0x0  }
0x590: {  	s17 =	simm.s32 $0xFFFFFFFC;
	s18 =	simm.s32 $0x20;
	[sflag:s13] =	ssyncadd.s32 $0xFFFFC000  }
.LBB2_30:
0x591: {  	v1 =	vld [tilespmem:s18+$0xFFFFFFE0]  }
0x592: {  	v12 =	vld [tilespmem:s18+$0xFFFFFFF0];
	_ =	sdelay $0x3  }
0x593: {  	v2 =	vshll.u32 v1, $0x3  }
0x594: {  	v1 =	vand.u32 $0x7F, v1;
	v19 =	vshll.u32 v12, $0x3;
	v2 =	vand.u32 $0xFFFFFC00, v2  }
0x595: {  	v12 =	vand.u32 $0x7F, v12;
	v19 =	vand.u32 $0xFFFFFC00, v19;
	v1 =	vor.u32 v1, v2  }
0x596: {  	v12 =	vor.u32 v12, v19  }
0x597: {  	v2 =	vor.u32 $0x80, v1  }
0x598: {  	v3 =	vor.u32 $0x100, v1  }
0x599: {  	v32 =	vld [tilespmem:s18+$0x0];
	v4 =	vor.u32 $0x180, v1  }
0x59a: {  	v5 =	vor.u32 $0x200, v1;
	v6 =	vld.idx.msk [tilespmem:v1+s7+$0x0], $0xffff  }
0x59b: {  	v7 =	vor.u32 $0x280, v1;
	v51 =	vld.idx.msk [tilespmem:v12+s7+$0x0], $0xffff  }
0x59c: {  	v8 =	vor.u32 $0x300, v1;
	v2 =	vld.idx.msk [tilespmem:v2+s7+$0x0], $0xffff  }
0x59d: {  	v9 =	vor.u32 $0x380, v1;
	v3 =	vld.idx.msk [tilespmem:v3+s7+$0x0], $0xffff  }
0x59e: {  	v10 =	vadd.s32 $0x2000, v1;
	v4 =	vld.idx.msk [tilespmem:v4+s7+$0x0], $0xffff  }
0x59f: {  	v11 =	vadd.s32 $0x2080, v1;
	v5 =	vld.idx.msk [tilespmem:v5+s7+$0x0], $0xffff  }
0x5a0: {  	v13 =	vadd.s32 $0x2100, v1;
	v7 =	vld.idx.msk [tilespmem:v7+s7+$0x0], $0xffff  }
0x5a1: {  	v14 =	vadd.s32 $0x2180, v1;
	v8 =	vld.idx.msk [tilespmem:v8+s7+$0x0], $0xffff  }
0x5a2: {  	v17 =	vmov s16;
	v15 =	vadd.s32 $0x2200, v1;
	v9 =	vld.idx.msk [tilespmem:v9+s7+$0x0], $0xffff  }
0x5a3: {  	v20 =	vor.u32 s16, v0;
	v17 =	vshll.u32 v17, $0x3;
	v16 =	vadd.s32 $0x2280, v1;
	v10 =	vld.idx.msk [tilespmem:v10+s7+$0x0], $0xffff  }
0x5a4: {  	v49 =	vand.u32 $0x4F, v20;
	v50 =	vand.u32 $0x1C00, v17;
	v18 =	vadd.s32 $0x2300, v1;
	v11 =	vld.idx.msk [tilespmem:v11+s7+$0x0], $0xffff  }
0x5a5: {  	v20 =	vor.u32 v49, v50;
	v1 =	vadd.s32 $0x2380, v1;
	v13 =	vld.idx.msk [tilespmem:v13+s7+$0x0], $0xffff  }
0x5a6: {  	v23 =	vor.u32 $0x80, v20;
	v21 =	vor.u32 $0x80, v12;
	v14 =	vld.idx.msk [tilespmem:v14+s7+$0x0], $0xffff  }
0x5a7: {  	v25 =	vor.u32 $0x100, v20;
	v22 =	vor.u32 $0x100, v12;
	v15 =	vld.idx.msk [tilespmem:v15+s7+$0x0], $0xffff  }
0x5a8: {  	v17 =	vor.u32 v17, v49;
	v27 =	vor.u32 $0x180, v20;
	v24 =	vor.u32 $0x180, v12;
	v16 =	vld.idx.msk [tilespmem:v16+s7+$0x0], $0xffff  }
0x5a9: {  	v28 =	vor.u32 $0x200, v17;
	v30 =	vor.u32 $0x300, v12;
	v18 =	vld.idx.msk [tilespmem:v18+s7+$0x0], $0xffff  }
0x5aa: {  	v52 =	vor.u32 $0x280, v17;
	v34 =	vadd.s32 $0x2280, v12;
	v1 =	vld.idx.msk [tilespmem:v1+s7+$0x0], $0xffff;
	[tilespmem:v20+s10+$0x0] =	vst.idx.msk $0xffff, v6  }
0x5ab: {  	v26 =	vor.u32 $0x200, v12;
	v21 =	vld.idx.msk [tilespmem:v21+s7+$0x0], $0xffff;
	[tilespmem:v23+s10+$0x0] =	vst.idx.msk $0xffff, v2;
	v2 =	vor.u32 $0x300, v17  }
0x5ac: {  	s19 =	sadd.s32 $0x10, s16;
	v55 =	vadd.s32 $0x2000, v12;
	v22 =	vld.idx.msk [tilespmem:v22+s7+$0x0], $0xffff;
	[tilespmem:v25+s10+$0x0] =	vst.idx.msk $0xffff, v3;
	v3 =	vor.u32 $0x380, v17  }
0x5ad: {  	v36 =	vor.u32 s19, v0;
	v56 =	vor.u32 $0x2000, v20;
	v31 =	vadd.s32 $0x2080, v12;
	v53 =	vld.idx.msk [tilespmem:v24+s7+$0x0], $0xffff;
	[tilespmem:v27+s10+$0x0] =	vst.idx.msk $0xffff, v4  }
0x5ae: {  	v60 =	vor.u32 $0x2200, v17;
	v57 =	vor.u32 $0x2080, v20;
	v29 =	vor.u32 $0x280, v12;
	v30 =	vld.idx.msk [tilespmem:v30+s7+$0x0], $0xffff;
	[tilespmem:v28+s10+$0x0] =	vst.idx.msk $0xffff, v5  }
0x5af: {  	v61 =	vor.u32 $0x2280, v17;
	v58 =	vor.u32 $0x2100, v20;
	v33 =	vadd.s32 $0x2180, v12;
	v6 =	vld.idx.msk [tilespmem:v34+s7+$0x0], $0xffff;
	[tilespmem:v52+s10+$0x0] =	vst.idx.msk $0xffff, v7  }
0x5b0: {  	v38 =	vshll.u32 v32, $0x3;
	v37 =	vadd.s32 $0x2300, v12;
	v20 =	vor.u32 $0x2180, v20;
	v25 =	vld.idx.msk [tilespmem:v26+s7+$0x0], $0xffff;
	[tilespmem:v2+s10+$0x0] =	vst.idx.msk $0xffff, v8  }
0x5b1: {  	v39 =	vand.u32 $0x7F, v32;
	v40 =	vand.u32 $0xFFFFFC00, v38;
	v54 =	vor.u32 $0x380, v12;
	v26 =	vld.idx.msk [tilespmem:v55+s7+$0x0], $0xffff;
	[tilespmem:v3+s10+$0x0] =	vst.idx.msk $0xffff, v9  }
0x5b2: {  	v62 =	vor.u32 $0x2380, v17;
	v4 =	vld.idx.msk [tilespmem:v31+s7+$0x0], $0xffff;
	v27 =	vor.u32 v39, v40;
	v3 =	vmov s19;
	[tilespmem:v56+s10+$0x0] =	vst.idx.msk $0xffff, v10  }
0x5b3: {  	v59 =	vadd.s32 $0x2100, v12;
	v28 =	vld.idx.msk [tilespmem:v29+s7+$0x0], $0xffff;
	v2 =	vor.u32 $0x2300, v17;
	v3 =	vshll.u32 v3, $0x3;
	[tilespmem:v57+s10+$0x0] =	vst.idx.msk $0xffff, v11  }
0x5b4: {  	v63 =	vadd.s32 $0x2200, v12;
	v5 =	vld.idx.msk [tilespmem:v33+s7+$0x0], $0xffff;
	v9 =	vand.u32 $0x5F, v36;
	v41 =	vand.u32 $0x1C00, v3;
	[tilespmem:v58+s10+$0x0] =	vst.idx.msk $0xffff, v13  }
0x5b5: {  	v12 =	vadd.s32 $0x2380, v12;
	v7 =	vld.idx.msk [tilespmem:v37+s7+$0x0], $0xffff;
	v13 =	vor.u32 v9, v41;
	[tilespmem:v20+s10+$0x0] =	vst.idx.msk $0xffff, v14  }
0x5b6: {  	v46 =	vor.u32 $0x180, v27;
	v17 =	vld.idx.msk [tilespmem:v54+s7+$0x0], $0xffff;
	v43 =	vor.u32 $0x80, v13;
	[tilespmem:v60+s10+$0x0] =	vst.idx.msk $0xffff, v15  }
0x5b7: {  	v29 =	vor.u32 $0x280, v27;
	v8 =	vld.idx.msk [tilespmem:v27+s7+$0x0], $0xffff;
	v45 =	vor.u32 $0x100, v13;
	[tilespmem:v61+s10+$0x0] =	vst.idx.msk $0xffff, v16  }
0x5b8: {  	v55 =	vadd.s32 $0x2000, v27;
	v11 =	vld.idx.msk [tilespmem:v59+s7+$0x0], $0xffff;
	v47 =	vor.u32 $0x180, v13;
	[tilespmem:v2+s10+$0x0] =	vst.idx.msk $0xffff, v18  }
0x5b9: {  	v14 =	vld.idx.msk [tilespmem:v63+s7+$0x0], $0xffff;
	[tilespmem:v62+s10+$0x0] =	vst.idx.msk $0xffff, v1;
	v1 =	vor.u32 $0x200, v13  }
0x5ba: {  	v44 =	vor.u32 $0x100, v27;
	v49 =	vor.u32 $0x280, v13;
	v2 =	vld.idx.msk [tilespmem:v12+s7+$0x0], $0xffff;
	[tilespmem:v13+s10+$0x0] =	vst.idx.msk $0xffff, v51  }
0x5bb: {  	v42 =	vor.u32 $0x80, v27;
	v3 =	vor.u32 v9, v3;
	v10 =	vld.idx.msk [tilespmem:v46+s7+$0x0], $0xffff;
	v50 =	vor.u32 $0x300, v13;
	[tilespmem:v43+s10+$0x0] =	vst.idx.msk $0xffff, v21  }
0x5bc: {  	v52 =	vor.u32 $0x380, v27;
	v29 =	vld.idx.msk [tilespmem:v29+s7+$0x0], $0xffff;
	v3 =	vor.u32 $0x380, v3;
	[tilespmem:v45+s10+$0x0] =	vst.idx.msk $0xffff, v22  }
0x5bd: {  	v48 =	vor.u32 $0x200, v27;
	v38 =	vld.idx.msk [tilespmem:v55+s7+$0x0], $0xffff;
	[tilespmem:v47+s10+$0x0] =	vst.idx.msk $0xffff, v53;
	v53 =	vor.u32 $0x2000, v13  }
0x5be: {  	v39 =	vadd.s32 $0x2280, v27;
	v58 =	vld [tilespmem:s18+$0x10];
	v54 =	vor.u32 $0x2080, v13;
	v51 =	vor.u32 $0x300, v27;
	[tilespmem:v1+s10+$0x0] =	vst.idx.msk $0xffff, v25  }
0x5bf: {  	v40 =	vadd.s32 $0x2300, v27;
	v57 =	vadd.s32 $0x2080, v27;
	v9 =	vld.idx.msk [tilespmem:v44+s7+$0x0], $0xffff;
	v1 =	vor.u32 $0x2100, v13;
	[tilespmem:v49+s10+$0x0] =	vst.idx.msk $0xffff, v28  }
0x5c0: {  	v37 =	vadd.s32 $0x2200, v27;
	s19 =	sadd.s32 $0x20, s16;
	v20 =	vld.idx.msk [tilespmem:v42+s7+$0x0], $0xffff;
	v56 =	vor.u32 $0x2180, v13;
	v61 =	vadd.s32 $0x2100, v27;
	[tilespmem:v50+s10+$0x0] =	vst.idx.msk $0xffff, v30  }
0x5c1: {  	v36 =	vor.u32 s19, v0;
	v59 =	vor.u32 $0x2200, v13;
	v63 =	vadd.s32 $0x2180, v27;
	v16 =	vld.idx.msk [tilespmem:v52+s7+$0x0], $0xffff;
	[tilespmem:v3+s10+$0x0] =	vst.idx.msk $0xffff, v17  }
0x5c2: {  	v60 =	vor.u32 $0x2280, v13;
	v18 =	vld.idx.msk [tilespmem:v48+s7+$0x0], $0xffff;
	v62 =	vor.u32 $0x2300, v13;
	v3 =	vmov s19;
	[tilespmem:v53+s10+$0x0] =	vst.idx.msk $0xffff, v26  }
0x5c3: {  	v27 =	vadd.s32 $0x2380, v27;
	v41 =	vshll.u32 v58, $0x3;
	v21 =	vld.idx.msk [tilespmem:v51+s7+$0x0], $0xffff;
	v3 =	vshll.u32 v3, $0x3;
	[tilespmem:v54+s10+$0x0] =	vst.idx.msk $0xffff, v4  }
0x5c4: {  	v13 =	vor.u32 $0x2380, v13;
	v17 =	vand.u32 $0x6F, v36;
	v4 =	vld.idx.msk [tilespmem:v57+s7+$0x0], $0xffff;
	v42 =	vand.u32 $0x1C00, v3;
	[tilespmem:v1+s10+$0x0] =	vst.idx.msk $0xffff, v11  }
0x5c5: {  	v43 =	vand.u32 $0x7F, v58;
	v22 =	vand.u32 $0xFFFFFC00, v41;
	v1 =	vld.idx.msk [tilespmem:v61+s7+$0x0], $0xffff;
	v11 =	vor.u32 v17, v42;
	[tilespmem:v56+s10+$0x0] =	vst.idx.msk $0xffff, v5  }
0x5c6: {  	v22 =	vor.u32 v43, v22;
	v5 =	vld.idx.msk [tilespmem:v63+s7+$0x0], $0xffff;
	v44 =	vor.u32 $0x80, v11;
	[tilespmem:v59+s10+$0x0] =	vst.idx.msk $0xffff, v14  }
0x5c7: {  	v48 =	vor.u32 $0x180, v22;
	v46 =	vor.u32 $0x100, v11;
	v14 =	vld.idx.msk [tilespmem:v37+s7+$0x0], $0xffff;
	[tilespmem:v60+s10+$0x0] =	vst.idx.msk $0xffff, v6  }
0x5c8: {  	v55 =	vor.u32 $0x380, v22;
	v47 =	vor.u32 $0x180, v11;
	v6 =	vld.idx.msk [tilespmem:v39+s7+$0x0], $0xffff;
	[tilespmem:v62+s10+$0x0] =	vst.idx.msk $0xffff, v7  }
0x5c9: {  	v45 =	vor.u32 $0x80, v22;
	v49 =	vor.u32 $0x200, v11;
	v7 =	vld.idx.msk [tilespmem:v40+s7+$0x0], $0xffff;
	[tilespmem:v13+s10+$0x0] =	vst.idx.msk $0xffff, v2  }
0x5ca: {  	v50 =	vor.u32 $0x200, v22;
	v51 =	vor.u32 $0x280, v11;
	v2 =	vld.idx.msk [tilespmem:v27+s7+$0x0], $0xffff;
	[tilespmem:v11+s10+$0x0] =	vst.idx.msk $0xffff, v8  }
0x5cb: {  	v52 =	vor.u32 $0x280, v22;
	v28 =	vld.idx.msk [tilespmem:v22+s7+$0x0], $0xffff;
	v3 =	vor.u32 v17, v3;
	v53 =	vor.u32 $0x300, v11;
	[tilespmem:v44+s10+$0x0] =	vst.idx.msk $0xffff, v20  }
0x5cc: {  	v15 =	vld.idx.msk [tilespmem:v48+s7+$0x0], $0xffff;
	v57 =	vadd.s32 $0x2000, v22;
	v3 =	vor.u32 $0x380, v3;
	[tilespmem:v46+s10+$0x0] =	vst.idx.msk $0xffff, v9  }
0x5cd: {  	v23 =	vld.idx.msk [tilespmem:v55+s7+$0x0], $0xffff;
	v54 =	vor.u32 $0x300, v22;
	v56 =	vor.u32 $0x2000, v11;
	[tilespmem:v47+s10+$0x0] =	vst.idx.msk $0xffff, v10  }
0x5ce: {  	v25 =	vor.u32 $0x100, v22;
	v17 =	vld.idx.msk [tilespmem:v45+s7+$0x0], $0xffff;
	v58 =	vor.u32 $0x2080, v11;
	[tilespmem:v49+s10+$0x0] =	vst.idx.msk $0xffff, v18  }
0x5cf: {  	s19 =	sadd.s32 $0x30, s16;
	v61 =	vor.u32 $0x2100, v11;
	v59 =	vld.idx.msk [tilespmem:v50+s7+$0x0], $0xffff;
	v60 =	vadd.s32 $0x2080, v22;
	[tilespmem:v51+s10+$0x0] =	vst.idx.msk $0xffff, v29  }
0x5d0: {  	v35 =	vadd.s32 $0x2180, v22;
	v42 =	vor.u32 s19, v0;
	v33 =	vor.u32 $0x2180, v11;
	v62 =	vld.idx.msk [tilespmem:v52+s7+$0x0], $0xffff;
	[tilespmem:v53+s10+$0x0] =	vst.idx.msk $0xffff, v21  }
0x5d1: {  	v63 =	vadd.s32 $0x2100, v22;
	v34 =	vor.u32 $0x2200, v11;
	v37 =	vadd.s32 $0x2200, v22;
	v40 =	vld.idx.msk [tilespmem:v57+s7+$0x0], $0xffff;
	[tilespmem:v3+s10+$0x0] =	vst.idx.msk $0xffff, v16  }
0x5d2: {  	v39 =	vmov s19;
	v20 =	vld.idx.msk [tilespmem:v54+s7+$0x0], $0xffff;
	v44 =	vadd.s32 $0x2300, v22;
	v3 =	vor.u32 $0x2280, v11;
	[tilespmem:v56+s10+$0x0] =	vst.idx.msk $0xffff, v38  }
0x5d3: {  	v36 =	vor.u32 $0x2300, v11;
	v9 =	vld.idx.msk [tilespmem:v25+s7+$0x0], $0xffff;
	v38 =	vor.u32 $0x2380, v11;
	v11 =	vshll.u32 v39, $0x3;
	[tilespmem:v58+s10+$0x0] =	vst.idx.msk $0xffff, v4  }
0x5d4: {  	v41 =	vadd.s32 $0x2280, v22;
	v43 =	vld.idx.msk [tilespmem:v60+s7+$0x0], $0xffff;
	v4 =	vand.u32 $0x7F, v42;
	v46 =	vand.u32 $0x1C00, v11;
	[tilespmem:v61+s10+$0x0] =	vst.idx.msk $0xffff, v1  }
0x5d5: {  	v45 =	vadd.s32 $0x2380, v22;
	v47 =	vld.idx.msk [tilespmem:v35+s7+$0x0], $0xffff;
	v48 =	vor.u32 v4, v46;
	[tilespmem:v33+s10+$0x0] =	vst.idx.msk $0xffff, v5  }
0x5d6: {  	v49 =	vld.idx.msk [tilespmem:v37+s7+$0x0], $0xffff;
	v50 =	vor.u32 $0x80, v48;
	[tilespmem:v34+s10+$0x0] =	vst.idx.msk $0xffff, v14  }
0x5d7: {  	v52 =	vld.idx.msk [tilespmem:v44+s7+$0x0], $0xffff;
	v51 =	vor.u32 $0x100, v48;
	[tilespmem:v3+s10+$0x0] =	vst.idx.msk $0xffff, v6  }
0x5d8: {  	v1 =	vld.idx.msk [tilespmem:v63+s7+$0x0], $0xffff;
	v53 =	vor.u32 $0x180, v48;
	[tilespmem:v36+s10+$0x0] =	vst.idx.msk $0xffff, v7  }
0x5d9: {  	v54 =	vor.u32 $0x200, v48;
	v3 =	vld.idx.msk [tilespmem:v41+s7+$0x0], $0xffff;
	[tilespmem:v38+s10+$0x0] =	vst.idx.msk $0xffff, v2  }
0x5da: {  	v55 =	vor.u32 $0x280, v48;
	v2 =	vld.idx.msk [tilespmem:v45+s7+$0x0], $0xffff;
	[tilespmem:v48+s10+$0x0] =	vst.idx.msk $0xffff, v28  }
0x5db: {  	v4 =	vor.u32 v4, v11;
	v56 =	vor.u32 $0x300, v48;
	[tilespmem:v50+s10+$0x0] =	vst.idx.msk $0xffff, v17  }
0x5dc: {  	v4 =	vor.u32 $0x380, v4;
	[tilespmem:v51+s10+$0x0] =	vst.idx.msk $0xffff, v9  }
0x5dd: {  	v57 =	vor.u32 $0x2000, v48;
	[tilespmem:v53+s10+$0x0] =	vst.idx.msk $0xffff, v15  }
0x5de: {  	v58 =	vor.u32 $0x2080, v48;
	[tilespmem:v54+s10+$0x0] =	vst.idx.msk $0xffff, v59  }
0x5df: {  	v59 =	vor.u32 $0x2100, v48;
	[tilespmem:v55+s10+$0x0] =	vst.idx.msk $0xffff, v62  }
0x5e0: {  	v60 =	vor.u32 $0x2180, v48;
	[tilespmem:v56+s10+$0x0] =	vst.idx.msk $0xffff, v20  }
0x5e1: {  	v61 =	vor.u32 $0x2200, v48;
	[tilespmem:v4+s10+$0x0] =	vst.idx.msk $0xffff, v23  }
0x5e2: {  	v62 =	vor.u32 $0x2280, v48;
	[tilespmem:v57+s10+$0x0] =	vst.idx.msk $0xffff, v40  }
0x5e3: {  	s17 =	sadd.s32 $0x4, s17;
	v63 =	vor.u32 $0x2300, v48;
	[tilespmem:v58+s10+$0x0] =	vst.idx.msk $0xffff, v43  }
0x5e4: {  	p0 =	slt.u32 s17, $0x3C;
	[tilespmem:v59+s10+$0x0] =	vst.idx.msk $0xffff, v1;
	v1 =	vor.u32 $0x2380, v48  }
.Ltmp14:
0x5e5: {  	[tilespmem:v60+s10+$0x0] =	vst.idx.msk $0xffff, v47;
	(pc) =	sbr.rel @p0 .LBB2_30-.Ltmp14, $4  }
0x5e6: {  	[tilespmem:v61+s10+$0x0] =	vst.idx.msk $0xffff, v49  }
0x5e7: {  	[tilespmem:v62+s10+$0x0] =	vst.idx.msk $0xffff, v3  }
0x5e8: {  	[tilespmem:v63+s10+$0x0] =	vst.idx.msk $0xffff, v52  }
0x5e9: {  	s18 =	sadd.s32 $0x40, s18;
	s16 =	sadd.s32 $0x40, s16;
	[tilespmem:v1+s10+$0x0] =	vst.idx.msk $0xffff, v2  }
0x5ea: {  	s16 =	simm.s32 $0x0  }
0x5eb: {  	[hbm4b:s2+s16] =	stream.linear.scatter [tilespmem:s10], [sflag:$0x3], $0x4000, $0x38;
	[tilespmem:$0x10400] =	vst v63  }
0x5ec: {  	_ =	swait.ge [sflag:s11], $0x4000  }
0x5ed: {  	[sflag:s11] =	ssyncset.done $0x0  }
0x5ee: {  	[sflag:s11] =	ssyncadd.s32 $0xFFFFC000  }
0x5ef: {  	_ =	swait.ge [sflag:s14], $0x4000  }
0x5f0: {  	[sflag:s14] =	ssyncset.done $0x0  }
0x5f1: {  	s17 =	simm.s32 $0xFFFFFFFC;
	s18 =	simm.s32 $0x20;
	[sflag:s14] =	ssyncadd.s32 $0xFFFFC000  }
.LBB2_32:
0x5f2: {  	v1 =	vld [tilespmem:s18+$0xFFFFFFE0]  }
0x5f3: {  	v12 =	vld [tilespmem:s18+$0xFFFFFFF0];
	_ =	sdelay $0x3  }
0x5f4: {  	v2 =	vshll.u32 v1, $0x3  }
0x5f5: {  	v1 =	vand.u32 $0x7F, v1;
	v19 =	vshll.u32 v12, $0x3;
	v2 =	vand.u32 $0xFFFFFC00, v2  }
0x5f6: {  	v12 =	vand.u32 $0x7F, v12;
	v19 =	vand.u32 $0xFFFFFC00, v19;
	v1 =	vor.u32 v1, v2  }
0x5f7: {  	v12 =	vor.u32 v12, v19  }
0x5f8: {  	v2 =	vor.u32 $0x80, v1  }
0x5f9: {  	v3 =	vor.u32 $0x100, v1  }
0x5fa: {  	v32 =	vld [tilespmem:s18+$0x0];
	v4 =	vor.u32 $0x180, v1  }
0x5fb: {  	v5 =	vor.u32 $0x200, v1;
	v6 =	vld.idx.msk [tilespmem:v1+s8+$0x0], $0xffff  }
0x5fc: {  	v7 =	vor.u32 $0x280, v1;
	v51 =	vld.idx.msk [tilespmem:v12+s8+$0x0], $0xffff  }
0x5fd: {  	v8 =	vor.u32 $0x300, v1;
	v2 =	vld.idx.msk [tilespmem:v2+s8+$0x0], $0xffff  }
0x5fe: {  	v9 =	vor.u32 $0x380, v1;
	v3 =	vld.idx.msk [tilespmem:v3+s8+$0x0], $0xffff  }
0x5ff: {  	v10 =	vadd.s32 $0x2000, v1;
	v4 =	vld.idx.msk [tilespmem:v4+s8+$0x0], $0xffff  }
0x600: {  	v11 =	vadd.s32 $0x2080, v1;
	v5 =	vld.idx.msk [tilespmem:v5+s8+$0x0], $0xffff  }
0x601: {  	v13 =	vadd.s32 $0x2100, v1;
	v7 =	vld.idx.msk [tilespmem:v7+s8+$0x0], $0xffff  }
0x602: {  	v14 =	vadd.s32 $0x2180, v1;
	v8 =	vld.idx.msk [tilespmem:v8+s8+$0x0], $0xffff  }
0x603: {  	v17 =	vmov s16;
	v15 =	vadd.s32 $0x2200, v1;
	v9 =	vld.idx.msk [tilespmem:v9+s8+$0x0], $0xffff  }
0x604: {  	v20 =	vor.u32 s16, v0;
	v17 =	vshll.u32 v17, $0x3;
	v16 =	vadd.s32 $0x2280, v1;
	v10 =	vld.idx.msk [tilespmem:v10+s8+$0x0], $0xffff  }
0x605: {  	v49 =	vand.u32 $0x4F, v20;
	v50 =	vand.u32 $0x1C00, v17;
	v18 =	vadd.s32 $0x2300, v1;
	v11 =	vld.idx.msk [tilespmem:v11+s8+$0x0], $0xffff  }
0x606: {  	v20 =	vor.u32 v49, v50;
	v1 =	vadd.s32 $0x2380, v1;
	v13 =	vld.idx.msk [tilespmem:v13+s8+$0x0], $0xffff  }
0x607: {  	v23 =	vor.u32 $0x80, v20;
	v21 =	vor.u32 $0x80, v12;
	v14 =	vld.idx.msk [tilespmem:v14+s8+$0x0], $0xffff  }
0x608: {  	v25 =	vor.u32 $0x100, v20;
	v22 =	vor.u32 $0x100, v12;
	v15 =	vld.idx.msk [tilespmem:v15+s8+$0x0], $0xffff  }
0x609: {  	v17 =	vor.u32 v17, v49;
	v27 =	vor.u32 $0x180, v20;
	v24 =	vor.u32 $0x180, v12;
	v16 =	vld.idx.msk [tilespmem:v16+s8+$0x0], $0xffff  }
0x60a: {  	v28 =	vor.u32 $0x200, v17;
	v30 =	vor.u32 $0x300, v12;
	v18 =	vld.idx.msk [tilespmem:v18+s8+$0x0], $0xffff  }
0x60b: {  	v52 =	vor.u32 $0x280, v17;
	v34 =	vadd.s32 $0x2280, v12;
	v1 =	vld.idx.msk [tilespmem:v1+s8+$0x0], $0xffff;
	[tilespmem:v20+s12+$0x0] =	vst.idx.msk $0xffff, v6  }
0x60c: {  	v26 =	vor.u32 $0x200, v12;
	v21 =	vld.idx.msk [tilespmem:v21+s8+$0x0], $0xffff;
	[tilespmem:v23+s12+$0x0] =	vst.idx.msk $0xffff, v2;
	v2 =	vor.u32 $0x300, v17  }
0x60d: {  	s19 =	sadd.s32 $0x10, s16;
	v55 =	vadd.s32 $0x2000, v12;
	v22 =	vld.idx.msk [tilespmem:v22+s8+$0x0], $0xffff;
	[tilespmem:v25+s12+$0x0] =	vst.idx.msk $0xffff, v3;
	v3 =	vor.u32 $0x380, v17  }
0x60e: {  	v36 =	vor.u32 s19, v0;
	v56 =	vor.u32 $0x2000, v20;
	v31 =	vadd.s32 $0x2080, v12;
	v53 =	vld.idx.msk [tilespmem:v24+s8+$0x0], $0xffff;
	[tilespmem:v27+s12+$0x0] =	vst.idx.msk $0xffff, v4  }
0x60f: {  	v60 =	vor.u32 $0x2200, v17;
	v57 =	vor.u32 $0x2080, v20;
	v29 =	vor.u32 $0x280, v12;
	v30 =	vld.idx.msk [tilespmem:v30+s8+$0x0], $0xffff;
	[tilespmem:v28+s12+$0x0] =	vst.idx.msk $0xffff, v5  }
0x610: {  	v61 =	vor.u32 $0x2280, v17;
	v58 =	vor.u32 $0x2100, v20;
	v33 =	vadd.s32 $0x2180, v12;
	v6 =	vld.idx.msk [tilespmem:v34+s8+$0x0], $0xffff;
	[tilespmem:v52+s12+$0x0] =	vst.idx.msk $0xffff, v7  }
0x611: {  	v38 =	vshll.u32 v32, $0x3;
	v37 =	vadd.s32 $0x2300, v12;
	v20 =	vor.u32 $0x2180, v20;
	v25 =	vld.idx.msk [tilespmem:v26+s8+$0x0], $0xffff;
	[tilespmem:v2+s12+$0x0] =	vst.idx.msk $0xffff, v8  }
0x612: {  	v39 =	vand.u32 $0x7F, v32;
	v40 =	vand.u32 $0xFFFFFC00, v38;
	v54 =	vor.u32 $0x380, v12;
	v26 =	vld.idx.msk [tilespmem:v55+s8+$0x0], $0xffff;
	[tilespmem:v3+s12+$0x0] =	vst.idx.msk $0xffff, v9  }
0x613: {  	v62 =	vor.u32 $0x2380, v17;
	v4 =	vld.idx.msk [tilespmem:v31+s8+$0x0], $0xffff;
	v27 =	vor.u32 v39, v40;
	v3 =	vmov s19;
	[tilespmem:v56+s12+$0x0] =	vst.idx.msk $0xffff, v10  }
0x614: {  	v59 =	vadd.s32 $0x2100, v12;
	v28 =	vld.idx.msk [tilespmem:v29+s8+$0x0], $0xffff;
	v2 =	vor.u32 $0x2300, v17;
	v3 =	vshll.u32 v3, $0x3;
	[tilespmem:v57+s12+$0x0] =	vst.idx.msk $0xffff, v11  }
0x615: {  	v63 =	vadd.s32 $0x2200, v12;
	v5 =	vld.idx.msk [tilespmem:v33+s8+$0x0], $0xffff;
	v9 =	vand.u32 $0x5F, v36;
	v41 =	vand.u32 $0x1C00, v3;
	[tilespmem:v58+s12+$0x0] =	vst.idx.msk $0xffff, v13  }
0x616: {  	v12 =	vadd.s32 $0x2380, v12;
	v7 =	vld.idx.msk [tilespmem:v37+s8+$0x0], $0xffff;
	v13 =	vor.u32 v9, v41;
	[tilespmem:v20+s12+$0x0] =	vst.idx.msk $0xffff, v14  }
0x617: {  	v46 =	vor.u32 $0x180, v27;
	v17 =	vld.idx.msk [tilespmem:v54+s8+$0x0], $0xffff;
	v43 =	vor.u32 $0x80, v13;
	[tilespmem:v60+s12+$0x0] =	vst.idx.msk $0xffff, v15  }
0x618: {  	v29 =	vor.u32 $0x280, v27;
	v8 =	vld.idx.msk [tilespmem:v27+s8+$0x0], $0xffff;
	v45 =	vor.u32 $0x100, v13;
	[tilespmem:v61+s12+$0x0] =	vst.idx.msk $0xffff, v16  }
0x619: {  	v55 =	vadd.s32 $0x2000, v27;
	v11 =	vld.idx.msk [tilespmem:v59+s8+$0x0], $0xffff;
	v47 =	vor.u32 $0x180, v13;
	[tilespmem:v2+s12+$0x0] =	vst.idx.msk $0xffff, v18  }
0x61a: {  	v14 =	vld.idx.msk [tilespmem:v63+s8+$0x0], $0xffff;
	[tilespmem:v62+s12+$0x0] =	vst.idx.msk $0xffff, v1;
	v1 =	vor.u32 $0x200, v13  }
0x61b: {  	v44 =	vor.u32 $0x100, v27;
	v49 =	vor.u32 $0x280, v13;
	v2 =	vld.idx.msk [tilespmem:v12+s8+$0x0], $0xffff;
	[tilespmem:v13+s12+$0x0] =	vst.idx.msk $0xffff, v51  }
0x61c: {  	v42 =	vor.u32 $0x80, v27;
	v3 =	vor.u32 v9, v3;
	v10 =	vld.idx.msk [tilespmem:v46+s8+$0x0], $0xffff;
	v50 =	vor.u32 $0x300, v13;
	[tilespmem:v43+s12+$0x0] =	vst.idx.msk $0xffff, v21  }
0x61d: {  	v52 =	vor.u32 $0x380, v27;
	v29 =	vld.idx.msk [tilespmem:v29+s8+$0x0], $0xffff;
	v3 =	vor.u32 $0x380, v3;
	[tilespmem:v45+s12+$0x0] =	vst.idx.msk $0xffff, v22  }
0x61e: {  	v48 =	vor.u32 $0x200, v27;
	v38 =	vld.idx.msk [tilespmem:v55+s8+$0x0], $0xffff;
	[tilespmem:v47+s12+$0x0] =	vst.idx.msk $0xffff, v53;
	v53 =	vor.u32 $0x2000, v13  }
0x61f: {  	v39 =	vadd.s32 $0x2280, v27;
	v58 =	vld [tilespmem:s18+$0x10];
	v54 =	vor.u32 $0x2080, v13;
	v51 =	vor.u32 $0x300, v27;
	[tilespmem:v1+s12+$0x0] =	vst.idx.msk $0xffff, v25  }
0x620: {  	v40 =	vadd.s32 $0x2300, v27;
	v57 =	vadd.s32 $0x2080, v27;
	v9 =	vld.idx.msk [tilespmem:v44+s8+$0x0], $0xffff;
	v1 =	vor.u32 $0x2100, v13;
	[tilespmem:v49+s12+$0x0] =	vst.idx.msk $0xffff, v28  }
0x621: {  	v37 =	vadd.s32 $0x2200, v27;
	s19 =	sadd.s32 $0x20, s16;
	v20 =	vld.idx.msk [tilespmem:v42+s8+$0x0], $0xffff;
	v56 =	vor.u32 $0x2180, v13;
	v61 =	vadd.s32 $0x2100, v27;
	[tilespmem:v50+s12+$0x0] =	vst.idx.msk $0xffff, v30  }
0x622: {  	v36 =	vor.u32 s19, v0;
	v59 =	vor.u32 $0x2200, v13;
	v63 =	vadd.s32 $0x2180, v27;
	v16 =	vld.idx.msk [tilespmem:v52+s8+$0x0], $0xffff;
	[tilespmem:v3+s12+$0x0] =	vst.idx.msk $0xffff, v17  }
0x623: {  	v60 =	vor.u32 $0x2280, v13;
	v18 =	vld.idx.msk [tilespmem:v48+s8+$0x0], $0xffff;
	v62 =	vor.u32 $0x2300, v13;
	v3 =	vmov s19;
	[tilespmem:v53+s12+$0x0] =	vst.idx.msk $0xffff, v26  }
0x624: {  	v27 =	vadd.s32 $0x2380, v27;
	v41 =	vshll.u32 v58, $0x3;
	v21 =	vld.idx.msk [tilespmem:v51+s8+$0x0], $0xffff;
	v3 =	vshll.u32 v3, $0x3;
	[tilespmem:v54+s12+$0x0] =	vst.idx.msk $0xffff, v4  }
0x625: {  	v13 =	vor.u32 $0x2380, v13;
	v17 =	vand.u32 $0x6F, v36;
	v4 =	vld.idx.msk [tilespmem:v57+s8+$0x0], $0xffff;
	v42 =	vand.u32 $0x1C00, v3;
	[tilespmem:v1+s12+$0x0] =	vst.idx.msk $0xffff, v11  }
0x626: {  	v43 =	vand.u32 $0x7F, v58;
	v22 =	vand.u32 $0xFFFFFC00, v41;
	v1 =	vld.idx.msk [tilespmem:v61+s8+$0x0], $0xffff;
	v11 =	vor.u32 v17, v42;
	[tilespmem:v56+s12+$0x0] =	vst.idx.msk $0xffff, v5  }
0x627: {  	v22 =	vor.u32 v43, v22;
	v5 =	vld.idx.msk [tilespmem:v63+s8+$0x0], $0xffff;
	v44 =	vor.u32 $0x80, v11;
	[tilespmem:v59+s12+$0x0] =	vst.idx.msk $0xffff, v14  }
0x628: {  	v48 =	vor.u32 $0x180, v22;
	v46 =	vor.u32 $0x100, v11;
	v14 =	vld.idx.msk [tilespmem:v37+s8+$0x0], $0xffff;
	[tilespmem:v60+s12+$0x0] =	vst.idx.msk $0xffff, v6  }
0x629: {  	v55 =	vor.u32 $0x380, v22;
	v47 =	vor.u32 $0x180, v11;
	v6 =	vld.idx.msk [tilespmem:v39+s8+$0x0], $0xffff;
	[tilespmem:v62+s12+$0x0] =	vst.idx.msk $0xffff, v7  }
0x62a: {  	v45 =	vor.u32 $0x80, v22;
	v49 =	vor.u32 $0x200, v11;
	v7 =	vld.idx.msk [tilespmem:v40+s8+$0x0], $0xffff;
	[tilespmem:v13+s12+$0x0] =	vst.idx.msk $0xffff, v2  }
0x62b: {  	v50 =	vor.u32 $0x200, v22;
	v51 =	vor.u32 $0x280, v11;
	v2 =	vld.idx.msk [tilespmem:v27+s8+$0x0], $0xffff;
	[tilespmem:v11+s12+$0x0] =	vst.idx.msk $0xffff, v8  }
0x62c: {  	v52 =	vor.u32 $0x280, v22;
	v28 =	vld.idx.msk [tilespmem:v22+s8+$0x0], $0xffff;
	v3 =	vor.u32 v17, v3;
	v53 =	vor.u32 $0x300, v11;
	[tilespmem:v44+s12+$0x0] =	vst.idx.msk $0xffff, v20  }
0x62d: {  	v15 =	vld.idx.msk [tilespmem:v48+s8+$0x0], $0xffff;
	v57 =	vadd.s32 $0x2000, v22;
	v3 =	vor.u32 $0x380, v3;
	[tilespmem:v46+s12+$0x0] =	vst.idx.msk $0xffff, v9  }
0x62e: {  	v23 =	vld.idx.msk [tilespmem:v55+s8+$0x0], $0xffff;
	v54 =	vor.u32 $0x300, v22;
	v56 =	vor.u32 $0x2000, v11;
	[tilespmem:v47+s12+$0x0] =	vst.idx.msk $0xffff, v10  }
0x62f: {  	v25 =	vor.u32 $0x100, v22;
	v17 =	vld.idx.msk [tilespmem:v45+s8+$0x0], $0xffff;
	v58 =	vor.u32 $0x2080, v11;
	[tilespmem:v49+s12+$0x0] =	vst.idx.msk $0xffff, v18  }
0x630: {  	s19 =	sadd.s32 $0x30, s16;
	v61 =	vor.u32 $0x2100, v11;
	v59 =	vld.idx.msk [tilespmem:v50+s8+$0x0], $0xffff;
	v60 =	vadd.s32 $0x2080, v22;
	[tilespmem:v51+s12+$0x0] =	vst.idx.msk $0xffff, v29  }
0x631: {  	v35 =	vadd.s32 $0x2180, v22;
	v42 =	vor.u32 s19, v0;
	v33 =	vor.u32 $0x2180, v11;
	v62 =	vld.idx.msk [tilespmem:v52+s8+$0x0], $0xffff;
	[tilespmem:v53+s12+$0x0] =	vst.idx.msk $0xffff, v21  }
0x632: {  	v63 =	vadd.s32 $0x2100, v22;
	v34 =	vor.u32 $0x2200, v11;
	v37 =	vadd.s32 $0x2200, v22;
	v40 =	vld.idx.msk [tilespmem:v57+s8+$0x0], $0xffff;
	[tilespmem:v3+s12+$0x0] =	vst.idx.msk $0xffff, v16  }
0x633: {  	v39 =	vmov s19;
	v20 =	vld.idx.msk [tilespmem:v54+s8+$0x0], $0xffff;
	v44 =	vadd.s32 $0x2300, v22;
	v3 =	vor.u32 $0x2280, v11;
	[tilespmem:v56+s12+$0x0] =	vst.idx.msk $0xffff, v38  }
0x634: {  	v36 =	vor.u32 $0x2300, v11;
	v9 =	vld.idx.msk [tilespmem:v25+s8+$0x0], $0xffff;
	v38 =	vor.u32 $0x2380, v11;
	v11 =	vshll.u32 v39, $0x3;
	[tilespmem:v58+s12+$0x0] =	vst.idx.msk $0xffff, v4  }
0x635: {  	v41 =	vadd.s32 $0x2280, v22;
	v43 =	vld.idx.msk [tilespmem:v60+s8+$0x0], $0xffff;
	v4 =	vand.u32 $0x7F, v42;
	v46 =	vand.u32 $0x1C00, v11;
	[tilespmem:v61+s12+$0x0] =	vst.idx.msk $0xffff, v1  }
0x636: {  	v45 =	vadd.s32 $0x2380, v22;
	v47 =	vld.idx.msk [tilespmem:v35+s8+$0x0], $0xffff;
	v48 =	vor.u32 v4, v46;
	[tilespmem:v33+s12+$0x0] =	vst.idx.msk $0xffff, v5  }
0x637: {  	v49 =	vld.idx.msk [tilespmem:v37+s8+$0x0], $0xffff;
	v50 =	vor.u32 $0x80, v48;
	[tilespmem:v34+s12+$0x0] =	vst.idx.msk $0xffff, v14  }
0x638: {  	v52 =	vld.idx.msk [tilespmem:v44+s8+$0x0], $0xffff;
	v51 =	vor.u32 $0x100, v48;
	[tilespmem:v3+s12+$0x0] =	vst.idx.msk $0xffff, v6  }
0x639: {  	v1 =	vld.idx.msk [tilespmem:v63+s8+$0x0], $0xffff;
	v53 =	vor.u32 $0x180, v48;
	[tilespmem:v36+s12+$0x0] =	vst.idx.msk $0xffff, v7  }
0x63a: {  	v54 =	vor.u32 $0x200, v48;
	v3 =	vld.idx.msk [tilespmem:v41+s8+$0x0], $0xffff;
	[tilespmem:v38+s12+$0x0] =	vst.idx.msk $0xffff, v2  }
0x63b: {  	v55 =	vor.u32 $0x280, v48;
	v2 =	vld.idx.msk [tilespmem:v45+s8+$0x0], $0xffff;
	[tilespmem:v48+s12+$0x0] =	vst.idx.msk $0xffff, v28  }
0x63c: {  	v4 =	vor.u32 v4, v11;
	v56 =	vor.u32 $0x300, v48;
	[tilespmem:v50+s12+$0x0] =	vst.idx.msk $0xffff, v17  }
0x63d: {  	v4 =	vor.u32 $0x380, v4;
	[tilespmem:v51+s12+$0x0] =	vst.idx.msk $0xffff, v9  }
0x63e: {  	v57 =	vor.u32 $0x2000, v48;
	[tilespmem:v53+s12+$0x0] =	vst.idx.msk $0xffff, v15  }
0x63f: {  	v58 =	vor.u32 $0x2080, v48;
	[tilespmem:v54+s12+$0x0] =	vst.idx.msk $0xffff, v59  }
0x640: {  	v59 =	vor.u32 $0x2100, v48;
	[tilespmem:v55+s12+$0x0] =	vst.idx.msk $0xffff, v62  }
0x641: {  	v60 =	vor.u32 $0x2180, v48;
	[tilespmem:v56+s12+$0x0] =	vst.idx.msk $0xffff, v20  }
0x642: {  	v61 =	vor.u32 $0x2200, v48;
	[tilespmem:v4+s12+$0x0] =	vst.idx.msk $0xffff, v23  }
0x643: {  	v62 =	vor.u32 $0x2280, v48;
	[tilespmem:v57+s12+$0x0] =	vst.idx.msk $0xffff, v40  }
0x644: {  	s17 =	sadd.s32 $0x4, s17;
	v63 =	vor.u32 $0x2300, v48;
	[tilespmem:v58+s12+$0x0] =	vst.idx.msk $0xffff, v43  }
0x645: {  	p0 =	slt.u32 s17, $0x3C;
	[tilespmem:v59+s12+$0x0] =	vst.idx.msk $0xffff, v1;
	v1 =	vor.u32 $0x2380, v48  }
.Ltmp15:
0x646: {  	[tilespmem:v60+s12+$0x0] =	vst.idx.msk $0xffff, v47;
	(pc) =	sbr.rel @p0 .LBB2_32-.Ltmp15, $4  }
0x647: {  	[tilespmem:v61+s12+$0x0] =	vst.idx.msk $0xffff, v49  }
0x648: {  	[tilespmem:v62+s12+$0x0] =	vst.idx.msk $0xffff, v3  }
0x649: {  	[tilespmem:v63+s12+$0x0] =	vst.idx.msk $0xffff, v52  }
0x64a: {  	s18 =	sadd.s32 $0x40, s18;
	s16 =	sadd.s32 $0x40, s16;
	[tilespmem:v1+s12+$0x0] =	vst.idx.msk $0xffff, v2  }
0x64b: {  	[hbm4b:s3+s1] =	stream.linear.scatter [tilespmem:s12], [sflag:$0x4], $0x4000, $0x38;
	[tilespmem:$0x10400] =	vst v63  }
0x64c: {  	s15 =	sadd.s32 $0x1, s15  }
0x64d: {  	_ =	swait.ge [sflag:s13], $0x4000;
	p0 =	sne.s32 s15, s5  }
.Ltmp16:
0x64e: {  	[sflag:s13] =	ssyncset.done $0x0;
	(pc) =	sbr.rel @p0 .LBB2_1-.Ltmp16, $4  }
0x64f: {  	[sflag:s13] =	ssyncadd.s32 $0xFFFFC000  }
0x650: {  	_ =	swait.ge [sflag:s14], $0x4000  }
0x651: {  	[sflag:s14] =	ssyncset.done $0x0  }
0x652: {  	[sflag:s14] =	ssyncadd.s32 $0xFFFFC000  }
0x653: {  	_ =	sfence.sel $0x180000  }
0x654: {  	[bflag:$0x0] =	sbarrier.arrive $0xFFFF  }
0x655: {  	_ =	strace $0x90000047  }
0x656: {  	s0 =	stileid.u32;
	[bflag:$0x2] =	sbarrier.arrive $0xFFFF  }
0x657: {  	p0 =	sne.s32 s0, $0x0;
	s0 =	rddreg [dreg:$0x3]  }
0x658: {  	s0 =	sadd.s32 @!p0 $0x100000, s0  }
0x659: {  	[sflag:s0] =	ssyncadd.tile.s32 @!p0 $0x1;
	_ =	shalt  }
.Lfunc_end2:
_tile_overlayer_lowered:
.L_overlay_start_2:
0x65a: {  	(tag) =	ssettag $0x2  }
0x65b: {  	s0 =	rddreg [dreg:$0x0];
	s2 =	stileid.u32  }
0x65c: {  	s1 =	rddreg [dreg:$0x1];
	p0 =	sne.s32 s2, $0x0  }
0x65d: {  	s3 =	rddreg [dreg:$0x2];
	[bflag:$0x3] =	sbarrier.arrive $0xFFFF;
	s2 =	simm.s32 @!p0 $0x1C05  }
0x65e: {  	[timem:s3], [sflag:s2] =	dma.local @!p0 [hbm:s0], s1  }
0x65f: {  	s0 =	simm.s32 @!p0 $0x5  }
0x660: {  	_ =	swait.ge @!p0 [sflag:s0], s1  }
0x661: {  	s1 =	ssub.s32 @!p0 $0x0, s1;
	[sflag:s0] =	ssyncset.done @!p0 $0x0  }
0x662: {  	[sflag:s0] =	ssyncadd.s32 @!p0 s1  }
0x663: {  	[bflag:$0x3] =	sbarrier.arrive $0xFFFF  }
0x664: {  	_ =	shalt  }

</sc_bundles>
